<compile_context>
chip_gen: v7x
topology: tpu7x:2x2x1
jax: 0.10.2.dev20260603
libtpu: 0.0.44.dev20260713+nightly
codegen_flags: <defaults>
</compile_context>

<pallas_src>
import functools

import jax
import jax.numpy as jnp
from jax import lax
from jax.experimental import pallas as pl
from jax.experimental.pallas import tpu as pltpu
from jax.experimental.pallas import tpu_sc as plsc

N = 10000
E = 320000
D = 128

NC = 2
NS = 16

NPAD = 10240
DUMP_ROW = 10000
CHUNK = 128
E_PER_TILE = 20480
E_PAD = NS * E_PER_TILE
CH_PER_TILE = E_PER_TILE // CHUNK
P_CHUNK = 128
PPAD = 12288
P_PER_W = PPAD // (NC * NS)
ROWS_PER_TILE = NPAD // NS

IB = 16
NIB = CH_PER_TILE // IB


def _sc_edge_kernel(table, eidx_hbm, par_idx, zinit,
                    outc, outo, outp,
                    eidx, rows, pidx, acc,
                    isem0, isem1, gsem0, gsem1, sem):
    c = lax.axis_index("c")
    s = lax.axis_index("s")
    isems = (isem0, isem1)
    gsems = (gsem0, gsem1)

    zr = s * ROWS_PER_TILE
    pltpu.sync_copy(zinit.at[pl.ds(zr, ROWS_PER_TILE)],
                    acc.at[pl.ds(zr, ROWS_PER_TILE)])
    plsc.subcore_barrier()

    tid = c * NS + s

    def issue_idx(blk, e):
        pltpu.async_copy(eidx_hbm.at[tid, blk], eidx.at[e], isems[e])

    def issue_gather(e, j, b):
        pltpu.async_copy(table.at[eidx.at[e, j, 0]], rows.at[b], gsems[b])

    def wait_gather(b):
        pltpu.make_async_copy(table.at[eidx.at[0, 0, 0]], rows.at[b],
                              gsems[b]).wait()

    def wait_idx(e):
        pltpu.make_async_copy(eidx_hbm.at[tid, 0], eidx.at[e],
                              isems[e]).wait()

    issue_idx(0, 0)
    issue_idx(1, 1)
    wait_idx(0)
    issue_gather(0, 0, 0)
    issue_gather(0, 1, 1)

    def body(ib2, carry):
        for e in range(2):
            blk = ib2 * 2 + e
            for j in range(IB):
                b = j % 2
                wait_gather(b)
                pltpu.sync_copy(rows.at[b], acc.at[eidx.at[e, j, 1]],
                                add=True)
                if j == 13:
                    @pl.when(blk + 1 < NIB)
                    def _():
                        wait_idx(1 - e)
                if j + 2 < IB:
                    issue_gather(e, j + 2, b)
                else:
                    @pl.when(blk + 1 < NIB)
                    def _():
                        issue_gather(1 - e, j + 2 - IB, b)

            @pl.when(blk + 2 < NIB)
            def _():
                issue_idx(blk + 2, e)
        return carry

    lax.fori_loop(0, NIB // 2, body, 0)
    plsc.subcore_barrier()

    @pl.when(c == 0)
    def _():
        pltpu.sync_copy(acc.at[pl.ds(zr, ROWS_PER_TILE)],
                        outc.at[pl.ds(zr, ROWS_PER_TILE)])

    @pl.when(c == 1)
    def _():
        pltpu.sync_copy(acc.at[pl.ds(zr, ROWS_PER_TILE)],
                        outo.at[pl.ds(zr, ROWS_PER_TILE)])

    wid = s * NC + c
    pbase = wid * P_PER_W

    def pbody(k, carry):
        off = pbase + k * P_CHUNK
        pltpu.sync_copy(par_idx.at[pl.ds(off, P_CHUNK)], pidx)
        pltpu.async_copy(table.at[pidx], rows.at[0], sem).wait()
        pltpu.sync_copy(rows.at[0], outp.at[pl.ds(off, P_CHUNK)])
        return carry

    lax.fori_loop(0, P_PER_W // P_CHUNK, pbody, 0)


_sc_call = functools.partial(
    pl.kernel,
    out_type=(
        jax.ShapeDtypeStruct((NPAD, D), jnp.float32),
        jax.ShapeDtypeStruct((NPAD, D), jnp.float32),
        jax.ShapeDtypeStruct((PPAD, D), jnp.float32),
    ),
    mesh=plsc.VectorSubcoreMesh(core_axis_name="c", subcore_axis_name="s",
                                num_cores=NC, num_subcores=NS),
    scratch_types=[
        pltpu.VMEM((2, IB, 2, CHUNK), jnp.int32),
        pltpu.VMEM((2, CHUNK, D), jnp.float32),
        pltpu.VMEM((P_CHUNK,), jnp.int32),
        pltpu.VMEM_SHARED((NPAD, D), jnp.float32),
    ] + [pltpu.SemaphoreType.DMA] * 5,
)(_sc_edge_kernel)


def _elu(x):
    return jnp.where(x > 0, x, jnp.exp(jnp.minimum(x, 0.0)) - 1.0)


BN = 512
GRID = NPAD // BN


def _tc_mlp_kernel(xpar, xch, xop, xself, w1, w2, w3, wc1, wc2, wc3, ball,
                   out_ref):
    i = pl.program_id(0)
    f32 = jnp.float32

    def mlp(x, j):
        h = _elu(jnp.dot(x, w1[j], preferred_element_type=f32) + ball[j, 0])
        h = _elu(jnp.dot(h, w2[j], preferred_element_type=f32) + ball[j, 1])
        return jnp.dot(h, w3[j], preferred_element_type=f32) + ball[j, 2]

    e_par = mlp(xpar[...], 0)
    e_ch = mlp(xch[...], 1)
    e_op = mlp(xop[...], 2)
    e_self = mlp(xself[...], 3)

    wc1v = wc1[...]
    h = (jnp.dot(e_par, wc1v[0:128], preferred_element_type=f32)
         + jnp.dot(e_ch, wc1v[128:256], preferred_element_type=f32)
         + jnp.dot(e_op, wc1v[256:384], preferred_element_type=f32)
         + jnp.dot(e_self, wc1v[384:512], preferred_element_type=f32)
         + ball[4, 0])
    h = _elu(h)
    h = _elu(jnp.dot(h, wc2[...], preferred_element_type=f32) + ball[4, 1])
    y = jnp.dot(h, wc3[...], preferred_element_type=f32) + ball[4, 2]

    row = i * BN + lax.broadcasted_iota(jnp.int32, (BN, D), 0)
    out_ref[...] = jnp.where(row == (N - 1), 0.0, y)


def _tc_call(xpar, xch, xop, xself, w1, w2, w3, wc1, wc2, wc3, ball):
    full3 = pl.BlockSpec((4, D, D), lambda i: (0, 0, 0))
    blk = pl.BlockSpec((BN, D), lambda i: (i, 0))
    return pl.pallas_call(
        _tc_mlp_kernel,
        grid=(GRID,),
        in_specs=[blk, blk, blk, blk,
                  full3, full3, full3,
                  pl.BlockSpec((4 * D, D), lambda i: (0, 0)),
                  pl.BlockSpec((D, D), lambda i: (0, 0)),
                  pl.BlockSpec((D, D), lambda i: (0, 0)),
                  pl.BlockSpec((5, 3, D), lambda i: (0, 0, 0))],
        out_specs=blk,
        out_shape=jax.ShapeDtypeStruct((NPAD, D), jnp.float32),
    )(xpar, xch, xop, xself, w1, w2, w3, wc1, wc2, wc3, ball)


def kernel(items, operations, parents, item_assembly_edge_index,
           operation_assembly_edge_index, self_p, parent_p, children_p,
           ops_p, comb_p):
    i32 = jnp.int32
    table = jnp.concatenate([items, operations], axis=0)

    ii = item_assembly_edge_index.astype(i32)
    oi = operation_assembly_edge_index.astype(i32)
    pad_e = E_PAD - E
    src_all = jnp.concatenate([
        ii[1], jnp.zeros((pad_e,), i32),
        oi[1] + N, jnp.zeros((pad_e,), i32),
    ]).reshape(NC * NS, CH_PER_TILE, CHUNK)
    dst_all = jnp.concatenate([
        ii[0], jnp.full((pad_e,), DUMP_ROW, i32),
        oi[0], jnp.full((pad_e,), DUMP_ROW, i32),
    ]).reshape(NC * NS, CH_PER_TILE, CHUNK)
    eidx_hbm = jnp.stack([src_all, dst_all], axis=2).reshape(
        NC * NS, NIB, IB, 2, CHUNK)
    par_idx = jnp.concatenate([parents.astype(i32),
                               jnp.zeros((PPAD - N,), i32)])
    zinit = jnp.zeros((NPAD, D), jnp.float32)

    aggc, aggo, par_rows = _sc_call(table, eidx_hbm, par_idx, zinit)
    par_rows = par_rows[:NPAD]

    w1 = jnp.stack([parent_p[0], children_p[0], ops_p[0], self_p[0]])
    w2 = jnp.stack([parent_p[2], children_p[2], ops_p[2], self_p[2]])
    w3 = jnp.stack([parent_p[4], children_p[4], ops_p[4], self_p[4]])
    ball = jnp.stack([
        jnp.stack([parent_p[1], parent_p[3], parent_p[5]]),
        jnp.stack([children_p[1], children_p[3], children_p[5]]),
        jnp.stack([ops_p[1], ops_p[3], ops_p[5]]),
        jnp.stack([self_p[1], self_p[3], self_p[5]]),
        jnp.stack([comb_p[1], comb_p[3], comb_p[5]]),
    ])

    items_pad = jnp.pad(items, ((0, NPAD - N), (0, 0)))
    y = _tc_call(par_rows, aggc, aggo, items_pad,
                 w1, w2, w3, comb_p[0], comb_p[2], comb_p[4], ball)
    return y[:N]

# --- scband reference (transcript-rebuilt; emitter-appended) ---
"""Pipeline reference for scband-l1-embbeding-gnn-1717986918540 (READ-ONLY COPY).

The authoritative reference and input builder live on the scoring server;
editing this copy changes nothing except your own understanding.
"""

import jax, jax.numpy as jnp
import numpy as np

N = 10000
E = 320000
D = 128
H = 128
O = 128


def _mlp_params(key, din, h, dout):
    ks = jax.random.split(key, 3)
    s = 0.02
    return [
        jax.random.normal(ks[0], (din, h), dtype=jnp.float32) * s, jnp.zeros((h,), dtype=jnp.float32),
        jax.random.normal(ks[1], (h, h), dtype=jnp.float32) * s, jnp.zeros((h,), dtype=jnp.float32),
        jax.random.normal(ks[2], (h, dout), dtype=jnp.float32) * s, jnp.zeros((dout,), dtype=jnp.float32),
    ]


def _mlp(x, p):
    x = jax.nn.elu(x @ p[0] + p[1])
    x = jax.nn.elu(x @ p[2] + p[3])
    return x @ p[4] + p[5]


def setup_inputs(seed: int = 0) -> dict:
    key = jax.random.key(seed)
    ks = jax.random.split(key, 10)
    items = jax.random.normal(ks[0], (N, D), dtype=jnp.float32)
    operations = jax.random.normal(ks[1], (N, D), dtype=jnp.float32)
    parents = jax.random.randint(ks[2], (N,), 0, N)
    item_assembly_edge_index = jax.random.randint(ks[3], (2, E), 0, N)
    operation_assembly_edge_index = jax.random.randint(ks[4], (2, E), 0, N)
    return {
        "items": items,
        "operations": operations,
        "parents": parents,
        "item_assembly_edge_index": item_assembly_edge_index,
        "operation_assembly_edge_index": operation_assembly_edge_index,
        "self_p": _mlp_params(ks[5], D, H, O),
        "parent_p": _mlp_params(ks[6], D, H, O),
        "children_p": _mlp_params(ks[7], D, H, O),
        "ops_p": _mlp_params(ks[8], D, H, O),
        "comb_p": _mlp_params(ks[9], 4 * O, H, O),
    }


def reference(items, operations, parents, item_assembly_edge_index, operation_assembly_edge_index, self_p, parent_p, children_p, ops_p, comb_p):
    # self embeddings
    self_embeddings = _mlp(items, self_p)
    # parent embeddings via gather
    parent_embeddings = _mlp(items[parents], parent_p)
    # aggregate children via scatter-add (index_add_)
    parent_idx_by_edge = item_assembly_edge_index[0]
    children_by_edge = items[item_assembly_edge_index[1]]
    agg_children = jnp.zeros((items.shape[0], items.shape[1]), dtype=items.dtype)
    agg_children = agg_children.at[parent_idx_by_edge].add(children_by_edge)
    agg_children_embeddings = _mlp(agg_children, children_p)
    # aggregate operations via scatter-add
    item_idx_by_edges = operation_assembly_edge_index[0]
    operations_by_edges = operations[operation_assembly_edge_index[1]]
    agg_ops = jnp.zeros((items.shape[0], operations.shape[1]), dtype=items.dtype)
    agg_ops = agg_ops.at[item_idx_by_edges].add(operations_by_edges)
    agg_ops_embeddings = _mlp(agg_ops, ops_p)
    # combine (last row stays zero, matching embedding[:-1] = ... in torch)
    embedding = jnp.zeros((items.shape[0], O), dtype=items.dtype)
    combined = _mlp(jnp.concatenate([
        parent_embeddings[:-1],
        agg_children_embeddings[:-1],
        agg_ops_embeddings[:-1],
        self_embeddings[:-1],
    ], axis=-1), comb_p)
    embedding = embedding.at[:-1].set(combined)
    return embedding

if __name__ == "__main__":
    import jax
    _d = setup_inputs()
    print(jax.jit(kernel)(*tuple(_d.values())))

</pallas_src>

<mosaic_0001>
#map = affine_map<(d0, d1) -> (0, 0)>
#map1 = affine_map<(d0, d1) -> (0, 0, 0, 0, 0)>
#map2 = affine_map<(d0, d1) -> (0)>
module attributes {stable_mosaic.version = 14 : i64} {
  func.func @_sc_edge_kernel(%arg0: i32, %arg1: i32, %arg2: memref<20000x128xf32, #tpu.memory_space<hbm>>, %arg3: memref<32x10x16x2x128xi32, #tpu.memory_space<hbm>>, %arg4: memref<12288xi32, #tpu.memory_space<hbm>>, %arg5: memref<10240x128xf32, #tpu.memory_space<hbm>>, %arg6: memref<10240x128xf32, #tpu.memory_space<hbm>>, %arg7: memref<10240x128xf32, #tpu.memory_space<hbm>>, %arg8: memref<12288x128xf32, #tpu.memory_space<hbm>>, %arg9: memref<2x16x2x128xi32, #tpu.memory_space<vmem>>, %arg10: memref<2x128x128xf32, #tpu.memory_space<vmem>>, %arg11: memref<128xi32, #tpu.memory_space<vmem>>, %arg12: memref<10240x128xf32, #tpu.memory_space<vmem_shared>>, %arg13: memref<!tpu.dma_semaphore, #tpu.memory_space<semaphore_mem>>, %arg14: memref<!tpu.dma_semaphore, #tpu.memory_space<semaphore_mem>>, %arg15: memref<!tpu.dma_semaphore, #tpu.memory_space<semaphore_mem>>, %arg16: memref<!tpu.dma_semaphore, #tpu.memory_space<semaphore_mem>>, %arg17: memref<!tpu.dma_semaphore, #tpu.memory_space<semaphore_mem>>) attributes {dimension_semantics = [#tpu.dimension_semantics<core_parallel>, #tpu.dimension_semantics<subcore_parallel>], iteration_bounds = array<i64: 2, 16>, scalar_prefetch = 0 : i64, scratch_operands = 9 : i64, tpu.core_type = #tpu.core_type<sc_vector_subcore>, window_params = [{transform_indices = #map}, {transform_indices = #map1}, {transform_indices = #map2}, {transform_indices = #map}, {transform_indices = #map}, {transform_indices = #map}, {transform_indices = #map}]} {
    %mul3A = arith.constant 640 : i32
    %mul3A_0 = arith.muli %arg1, %mul3A : i32
    "tpu.region"() ({
      %run_scoped3A = tpu.sem_alloc : memref<!tpu.dma_semaphore, #tpu.memory_space<semaphore_mem>>
      %dma_start3A_119 = arith.constant 0 : i32
      %dma_start3A_120 = tpu.memref_slice %arg12[%mul3A_0, %dma_start3A_119] : memref<10240x128xf32, #tpu.memory_space<vmem_shared>> -> memref<640x128xf32, #tpu.memory_space<vmem_shared>>
      %dma_start3A_121 = arith.constant 0 : i32
      %dma_start3A_122 = tpu.memref_slice %arg5[%mul3A_0, %dma_start3A_121] : memref<10240x128xf32, #tpu.memory_space<hbm>> -> memref<640x128xf32, #tpu.memory_space<hbm>>
      tpu.enqueue_dma source(%dma_start3A_122 : memref<640x128xf32, #tpu.memory_space<hbm>>) target(%dma_start3A_120 : memref<640x128xf32, #tpu.memory_space<vmem_shared>>) target_semaphore(%run_scoped3A : memref<!tpu.dma_semaphore, #tpu.memory_space<semaphore_mem>>)
      %dma_wait3A_123 = arith.constant 0 : i32
      %dma_wait3A_124 = tpu.memref_slice %arg12[%mul3A_0, %dma_wait3A_123] : memref<10240x128xf32, #tpu.memory_space<vmem_shared>> -> memref<640x128xf32, #tpu.memory_space<vmem_shared>>
      %dma_wait3A_125 = arith.constant 0 : i32
      %dma_wait3A_126 = tpu.memref_slice %arg5[%mul3A_0, %dma_wait3A_125] : memref<10240x128xf32, #tpu.memory_space<hbm>> -> memref<640x128xf32, #tpu.memory_space<hbm>>
      tpu.wait_dma2 semaphore(%run_scoped3A : memref<!tpu.dma_semaphore, #tpu.memory_space<semaphore_mem>>) src(%dma_wait3A_126 : memref<640x128xf32, #tpu.memory_space<hbm>>) dst(%dma_wait3A_124 : memref<640x128xf32, #tpu.memory_space<vmem_shared>>)
      tpu.yield
    }) : () -> ()
    %barrier3A = arith.constant 0 : index
    tpu.barrier barrier_id(%barrier3A)
    %mul3A_1 = arith.constant 16 : i32
    %mul3A_2 = arith.muli %arg0, %mul3A_1 : i32
    %add3A = arith.addi %mul3A_2, %arg1 : i32
    %dma_start3A = arith.constant 0 : i32
    %dma_start3A_3 = arith.constant 0 : i32
    %dma_start3A_4 = arith.constant 0 : i32
    %dma_start3A_5 = arith.constant 0 : i32
    %dma_start3A_6 = arith.constant 0 : i32
    %dma_start3A_7 = tpu.memref_slice %arg9[%dma_start3A_3, %dma_start3A_4, %dma_start3A_5, %dma_start3A_6] : memref<2x16x2x128xi32, #tpu.memory_space<vmem>> -> memref<1x16x2x128xi32, #tpu.memory_space<vmem>>
    %dma_start3A_8 = tpu.memref_squeeze %dma_start3A_7 : memref<1x16x2x128xi32, #tpu.memory_space<vmem>> -> memref<16x2x128xi32, #tpu.memory_space<vmem>>
    %dma_start3A_9 = arith.constant 0 : i32
    %dma_start3A_10 = arith.constant 0 : i32
    %dma_start3A_11 = arith.constant 0 : i32
    %dma_start3A_12 = tpu.memref_slice %arg3[%add3A, %dma_start3A, %dma_start3A_9, %dma_start3A_10, %dma_start3A_11] : memref<32x10x16x2x128xi32, #tpu.memory_space<hbm>> -> memref<1x1x16x2x128xi32, #tpu.memory_space<hbm>>
    %dma_start3A_13 = tpu.memref_squeeze %dma_start3A_12 : memref<1x1x16x2x128xi32, #tpu.memory_space<hbm>> -> memref<16x2x128xi32, #tpu.memory_space<hbm>>
    %dma_start3A_14 = arith.constant 0 : i32
    %dma_start3A_15 = arith.constant 0 : i32
    %dma_start3A_16 = arith.constant 0 : i32
    %dma_start3A_17 = tpu.memref_slice %arg9[%dma_start3A_3, %dma_start3A_14, %dma_start3A_15, %dma_start3A_16] : memref<2x16x2x128xi32, #tpu.memory_space<vmem>> -> memref<1x16x2x128xi32, #tpu.memory_space<vmem>>
    %dma_start3A_18 = tpu.memref_squeeze %dma_start3A_17 : memref<1x16x2x128xi32, #tpu.memory_space<vmem>> -> memref<16x2x128xi32, #tpu.memory_space<vmem>>
    %dma_start3A_19 = arith.constant 0 : i32
    %dma_start3A_20 = arith.constant 0 : i32
    %dma_start3A_21 = arith.constant 0 : i32
    %dma_start3A_22 = tpu.memref_slice %arg3[%add3A, %dma_start3A, %dma_start3A_19, %dma_start3A_20, %dma_start3A_21] : memref<32x10x16x2x128xi32, #tpu.memory_space<hbm>> -> memref<1x1x16x2x128xi32, #tpu.memory_space<hbm>>
    %dma_start3A_23 = tpu.memref_squeeze %dma_start3A_22 : memref<1x1x16x2x128xi32, #tpu.memory_space<hbm>> -> memref<16x2x128xi32, #tpu.memory_space<hbm>>
    tpu.enqueue_dma source(%dma_start3A_23 : memref<16x2x128xi32, #tpu.memory_space<hbm>>) target(%dma_start3A_18 : memref<16x2x128xi32, #tpu.memory_space<vmem>>) target_semaphore(%arg13 : memref<!tpu.dma_semaphore, #tpu.memory_space<semaphore_mem>>)
    %dma_start3A_24 = arith.constant 1 : i32
    %dma_start3A_25 = arith.constant 1 : i32
    %dma_start3A_26 = arith.constant 0 : i32
    %dma_start3A_27 = arith.constant 0 : i32
    %dma_start3A_28 = arith.constant 0 : i32
    %dma_start3A_29 = tpu.memref_slice %arg9[%dma_start3A_25, %dma_start3A_26, %dma_start3A_27, %dma_start3A_28] : memref<2x16x2x128xi32, #tpu.memory_space<vmem>> -> memref<1x16x2x128xi32, #tpu.memory_space<vmem>>
    %dma_start3A_30 = tpu.memref_squeeze %dma_start3A_29 : memref<1x16x2x128xi32, #tpu.memory_space<vmem>> -> memref<16x2x128xi32, #tpu.memory_space<vmem>>
    %dma_start3A_31 = arith.constant 0 : i32
    %dma_start3A_32 = arith.constant 0 : i32
    %dma_start3A_33 = arith.constant 0 : i32
    %dma_start3A_34 = tpu.memref_slice %arg3[%add3A, %dma_start3A_24, %dma_start3A_31, %dma_start3A_32, %dma_start3A_33] : memref<32x10x16x2x128xi32, #tpu.memory_space<hbm>> -> memref<1x1x16x2x128xi32, #tpu.memory_space<hbm>>
    %dma_start3A_35 = tpu.memref_squeeze %dma_start3A_34 : memref<1x1x16x2x128xi32, #tpu.memory_space<hbm>> -> memref<16x2x128xi32, #tpu.memory_space<hbm>>
    %dma_start3A_36 = arith.constant 0 : i32
    %dma_start3A_37 = arith.constant 0 : i32
    %dma_start3A_38 = arith.constant 0 : i32
    %dma_start3A_39 = tpu.memref_slice %arg9[%dma_start3A_25, %dma_start3A_36, %dma_start3A_37, %dma_start3A_38] : memref<2x16x2x128xi32, #tpu.memory_space<vmem>> -> memref<1x16x2x128xi32, #tpu.memory_space<vmem>>
    %dma_start3A_40 = tpu.memref_squeeze %dma_start3A_39 : memref<1x16x2x128xi32, #tpu.memory_space<vmem>> -> memref<16x2x128xi32, #tpu.memory_space<vmem>>
    %dma_start3A_41 = arith.constant 0 : i32
    %dma_start3A_42 = arith.constant 0 : i32
    %dma_start3A_43 = arith.constant 0 : i32
    %dma_start3A_44 = tpu.memref_slice %arg3[%add3A, %dma_start3A_24, %dma_start3A_41, %dma_start3A_42, %dma_start3A_43] : memref<32x10x16x2x128xi32, #tpu.memory_space<hbm>> -> memref<1x1x16x2x128xi32, #tpu.memory_space<hbm>>
    %dma_start3A_45 = tpu.memref_squeeze %dma_start3A_44 : memref<1x1x16x2x128xi32, #tpu.memory_space<hbm>> -> memref<16x2x128xi32, #tpu.memory_space<hbm>>
    tpu.enqueue_dma source(%dma_start3A_45 : memref<16x2x128xi32, #tpu.memory_space<hbm>>) target(%dma_start3A_40 : memref<16x2x128xi32, #tpu.memory_space<vmem>>) target_semaphore(%arg14 : memref<!tpu.dma_semaphore, #tpu.memory_space<semaphore_mem>>)
    %dma_wait3A = arith.constant 0 : i32
    %dma_wait3A_46 = arith.constant 0 : i32
    %dma_wait3A_47 = arith.constant 0 : i32
    %dma_wait3A_48 = arith.constant 0 : i32
    %dma_wait3A_49 = arith.constant 0 : i32
    %dma_wait3A_50 = tpu.memref_slice %arg9[%dma_wait3A_46, %dma_wait3A_47, %dma_wait3A_48, %dma_wait3A_49] : memref<2x16x2x128xi32, #tpu.memory_space<vmem>> -> memref<1x16x2x128xi32, #tpu.memory_space<vmem>>
    %dma_wait3A_51 = tpu.memref_squeeze %dma_wait3A_50 : memref<1x16x2x128xi32, #tpu.memory_space<vmem>> -> memref<16x2x128xi32, #tpu.memory_space<vmem>>
    %dma_wait3A_52 = arith.constant 0 : i32
    %dma_wait3A_53 = arith.constant 0 : i32
    %dma_wait3A_54 = arith.constant 0 : i32
    %dma_wait3A_55 = tpu.memref_slice %arg3[%add3A, %dma_wait3A, %dma_wait3A_52, %dma_wait3A_53, %dma_wait3A_54] : memref<32x10x16x2x128xi32, #tpu.memory_space<hbm>> -> memref<1x1x16x2x128xi32, #tpu.memory_space<hbm>>
    %dma_wait3A_56 = tpu.memref_squeeze %dma_wait3A_55 : memref<1x1x16x2x128xi32, #tpu.memory_space<hbm>> -> memref<16x2x128xi32, #tpu.memory_space<hbm>>
    %dma_wait3A_57 = arith.constant 0 : i32
    %dma_wait3A_58 = arith.constant 0 : i32
    %dma_wait3A_59 = arith.constant 0 : i32
    %dma_wait3A_60 = tpu.memref_slice %arg9[%dma_wait3A_46, %dma_wait3A_57, %dma_wait3A_58, %dma_wait3A_59] : memref<2x16x2x128xi32, #tpu.memory_space<vmem>> -> memref<1x16x2x128xi32, #tpu.memory_space<vmem>>
    %dma_wait3A_61 = tpu.memref_squeeze %dma_wait3A_60 : memref<1x16x2x128xi32, #tpu.memory_space<vmem>> -> memref<16x2x128xi32, #tpu.memory_space<vmem>>
    %dma_wait3A_62 = arith.constant 0 : i32
    %dma_wait3A_63 = arith.constant 0 : i32
    %dma_wait3A_64 = arith.constant 0 : i32
    %dma_wait3A_65 = tpu.memref_slice %arg3[%add3A, %dma_wait3A, %dma_wait3A_62, %dma_wait3A_63, %dma_wait3A_64] : memref<32x10x16x2x128xi32, #tpu.memory_space<hbm>> -> memref<1x1x16x2x128xi32, #tpu.memory_space<hbm>>
    %dma_wait3A_66 = tpu.memref_squeeze %dma_wait3A_65 : memref<1x1x16x2x128xi32, #tpu.memory_space<hbm>> -> memref<16x2x128xi32, #tpu.memory_space<hbm>>
    tpu.wait_dma2 semaphore(%arg13 : memref<!tpu.dma_semaphore, #tpu.memory_space<semaphore_mem>>) src(%dma_wait3A_66 : memref<16x2x128xi32, #tpu.memory_space<hbm>>) dst(%dma_wait3A_61 : memref<16x2x128xi32, #tpu.memory_space<vmem>>)
    %dma_start3A_67 = arith.constant 0 : i32
    %dma_start3A_68 = arith.constant 0 : i32
    %dma_start3A_69 = arith.constant 0 : i32
    %dma_start3A_70 = arith.constant 0 : i32
    %dma_start3A_71 = arith.constant 0 : i32
    %dma_start3A_72 = arith.constant 0 : i32
    %dma_start3A_73 = tpu.memref_slice %arg10[%dma_start3A_70, %dma_start3A_71, %dma_start3A_72] : memref<2x128x128xf32, #tpu.memory_space<vmem>> -> memref<1x128x128xf32, #tpu.memory_space<vmem>>
    %dma_start3A_74 = tpu.memref_squeeze %dma_start3A_73 : memref<1x128x128xf32, #tpu.memory_space<vmem>> -> memref<128x128xf32, #tpu.memory_space<vmem>>
    %dma_start3A_75 = arith.constant 0 : i32
    %dma_start3A_76 = tpu.memref_slice %arg9[%dma_start3A_67, %dma_start3A_68, %dma_start3A_69, %dma_start3A_75] : memref<2x16x2x128xi32, #tpu.memory_space<vmem>> -> memref<1x1x1x128xi32, #tpu.memory_space<vmem>>
    %dma_start3A_77 = tpu.memref_squeeze %dma_start3A_76 : memref<1x1x1x128xi32, #tpu.memory_space<vmem>> -> memref<128xi32, #tpu.memory_space<vmem>>
    %dma_start3A_78 = arith.constant 0 : i32
    %dma_start3A_79 = arith.constant 0 : i32
    %dma_start3A_80 = tpu.memref_slice %arg2[%dma_start3A_78, %dma_start3A_79] : memref<20000x128xf32, #tpu.memory_space<hbm>> -> memref<20000x128xf32, #tpu.memory_space<hbm>>
    tpu.enqueue_indirect_dma source(%dma_start3A_80 : memref<20000x128xf32, #tpu.memory_space<hbm>>) target(%dma_start3A_74 : memref<128x128xf32, #tpu.memory_space<vmem>>) offsets(%dma_start3A_77 : memref<128xi32, #tpu.memory_space<vmem>>) semaphore(%arg15 : memref<!tpu.dma_semaphore, #tpu.memory_space<semaphore_mem>>)
    %dma_start3A_81 = arith.constant 0 : i32
    %dma_start3A_82 = arith.constant 1 : i32
    %dma_start3A_83 = arith.constant 0 : i32
    %dma_start3A_84 = arith.constant 1 : i32
    %dma_start3A_85 = arith.constant 0 : i32
    %dma_start3A_86 = arith.constant 0 : i32
    %dma_start3A_87 = tpu.memref_slice %arg10[%dma_start3A_84, %dma_start3A_85, %dma_start3A_86] : memref<2x128x128xf32, #tpu.memory_space<vmem>> -> memref<1x128x128xf32, #tpu.memory_space<vmem>>
    %dma_start3A_88 = tpu.memref_squeeze %dma_start3A_87 : memref<1x128x128xf32, #tpu.memory_space<vmem>> -> memref<128x128xf32, #tpu.memory_space<vmem>>
    %dma_start3A_89 = arith.constant 0 : i32
    %dma_start3A_90 = tpu.memref_slice %arg9[%dma_start3A_81, %dma_start3A_82, %dma_start3A_83, %dma_start3A_89] : memref<2x16x2x128xi32, #tpu.memory_space<vmem>> -> memref<1x1x1x128xi32, #tpu.memory_space<vmem>>
    %dma_start3A_91 = tpu.memref_squeeze %dma_start3A_90 : memref<1x1x1x128xi32, #tpu.memory_space<vmem>> -> memref<128xi32, #tpu.memory_space<vmem>>
    %dma_start3A_92 = arith.constant 0 : i32
    %dma_start3A_93 = arith.constant 0 : i32
    %dma_start3A_94 = tpu.memref_slice %arg2[%dma_start3A_92, %dma_start3A_93] : memref<20000x128xf32, #tpu.memory_space<hbm>> -> memref<20000x128xf32, #tpu.memory_space<hbm>>
    tpu.enqueue_indirect_dma source(%dma_start3A_94 : memref<20000x128xf32, #tpu.memory_space<hbm>>) target(%dma_start3A_88 : memref<128x128xf32, #tpu.memory_space<vmem>>) offsets(%dma_start3A_91 : memref<128xi32, #tpu.memory_space<vmem>>) semaphore(%arg16 : memref<!tpu.dma_semaphore, #tpu.memory_space<semaphore_mem>>)
    %scan3A = arith.constant 0 : i32
    %scan3A_95 = arith.constant 0 : i32
    %scan3A_96 = arith.constant 5 : i32
    %scan3A_97 = arith.addi %scan3A_95, %scan3A_96 : i32
    %scan3A_98 = arith.constant 1 : i32
    scf.for %scan3A_119 = %scan3A_95 to %scan3A_97 step %scan3A_98  : i32 {
      %mul3A_120 = arith.constant 2 : i32
      %mul3A_121 = arith.muli %scan3A_119, %mul3A_120 : i32
      %add3A_122 = arith.constant 0 : i32
      %add3A_123 = arith.addi %mul3A_121, %add3A_122 : i32
      %dma_wait3A_124 = arith.constant 0 : i32
      %dma_wait3A_125 = arith.constant 0 : i32
      %dma_wait3A_126 = arith.constant 0 : i32
      %dma_wait3A_127 = arith.constant 0 : i32
      %dma_wait3A_128 = arith.constant 0 : i32
      %dma_wait3A_129 = arith.constant 0 : i32
      %dma_wait3A_130 = tpu.memref_slice %arg10[%dma_wait3A_127, %dma_wait3A_128, %dma_wait3A_129] : memref<2x128x128xf32, #tpu.memory_space<vmem>> -> memref<1x128x128xf32, #tpu.memory_space<vmem>>
      %dma_wait3A_131 = tpu.memref_squeeze %dma_wait3A_130 : memref<1x128x128xf32, #tpu.memory_space<vmem>> -> memref<128x128xf32, #tpu.memory_space<vmem>>
      %dma_wait3A_132 = arith.constant 0 : i32
      %dma_wait3A_133 = tpu.memref_slice %arg9[%dma_wait3A_124, %dma_wait3A_125, %dma_wait3A_126, %dma_wait3A_132] : memref<2x16x2x128xi32, #tpu.memory_space<vmem>> -> memref<1x1x1x128xi32, #tpu.memory_space<vmem>>
      %dma_wait3A_134 = tpu.memref_squeeze %dma_wait3A_133 : memref<1x1x1x128xi32, #tpu.memory_space<vmem>> -> memref<128xi32, #tpu.memory_space<vmem>>
      %dma_wait3A_135 = arith.constant 0 : i32
      %dma_wait3A_136 = arith.constant 0 : i32
      %dma_wait3A_137 = tpu.memref_slice %arg2[%dma_wait3A_135, %dma_wait3A_136] : memref<20000x128xf32, #tpu.memory_space<hbm>> -> memref<20000x128xf32, #tpu.memory_space<hbm>>
      tpu.wait_indirect_dma semaphore(%arg15 : memref<!tpu.dma_semaphore, #tpu.memory_space<semaphore_mem>>) src(%dma_wait3A_137 : memref<20000x128xf32, #tpu.memory_space<hbm>>) dst(%dma_wait3A_131 : memref<128x128xf32, #tpu.memory_space<vmem>>)
      %run_scoped3A = arith.constant 0 : i32
      %run_scoped3A_138 = arith.constant 0 : i32
      %run_scoped3A_139 = arith.constant 0 : i32
      %run_scoped3A_140 = arith.constant 1 : i32
      "tpu.region"() ({
        %run_scoped3A_1150 = tpu.sem_alloc : memref<!tpu.dma_semaphore, #tpu.memory_space<semaphore_mem>>
        %dma_start3A_1151 = arith.constant 0 : i32
        %dma_start3A_1152 = arith.constant 0 : i32
        %dma_start3A_1153 = tpu.memref_slice %arg10[%run_scoped3A, %dma_start3A_1151, %dma_start3A_1152] : memref<2x128x128xf32, #tpu.memory_space<vmem>> -> memref<1x128x128xf32, #tpu.memory_space<vmem>>
        %dma_start3A_1154 = tpu.memref_squeeze %dma_start3A_1153 : memref<1x128x128xf32, #tpu.memory_space<vmem>> -> memref<128x128xf32, #tpu.memory_space<vmem>>
        %dma_start3A_1155 = arith.constant 0 : i32
        %dma_start3A_1156 = tpu.memref_slice %arg9[%run_scoped3A_138, %run_scoped3A_139, %run_scoped3A_140, %dma_start3A_1155] : memref<2x16x2x128xi32, #tpu.memory_space<vmem>> -> memref<1x1x1x128xi32, #tpu.memory_space<vmem>>
        %dma_start3A_1157 = tpu.memref_squeeze %dma_start3A_1156 : memref<1x1x1x128xi32, #tpu.memory_space<vmem>> -> memref<128xi32, #tpu.memory_space<vmem>>
        %dma_start3A_1158 = arith.constant 0 : i32
        %dma_start3A_1159 = arith.constant 0 : i32
        %dma_start3A_1160 = tpu.memref_slice %arg12[%dma_start3A_1158, %dma_start3A_1159] : memref<10240x128xf32, #tpu.memory_space<vmem_shared>> -> memref<10240x128xf32, #tpu.memory_space<vmem_shared>>
        tpu.enqueue_indirect_dma source(%dma_start3A_1154 : memref<128x128xf32, #tpu.memory_space<vmem>>) target(%dma_start3A_1160 : memref<10240x128xf32, #tpu.memory_space<vmem_shared>>) offsets(%dma_start3A_1157 : memref<128xi32, #tpu.memory_space<vmem>>) semaphore(%run_scoped3A_1150 : memref<!tpu.dma_semaphore, #tpu.memory_space<semaphore_mem>>) {add = true}
        %dma_wait3A_1161 = arith.constant 0 : i32
        %dma_wait3A_1162 = arith.constant 0 : i32
        %dma_wait3A_1163 = tpu.memref_slice %arg10[%run_scoped3A, %dma_wait3A_1161, %dma_wait3A_1162] : memref<2x128x128xf32, #tpu.memory_space<vmem>> -> memref<1x128x128xf32, #tpu.memory_space<vmem>>
        %dma_wait3A_1164 = tpu.memref_squeeze %dma_wait3A_1163 : memref<1x128x128xf32, #tpu.memory_space<vmem>> -> memref<128x128xf32, #tpu.memory_space<vmem>>
        %dma_wait3A_1165 = arith.constant 0 : i32
        %dma_wait3A_1166 = tpu.memref_slice %arg9[%run_scoped3A_138, %run_scoped3A_139, %run_scoped3A_140, %dma_wait3A_1165] : memref<2x16x2x128xi32, #tpu.memory_space<vmem>> -> memref<1x1x1x128xi32, #tpu.memory_space<vmem>>
        %dma_wait3A_1167 = tpu.memref_squeeze %dma_wait3A_1166 : memref<1x1x1x128xi32, #tpu.memory_space<vmem>> -> memref<128xi32, #tpu.memory_space<vmem>>
        %dma_wait3A_1168 = arith.constant 0 : i32
        %dma_wait3A_1169 = arith.constant 0 : i32
        %dma_wait3A_1170 = tpu.memref_slice %arg12[%dma_wait3A_1168, %dma_wait3A_1169] : memref<10240x128xf32, #tpu.memory_space<vmem_shared>> -> memref<10240x128xf32, #tpu.memory_space<vmem_shared>>
        tpu.wait_indirect_dma semaphore(%run_scoped3A_1150 : memref<!tpu.dma_semaphore, #tpu.memory_space<semaphore_mem>>) src(%dma_wait3A_1164 : memref<128x128xf32, #tpu.memory_space<vmem>>) dst(%dma_wait3A_1170 : memref<10240x128xf32, #tpu.memory_space<vmem_shared>>)
        tpu.yield
      }) : () -> ()
      %dma_start3A_141 = arith.constant 0 : i32
      %dma_start3A_142 = arith.constant 2 : i32
      %dma_start3A_143 = arith.constant 0 : i32
      %dma_start3A_144 = arith.constant 0 : i32
      %dma_start3A_145 = arith.constant 0 : i32
      %dma_start3A_146 = arith.constant 0 : i32
      %dma_start3A_147 = tpu.memref_slice %arg10[%dma_start3A_144, %dma_start3A_145, %dma_start3A_146] : memref<2x128x128xf32, #tpu.memory_space<vmem>> -> memref<1x128x128xf32, #tpu.memory_space<vmem>>
      %dma_start3A_148 = tpu.memref_squeeze %dma_start3A_147 : memref<1x128x128xf32, #tpu.memory_space<vmem>> -> memref<128x128xf32, #tpu.memory_space<vmem>>
      %dma_start3A_149 = arith.constant 0 : i32
      %dma_start3A_150 = tpu.memref_slice %arg9[%dma_start3A_141, %dma_start3A_142, %dma_start3A_143, %dma_start3A_149] : memref<2x16x2x128xi32, #tpu.memory_space<vmem>> -> memref<1x1x1x128xi32, #tpu.memory_space<vmem>>
      %dma_start3A_151 = tpu.memref_squeeze %dma_start3A_150 : memref<1x1x1x128xi32, #tpu.memory_space<vmem>> -> memref<128xi32, #tpu.memory_space<vmem>>
      %dma_start3A_152 = arith.constant 0 : i32
      %dma_start3A_153 = arith.constant 0 : i32
      %dma_start3A_154 = tpu.memref_slice %arg2[%dma_start3A_152, %dma_start3A_153] : memref<20000x128xf32, #tpu.memory_space<hbm>> -> memref<20000x128xf32, #tpu.memory_space<hbm>>
      tpu.enqueue_indirect_dma source(%dma_start3A_154 : memref<20000x128xf32, #tpu.memory_space<hbm>>) target(%dma_start3A_148 : memref<128x128xf32, #tpu.memory_space<vmem>>) offsets(%dma_start3A_151 : memref<128xi32, #tpu.memory_space<vmem>>) semaphore(%arg15 : memref<!tpu.dma_semaphore, #tpu.memory_space<semaphore_mem>>)
      %dma_wait3A_155 = arith.constant 0 : i32
      %dma_wait3A_156 = arith.constant 0 : i32
      %dma_wait3A_157 = arith.constant 0 : i32
      %dma_wait3A_158 = arith.constant 1 : i32
      %dma_wait3A_159 = arith.constant 0 : i32
      %dma_wait3A_160 = arith.constant 0 : i32
      %dma_wait3A_161 = tpu.memref_slice %arg10[%dma_wait3A_158, %dma_wait3A_159, %dma_wait3A_160] : memref<2x128x128xf32, #tpu.memory_space<vmem>> -> memref<1x128x128xf32, #tpu.memory_space<vmem>>
      %dma_wait3A_162 = tpu.memref_squeeze %dma_wait3A_161 : memref<1x128x128xf32, #tpu.memory_space<vmem>> -> memref<128x128xf32, #tpu.memory_space<vmem>>
      %dma_wait3A_163 = arith.constant 0 : i32
      %dma_wait3A_164 = tpu.memref_slice %arg9[%dma_wait3A_155, %dma_wait3A_156, %dma_wait3A_157, %dma_wait3A_163] : memref<2x16x2x128xi32, #tpu.memory_space<vmem>> -> memref<1x1x1x128xi32, #tpu.memory_space<vmem>>
      %dma_wait3A_165 = tpu.memref_squeeze %dma_wait3A_164 : memref<1x1x1x128xi32, #tpu.memory_space<vmem>> -> memref<128xi32, #tpu.memory_space<vmem>>
      %dma_wait3A_166 = arith.constant 0 : i32
      %dma_wait3A_167 = arith.constant 0 : i32
      %dma_wait3A_168 = tpu.memref_slice %arg2[%dma_wait3A_166, %dma_wait3A_167] : memref<20000x128xf32, #tpu.memory_space<hbm>> -> memref<20000x128xf32, #tpu.memory_space<hbm>>
      tpu.wait_indirect_dma semaphore(%arg16 : memref<!tpu.dma_semaphore, #tpu.memory_space<semaphore_mem>>) src(%dma_wait3A_168 : memref<20000x128xf32, #tpu.memory_space<hbm>>) dst(%dma_wait3A_162 : memref<128x128xf32, #tpu.memory_space<vmem>>)
      %run_scoped3A_169 = arith.constant 1 : i32
      %run_scoped3A_170 = arith.constant 0 : i32
      %run_scoped3A_171 = arith.constant 1 : i32
      %run_scoped3A_172 = arith.constant 1 : i32
      "tpu.region"() ({
        %run_scoped3A_1150 = tpu.sem_alloc : memref<!tpu.dma_semaphore, #tpu.memory_space<semaphore_mem>>
        %dma_start3A_1151 = arith.constant 0 : i32
        %dma_start3A_1152 = arith.constant 0 : i32
        %dma_start3A_1153 = tpu.memref_slice %arg10[%run_scoped3A_169, %dma_start3A_1151, %dma_start3A_1152] : memref<2x128x128xf32, #tpu.memory_space<vmem>> -> memref<1x128x128xf32, #tpu.memory_space<vmem>>
        %dma_start3A_1154 = tpu.memref_squeeze %dma_start3A_1153 : memref<1x128x128xf32, #tpu.memory_space<vmem>> -> memref<128x128xf32, #tpu.memory_space<vmem>>
        %dma_start3A_1155 = arith.constant 0 : i32
        %dma_start3A_1156 = tpu.memref_slice %arg9[%run_scoped3A_170, %run_scoped3A_171, %run_scoped3A_172, %dma_start3A_1155] : memref<2x16x2x128xi32, #tpu.memory_space<vmem>> -> memref<1x1x1x128xi32, #tpu.memory_space<vmem>>
        %dma_start3A_1157 = tpu.memref_squeeze %dma_start3A_1156 : memref<1x1x1x128xi32, #tpu.memory_space<vmem>> -> memref<128xi32, #tpu.memory_space<vmem>>
        %dma_start3A_1158 = arith.constant 0 : i32
        %dma_start3A_1159 = arith.constant 0 : i32
        %dma_start3A_1160 = tpu.memref_slice %arg12[%dma_start3A_1158, %dma_start3A_1159] : memref<10240x128xf32, #tpu.memory_space<vmem_shared>> -> memref<10240x128xf32, #tpu.memory_space<vmem_shared>>
        tpu.enqueue_indirect_dma source(%dma_start3A_1154 : memref<128x128xf32, #tpu.memory_space<vmem>>) target(%dma_start3A_1160 : memref<10240x128xf32, #tpu.memory_space<vmem_shared>>) offsets(%dma_start3A_1157 : memref<128xi32, #tpu.memory_space<vmem>>) semaphore(%run_scoped3A_1150 : memref<!tpu.dma_semaphore, #tpu.memory_space<semaphore_mem>>) {add = true}
        %dma_wait3A_1161 = arith.constant 0 : i32
        %dma_wait3A_1162 = arith.constant 0 : i32
        %dma_wait3A_1163 = tpu.memref_slice %arg10[%run_scoped3A_169, %dma_wait3A_1161, %dma_wait3A_1162] : memref<2x128x128xf32, #tpu.memory_space<vmem>> -> memref<1x128x128xf32, #tpu.memory_space<vmem>>
        %dma_wait3A_1164 = tpu.memref_squeeze %dma_wait3A_1163 : memref<1x128x128xf32, #tpu.memory_space<vmem>> -> memref<128x128xf32, #tpu.memory_space<vmem>>
        %dma_wait3A_1165 = arith.constant 0 : i32
        %dma_wait3A_1166 = tpu.memref_slice %arg9[%run_scoped3A_170, %run_scoped3A_171, %run_scoped3A_172, %dma_wait3A_1165] : memref<2x16x2x128xi32, #tpu.memory_space<vmem>> -> memref<1x1x1x128xi32, #tpu.memory_space<vmem>>
        %dma_wait3A_1167 = tpu.memref_squeeze %dma_wait3A_1166 : memref<1x1x1x128xi32, #tpu.memory_space<vmem>> -> memref<128xi32, #tpu.memory_space<vmem>>
        %dma_wait3A_1168 = arith.constant 0 : i32
        %dma_wait3A_1169 = arith.constant 0 : i32
        %dma_wait3A_1170 = tpu.memref_slice %arg12[%dma_wait3A_1168, %dma_wait3A_1169] : memref<10240x128xf32, #tpu.memory_space<vmem_shared>> -> memref<10240x128xf32, #tpu.memory_space<vmem_shared>>
        tpu.wait_indirect_dma semaphore(%run_scoped3A_1150 : memref<!tpu.dma_semaphore, #tpu.memory_space<semaphore_mem>>) src(%dma_wait3A_1164 : memref<128x128xf32, #tpu.memory_space<vmem>>) dst(%dma_wait3A_1170 : memref<10240x128xf32, #tpu.memory_space<vmem_shared>>)
        tpu.yield
      }) : () -> ()
      %dma_start3A_173 = arith.constant 0 : i32
      %dma_start3A_174 = arith.constant 3 : i32
      %dma_start3A_175 = arith.constant 0 : i32
      %dma_start3A_176 = arith.constant 1 : i32
      %dma_start3A_177 = arith.constant 0 : i32
      %dma_start3A_178 = arith.constant 0 : i32
      %dma_start3A_179 = tpu.memref_slice %arg10[%dma_start3A_176, %dma_start3A_177, %dma_start3A_178] : memref<2x128x128xf32, #tpu.memory_space<vmem>> -> memref<1x128x128xf32, #tpu.memory_space<vmem>>
      %dma_start3A_180 = tpu.memref_squeeze %dma_start3A_179 : memref<1x128x128xf32, #tpu.memory_space<vmem>> -> memref<128x128xf32, #tpu.memory_space<vmem>>
      %dma_start3A_181 = arith.constant 0 : i32
      %dma_start3A_182 = tpu.memref_slice %arg9[%dma_start3A_173, %dma_start3A_174, %dma_start3A_175, %dma_start3A_181] : memref<2x16x2x128xi32, #tpu.memory_space<vmem>> -> memref<1x1x1x128xi32, #tpu.memory_space<vmem>>
      %dma_start3A_183 = tpu.memref_squeeze %dma_start3A_182 : memref<1x1x1x128xi32, #tpu.memory_space<vmem>> -> memref<128xi32, #tpu.memory_space<vmem>>
      %dma_start3A_184 = arith.constant 0 : i32
      %dma_start3A_185 = arith.constant 0 : i32
      %dma_start3A_186 = tpu.memref_slice %arg2[%dma_start3A_184, %dma_start3A_185] : memref<20000x128xf32, #tpu.memory_space<hbm>> -> memref<20000x128xf32, #tpu.memory_space<hbm>>
      tpu.enqueue_indirect_dma source(%dma_start3A_186 : memref<20000x128xf32, #tpu.memory_space<hbm>>) target(%dma_start3A_180 : memref<128x128xf32, #tpu.memory_space<vmem>>) offsets(%dma_start3A_183 : memref<128xi32, #tpu.memory_space<vmem>>) semaphore(%arg16 : memref<!tpu.dma_semaphore, #tpu.memory_space<semaphore_mem>>)
      %dma_wait3A_187 = arith.constant 0 : i32
      %dma_wait3A_188 = arith.constant 0 : i32
      %dma_wait3A_189 = arith.constant 0 : i32
      %dma_wait3A_190 = arith.constant 0 : i32
      %dma_wait3A_191 = arith.constant 0 : i32
      %dma_wait3A_192 = arith.constant 0 : i32
      %dma_wait3A_193 = tpu.memref_slice %arg10[%dma_wait3A_190, %dma_wait3A_191, %dma_wait3A_192] : memref<2x128x128xf32, #tpu.memory_space<vmem>> -> memref<1x128x128xf32, #tpu.memory_space<vmem>>
      %dma_wait3A_194 = tpu.memref_squeeze %dma_wait3A_193 : memref<1x128x128xf32, #tpu.memory_space<vmem>> -> memref<128x128xf32, #tpu.memory_space<vmem>>
      %dma_wait3A_195 = arith.constant 0 : i32
      %dma_wait3A_196 = tpu.memref_slice %arg9[%dma_wait3A_187, %dma_wait3A_188, %dma_wait3A_189, %dma_wait3A_195] : memref<2x16x2x128xi32, #tpu.memory_space<vmem>> -> memref<1x1x1x128xi32, #tpu.memory_space<vmem>>
      %dma_wait3A_197 = tpu.memref_squeeze %dma_wait3A_196 : memref<1x1x1x128xi32, #tpu.memory_space<vmem>> -> memref<128xi32, #tpu.memory_space<vmem>>
      %dma_wait3A_198 = arith.constant 0 : i32
      %dma_wait3A_199 = arith.constant 0 : i32
      %dma_wait3A_200 = tpu.memref_slice %arg2[%dma_wait3A_198, %dma_wait3A_199] : memref<20000x128xf32, #tpu.memory_space<hbm>> -> memref<20000x128xf32, #tpu.memory_space<hbm>>
      tpu.wait_indirect_dma semaphore(%arg15 : memref<!tpu.dma_semaphore, #tpu.memory_space<semaphore_mem>>) src(%dma_wait3A_200 : memref<20000x128xf32, #tpu.memory_space<hbm>>) dst(%dma_wait3A_194 : memref<128x128xf32, #tpu.memory_space<vmem>>)
      %run_scoped3A_201 = arith.constant 0 : i32
      %run_scoped3A_202 = arith.constant 0 : i32
      %run_scoped3A_203 = arith.constant 2 : i32
      %run_scoped3A_204 = arith.constant 1 : i32
      "tpu.region"() ({
        %run_scoped3A_1150 = tpu.sem_alloc : memref<!tpu.dma_semaphore, #tpu.memory_space<semaphore_mem>>
        %dma_start3A_1151 = arith.constant 0 : i32
        %dma_start3A_1152 = arith.constant 0 : i32
        %dma_start3A_1153 = tpu.memref_slice %arg10[%run_scoped3A_201, %dma_start3A_1151, %dma_start3A_1152] : memref<2x128x128xf32, #tpu.memory_space<vmem>> -> memref<1x128x128xf32, #tpu.memory_space<vmem>>
        %dma_start3A_1154 = tpu.memref_squeeze %dma_start3A_1153 : memref<1x128x128xf32, #tpu.memory_space<vmem>> -> memref<128x128xf32, #tpu.memory_space<vmem>>
        %dma_start3A_1155 = arith.constant 0 : i32
        %dma_start3A_1156 = tpu.memref_slice %arg9[%run_scoped3A_202, %run_scoped3A_203, %run_scoped3A_204, %dma_start3A_1155] : memref<2x16x2x128xi32, #tpu.memory_space<vmem>> -> memref<1x1x1x128xi32, #tpu.memory_space<vmem>>
        %dma_start3A_1157 = tpu.memref_squeeze %dma_start3A_1156 : memref<1x1x1x128xi32, #tpu.memory_space<vmem>> -> memref<128xi32, #tpu.memory_space<vmem>>
        %dma_start3A_1158 = arith.constant 0 : i32
        %dma_start3A_1159 = arith.constant 0 : i32
        %dma_start3A_1160 = tpu.memref_slice %arg12[%dma_start3A_1158, %dma_start3A_1159] : memref<10240x128xf32, #tpu.memory_space<vmem_shared>> -> memref<10240x128xf32, #tpu.memory_space<vmem_shared>>
        tpu.enqueue_indirect_dma source(%dma_start3A_1154 : memref<128x128xf32, #tpu.memory_space<vmem>>) target(%dma_start3A_1160 : memref<10240x128xf32, #tpu.memory_space<vmem_shared>>) offsets(%dma_start3A_1157 : memref<128xi32, #tpu.memory_space<vmem>>) semaphore(%run_scoped3A_1150 : memref<!tpu.dma_semaphore, #tpu.memory_space<semaphore_mem>>) {add = true}
        %dma_wait3A_1161 = arith.constant 0 : i32
        %dma_wait3A_1162 = arith.constant 0 : i32
        %dma_wait3A_1163 = tpu.memref_slice %arg10[%run_scoped3A_201, %dma_wait3A_1161, %dma_wait3A_1162] : memref<2x128x128xf32, #tpu.memory_space<vmem>> -> memref<1x128x128xf32, #tpu.memory_space<vmem>>
        %dma_wait3A_1164 = tpu.memref_squeeze %dma_wait3A_1163 : memref<1x128x128xf32, #tpu.memory_space<vmem>> -> memref<128x128xf32, #tpu.memory_space<vmem>>
        %dma_wait3A_1165 = arith.constant 0 : i32
        %dma_wait3A_1166 = tpu.memref_slice %arg9[%run_scoped3A_202, %run_scoped3A_203, %run_scoped3A_204, %dma_wait3A_1165] : memref<2x16x2x128xi32, #tpu.memory_space<vmem>> -> memref<1x1x1x128xi32, #tpu.memory_space<vmem>>
        %dma_wait3A_1167 = tpu.memref_squeeze %dma_wait3A_1166 : memref<1x1x1x128xi32, #tpu.memory_space<vmem>> -> memref<128xi32, #tpu.memory_space<vmem>>
        %dma_wait3A_1168 = arith.constant 0 : i32
        %dma_wait3A_1169 = arith.constant 0 : i32
        %dma_wait3A_1170 = tpu.memref_slice %arg12[%dma_wait3A_1168, %dma_wait3A_1169] : memref<10240x128xf32, #tpu.memory_space<vmem_shared>> -> memref<10240x128xf32, #tpu.memory_space<vmem_shared>>
        tpu.wait_indirect_dma semaphore(%run_scoped3A_1150 : memref<!tpu.dma_semaphore, #tpu.memory_space<semaphore_mem>>) src(%dma_wait3A_1164 : memref<128x128xf32, #tpu.memory_space<vmem>>) dst(%dma_wait3A_1170 : memref<10240x128xf32, #tpu.memory_space<vmem_shared>>)
        tpu.yield
      }) : () -> ()
      %dma_start3A_205 = arith.constant 0 : i32
      %dma_start3A_206 = arith.constant 4 : i32
      %dma_start3A_207 = arith.constant 0 : i32
      %dma_start3A_208 = arith.constant 0 : i32
      %dma_start3A_209 = arith.constant 0 : i32
      %dma_start3A_210 = arith.constant 0 : i32
      %dma_start3A_211 = tpu.memref_slice %arg10[%dma_start3A_208, %dma_start3A_209, %dma_start3A_210] : memref<2x128x128xf32, #tpu.memory_space<vmem>> -> memref<1x128x128xf32, #tpu.memory_space<vmem>>
      %dma_start3A_212 = tpu.memref_squeeze %dma_start3A_211 : memref<1x128x128xf32, #tpu.memory_space<vmem>> -> memref<128x128xf32, #tpu.memory_space<vmem>>
      %dma_start3A_213 = arith.constant 0 : i32
      %dma_start3A_214 = tpu.memref_slice %arg9[%dma_start3A_205, %dma_start3A_206, %dma_start3A_207, %dma_start3A_213] : memref<2x16x2x128xi32, #tpu.memory_space<vmem>> -> memref<1x1x1x128xi32, #tpu.memory_space<vmem>>
      %dma_start3A_215 = tpu.memref_squeeze %dma_start3A_214 : memref<1x1x1x128xi32, #tpu.memory_space<vmem>> -> memref<128xi32, #tpu.memory_space<vmem>>
      %dma_start3A_216 = arith.constant 0 : i32
      %dma_start3A_217 = arith.constant 0 : i32
      %dma_start3A_218 = tpu.memref_slice %arg2[%dma_start3A_216, %dma_start3A_217] : memref<20000x128xf32, #tpu.memory_space<hbm>> -> memref<20000x128xf32, #tpu.memory_space<hbm>>
      tpu.enqueue_indirect_dma source(%dma_start3A_218 : memref<20000x128xf32, #tpu.memory_space<hbm>>) target(%dma_start3A_212 : memref<128x128xf32, #tpu.memory_space<vmem>>) offsets(%dma_start3A_215 : memref<128xi32, #tpu.memory_space<vmem>>) semaphore(%arg15 : memref<!tpu.dma_semaphore, #tpu.memory_space<semaphore_mem>>)
      %dma_wait3A_219 = arith.constant 0 : i32
      %dma_wait3A_220 = arith.constant 0 : i32
      %dma_wait3A_221 = arith.constant 0 : i32
      %dma_wait3A_222 = arith.constant 1 : i32
      %dma_wait3A_223 = arith.constant 0 : i32
      %dma_wait3A_224 = arith.constant 0 : i32
      %dma_wait3A_225 = tpu.memref_slice %arg10[%dma_wait3A_222, %dma_wait3A_223, %dma_wait3A_224] : memref<2x128x128xf32, #tpu.memory_space<vmem>> -> memref<1x128x128xf32, #tpu.memory_space<vmem>>
      %dma_wait3A_226 = tpu.memref_squeeze %dma_wait3A_225 : memref<1x128x128xf32, #tpu.memory_space<vmem>> -> memref<128x128xf32, #tpu.memory_space<vmem>>
      %dma_wait3A_227 = arith.constant 0 : i32
      %dma_wait3A_228 = tpu.memref_slice %arg9[%dma_wait3A_219, %dma_wait3A_220, %dma_wait3A_221, %dma_wait3A_227] : memref<2x16x2x128xi32, #tpu.memory_space<vmem>> -> memref<1x1x1x128xi32, #tpu.memory_space<vmem>>
      %dma_wait3A_229 = tpu.memref_squeeze %dma_wait3A_228 : memref<1x1x1x128xi32, #tpu.memory_space<vmem>> -> memref<128xi32, #tpu.memory_space<vmem>>
      %dma_wait3A_230 = arith.constant 0 : i32
      %dma_wait3A_231 = arith.constant 0 : i32
      %dma_wait3A_232 = tpu.memref_slice %arg2[%dma_wait3A_230, %dma_wait3A_231] : memref<20000x128xf32, #tpu.memory_space<hbm>> -> memref<20000x128xf32, #tpu.memory_space<hbm>>
      tpu.wait_indirect_dma semaphore(%arg16 : memref<!tpu.dma_semaphore, #tpu.memory_space<semaphore_mem>>) src(%dma_wait3A_232 : memref<20000x128xf32, #tpu.memory_space<hbm>>) dst(%dma_wait3A_226 : memref<128x128xf32, #tpu.memory_space<vmem>>)
      %run_scoped3A_233 = arith.constant 1 : i32
      %run_scoped3A_234 = arith.constant 0 : i32
      %run_scoped3A_235 = arith.constant 3 : i32
      %run_scoped3A_236 = arith.constant 1 : i32
      "tpu.region"() ({
        %run_scoped3A_1150 = tpu.sem_alloc : memref<!tpu.dma_semaphore, #tpu.memory_space<semaphore_mem>>
        %dma_start3A_1151 = arith.constant 0 : i32
        %dma_start3A_1152 = arith.constant 0 : i32
        %dma_start3A_1153 = tpu.memref_slice %arg10[%run_scoped3A_233, %dma_start3A_1151, %dma_start3A_1152] : memref<2x128x128xf32, #tpu.memory_space<vmem>> -> memref<1x128x128xf32, #tpu.memory_space<vmem>>
        %dma_start3A_1154 = tpu.memref_squeeze %dma_start3A_1153 : memref<1x128x128xf32, #tpu.memory_space<vmem>> -> memref<128x128xf32, #tpu.memory_space<vmem>>
        %dma_start3A_1155 = arith.constant 0 : i32
        %dma_start3A_1156 = tpu.memref_slice %arg9[%run_scoped3A_234, %run_scoped3A_235, %run_scoped3A_236, %dma_start3A_1155] : memref<2x16x2x128xi32, #tpu.memory_space<vmem>> -> memref<1x1x1x128xi32, #tpu.memory_space<vmem>>
        %dma_start3A_1157 = tpu.memref_squeeze %dma_start3A_1156 : memref<1x1x1x128xi32, #tpu.memory_space<vmem>> -> memref<128xi32, #tpu.memory_space<vmem>>
        %dma_start3A_1158 = arith.constant 0 : i32
        %dma_start3A_1159 = arith.constant 0 : i32
        %dma_start3A_1160 = tpu.memref_slice %arg12[%dma_start3A_1158, %dma_start3A_1159] : memref<10240x128xf32, #tpu.memory_space<vmem_shared>> -> memref<10240x128xf32, #tpu.memory_space<vmem_shared>>
        tpu.enqueue_indirect_dma source(%dma_start3A_1154 : memref<128x128xf32, #tpu.memory_space<vmem>>) target(%dma_start3A_1160 : memref<10240x128xf32, #tpu.memory_space<vmem_shared>>) offsets(%dma_start3A_1157 : memref<128xi32, #tpu.memory_space<vmem>>) semaphore(%run_scoped3A_1150 : memref<!tpu.dma_semaphore, #tpu.memory_space<semaphore_mem>>) {add = true}
        %dma_wait3A_1161 = arith.constant 0 : i32
        %dma_wait3A_1162 = arith.constant 0 : i32
        %dma_wait3A_1163 = tpu.memref_slice %arg10[%run_scoped3A_233, %dma_wait3A_1161, %dma_wait3A_1162] : memref<2x128x128xf32, #tpu.memory_space<vmem>> -> memref<1x128x128xf32, #tpu.memory_space<vmem>>
        %dma_wait3A_1164 = tpu.memref_squeeze %dma_wait3A_1163 : memref<1x128x128xf32, #tpu.memory_space<vmem>> -> memref<128x128xf32, #tpu.memory_space<vmem>>
        %dma_wait3A_1165 = arith.constant 0 : i32
        %dma_wait3A_1166 = tpu.memref_slice %arg9[%run_scoped3A_234, %run_scoped3A_235, %run_scoped3A_236, %dma_wait3A_1165] : memref<2x16x2x128xi32, #tpu.memory_space<vmem>> -> memref<1x1x1x128xi32, #tpu.memory_space<vmem>>
        %dma_wait3A_1167 = tpu.memref_squeeze %dma_wait3A_1166 : memref<1x1x1x128xi32, #tpu.memory_space<vmem>> -> memref<128xi32, #tpu.memory_space<vmem>>
        %dma_wait3A_1168 = arith.constant 0 : i32
        %dma_wait3A_1169 = arith.constant 0 : i32
        %dma_wait3A_1170 = tpu.memref_slice %arg12[%dma_wait3A_1168, %dma_wait3A_1169] : memref<10240x128xf32, #tpu.memory_space<vmem_shared>> -> memref<10240x128xf32, #tpu.memory_space<vmem_shared>>
        tpu.wait_indirect_dma semaphore(%run_scoped3A_1150 : memref<!tpu.dma_semaphore, #tpu.memory_space<semaphore_mem>>) src(%dma_wait3A_1164 : memref<128x128xf32, #tpu.memory_space<vmem>>) dst(%dma_wait3A_1170 : memref<10240x128xf32, #tpu.memory_space<vmem_shared>>)
        tpu.yield
      }) : () -> ()
      %dma_start3A_237 = arith.constant 0 : i32
      %dma_start3A_238 = arith.constant 5 : i32
      %dma_start3A_239 = arith.constant 0 : i32
      %dma_start3A_240 = arith.constant 1 : i32
      %dma_start3A_241 = arith.constant 0 : i32
      %dma_start3A_242 = arith.constant 0 : i32
      %dma_start3A_243 = tpu.memref_slice %arg10[%dma_start3A_240, %dma_start3A_241, %dma_start3A_242] : memref<2x128x128xf32, #tpu.memory_space<vmem>> -> memref<1x128x128xf32, #tpu.memory_space<vmem>>
      %dma_start3A_244 = tpu.memref_squeeze %dma_start3A_243 : memref<1x128x128xf32, #tpu.memory_space<vmem>> -> memref<128x128xf32, #tpu.memory_space<vmem>>
      %dma_start3A_245 = arith.constant 0 : i32
      %dma_start3A_246 = tpu.memref_slice %arg9[%dma_start3A_237, %dma_start3A_238, %dma_start3A_239, %dma_start3A_245] : memref<2x16x2x128xi32, #tpu.memory_space<vmem>> -> memref<1x1x1x128xi32, #tpu.memory_space<vmem>>
      %dma_start3A_247 = tpu.memref_squeeze %dma_start3A_246 : memref<1x1x1x128xi32, #tpu.memory_space<vmem>> -> memref<128xi32, #tpu.memory_space<vmem>>
      %dma_start3A_248 = arith.constant 0 : i32
      %dma_start3A_249 = arith.constant 0 : i32
      %dma_start3A_250 = tpu.memref_slice %arg2[%dma_start3A_248, %dma_start3A_249] : memref<20000x128xf32, #tpu.memory_space<hbm>> -> memref<20000x128xf32, #tpu.memory_space<hbm>>
      tpu.enqueue_indirect_dma source(%dma_start3A_250 : memref<20000x128xf32, #tpu.memory_space<hbm>>) target(%dma_start3A_244 : memref<128x128xf32, #tpu.memory_space<vmem>>) offsets(%dma_start3A_247 : memref<128xi32, #tpu.memory_space<vmem>>) semaphore(%arg16 : memref<!tpu.dma_semaphore, #tpu.memory_space<semaphore_mem>>)
      %dma_wait3A_251 = arith.constant 0 : i32
      %dma_wait3A_252 = arith.constant 0 : i32
      %dma_wait3A_253 = arith.constant 0 : i32
      %dma_wait3A_254 = arith.constant 0 : i32
      %dma_wait3A_255 = arith.constant 0 : i32
      %dma_wait3A_256 = arith.constant 0 : i32
      %dma_wait3A_257 = tpu.memref_slice %arg10[%dma_wait3A_254, %dma_wait3A_255, %dma_wait3A_256] : memref<2x128x128xf32, #tpu.memory_space<vmem>> -> memref<1x128x128xf32, #tpu.memory_space<vmem>>
      %dma_wait3A_258 = tpu.memref_squeeze %dma_wait3A_257 : memref<1x128x128xf32, #tpu.memory_space<vmem>> -> memref<128x128xf32, #tpu.memory_space<vmem>>
      %dma_wait3A_259 = arith.constant 0 : i32
      %dma_wait3A_260 = tpu.memref_slice %arg9[%dma_wait3A_251, %dma_wait3A_252, %dma_wait3A_253, %dma_wait3A_259] : memref<2x16x2x128xi32, #tpu.memory_space<vmem>> -> memref<1x1x1x128xi32, #tpu.memory_space<vmem>>
      %dma_wait3A_261 = tpu.memref_squeeze %dma_wait3A_260 : memref<1x1x1x128xi32, #tpu.memory_space<vmem>> -> memref<128xi32, #tpu.memory_space<vmem>>
      %dma_wait3A_262 = arith.constant 0 : i32
      %dma_wait3A_263 = arith.constant 0 : i32
      %dma_wait3A_264 = tpu.memref_slice %arg2[%dma_wait3A_262, %dma_wait3A_263] : memref<20000x128xf32, #tpu.memory_space<hbm>> -> memref<20000x128xf32, #tpu.memory_space<hbm>>
      tpu.wait_indirect_dma semaphore(%arg15 : memref<!tpu.dma_semaphore, #tpu.memory_space<semaphore_mem>>) src(%dma_wait3A_264 : memref<20000x128xf32, #tpu.memory_space<hbm>>) dst(%dma_wait3A_258 : memref<128x128xf32, #tpu.memory_space<vmem>>)
      %run_scoped3A_265 = arith.constant 0 : i32
      %run_scoped3A_266 = arith.constant 0 : i32
      %run_scoped3A_267 = arith.constant 4 : i32
      %run_scoped3A_268 = arith.constant 1 : i32
      "tpu.region"() ({
        %run_scoped3A_1150 = tpu.sem_alloc : memref<!tpu.dma_semaphore, #tpu.memory_space<semaphore_mem>>
        %dma_start3A_1151 = arith.constant 0 : i32
        %dma_start3A_1152 = arith.constant 0 : i32
        %dma_start3A_1153 = tpu.memref_slice %arg10[%run_scoped3A_265, %dma_start3A_1151, %dma_start3A_1152] : memref<2x128x128xf32, #tpu.memory_space<vmem>> -> memref<1x128x128xf32, #tpu.memory_space<vmem>>
        %dma_start3A_1154 = tpu.memref_squeeze %dma_start3A_1153 : memref<1x128x128xf32, #tpu.memory_space<vmem>> -> memref<128x128xf32, #tpu.memory_space<vmem>>
        %dma_start3A_1155 = arith.constant 0 : i32
        %dma_start3A_1156 = tpu.memref_slice %arg9[%run_scoped3A_266, %run_scoped3A_267, %run_scoped3A_268, %dma_start3A_1155] : memref<2x16x2x128xi32, #tpu.memory_space<vmem>> -> memref<1x1x1x128xi32, #tpu.memory_space<vmem>>
        %dma_start3A_1157 = tpu.memref_squeeze %dma_start3A_1156 : memref<1x1x1x128xi32, #tpu.memory_space<vmem>> -> memref<128xi32, #tpu.memory_space<vmem>>
        %dma_start3A_1158 = arith.constant 0 : i32
        %dma_start3A_1159 = arith.constant 0 : i32
        %dma_start3A_1160 = tpu.memref_slice %arg12[%dma_start3A_1158, %dma_start3A_1159] : memref<10240x128xf32, #tpu.memory_space<vmem_shared>> -> memref<10240x128xf32, #tpu.memory_space<vmem_shared>>
        tpu.enqueue_indirect_dma source(%dma_start3A_1154 : memref<128x128xf32, #tpu.memory_space<vmem>>) target(%dma_start3A_1160 : memref<10240x128xf32, #tpu.memory_space<vmem_shared>>) offsets(%dma_start3A_1157 : memref<128xi32, #tpu.memory_space<vmem>>) semaphore(%run_scoped3A_1150 : memref<!tpu.dma_semaphore, #tpu.memory_space<semaphore_mem>>) {add = true}
        %dma_wait3A_1161 = arith.constant 0 : i32
        %dma_wait3A_1162 = arith.constant 0 : i32
        %dma_wait3A_1163 = tpu.memref_slice %arg10[%run_scoped3A_265, %dma_wait3A_1161, %dma_wait3A_1162] : memref<2x128x128xf32, #tpu.memory_space<vmem>> -> memref<1x128x128xf32, #tpu.memory_space<vmem>>
        %dma_wait3A_1164 = tpu.memref_squeeze %dma_wait3A_1163 : memref<1x128x128xf32, #tpu.memory_space<vmem>> -> memref<128x128xf32, #tpu.memory_space<vmem>>
        %dma_wait3A_1165 = arith.constant 0 : i32
        %dma_wait3A_1166 = tpu.memref_slice %arg9[%run_scoped3A_266, %run_scoped3A_267, %run_scoped3A_268, %dma_wait3A_1165] : memref<2x16x2x128xi32, #tpu.memory_space<vmem>> -> memref<1x1x1x128xi32, #tpu.memory_space<vmem>>
        %dma_wait3A_1167 = tpu.memref_squeeze %dma_wait3A_1166 : memref<1x1x1x128xi32, #tpu.memory_space<vmem>> -> memref<128xi32, #tpu.memory_space<vmem>>
        %dma_wait3A_1168 = arith.constant 0 : i32
        %dma_wait3A_1169 = arith.constant 0 : i32
        %dma_wait3A_1170 = tpu.memref_slice %arg12[%dma_wait3A_1168, %dma_wait3A_1169] : memref<10240x128xf32, #tpu.memory_space<vmem_shared>> -> memref<10240x128xf32, #tpu.memory_space<vmem_shared>>
        tpu.wait_indirect_dma semaphore(%run_scoped3A_1150 : memref<!tpu.dma_semaphore, #tpu.memory_space<semaphore_mem>>) src(%dma_wait3A_1164 : memref<128x128xf32, #tpu.memory_space<vmem>>) dst(%dma_wait3A_1170 : memref<10240x128xf32, #tpu.memory_space<vmem_shared>>)
        tpu.yield
      }) : () -> ()
      %dma_start3A_269 = arith.constant 0 : i32
      %dma_start3A_270 = arith.constant 6 : i32
      %dma_start3A_271 = arith.constant 0 : i32
      %dma_start3A_272 = arith.constant 0 : i32
      %dma_start3A_273 = arith.constant 0 : i32
      %dma_start3A_274 = arith.constant 0 : i32
      %dma_start3A_275 = tpu.memref_slice %arg10[%dma_start3A_272, %dma_start3A_273, %dma_start3A_274] : memref<2x128x128xf32, #tpu.memory_space<vmem>> -> memref<1x128x128xf32, #tpu.memory_space<vmem>>
      %dma_start3A_276 = tpu.memref_squeeze %dma_start3A_275 : memref<1x128x128xf32, #tpu.memory_space<vmem>> -> memref<128x128xf32, #tpu.memory_space<vmem>>
      %dma_start3A_277 = arith.constant 0 : i32
      %dma_start3A_278 = tpu.memref_slice %arg9[%dma_start3A_269, %dma_start3A_270, %dma_start3A_271, %dma_start3A_277] : memref<2x16x2x128xi32, #tpu.memory_space<vmem>> -> memref<1x1x1x128xi32, #tpu.memory_space<vmem>>
      %dma_start3A_279 = tpu.memref_squeeze %dma_start3A_278 : memref<1x1x1x128xi32, #tpu.memory_space<vmem>> -> memref<128xi32, #tpu.memory_space<vmem>>
      %dma_start3A_280 = arith.constant 0 : i32
      %dma_start3A_281 = arith.constant 0 : i32
      %dma_start3A_282 = tpu.memref_slice %arg2[%dma_start3A_280, %dma_start3A_281] : memref<20000x128xf32, #tpu.memory_space<hbm>> -> memref<20000x128xf32, #tpu.memory_space<hbm>>
      tpu.enqueue_indirect_dma source(%dma_start3A_282 : memref<20000x128xf32, #tpu.memory_space<hbm>>) target(%dma_start3A_276 : memref<128x128xf32, #tpu.memory_space<vmem>>) offsets(%dma_start3A_279 : memref<128xi32, #tpu.memory_space<vmem>>) semaphore(%arg15 : memref<!tpu.dma_semaphore, #tpu.memory_space<semaphore_mem>>)
      %dma_wait3A_283 = arith.constant 0 : i32
      %dma_wait3A_284 = arith.constant 0 : i32
      %dma_wait3A_285 = arith.constant 0 : i32
      %dma_wait3A_286 = arith.constant 1 : i32
      %dma_wait3A_287 = arith.constant 0 : i32
      %dma_wait3A_288 = arith.constant 0 : i32
      %dma_wait3A_289 = tpu.memref_slice %arg10[%dma_wait3A_286, %dma_wait3A_287, %dma_wait3A_288] : memref<2x128x128xf32, #tpu.memory_space<vmem>> -> memref<1x128x128xf32, #tpu.memory_space<vmem>>
      %dma_wait3A_290 = tpu.memref_squeeze %dma_wait3A_289 : memref<1x128x128xf32, #tpu.memory_space<vmem>> -> memref<128x128xf32, #tpu.memory_space<vmem>>
      %dma_wait3A_291 = arith.constant 0 : i32
      %dma_wait3A_292 = tpu.memref_slice %arg9[%dma_wait3A_283, %dma_wait3A_284, %dma_wait3A_285, %dma_wait3A_291] : memref<2x16x2x128xi32, #tpu.memory_space<vmem>> -> memref<1x1x1x128xi32, #tpu.memory_space<vmem>>
      %dma_wait3A_293 = tpu.memref_squeeze %dma_wait3A_292 : memref<1x1x1x128xi32, #tpu.memory_space<vmem>> -> memref<128xi32, #tpu.memory_space<vmem>>
      %dma_wait3A_294 = arith.constant 0 : i32
      %dma_wait3A_295 = arith.constant 0 : i32
      %dma_wait3A_296 = tpu.memref_slice %arg2[%dma_wait3A_294, %dma_wait3A_295] : memref<20000x128xf32, #tpu.memory_space<hbm>> -> memref<20000x128xf32, #tpu.memory_space<hbm>>
      tpu.wait_indirect_dma semaphore(%arg16 : memref<!tpu.dma_semaphore, #tpu.memory_space<semaphore_mem>>) src(%dma_wait3A_296 : memref<20000x128xf32, #tpu.memory_space<hbm>>) dst(%dma_wait3A_290 : memref<128x128xf32, #tpu.memory_space<vmem>>)
      %run_scoped3A_297 = arith.constant 1 : i32
      %run_scoped3A_298 = arith.constant 0 : i32
      %run_scoped3A_299 = arith.constant 5 : i32
      %run_scoped3A_300 = arith.constant 1 : i32
      "tpu.region"() ({
        %run_scoped3A_1150 = tpu.sem_alloc : memref<!tpu.dma_semaphore, #tpu.memory_space<semaphore_mem>>
        %dma_start3A_1151 = arith.constant 0 : i32
        %dma_start3A_1152 = arith.constant 0 : i32
        %dma_start3A_1153 = tpu.memref_slice %arg10[%run_scoped3A_297, %dma_start3A_1151, %dma_start3A_1152] : memref<2x128x128xf32, #tpu.memory_space<vmem>> -> memref<1x128x128xf32, #tpu.memory_space<vmem>>
        %dma_start3A_1154 = tpu.memref_squeeze %dma_start3A_1153 : memref<1x128x128xf32, #tpu.memory_space<vmem>> -> memref<128x128xf32, #tpu.memory_space<vmem>>
        %dma_start3A_1155 = arith.constant 0 : i32
        %dma_start3A_1156 = tpu.memref_slice %arg9[%run_scoped3A_298, %run_scoped3A_299, %run_scoped3A_300, %dma_start3A_1155] : memref<2x16x2x128xi32, #tpu.memory_space<vmem>> -> memref<1x1x1x128xi32, #tpu.memory_space<vmem>>
        %dma_start3A_1157 = tpu.memref_squeeze %dma_start3A_1156 : memref<1x1x1x128xi32, #tpu.memory_space<vmem>> -> memref<128xi32, #tpu.memory_space<vmem>>
        %dma_start3A_1158 = arith.constant 0 : i32
        %dma_start3A_1159 = arith.constant 0 : i32
        %dma_start3A_1160 = tpu.memref_slice %arg12[%dma_start3A_1158, %dma_start3A_1159] : memref<10240x128xf32, #tpu.memory_space<vmem_shared>> -> memref<10240x128xf32, #tpu.memory_space<vmem_shared>>
        tpu.enqueue_indirect_dma source(%dma_start3A_1154 : memref<128x128xf32, #tpu.memory_space<vmem>>) target(%dma_start3A_1160 : memref<10240x128xf32, #tpu.memory_space<vmem_shared>>) offsets(%dma_start3A_1157 : memref<128xi32, #tpu.memory_space<vmem>>) semaphore(%run_scoped3A_1150 : memref<!tpu.dma_semaphore, #tpu.memory_space<semaphore_mem>>) {add = true}
        %dma_wait3A_1161 = arith.constant 0 : i32
        %dma_wait3A_1162 = arith.constant 0 : i32
        %dma_wait3A_1163 = tpu.memref_slice %arg10[%run_scoped3A_297, %dma_wait3A_1161, %dma_wait3A_1162] : memref<2x128x128xf32, #tpu.memory_space<vmem>> -> memref<1x128x128xf32, #tpu.memory_space<vmem>>
        %dma_wait3A_1164 = tpu.memref_squeeze %dma_wait3A_1163 : memref<1x128x128xf32, #tpu.memory_space<vmem>> -> memref<128x128xf32, #tpu.memory_space<vmem>>
        %dma_wait3A_1165 = arith.constant 0 : i32
        %dma_wait3A_1166 = tpu.memref_slice %arg9[%run_scoped3A_298, %run_scoped3A_299, %run_scoped3A_300, %dma_wait3A_1165] : memref<2x16x2x128xi32, #tpu.memory_space<vmem>> -> memref<1x1x1x128xi32, #tpu.memory_space<vmem>>
        %dma_wait3A_1167 = tpu.memref_squeeze %dma_wait3A_1166 : memref<1x1x1x128xi32, #tpu.memory_space<vmem>> -> memref<128xi32, #tpu.memory_space<vmem>>
        %dma_wait3A_1168 = arith.constant 0 : i32
        %dma_wait3A_1169 = arith.constant 0 : i32
        %dma_wait3A_1170 = tpu.memref_slice %arg12[%dma_wait3A_1168, %dma_wait3A_1169] : memref<10240x128xf32, #tpu.memory_space<vmem_shared>> -> memref<10240x128xf32, #tpu.memory_space<vmem_shared>>
        tpu.wait_indirect_dma semaphore(%run_scoped3A_1150 : memref<!tpu.dma_semaphore, #tpu.memory_space<semaphore_mem>>) src(%dma_wait3A_1164 : memref<128x128xf32, #tpu.memory_space<vmem>>) dst(%dma_wait3A_1170 : memref<10240x128xf32, #tpu.memory_space<vmem_shared>>)
        tpu.yield
      }) : () -> ()
      %dma_start3A_301 = arith.constant 0 : i32
      %dma_start3A_302 = arith.constant 7 : i32
      %dma_start3A_303 = arith.constant 0 : i32
      %dma_start3A_304 = arith.constant 1 : i32
      %dma_start3A_305 = arith.constant 0 : i32
      %dma_start3A_306 = arith.constant 0 : i32
      %dma_start3A_307 = tpu.memref_slice %arg10[%dma_start3A_304, %dma_start3A_305, %dma_start3A_306] : memref<2x128x128xf32, #tpu.memory_space<vmem>> -> memref<1x128x128xf32, #tpu.memory_space<vmem>>
      %dma_start3A_308 = tpu.memref_squeeze %dma_start3A_307 : memref<1x128x128xf32, #tpu.memory_space<vmem>> -> memref<128x128xf32, #tpu.memory_space<vmem>>
      %dma_start3A_309 = arith.constant 0 : i32
      %dma_start3A_310 = tpu.memref_slice %arg9[%dma_start3A_301, %dma_start3A_302, %dma_start3A_303, %dma_start3A_309] : memref<2x16x2x128xi32, #tpu.memory_space<vmem>> -> memref<1x1x1x128xi32, #tpu.memory_space<vmem>>
      %dma_start3A_311 = tpu.memref_squeeze %dma_start3A_310 : memref<1x1x1x128xi32, #tpu.memory_space<vmem>> -> memref<128xi32, #tpu.memory_space<vmem>>
      %dma_start3A_312 = arith.constant 0 : i32
      %dma_start3A_313 = arith.constant 0 : i32
      %dma_start3A_314 = tpu.memref_slice %arg2[%dma_start3A_312, %dma_start3A_313] : memref<20000x128xf32, #tpu.memory_space<hbm>> -> memref<20000x128xf32, #tpu.memory_space<hbm>>
      tpu.enqueue_indirect_dma source(%dma_start3A_314 : memref<20000x128xf32, #tpu.memory_space<hbm>>) target(%dma_start3A_308 : memref<128x128xf32, #tpu.memory_space<vmem>>) offsets(%dma_start3A_311 : memref<128xi32, #tpu.memory_space<vmem>>) semaphore(%arg16 : memref<!tpu.dma_semaphore, #tpu.memory_space<semaphore_mem>>)
      %dma_wait3A_315 = arith.constant 0 : i32
      %dma_wait3A_316 = arith.constant 0 : i32
      %dma_wait3A_317 = arith.constant 0 : i32
      %dma_wait3A_318 = arith.constant 0 : i32
      %dma_wait3A_319 = arith.constant 0 : i32
      %dma_wait3A_320 = arith.constant 0 : i32
      %dma_wait3A_321 = tpu.memref_slice %arg10[%dma_wait3A_318, %dma_wait3A_319, %dma_wait3A_320] : memref<2x128x128xf32, #tpu.memory_space<vmem>> -> memref<1x128x128xf32, #tpu.memory_space<vmem>>
      %dma_wait3A_322 = tpu.memref_squeeze %dma_wait3A_321 : memref<1x128x128xf32, #tpu.memory_space<vmem>> -> memref<128x128xf32, #tpu.memory_space<vmem>>
      %dma_wait3A_323 = arith.constant 0 : i32
      %dma_wait3A_324 = tpu.memref_slice %arg9[%dma_wait3A_315, %dma_wait3A_316, %dma_wait3A_317, %dma_wait3A_323] : memref<2x16x2x128xi32, #tpu.memory_space<vmem>> -> memref<1x1x1x128xi32, #tpu.memory_space<vmem>>
      %dma_wait3A_325 = tpu.memref_squeeze %dma_wait3A_324 : memref<1x1x1x128xi32, #tpu.memory_space<vmem>> -> memref<128xi32, #tpu.memory_space<vmem>>
      %dma_wait3A_326 = arith.constant 0 : i32
      %dma_wait3A_327 = arith.constant 0 : i32
      %dma_wait3A_328 = tpu.memref_slice %arg2[%dma_wait3A_326, %dma_wait3A_327] : memref<20000x128xf32, #tpu.memory_space<hbm>> -> memref<20000x128xf32, #tpu.memory_space<hbm>>
      tpu.wait_indirect_dma semaphore(%arg15 : memref<!tpu.dma_semaphore, #tpu.memory_space<semaphore_mem>>) src(%dma_wait3A_328 : memref<20000x128xf32, #tpu.memory_space<hbm>>) dst(%dma_wait3A_322 : memref<128x128xf32, #tpu.memory_space<vmem>>)
      %run_scoped3A_329 = arith.constant 0 : i32
      %run_scoped3A_330 = arith.constant 0 : i32
      %run_scoped3A_331 = arith.constant 6 : i32
      %run_scoped3A_332 = arith.constant 1 : i32
      "tpu.region"() ({
        %run_scoped3A_1150 = tpu.sem_alloc : memref<!tpu.dma_semaphore, #tpu.memory_space<semaphore_mem>>
        %dma_start3A_1151 = arith.constant 0 : i32
        %dma_start3A_1152 = arith.constant 0 : i32
        %dma_start3A_1153 = tpu.memref_slice %arg10[%run_scoped3A_329, %dma_start3A_1151, %dma_start3A_1152] : memref<2x128x128xf32, #tpu.memory_space<vmem>> -> memref<1x128x128xf32, #tpu.memory_space<vmem>>
        %dma_start3A_1154 = tpu.memref_squeeze %dma_start3A_1153 : memref<1x128x128xf32, #tpu.memory_space<vmem>> -> memref<128x128xf32, #tpu.memory_space<vmem>>
        %dma_start3A_1155 = arith.constant 0 : i32
        %dma_start3A_1156 = tpu.memref_slice %arg9[%run_scoped3A_330, %run_scoped3A_331, %run_scoped3A_332, %dma_start3A_1155] : memref<2x16x2x128xi32, #tpu.memory_space<vmem>> -> memref<1x1x1x128xi32, #tpu.memory_space<vmem>>
        %dma_start3A_1157 = tpu.memref_squeeze %dma_start3A_1156 : memref<1x1x1x128xi32, #tpu.memory_space<vmem>> -> memref<128xi32, #tpu.memory_space<vmem>>
        %dma_start3A_1158 = arith.constant 0 : i32
        %dma_start3A_1159 = arith.constant 0 : i32
        %dma_start3A_1160 = tpu.memref_slice %arg12[%dma_start3A_1158, %dma_start3A_1159] : memref<10240x128xf32, #tpu.memory_space<vmem_shared>> -> memref<10240x128xf32, #tpu.memory_space<vmem_shared>>
        tpu.enqueue_indirect_dma source(%dma_start3A_1154 : memref<128x128xf32, #tpu.memory_space<vmem>>) target(%dma_start3A_1160 : memref<10240x128xf32, #tpu.memory_space<vmem_shared>>) offsets(%dma_start3A_1157 : memref<128xi32, #tpu.memory_space<vmem>>) semaphore(%run_scoped3A_1150 : memref<!tpu.dma_semaphore, #tpu.memory_space<semaphore_mem>>) {add = true}
        %dma_wait3A_1161 = arith.constant 0 : i32
        %dma_wait3A_1162 = arith.constant 0 : i32
        %dma_wait3A_1163 = tpu.memref_slice %arg10[%run_scoped3A_329, %dma_wait3A_1161, %dma_wait3A_1162] : memref<2x128x128xf32, #tpu.memory_space<vmem>> -> memref<1x128x128xf32, #tpu.memory_space<vmem>>
        %dma_wait3A_1164 = tpu.memref_squeeze %dma_wait3A_1163 : memref<1x128x128xf32, #tpu.memory_space<vmem>> -> memref<128x128xf32, #tpu.memory_space<vmem>>
        %dma_wait3A_1165 = arith.constant 0 : i32
        %dma_wait3A_1166 = tpu.memref_slice %arg9[%run_scoped3A_330, %run_scoped3A_331, %run_scoped3A_332, %dma_wait3A_1165] : memref<2x16x2x128xi32, #tpu.memory_space<vmem>> -> memref<1x1x1x128xi32, #tpu.memory_space<vmem>>
        %dma_wait3A_1167 = tpu.memref_squeeze %dma_wait3A_1166 : memref<1x1x1x128xi32, #tpu.memory_space<vmem>> -> memref<128xi32, #tpu.memory_space<vmem>>
        %dma_wait3A_1168 = arith.constant 0 : i32
        %dma_wait3A_1169 = arith.constant 0 : i32
        %dma_wait3A_1170 = tpu.memref_slice %arg12[%dma_wait3A_1168, %dma_wait3A_1169] : memref<10240x128xf32, #tpu.memory_space<vmem_shared>> -> memref<10240x128xf32, #tpu.memory_space<vmem_shared>>
        tpu.wait_indirect_dma semaphore(%run_scoped3A_1150 : memref<!tpu.dma_semaphore, #tpu.memory_space<semaphore_mem>>) src(%dma_wait3A_1164 : memref<128x128xf32, #tpu.memory_space<vmem>>) dst(%dma_wait3A_1170 : memref<10240x128xf32, #tpu.memory_space<vmem_shared>>)
        tpu.yield
      }) : () -> ()
      %dma_start3A_333 = arith.constant 0 : i32
      %dma_start3A_334 = arith.constant 8 : i32
      %dma_start3A_335 = arith.constant 0 : i32
      %dma_start3A_336 = arith.constant 0 : i32
      %dma_start3A_337 = arith.constant 0 : i32
      %dma_start3A_338 = arith.constant 0 : i32
      %dma_start3A_339 = tpu.memref_slice %arg10[%dma_start3A_336, %dma_start3A_337, %dma_start3A_338] : memref<2x128x128xf32, #tpu.memory_space<vmem>> -> memref<1x128x128xf32, #tpu.memory_space<vmem>>
      %dma_start3A_340 = tpu.memref_squeeze %dma_start3A_339 : memref<1x128x128xf32, #tpu.memory_space<vmem>> -> memref<128x128xf32, #tpu.memory_space<vmem>>
      %dma_start3A_341 = arith.constant 0 : i32
      %dma_start3A_342 = tpu.memref_slice %arg9[%dma_start3A_333, %dma_start3A_334, %dma_start3A_335, %dma_start3A_341] : memref<2x16x2x128xi32, #tpu.memory_space<vmem>> -> memref<1x1x1x128xi32, #tpu.memory_space<vmem>>
      %dma_start3A_343 = tpu.memref_squeeze %dma_start3A_342 : memref<1x1x1x128xi32, #tpu.memory_space<vmem>> -> memref<128xi32, #tpu.memory_space<vmem>>
      %dma_start3A_344 = arith.constant 0 : i32
      %dma_start3A_345 = arith.constant 0 : i32
      %dma_start3A_346 = tpu.memref_slice %arg2[%dma_start3A_344, %dma_start3A_345] : memref<20000x128xf32, #tpu.memory_space<hbm>> -> memref<20000x128xf32, #tpu.memory_space<hbm>>
      tpu.enqueue_indirect_dma source(%dma_start3A_346 : memref<20000x128xf32, #tpu.memory_space<hbm>>) target(%dma_start3A_340 : memref<128x128xf32, #tpu.memory_space<vmem>>) offsets(%dma_start3A_343 : memref<128xi32, #tpu.memory_space<vmem>>) semaphore(%arg15 : memref<!tpu.dma_semaphore, #tpu.memory_space<semaphore_mem>>)
      %dma_wait3A_347 = arith.constant 0 : i32
      %dma_wait3A_348 = arith.constant 0 : i32
      %dma_wait3A_349 = arith.constant 0 : i32
      %dma_wait3A_350 = arith.constant 1 : i32
      %dma_wait3A_351 = arith.constant 0 : i32
      %dma_wait3A_352 = arith.constant 0 : i32
      %dma_wait3A_353 = tpu.memref_slice %arg10[%dma_wait3A_350, %dma_wait3A_351, %dma_wait3A_352] : memref<2x128x128xf32, #tpu.memory_space<vmem>> -> memref<1x128x128xf32, #tpu.memory_space<vmem>>
      %dma_wait3A_354 = tpu.memref_squeeze %dma_wait3A_353 : memref<1x128x128xf32, #tpu.memory_space<vmem>> -> memref<128x128xf32, #tpu.memory_space<vmem>>
      %dma_wait3A_355 = arith.constant 0 : i32
      %dma_wait3A_356 = tpu.memref_slice %arg9[%dma_wait3A_347, %dma_wait3A_348, %dma_wait3A_349, %dma_wait3A_355] : memref<2x16x2x128xi32, #tpu.memory_space<vmem>> -> memref<1x1x1x128xi32, #tpu.memory_space<vmem>>
      %dma_wait3A_357 = tpu.memref_squeeze %dma_wait3A_356 : memref<1x1x1x128xi32, #tpu.memory_space<vmem>> -> memref<128xi32, #tpu.memory_space<vmem>>
      %dma_wait3A_358 = arith.constant 0 : i32
      %dma_wait3A_359 = arith.constant 0 : i32
      %dma_wait3A_360 = tpu.memref_slice %arg2[%dma_wait3A_358, %dma_wait3A_359] : memref<20000x128xf32, #tpu.memory_space<hbm>> -> memref<20000x128xf32, #tpu.memory_space<hbm>>
      tpu.wait_indirect_dma semaphore(%arg16 : memref<!tpu.dma_semaphore, #tpu.memory_space<semaphore_mem>>) src(%dma_wait3A_360 : memref<20000x128xf32, #tpu.memory_space<hbm>>) dst(%dma_wait3A_354 : memref<128x128xf32, #tpu.memory_space<vmem>>)
      %run_scoped3A_361 = arith.constant 1 : i32
      %run_scoped3A_362 = arith.constant 0 : i32
      %run_scoped3A_363 = arith.constant 7 : i32
      %run_scoped3A_364 = arith.constant 1 : i32
      "tpu.region"() ({
        %run_scoped3A_1150 = tpu.sem_alloc : memref<!tpu.dma_semaphore, #tpu.memory_space<semaphore_mem>>
        %dma_start3A_1151 = arith.constant 0 : i32
        %dma_start3A_1152 = arith.constant 0 : i32
        %dma_start3A_1153 = tpu.memref_slice %arg10[%run_scoped3A_361, %dma_start3A_1151, %dma_start3A_1152] : memref<2x128x128xf32, #tpu.memory_space<vmem>> -> memref<1x128x128xf32, #tpu.memory_space<vmem>>
        %dma_start3A_1154 = tpu.memref_squeeze %dma_start3A_1153 : memref<1x128x128xf32, #tpu.memory_space<vmem>> -> memref<128x128xf32, #tpu.memory_space<vmem>>
        %dma_start3A_1155 = arith.constant 0 : i32
        %dma_start3A_1156 = tpu.memref_slice %arg9[%run_scoped3A_362, %run_scoped3A_363, %run_scoped3A_364, %dma_start3A_1155] : memref<2x16x2x128xi32, #tpu.memory_space<vmem>> -> memref<1x1x1x128xi32, #tpu.memory_space<vmem>>
        %dma_start3A_1157 = tpu.memref_squeeze %dma_start3A_1156 : memref<1x1x1x128xi32, #tpu.memory_space<vmem>> -> memref<128xi32, #tpu.memory_space<vmem>>
        %dma_start3A_1158 = arith.constant 0 : i32
        %dma_start3A_1159 = arith.constant 0 : i32
        %dma_start3A_1160 = tpu.memref_slice %arg12[%dma_start3A_1158, %dma_start3A_1159] : memref<10240x128xf32, #tpu.memory_space<vmem_shared>> -> memref<10240x128xf32, #tpu.memory_space<vmem_shared>>
        tpu.enqueue_indirect_dma source(%dma_start3A_1154 : memref<128x128xf32, #tpu.memory_space<vmem>>) target(%dma_start3A_1160 : memref<10240x128xf32, #tpu.memory_space<vmem_shared>>) offsets(%dma_start3A_1157 : memref<128xi32, #tpu.memory_space<vmem>>) semaphore(%run_scoped3A_1150 : memref<!tpu.dma_semaphore, #tpu.memory_space<semaphore_mem>>) {add = true}
        %dma_wait3A_1161 = arith.constant 0 : i32
        %dma_wait3A_1162 = arith.constant 0 : i32
        %dma_wait3A_1163 = tpu.memref_slice %arg10[%run_scoped3A_361, %dma_wait3A_1161, %dma_wait3A_1162] : memref<2x128x128xf32, #tpu.memory_space<vmem>> -> memref<1x128x128xf32, #tpu.memory_space<vmem>>
        %dma_wait3A_1164 = tpu.memref_squeeze %dma_wait3A_1163 : memref<1x128x128xf32, #tpu.memory_space<vmem>> -> memref<128x128xf32, #tpu.memory_space<vmem>>
        %dma_wait3A_1165 = arith.constant 0 : i32
        %dma_wait3A_1166 = tpu.memref_slice %arg9[%run_scoped3A_362, %run_scoped3A_363, %run_scoped3A_364, %dma_wait3A_1165] : memref<2x16x2x128xi32, #tpu.memory_space<vmem>> -> memref<1x1x1x128xi32, #tpu.memory_space<vmem>>
        %dma_wait3A_1167 = tpu.memref_squeeze %dma_wait3A_1166 : memref<1x1x1x128xi32, #tpu.memory_space<vmem>> -> memref<128xi32, #tpu.memory_space<vmem>>
        %dma_wait3A_1168 = arith.constant 0 : i32
        %dma_wait3A_1169 = arith.constant 0 : i32
        %dma_wait3A_1170 = tpu.memref_slice %arg12[%dma_wait3A_1168, %dma_wait3A_1169] : memref<10240x128xf32, #tpu.memory_space<vmem_shared>> -> memref<10240x128xf32, #tpu.memory_space<vmem_shared>>
        tpu.wait_indirect_dma semaphore(%run_scoped3A_1150 : memref<!tpu.dma_semaphore, #tpu.memory_space<semaphore_mem>>) src(%dma_wait3A_1164 : memref<128x128xf32, #tpu.memory_space<vmem>>) dst(%dma_wait3A_1170 : memref<10240x128xf32, #tpu.memory_space<vmem_shared>>)
        tpu.yield
      }) : () -> ()
      %dma_start3A_365 = arith.constant 0 : i32
      %dma_start3A_366 = arith.constant 9 : i32
      %dma_start3A_367 = arith.constant 0 : i32
      %dma_start3A_368 = arith.constant 1 : i32
      %dma_start3A_369 = arith.constant 0 : i32
      %dma_start3A_370 = arith.constant 0 : i32
      %dma_start3A_371 = tpu.memref_slice %arg10[%dma_start3A_368, %dma_start3A_369, %dma_start3A_370] : memref<2x128x128xf32, #tpu.memory_space<vmem>> -> memref<1x128x128xf32, #tpu.memory_space<vmem>>
      %dma_start3A_372 = tpu.memref_squeeze %dma_start3A_371 : memref<1x128x128xf32, #tpu.memory_space<vmem>> -> memref<128x128xf32, #tpu.memory_space<vmem>>
      %dma_start3A_373 = arith.constant 0 : i32
      %dma_start3A_374 = tpu.memref_slice %arg9[%dma_start3A_365, %dma_start3A_366, %dma_start3A_367, %dma_start3A_373] : memref<2x16x2x128xi32, #tpu.memory_space<vmem>> -> memref<1x1x1x128xi32, #tpu.memory_space<vmem>>
      %dma_start3A_375 = tpu.memref_squeeze %dma_start3A_374 : memref<1x1x1x128xi32, #tpu.memory_space<vmem>> -> memref<128xi32, #tpu.memory_space<vmem>>
      %dma_start3A_376 = arith.constant 0 : i32
      %dma_start3A_377 = arith.constant 0 : i32
      %dma_start3A_378 = tpu.memref_slice %arg2[%dma_start3A_376, %dma_start3A_377] : memref<20000x128xf32, #tpu.memory_space<hbm>> -> memref<20000x128xf32, #tpu.memory_space<hbm>>
      tpu.enqueue_indirect_dma source(%dma_start3A_378 : memref<20000x128xf32, #tpu.memory_space<hbm>>) target(%dma_start3A_372 : memref<128x128xf32, #tpu.memory_space<vmem>>) offsets(%dma_start3A_375 : memref<128xi32, #tpu.memory_space<vmem>>) semaphore(%arg16 : memref<!tpu.dma_semaphore, #tpu.memory_space<semaphore_mem>>)
      %dma_wait3A_379 = arith.constant 0 : i32
      %dma_wait3A_380 = arith.constant 0 : i32
      %dma_wait3A_381 = arith.constant 0 : i32
      %dma_wait3A_382 = arith.constant 0 : i32
      %dma_wait3A_383 = arith.constant 0 : i32
      %dma_wait3A_384 = arith.constant 0 : i32
      %dma_wait3A_385 = tpu.memref_slice %arg10[%dma_wait3A_382, %dma_wait3A_383, %dma_wait3A_384] : memref<2x128x128xf32, #tpu.memory_space<vmem>> -> memref<1x128x128xf32, #tpu.memory_space<vmem>>
      %dma_wait3A_386 = tpu.memref_squeeze %dma_wait3A_385 : memref<1x128x128xf32, #tpu.memory_space<vmem>> -> memref<128x128xf32, #tpu.memory_space<vmem>>
      %dma_wait3A_387 = arith.constant 0 : i32
      %dma_wait3A_388 = tpu.memref_slice %arg9[%dma_wait3A_379, %dma_wait3A_380, %dma_wait3A_381, %dma_wait3A_387] : memref<2x16x2x128xi32, #tpu.memory_space<vmem>> -> memref<1x1x1x128xi32, #tpu.memory_space<vmem>>
      %dma_wait3A_389 = tpu.memref_squeeze %dma_wait3A_388 : memref<1x1x1x128xi32, #tpu.memory_space<vmem>> -> memref<128xi32, #tpu.memory_space<vmem>>
      %dma_wait3A_390 = arith.constant 0 : i32
      %dma_wait3A_391 = arith.constant 0 : i32
      %dma_wait3A_392 = tpu.memref_slice %arg2[%dma_wait3A_390, %dma_wait3A_391] : memref<20000x128xf32, #tpu.memory_space<hbm>> -> memref<20000x128xf32, #tpu.memory_space<hbm>>
      tpu.wait_indirect_dma semaphore(%arg15 : memref<!tpu.dma_semaphore, #tpu.memory_space<semaphore_mem>>) src(%dma_wait3A_392 : memref<20000x128xf32, #tpu.memory_space<hbm>>) dst(%dma_wait3A_386 : memref<128x128xf32, #tpu.memory_space<vmem>>)
      %run_scoped3A_393 = arith.constant 0 : i32
      %run_scoped3A_394 = arith.constant 0 : i32
      %run_scoped3A_395 = arith.constant 8 : i32
      %run_scoped3A_396 = arith.constant 1 : i32
      "tpu.region"() ({
        %run_scoped3A_1150 = tpu.sem_alloc : memref<!tpu.dma_semaphore, #tpu.memory_space<semaphore_mem>>
        %dma_start3A_1151 = arith.constant 0 : i32
        %dma_start3A_1152 = arith.constant 0 : i32
        %dma_start3A_1153 = tpu.memref_slice %arg10[%run_scoped3A_393, %dma_start3A_1151, %dma_start3A_1152] : memref<2x128x128xf32, #tpu.memory_space<vmem>> -> memref<1x128x128xf32, #tpu.memory_space<vmem>>
        %dma_start3A_1154 = tpu.memref_squeeze %dma_start3A_1153 : memref<1x128x128xf32, #tpu.memory_space<vmem>> -> memref<128x128xf32, #tpu.memory_space<vmem>>
        %dma_start3A_1155 = arith.constant 0 : i32
        %dma_start3A_1156 = tpu.memref_slice %arg9[%run_scoped3A_394, %run_scoped3A_395, %run_scoped3A_396, %dma_start3A_1155] : memref<2x16x2x128xi32, #tpu.memory_space<vmem>> -> memref<1x1x1x128xi32, #tpu.memory_space<vmem>>
        %dma_start3A_1157 = tpu.memref_squeeze %dma_start3A_1156 : memref<1x1x1x128xi32, #tpu.memory_space<vmem>> -> memref<128xi32, #tpu.memory_space<vmem>>
        %dma_start3A_1158 = arith.constant 0 : i32
        %dma_start3A_1159 = arith.constant 0 : i32
        %dma_start3A_1160 = tpu.memref_slice %arg12[%dma_start3A_1158, %dma_start3A_1159] : memref<10240x128xf32, #tpu.memory_space<vmem_shared>> -> memref<10240x128xf32, #tpu.memory_space<vmem_shared>>
        tpu.enqueue_indirect_dma source(%dma_start3A_1154 : memref<128x128xf32, #tpu.memory_space<vmem>>) target(%dma_start3A_1160 : memref<10240x128xf32, #tpu.memory_space<vmem_shared>>) offsets(%dma_start3A_1157 : memref<128xi32, #tpu.memory_space<vmem>>) semaphore(%run_scoped3A_1150 : memref<!tpu.dma_semaphore, #tpu.memory_space<semaphore_mem>>) {add = true}
        %dma_wait3A_1161 = arith.constant 0 : i32
        %dma_wait3A_1162 = arith.constant 0 : i32
        %dma_wait3A_1163 = tpu.memref_slice %arg10[%run_scoped3A_393, %dma_wait3A_1161, %dma_wait3A_1162] : memref<2x128x128xf32, #tpu.memory_space<vmem>> -> memref<1x128x128xf32, #tpu.memory_space<vmem>>
        %dma_wait3A_1164 = tpu.memref_squeeze %dma_wait3A_1163 : memref<1x128x128xf32, #tpu.memory_space<vmem>> -> memref<128x128xf32, #tpu.memory_space<vmem>>
        %dma_wait3A_1165 = arith.constant 0 : i32
        %dma_wait3A_1166 = tpu.memref_slice %arg9[%run_scoped3A_394, %run_scoped3A_395, %run_scoped3A_396, %dma_wait3A_1165] : memref<2x16x2x128xi32, #tpu.memory_space<vmem>> -> memref<1x1x1x128xi32, #tpu.memory_space<vmem>>
        %dma_wait3A_1167 = tpu.memref_squeeze %dma_wait3A_1166 : memref<1x1x1x128xi32, #tpu.memory_space<vmem>> -> memref<128xi32, #tpu.memory_space<vmem>>
        %dma_wait3A_1168 = arith.constant 0 : i32
        %dma_wait3A_1169 = arith.constant 0 : i32
        %dma_wait3A_1170 = tpu.memref_slice %arg12[%dma_wait3A_1168, %dma_wait3A_1169] : memref<10240x128xf32, #tpu.memory_space<vmem_shared>> -> memref<10240x128xf32, #tpu.memory_space<vmem_shared>>
        tpu.wait_indirect_dma semaphore(%run_scoped3A_1150 : memref<!tpu.dma_semaphore, #tpu.memory_space<semaphore_mem>>) src(%dma_wait3A_1164 : memref<128x128xf32, #tpu.memory_space<vmem>>) dst(%dma_wait3A_1170 : memref<10240x128xf32, #tpu.memory_space<vmem_shared>>)
        tpu.yield
      }) : () -> ()
      %dma_start3A_397 = arith.constant 0 : i32
      %dma_start3A_398 = arith.constant 10 : i32
      %dma_start3A_399 = arith.constant 0 : i32
      %dma_start3A_400 = arith.constant 0 : i32
      %dma_start3A_401 = arith.constant 0 : i32
      %dma_start3A_402 = arith.constant 0 : i32
      %dma_start3A_403 = tpu.memref_slice %arg10[%dma_start3A_400, %dma_start3A_401, %dma_start3A_402] : memref<2x128x128xf32, #tpu.memory_space<vmem>> -> memref<1x128x128xf32, #tpu.memory_space<vmem>>
      %dma_start3A_404 = tpu.memref_squeeze %dma_start3A_403 : memref<1x128x128xf32, #tpu.memory_space<vmem>> -> memref<128x128xf32, #tpu.memory_space<vmem>>
      %dma_start3A_405 = arith.constant 0 : i32
      %dma_start3A_406 = tpu.memref_slice %arg9[%dma_start3A_397, %dma_start3A_398, %dma_start3A_399, %dma_start3A_405] : memref<2x16x2x128xi32, #tpu.memory_space<vmem>> -> memref<1x1x1x128xi32, #tpu.memory_space<vmem>>
      %dma_start3A_407 = tpu.memref_squeeze %dma_start3A_406 : memref<1x1x1x128xi32, #tpu.memory_space<vmem>> -> memref<128xi32, #tpu.memory_space<vmem>>
      %dma_start3A_408 = arith.constant 0 : i32
      %dma_start3A_409 = arith.constant 0 : i32
      %dma_start3A_410 = tpu.memref_slice %arg2[%dma_start3A_408, %dma_start3A_409] : memref<20000x128xf32, #tpu.memory_space<hbm>> -> memref<20000x128xf32, #tpu.memory_space<hbm>>
      tpu.enqueue_indirect_dma source(%dma_start3A_410 : memref<20000x128xf32, #tpu.memory_space<hbm>>) target(%dma_start3A_404 : memref<128x128xf32, #tpu.memory_space<vmem>>) offsets(%dma_start3A_407 : memref<128xi32, #tpu.memory_space<vmem>>) semaphore(%arg15 : memref<!tpu.dma_semaphore, #tpu.memory_space<semaphore_mem>>)
      %dma_wait3A_411 = arith.constant 0 : i32
      %dma_wait3A_412 = arith.constant 0 : i32
      %dma_wait3A_413 = arith.constant 0 : i32
      %dma_wait3A_414 = arith.constant 1 : i32
      %dma_wait3A_415 = arith.constant 0 : i32
      %dma_wait3A_416 = arith.constant 0 : i32
      %dma_wait3A_417 = tpu.memref_slice %arg10[%dma_wait3A_414, %dma_wait3A_415, %dma_wait3A_416] : memref<2x128x128xf32, #tpu.memory_space<vmem>> -> memref<1x128x128xf32, #tpu.memory_space<vmem>>
      %dma_wait3A_418 = tpu.memref_squeeze %dma_wait3A_417 : memref<1x128x128xf32, #tpu.memory_space<vmem>> -> memref<128x128xf32, #tpu.memory_space<vmem>>
      %dma_wait3A_419 = arith.constant 0 : i32
      %dma_wait3A_420 = tpu.memref_slice %arg9[%dma_wait3A_411, %dma_wait3A_412, %dma_wait3A_413, %dma_wait3A_419] : memref<2x16x2x128xi32, #tpu.memory_space<vmem>> -> memref<1x1x1x128xi32, #tpu.memory_space<vmem>>
      %dma_wait3A_421 = tpu.memref_squeeze %dma_wait3A_420 : memref<1x1x1x128xi32, #tpu.memory_space<vmem>> -> memref<128xi32, #tpu.memory_space<vmem>>
      %dma_wait3A_422 = arith.constant 0 : i32
      %dma_wait3A_423 = arith.constant 0 : i32
      %dma_wait3A_424 = tpu.memref_slice %arg2[%dma_wait3A_422, %dma_wait3A_423] : memref<20000x128xf32, #tpu.memory_space<hbm>> -> memref<20000x128xf32, #tpu.memory_space<hbm>>
      tpu.wait_indirect_dma semaphore(%arg16 : memref<!tpu.dma_semaphore, #tpu.memory_space<semaphore_mem>>) src(%dma_wait3A_424 : memref<20000x128xf32, #tpu.memory_space<hbm>>) dst(%dma_wait3A_418 : memref<128x128xf32, #tpu.memory_space<vmem>>)
      %run_scoped3A_425 = arith.constant 1 : i32
      %run_scoped3A_426 = arith.constant 0 : i32
      %run_scoped3A_427 = arith.constant 9 : i32
      %run_scoped3A_428 = arith.constant 1 : i32
      "tpu.region"() ({
        %run_scoped3A_1150 = tpu.sem_alloc : memref<!tpu.dma_semaphore, #tpu.memory_space<semaphore_mem>>
        %dma_start3A_1151 = arith.constant 0 : i32
        %dma_start3A_1152 = arith.constant 0 : i32
        %dma_start3A_1153 = tpu.memref_slice %arg10[%run_scoped3A_425, %dma_start3A_1151, %dma_start3A_1152] : memref<2x128x128xf32, #tpu.memory_space<vmem>> -> memref<1x128x128xf32, #tpu.memory_space<vmem>>
        %dma_start3A_1154 = tpu.memref_squeeze %dma_start3A_1153 : memref<1x128x128xf32, #tpu.memory_space<vmem>> -> memref<128x128xf32, #tpu.memory_space<vmem>>
        %dma_start3A_1155 = arith.constant 0 : i32
        %dma_start3A_1156 = tpu.memref_slice %arg9[%run_scoped3A_426, %run_scoped3A_427, %run_scoped3A_428, %dma_start3A_1155] : memref<2x16x2x128xi32, #tpu.memory_space<vmem>> -> memref<1x1x1x128xi32, #tpu.memory_space<vmem>>
        %dma_start3A_1157 = tpu.memref_squeeze %dma_start3A_1156 : memref<1x1x1x128xi32, #tpu.memory_space<vmem>> -> memref<128xi32, #tpu.memory_space<vmem>>
        %dma_start3A_1158 = arith.constant 0 : i32
        %dma_start3A_1159 = arith.constant 0 : i32
        %dma_start3A_1160 = tpu.memref_slice %arg12[%dma_start3A_1158, %dma_start3A_1159] : memref<10240x128xf32, #tpu.memory_space<vmem_shared>> -> memref<10240x128xf32, #tpu.memory_space<vmem_shared>>
        tpu.enqueue_indirect_dma source(%dma_start3A_1154 : memref<128x128xf32, #tpu.memory_space<vmem>>) target(%dma_start3A_1160 : memref<10240x128xf32, #tpu.memory_space<vmem_shared>>) offsets(%dma_start3A_1157 : memref<128xi32, #tpu.memory_space<vmem>>) semaphore(%run_scoped3A_1150 : memref<!tpu.dma_semaphore, #tpu.memory_space<semaphore_mem>>) {add = true}
        %dma_wait3A_1161 = arith.constant 0 : i32
        %dma_wait3A_1162 = arith.constant 0 : i32
        %dma_wait3A_1163 = tpu.memref_slice %arg10[%run_scoped3A_425, %dma_wait3A_1161, %dma_wait3A_1162] : memref<2x128x128xf32, #tpu.memory_space<vmem>> -> memref<1x128x128xf32, #tpu.memory_space<vmem>>
        %dma_wait3A_1164 = tpu.memref_squeeze %dma_wait3A_1163 : memref<1x128x128xf32, #tpu.memory_space<vmem>> -> memref<128x128xf32, #tpu.memory_space<vmem>>
        %dma_wait3A_1165 = arith.constant 0 : i32
        %dma_wait3A_1166 = tpu.memref_slice %arg9[%run_scoped3A_426, %run_scoped3A_427, %run_scoped3A_428, %dma_wait3A_1165] : memref<2x16x2x128xi32, #tpu.memory_space<vmem>> -> memref<1x1x1x128xi32, #tpu.memory_space<vmem>>
        %dma_wait3A_1167 = tpu.memref_squeeze %dma_wait3A_1166 : memref<1x1x1x128xi32, #tpu.memory_space<vmem>> -> memref<128xi32, #tpu.memory_space<vmem>>
        %dma_wait3A_1168 = arith.constant 0 : i32
        %dma_wait3A_1169 = arith.constant 0 : i32
        %dma_wait3A_1170 = tpu.memref_slice %arg12[%dma_wait3A_1168, %dma_wait3A_1169] : memref<10240x128xf32, #tpu.memory_space<vmem_shared>> -> memref<10240x128xf32, #tpu.memory_space<vmem_shared>>
        tpu.wait_indirect_dma semaphore(%run_scoped3A_1150 : memref<!tpu.dma_semaphore, #tpu.memory_space<semaphore_mem>>) src(%dma_wait3A_1164 : memref<128x128xf32, #tpu.memory_space<vmem>>) dst(%dma_wait3A_1170 : memref<10240x128xf32, #tpu.memory_space<vmem_shared>>)
        tpu.yield
      }) : () -> ()
      %dma_start3A_429 = arith.constant 0 : i32
      %dma_start3A_430 = arith.constant 11 : i32
      %dma_start3A_431 = arith.constant 0 : i32
      %dma_start3A_432 = arith.constant 1 : i32
      %dma_start3A_433 = arith.constant 0 : i32
      %dma_start3A_434 = arith.constant 0 : i32
      %dma_start3A_435 = tpu.memref_slice %arg10[%dma_start3A_432, %dma_start3A_433, %dma_start3A_434] : memref<2x128x128xf32, #tpu.memory_space<vmem>> -> memref<1x128x128xf32, #tpu.memory_space<vmem>>
      %dma_start3A_436 = tpu.memref_squeeze %dma_start3A_435 : memref<1x128x128xf32, #tpu.memory_space<vmem>> -> memref<128x128xf32, #tpu.memory_space<vmem>>
      %dma_start3A_437 = arith.constant 0 : i32
      %dma_start3A_438 = tpu.memref_slice %arg9[%dma_start3A_429, %dma_start3A_430, %dma_start3A_431, %dma_start3A_437] : memref<2x16x2x128xi32, #tpu.memory_space<vmem>> -> memref<1x1x1x128xi32, #tpu.memory_space<vmem>>
      %dma_start3A_439 = tpu.memref_squeeze %dma_start3A_438 : memref<1x1x1x128xi32, #tpu.memory_space<vmem>> -> memref<128xi32, #tpu.memory_space<vmem>>
      %dma_start3A_440 = arith.constant 0 : i32
      %dma_start3A_441 = arith.constant 0 : i32
      %dma_start3A_442 = tpu.memref_slice %arg2[%dma_start3A_440, %dma_start3A_441] : memref<20000x128xf32, #tpu.memory_space<hbm>> -> memref<20000x128xf32, #tpu.memory_space<hbm>>
      tpu.enqueue_indirect_dma source(%dma_start3A_442 : memref<20000x128xf32, #tpu.memory_space<hbm>>) target(%dma_start3A_436 : memref<128x128xf32, #tpu.memory_space<vmem>>) offsets(%dma_start3A_439 : memref<128xi32, #tpu.memory_space<vmem>>) semaphore(%arg16 : memref<!tpu.dma_semaphore, #tpu.memory_space<semaphore_mem>>)
      %dma_wait3A_443 = arith.constant 0 : i32
      %dma_wait3A_444 = arith.constant 0 : i32
      %dma_wait3A_445 = arith.constant 0 : i32
      %dma_wait3A_446 = arith.constant 0 : i32
      %dma_wait3A_447 = arith.constant 0 : i32
      %dma_wait3A_448 = arith.constant 0 : i32
      %dma_wait3A_449 = tpu.memref_slice %arg10[%dma_wait3A_446, %dma_wait3A_447, %dma_wait3A_448] : memref<2x128x128xf32, #tpu.memory_space<vmem>> -> memref<1x128x128xf32, #tpu.memory_space<vmem>>
      %dma_wait3A_450 = tpu.memref_squeeze %dma_wait3A_449 : memref<1x128x128xf32, #tpu.memory_space<vmem>> -> memref<128x128xf32, #tpu.memory_space<vmem>>
      %dma_wait3A_451 = arith.constant 0 : i32
      %dma_wait3A_452 = tpu.memref_slice %arg9[%dma_wait3A_443, %dma_wait3A_444, %dma_wait3A_445, %dma_wait3A_451] : memref<2x16x2x128xi32, #tpu.memory_space<vmem>> -> memref<1x1x1x128xi32, #tpu.memory_space<vmem>>
      %dma_wait3A_453 = tpu.memref_squeeze %dma_wait3A_452 : memref<1x1x1x128xi32, #tpu.memory_space<vmem>> -> memref<128xi32, #tpu.memory_space<vmem>>
      %dma_wait3A_454 = arith.constant 0 : i32
      %dma_wait3A_455 = arith.constant 0 : i32
      %dma_wait3A_456 = tpu.memref_slice %arg2[%dma_wait3A_454, %dma_wait3A_455] : memref<20000x128xf32, #tpu.memory_space<hbm>> -> memref<20000x128xf32, #tpu.memory_space<hbm>>
      tpu.wait_indirect_dma semaphore(%arg15 : memref<!tpu.dma_semaphore, #tpu.memory_space<semaphore_mem>>) src(%dma_wait3A_456 : memref<20000x128xf32, #tpu.memory_space<hbm>>) dst(%dma_wait3A_450 : memref<128x128xf32, #tpu.memory_space<vmem>>)
      %run_scoped3A_457 = arith.constant 0 : i32
      %run_scoped3A_458 = arith.constant 0 : i32
      %run_scoped3A_459 = arith.constant 10 : i32
      %run_scoped3A_460 = arith.constant 1 : i32
      "tpu.region"() ({
        %run_scoped3A_1150 = tpu.sem_alloc : memref<!tpu.dma_semaphore, #tpu.memory_space<semaphore_mem>>
        %dma_start3A_1151 = arith.constant 0 : i32
        %dma_start3A_1152 = arith.constant 0 : i32
        %dma_start3A_1153 = tpu.memref_slice %arg10[%run_scoped3A_457, %dma_start3A_1151, %dma_start3A_1152] : memref<2x128x128xf32, #tpu.memory_space<vmem>> -> memref<1x128x128xf32, #tpu.memory_space<vmem>>
        %dma_start3A_1154 = tpu.memref_squeeze %dma_start3A_1153 : memref<1x128x128xf32, #tpu.memory_space<vmem>> -> memref<128x128xf32, #tpu.memory_space<vmem>>
        %dma_start3A_1155 = arith.constant 0 : i32
        %dma_start3A_1156 = tpu.memref_slice %arg9[%run_scoped3A_458, %run_scoped3A_459, %run_scoped3A_460, %dma_start3A_1155] : memref<2x16x2x128xi32, #tpu.memory_space<vmem>> -> memref<1x1x1x128xi32, #tpu.memory_space<vmem>>
        %dma_start3A_1157 = tpu.memref_squeeze %dma_start3A_1156 : memref<1x1x1x128xi32, #tpu.memory_space<vmem>> -> memref<128xi32, #tpu.memory_space<vmem>>
        %dma_start3A_1158 = arith.constant 0 : i32
        %dma_start3A_1159 = arith.constant 0 : i32
        %dma_start3A_1160 = tpu.memref_slice %arg12[%dma_start3A_1158, %dma_start3A_1159] : memref<10240x128xf32, #tpu.memory_space<vmem_shared>> -> memref<10240x128xf32, #tpu.memory_space<vmem_shared>>
        tpu.enqueue_indirect_dma source(%dma_start3A_1154 : memref<128x128xf32, #tpu.memory_space<vmem>>) target(%dma_start3A_1160 : memref<10240x128xf32, #tpu.memory_space<vmem_shared>>) offsets(%dma_start3A_1157 : memref<128xi32, #tpu.memory_space<vmem>>) semaphore(%run_scoped3A_1150 : memref<!tpu.dma_semaphore, #tpu.memory_space<semaphore_mem>>) {add = true}
        %dma_wait3A_1161 = arith.constant 0 : i32
        %dma_wait3A_1162 = arith.constant 0 : i32
        %dma_wait3A_1163 = tpu.memref_slice %arg10[%run_scoped3A_457, %dma_wait3A_1161, %dma_wait3A_1162] : memref<2x128x128xf32, #tpu.memory_space<vmem>> -> memref<1x128x128xf32, #tpu.memory_space<vmem>>
        %dma_wait3A_1164 = tpu.memref_squeeze %dma_wait3A_1163 : memref<1x128x128xf32, #tpu.memory_space<vmem>> -> memref<128x128xf32, #tpu.memory_space<vmem>>
        %dma_wait3A_1165 = arith.constant 0 : i32
        %dma_wait3A_1166 = tpu.memref_slice %arg9[%run_scoped3A_458, %run_scoped3A_459, %run_scoped3A_460, %dma_wait3A_1165] : memref<2x16x2x128xi32, #tpu.memory_space<vmem>> -> memref<1x1x1x128xi32, #tpu.memory_space<vmem>>
        %dma_wait3A_1167 = tpu.memref_squeeze %dma_wait3A_1166 : memref<1x1x1x128xi32, #tpu.memory_space<vmem>> -> memref<128xi32, #tpu.memory_space<vmem>>
        %dma_wait3A_1168 = arith.constant 0 : i32
        %dma_wait3A_1169 = arith.constant 0 : i32
        %dma_wait3A_1170 = tpu.memref_slice %arg12[%dma_wait3A_1168, %dma_wait3A_1169] : memref<10240x128xf32, #tpu.memory_space<vmem_shared>> -> memref<10240x128xf32, #tpu.memory_space<vmem_shared>>
        tpu.wait_indirect_dma semaphore(%run_scoped3A_1150 : memref<!tpu.dma_semaphore, #tpu.memory_space<semaphore_mem>>) src(%dma_wait3A_1164 : memref<128x128xf32, #tpu.memory_space<vmem>>) dst(%dma_wait3A_1170 : memref<10240x128xf32, #tpu.memory_space<vmem_shared>>)
        tpu.yield
      }) : () -> ()
      %dma_start3A_461 = arith.constant 0 : i32
      %dma_start3A_462 = arith.constant 12 : i32
      %dma_start3A_463 = arith.constant 0 : i32
      %dma_start3A_464 = arith.constant 0 : i32
      %dma_start3A_465 = arith.constant 0 : i32
      %dma_start3A_466 = arith.constant 0 : i32
      %dma_start3A_467 = tpu.memref_slice %arg10[%dma_start3A_464, %dma_start3A_465, %dma_start3A_466] : memref<2x128x128xf32, #tpu.memory_space<vmem>> -> memref<1x128x128xf32, #tpu.memory_space<vmem>>
      %dma_start3A_468 = tpu.memref_squeeze %dma_start3A_467 : memref<1x128x128xf32, #tpu.memory_space<vmem>> -> memref<128x128xf32, #tpu.memory_space<vmem>>
      %dma_start3A_469 = arith.constant 0 : i32
      %dma_start3A_470 = tpu.memref_slice %arg9[%dma_start3A_461, %dma_start3A_462, %dma_start3A_463, %dma_start3A_469] : memref<2x16x2x128xi32, #tpu.memory_space<vmem>> -> memref<1x1x1x128xi32, #tpu.memory_space<vmem>>
      %dma_start3A_471 = tpu.memref_squeeze %dma_start3A_470 : memref<1x1x1x128xi32, #tpu.memory_space<vmem>> -> memref<128xi32, #tpu.memory_space<vmem>>
      %dma_start3A_472 = arith.constant 0 : i32
      %dma_start3A_473 = arith.constant 0 : i32
      %dma_start3A_474 = tpu.memref_slice %arg2[%dma_start3A_472, %dma_start3A_473] : memref<20000x128xf32, #tpu.memory_space<hbm>> -> memref<20000x128xf32, #tpu.memory_space<hbm>>
      tpu.enqueue_indirect_dma source(%dma_start3A_474 : memref<20000x128xf32, #tpu.memory_space<hbm>>) target(%dma_start3A_468 : memref<128x128xf32, #tpu.memory_space<vmem>>) offsets(%dma_start3A_471 : memref<128xi32, #tpu.memory_space<vmem>>) semaphore(%arg15 : memref<!tpu.dma_semaphore, #tpu.memory_space<semaphore_mem>>)
      %dma_wait3A_475 = arith.constant 0 : i32
      %dma_wait3A_476 = arith.constant 0 : i32
      %dma_wait3A_477 = arith.constant 0 : i32
      %dma_wait3A_478 = arith.constant 1 : i32
      %dma_wait3A_479 = arith.constant 0 : i32
      %dma_wait3A_480 = arith.constant 0 : i32
      %dma_wait3A_481 = tpu.memref_slice %arg10[%dma_wait3A_478, %dma_wait3A_479, %dma_wait3A_480] : memref<2x128x128xf32, #tpu.memory_space<vmem>> -> memref<1x128x128xf32, #tpu.memory_space<vmem>>
      %dma_wait3A_482 = tpu.memref_squeeze %dma_wait3A_481 : memref<1x128x128xf32, #tpu.memory_space<vmem>> -> memref<128x128xf32, #tpu.memory_space<vmem>>
      %dma_wait3A_483 = arith.constant 0 : i32
      %dma_wait3A_484 = tpu.memref_slice %arg9[%dma_wait3A_475, %dma_wait3A_476, %dma_wait3A_477, %dma_wait3A_483] : memref<2x16x2x128xi32, #tpu.memory_space<vmem>> -> memref<1x1x1x128xi32, #tpu.memory_space<vmem>>
      %dma_wait3A_485 = tpu.memref_squeeze %dma_wait3A_484 : memref<1x1x1x128xi32, #tpu.memory_space<vmem>> -> memref<128xi32, #tpu.memory_space<vmem>>
      %dma_wait3A_486 = arith.constant 0 : i32
      %dma_wait3A_487 = arith.constant 0 : i32
      %dma_wait3A_488 = tpu.memref_slice %arg2[%dma_wait3A_486, %dma_wait3A_487] : memref<20000x128xf32, #tpu.memory_space<hbm>> -> memref<20000x128xf32, #tpu.memory_space<hbm>>
      tpu.wait_indirect_dma semaphore(%arg16 : memref<!tpu.dma_semaphore, #tpu.memory_space<semaphore_mem>>) src(%dma_wait3A_488 : memref<20000x128xf32, #tpu.memory_space<hbm>>) dst(%dma_wait3A_482 : memref<128x128xf32, #tpu.memory_space<vmem>>)
      %run_scoped3A_489 = arith.constant 1 : i32
      %run_scoped3A_490 = arith.constant 0 : i32
      %run_scoped3A_491 = arith.constant 11 : i32
      %run_scoped3A_492 = arith.constant 1 : i32
      "tpu.region"() ({
        %run_scoped3A_1150 = tpu.sem_alloc : memref<!tpu.dma_semaphore, #tpu.memory_space<semaphore_mem>>
        %dma_start3A_1151 = arith.constant 0 : i32
        %dma_start3A_1152 = arith.constant 0 : i32
        %dma_start3A_1153 = tpu.memref_slice %arg10[%run_scoped3A_489, %dma_start3A_1151, %dma_start3A_1152] : memref<2x128x128xf32, #tpu.memory_space<vmem>> -> memref<1x128x128xf32, #tpu.memory_space<vmem>>
        %dma_start3A_1154 = tpu.memref_squeeze %dma_start3A_1153 : memref<1x128x128xf32, #tpu.memory_space<vmem>> -> memref<128x128xf32, #tpu.memory_space<vmem>>
        %dma_start3A_1155 = arith.constant 0 : i32
        %dma_start3A_1156 = tpu.memref_slice %arg9[%run_scoped3A_490, %run_scoped3A_491, %run_scoped3A_492, %dma_start3A_1155] : memref<2x16x2x128xi32, #tpu.memory_space<vmem>> -> memref<1x1x1x128xi32, #tpu.memory_space<vmem>>
        %dma_start3A_1157 = tpu.memref_squeeze %dma_start3A_1156 : memref<1x1x1x128xi32, #tpu.memory_space<vmem>> -> memref<128xi32, #tpu.memory_space<vmem>>
        %dma_start3A_1158 = arith.constant 0 : i32
        %dma_start3A_1159 = arith.constant 0 : i32
        %dma_start3A_1160 = tpu.memref_slice %arg12[%dma_start3A_1158, %dma_start3A_1159] : memref<10240x128xf32, #tpu.memory_space<vmem_shared>> -> memref<10240x128xf32, #tpu.memory_space<vmem_shared>>
        tpu.enqueue_indirect_dma source(%dma_start3A_1154 : memref<128x128xf32, #tpu.memory_space<vmem>>) target(%dma_start3A_1160 : memref<10240x128xf32, #tpu.memory_space<vmem_shared>>) offsets(%dma_start3A_1157 : memref<128xi32, #tpu.memory_space<vmem>>) semaphore(%run_scoped3A_1150 : memref<!tpu.dma_semaphore, #tpu.memory_space<semaphore_mem>>) {add = true}
        %dma_wait3A_1161 = arith.constant 0 : i32
        %dma_wait3A_1162 = arith.constant 0 : i32
        %dma_wait3A_1163 = tpu.memref_slice %arg10[%run_scoped3A_489, %dma_wait3A_1161, %dma_wait3A_1162] : memref<2x128x128xf32, #tpu.memory_space<vmem>> -> memref<1x128x128xf32, #tpu.memory_space<vmem>>
        %dma_wait3A_1164 = tpu.memref_squeeze %dma_wait3A_1163 : memref<1x128x128xf32, #tpu.memory_space<vmem>> -> memref<128x128xf32, #tpu.memory_space<vmem>>
        %dma_wait3A_1165 = arith.constant 0 : i32
        %dma_wait3A_1166 = tpu.memref_slice %arg9[%run_scoped3A_490, %run_scoped3A_491, %run_scoped3A_492, %dma_wait3A_1165] : memref<2x16x2x128xi32, #tpu.memory_space<vmem>> -> memref<1x1x1x128xi32, #tpu.memory_space<vmem>>
        %dma_wait3A_1167 = tpu.memref_squeeze %dma_wait3A_1166 : memref<1x1x1x128xi32, #tpu.memory_space<vmem>> -> memref<128xi32, #tpu.memory_space<vmem>>
        %dma_wait3A_1168 = arith.constant 0 : i32
        %dma_wait3A_1169 = arith.constant 0 : i32
        %dma_wait3A_1170 = tpu.memref_slice %arg12[%dma_wait3A_1168, %dma_wait3A_1169] : memref<10240x128xf32, #tpu.memory_space<vmem_shared>> -> memref<10240x128xf32, #tpu.memory_space<vmem_shared>>
        tpu.wait_indirect_dma semaphore(%run_scoped3A_1150 : memref<!tpu.dma_semaphore, #tpu.memory_space<semaphore_mem>>) src(%dma_wait3A_1164 : memref<128x128xf32, #tpu.memory_space<vmem>>) dst(%dma_wait3A_1170 : memref<10240x128xf32, #tpu.memory_space<vmem_shared>>)
        tpu.yield
      }) : () -> ()
      %dma_start3A_493 = arith.constant 0 : i32
      %dma_start3A_494 = arith.constant 13 : i32
      %dma_start3A_495 = arith.constant 0 : i32
      %dma_start3A_496 = arith.constant 1 : i32
      %dma_start3A_497 = arith.constant 0 : i32
      %dma_start3A_498 = arith.constant 0 : i32
      %dma_start3A_499 = tpu.memref_slice %arg10[%dma_start3A_496, %dma_start3A_497, %dma_start3A_498] : memref<2x128x128xf32, #tpu.memory_space<vmem>> -> memref<1x128x128xf32, #tpu.memory_space<vmem>>
      %dma_start3A_500 = tpu.memref_squeeze %dma_start3A_499 : memref<1x128x128xf32, #tpu.memory_space<vmem>> -> memref<128x128xf32, #tpu.memory_space<vmem>>
      %dma_start3A_501 = arith.constant 0 : i32
      %dma_start3A_502 = tpu.memref_slice %arg9[%dma_start3A_493, %dma_start3A_494, %dma_start3A_495, %dma_start3A_501] : memref<2x16x2x128xi32, #tpu.memory_space<vmem>> -> memref<1x1x1x128xi32, #tpu.memory_space<vmem>>
      %dma_start3A_503 = tpu.memref_squeeze %dma_start3A_502 : memref<1x1x1x128xi32, #tpu.memory_space<vmem>> -> memref<128xi32, #tpu.memory_space<vmem>>
      %dma_start3A_504 = arith.constant 0 : i32
      %dma_start3A_505 = arith.constant 0 : i32
      %dma_start3A_506 = tpu.memref_slice %arg2[%dma_start3A_504, %dma_start3A_505] : memref<20000x128xf32, #tpu.memory_space<hbm>> -> memref<20000x128xf32, #tpu.memory_space<hbm>>
      tpu.enqueue_indirect_dma source(%dma_start3A_506 : memref<20000x128xf32, #tpu.memory_space<hbm>>) target(%dma_start3A_500 : memref<128x128xf32, #tpu.memory_space<vmem>>) offsets(%dma_start3A_503 : memref<128xi32, #tpu.memory_space<vmem>>) semaphore(%arg16 : memref<!tpu.dma_semaphore, #tpu.memory_space<semaphore_mem>>)
      %dma_wait3A_507 = arith.constant 0 : i32
      %dma_wait3A_508 = arith.constant 0 : i32
      %dma_wait3A_509 = arith.constant 0 : i32
      %dma_wait3A_510 = arith.constant 0 : i32
      %dma_wait3A_511 = arith.constant 0 : i32
      %dma_wait3A_512 = arith.constant 0 : i32
      %dma_wait3A_513 = tpu.memref_slice %arg10[%dma_wait3A_510, %dma_wait3A_511, %dma_wait3A_512] : memref<2x128x128xf32, #tpu.memory_space<vmem>> -> memref<1x128x128xf32, #tpu.memory_space<vmem>>
      %dma_wait3A_514 = tpu.memref_squeeze %dma_wait3A_513 : memref<1x128x128xf32, #tpu.memory_space<vmem>> -> memref<128x128xf32, #tpu.memory_space<vmem>>
      %dma_wait3A_515 = arith.constant 0 : i32
      %dma_wait3A_516 = tpu.memref_slice %arg9[%dma_wait3A_507, %dma_wait3A_508, %dma_wait3A_509, %dma_wait3A_515] : memref<2x16x2x128xi32, #tpu.memory_space<vmem>> -> memref<1x1x1x128xi32, #tpu.memory_space<vmem>>
      %dma_wait3A_517 = tpu.memref_squeeze %dma_wait3A_516 : memref<1x1x1x128xi32, #tpu.memory_space<vmem>> -> memref<128xi32, #tpu.memory_space<vmem>>
      %dma_wait3A_518 = arith.constant 0 : i32
      %dma_wait3A_519 = arith.constant 0 : i32
      %dma_wait3A_520 = tpu.memref_slice %arg2[%dma_wait3A_518, %dma_wait3A_519] : memref<20000x128xf32, #tpu.memory_space<hbm>> -> memref<20000x128xf32, #tpu.memory_space<hbm>>
      tpu.wait_indirect_dma semaphore(%arg15 : memref<!tpu.dma_semaphore, #tpu.memory_space<semaphore_mem>>) src(%dma_wait3A_520 : memref<20000x128xf32, #tpu.memory_space<hbm>>) dst(%dma_wait3A_514 : memref<128x128xf32, #tpu.memory_space<vmem>>)
      %run_scoped3A_521 = arith.constant 0 : i32
      %run_scoped3A_522 = arith.constant 0 : i32
      %run_scoped3A_523 = arith.constant 12 : i32
      %run_scoped3A_524 = arith.constant 1 : i32
      "tpu.region"() ({
        %run_scoped3A_1150 = tpu.sem_alloc : memref<!tpu.dma_semaphore, #tpu.memory_space<semaphore_mem>>
        %dma_start3A_1151 = arith.constant 0 : i32
        %dma_start3A_1152 = arith.constant 0 : i32
        %dma_start3A_1153 = tpu.memref_slice %arg10[%run_scoped3A_521, %dma_start3A_1151, %dma_start3A_1152] : memref<2x128x128xf32, #tpu.memory_space<vmem>> -> memref<1x128x128xf32, #tpu.memory_space<vmem>>
        %dma_start3A_1154 = tpu.memref_squeeze %dma_start3A_1153 : memref<1x128x128xf32, #tpu.memory_space<vmem>> -> memref<128x128xf32, #tpu.memory_space<vmem>>
        %dma_start3A_1155 = arith.constant 0 : i32
        %dma_start3A_1156 = tpu.memref_slice %arg9[%run_scoped3A_522, %run_scoped3A_523, %run_scoped3A_524, %dma_start3A_1155] : memref<2x16x2x128xi32, #tpu.memory_space<vmem>> -> memref<1x1x1x128xi32, #tpu.memory_space<vmem>>
        %dma_start3A_1157 = tpu.memref_squeeze %dma_start3A_1156 : memref<1x1x1x128xi32, #tpu.memory_space<vmem>> -> memref<128xi32, #tpu.memory_space<vmem>>
        %dma_start3A_1158 = arith.constant 0 : i32
        %dma_start3A_1159 = arith.constant 0 : i32
        %dma_start3A_1160 = tpu.memref_slice %arg12[%dma_start3A_1158, %dma_start3A_1159] : memref<10240x128xf32, #tpu.memory_space<vmem_shared>> -> memref<10240x128xf32, #tpu.memory_space<vmem_shared>>
        tpu.enqueue_indirect_dma source(%dma_start3A_1154 : memref<128x128xf32, #tpu.memory_space<vmem>>) target(%dma_start3A_1160 : memref<10240x128xf32, #tpu.memory_space<vmem_shared>>) offsets(%dma_start3A_1157 : memref<128xi32, #tpu.memory_space<vmem>>) semaphore(%run_scoped3A_1150 : memref<!tpu.dma_semaphore, #tpu.memory_space<semaphore_mem>>) {add = true}
        %dma_wait3A_1161 = arith.constant 0 : i32
        %dma_wait3A_1162 = arith.constant 0 : i32
        %dma_wait3A_1163 = tpu.memref_slice %arg10[%run_scoped3A_521, %dma_wait3A_1161, %dma_wait3A_1162] : memref<2x128x128xf32, #tpu.memory_space<vmem>> -> memref<1x128x128xf32, #tpu.memory_space<vmem>>
        %dma_wait3A_1164 = tpu.memref_squeeze %dma_wait3A_1163 : memref<1x128x128xf32, #tpu.memory_space<vmem>> -> memref<128x128xf32, #tpu.memory_space<vmem>>
        %dma_wait3A_1165 = arith.constant 0 : i32
        %dma_wait3A_1166 = tpu.memref_slice %arg9[%run_scoped3A_522, %run_scoped3A_523, %run_scoped3A_524, %dma_wait3A_1165] : memref<2x16x2x128xi32, #tpu.memory_space<vmem>> -> memref<1x1x1x128xi32, #tpu.memory_space<vmem>>
        %dma_wait3A_1167 = tpu.memref_squeeze %dma_wait3A_1166 : memref<1x1x1x128xi32, #tpu.memory_space<vmem>> -> memref<128xi32, #tpu.memory_space<vmem>>
        %dma_wait3A_1168 = arith.constant 0 : i32
        %dma_wait3A_1169 = arith.constant 0 : i32
        %dma_wait3A_1170 = tpu.memref_slice %arg12[%dma_wait3A_1168, %dma_wait3A_1169] : memref<10240x128xf32, #tpu.memory_space<vmem_shared>> -> memref<10240x128xf32, #tpu.memory_space<vmem_shared>>
        tpu.wait_indirect_dma semaphore(%run_scoped3A_1150 : memref<!tpu.dma_semaphore, #tpu.memory_space<semaphore_mem>>) src(%dma_wait3A_1164 : memref<128x128xf32, #tpu.memory_space<vmem>>) dst(%dma_wait3A_1170 : memref<10240x128xf32, #tpu.memory_space<vmem_shared>>)
        tpu.yield
      }) : () -> ()
      %dma_start3A_525 = arith.constant 0 : i32
      %dma_start3A_526 = arith.constant 14 : i32
      %dma_start3A_527 = arith.constant 0 : i32
      %dma_start3A_528 = arith.constant 0 : i32
      %dma_start3A_529 = arith.constant 0 : i32
      %dma_start3A_530 = arith.constant 0 : i32
      %dma_start3A_531 = tpu.memref_slice %arg10[%dma_start3A_528, %dma_start3A_529, %dma_start3A_530] : memref<2x128x128xf32, #tpu.memory_space<vmem>> -> memref<1x128x128xf32, #tpu.memory_space<vmem>>
      %dma_start3A_532 = tpu.memref_squeeze %dma_start3A_531 : memref<1x128x128xf32, #tpu.memory_space<vmem>> -> memref<128x128xf32, #tpu.memory_space<vmem>>
      %dma_start3A_533 = arith.constant 0 : i32
      %dma_start3A_534 = tpu.memref_slice %arg9[%dma_start3A_525, %dma_start3A_526, %dma_start3A_527, %dma_start3A_533] : memref<2x16x2x128xi32, #tpu.memory_space<vmem>> -> memref<1x1x1x128xi32, #tpu.memory_space<vmem>>
      %dma_start3A_535 = tpu.memref_squeeze %dma_start3A_534 : memref<1x1x1x128xi32, #tpu.memory_space<vmem>> -> memref<128xi32, #tpu.memory_space<vmem>>
      %dma_start3A_536 = arith.constant 0 : i32
      %dma_start3A_537 = arith.constant 0 : i32
      %dma_start3A_538 = tpu.memref_slice %arg2[%dma_start3A_536, %dma_start3A_537] : memref<20000x128xf32, #tpu.memory_space<hbm>> -> memref<20000x128xf32, #tpu.memory_space<hbm>>
      tpu.enqueue_indirect_dma source(%dma_start3A_538 : memref<20000x128xf32, #tpu.memory_space<hbm>>) target(%dma_start3A_532 : memref<128x128xf32, #tpu.memory_space<vmem>>) offsets(%dma_start3A_535 : memref<128xi32, #tpu.memory_space<vmem>>) semaphore(%arg15 : memref<!tpu.dma_semaphore, #tpu.memory_space<semaphore_mem>>)
      %dma_wait3A_539 = arith.constant 0 : i32
      %dma_wait3A_540 = arith.constant 0 : i32
      %dma_wait3A_541 = arith.constant 0 : i32
      %dma_wait3A_542 = arith.constant 1 : i32
      %dma_wait3A_543 = arith.constant 0 : i32
      %dma_wait3A_544 = arith.constant 0 : i32
      %dma_wait3A_545 = tpu.memref_slice %arg10[%dma_wait3A_542, %dma_wait3A_543, %dma_wait3A_544] : memref<2x128x128xf32, #tpu.memory_space<vmem>> -> memref<1x128x128xf32, #tpu.memory_space<vmem>>
      %dma_wait3A_546 = tpu.memref_squeeze %dma_wait3A_545 : memref<1x128x128xf32, #tpu.memory_space<vmem>> -> memref<128x128xf32, #tpu.memory_space<vmem>>
      %dma_wait3A_547 = arith.constant 0 : i32
      %dma_wait3A_548 = tpu.memref_slice %arg9[%dma_wait3A_539, %dma_wait3A_540, %dma_wait3A_541, %dma_wait3A_547] : memref<2x16x2x128xi32, #tpu.memory_space<vmem>> -> memref<1x1x1x128xi32, #tpu.memory_space<vmem>>
      %dma_wait3A_549 = tpu.memref_squeeze %dma_wait3A_548 : memref<1x1x1x128xi32, #tpu.memory_space<vmem>> -> memref<128xi32, #tpu.memory_space<vmem>>
      %dma_wait3A_550 = arith.constant 0 : i32
      %dma_wait3A_551 = arith.constant 0 : i32
      %dma_wait3A_552 = tpu.memref_slice %arg2[%dma_wait3A_550, %dma_wait3A_551] : memref<20000x128xf32, #tpu.memory_space<hbm>> -> memref<20000x128xf32, #tpu.memory_space<hbm>>
      tpu.wait_indirect_dma semaphore(%arg16 : memref<!tpu.dma_semaphore, #tpu.memory_space<semaphore_mem>>) src(%dma_wait3A_552 : memref<20000x128xf32, #tpu.memory_space<hbm>>) dst(%dma_wait3A_546 : memref<128x128xf32, #tpu.memory_space<vmem>>)
      %run_scoped3A_553 = arith.constant 1 : i32
      %run_scoped3A_554 = arith.constant 0 : i32
      %run_scoped3A_555 = arith.constant 13 : i32
      %run_scoped3A_556 = arith.constant 1 : i32
      "tpu.region"() ({
        %run_scoped3A_1150 = tpu.sem_alloc : memref<!tpu.dma_semaphore, #tpu.memory_space<semaphore_mem>>
        %dma_start3A_1151 = arith.constant 0 : i32
        %dma_start3A_1152 = arith.constant 0 : i32
        %dma_start3A_1153 = tpu.memref_slice %arg10[%run_scoped3A_553, %dma_start3A_1151, %dma_start3A_1152] : memref<2x128x128xf32, #tpu.memory_space<vmem>> -> memref<1x128x128xf32, #tpu.memory_space<vmem>>
        %dma_start3A_1154 = tpu.memref_squeeze %dma_start3A_1153 : memref<1x128x128xf32, #tpu.memory_space<vmem>> -> memref<128x128xf32, #tpu.memory_space<vmem>>
        %dma_start3A_1155 = arith.constant 0 : i32
        %dma_start3A_1156 = tpu.memref_slice %arg9[%run_scoped3A_554, %run_scoped3A_555, %run_scoped3A_556, %dma_start3A_1155] : memref<2x16x2x128xi32, #tpu.memory_space<vmem>> -> memref<1x1x1x128xi32, #tpu.memory_space<vmem>>
        %dma_start3A_1157 = tpu.memref_squeeze %dma_start3A_1156 : memref<1x1x1x128xi32, #tpu.memory_space<vmem>> -> memref<128xi32, #tpu.memory_space<vmem>>
        %dma_start3A_1158 = arith.constant 0 : i32
        %dma_start3A_1159 = arith.constant 0 : i32
        %dma_start3A_1160 = tpu.memref_slice %arg12[%dma_start3A_1158, %dma_start3A_1159] : memref<10240x128xf32, #tpu.memory_space<vmem_shared>> -> memref<10240x128xf32, #tpu.memory_space<vmem_shared>>
        tpu.enqueue_indirect_dma source(%dma_start3A_1154 : memref<128x128xf32, #tpu.memory_space<vmem>>) target(%dma_start3A_1160 : memref<10240x128xf32, #tpu.memory_space<vmem_shared>>) offsets(%dma_start3A_1157 : memref<128xi32, #tpu.memory_space<vmem>>) semaphore(%run_scoped3A_1150 : memref<!tpu.dma_semaphore, #tpu.memory_space<semaphore_mem>>) {add = true}
        %dma_wait3A_1161 = arith.constant 0 : i32
        %dma_wait3A_1162 = arith.constant 0 : i32
        %dma_wait3A_1163 = tpu.memref_slice %arg10[%run_scoped3A_553, %dma_wait3A_1161, %dma_wait3A_1162] : memref<2x128x128xf32, #tpu.memory_space<vmem>> -> memref<1x128x128xf32, #tpu.memory_space<vmem>>
        %dma_wait3A_1164 = tpu.memref_squeeze %dma_wait3A_1163 : memref<1x128x128xf32, #tpu.memory_space<vmem>> -> memref<128x128xf32, #tpu.memory_space<vmem>>
        %dma_wait3A_1165 = arith.constant 0 : i32
        %dma_wait3A_1166 = tpu.memref_slice %arg9[%run_scoped3A_554, %run_scoped3A_555, %run_scoped3A_556, %dma_wait3A_1165] : memref<2x16x2x128xi32, #tpu.memory_space<vmem>> -> memref<1x1x1x128xi32, #tpu.memory_space<vmem>>
        %dma_wait3A_1167 = tpu.memref_squeeze %dma_wait3A_1166 : memref<1x1x1x128xi32, #tpu.memory_space<vmem>> -> memref<128xi32, #tpu.memory_space<vmem>>
        %dma_wait3A_1168 = arith.constant 0 : i32
        %dma_wait3A_1169 = arith.constant 0 : i32
        %dma_wait3A_1170 = tpu.memref_slice %arg12[%dma_wait3A_1168, %dma_wait3A_1169] : memref<10240x128xf32, #tpu.memory_space<vmem_shared>> -> memref<10240x128xf32, #tpu.memory_space<vmem_shared>>
        tpu.wait_indirect_dma semaphore(%run_scoped3A_1150 : memref<!tpu.dma_semaphore, #tpu.memory_space<semaphore_mem>>) src(%dma_wait3A_1164 : memref<128x128xf32, #tpu.memory_space<vmem>>) dst(%dma_wait3A_1170 : memref<10240x128xf32, #tpu.memory_space<vmem_shared>>)
        tpu.yield
      }) : () -> ()
      %add3A_557 = arith.constant 1 : i32
      %add3A_558 = arith.addi %add3A_123, %add3A_557 : i32
      %lt3A = arith.constant 10 : i32
      %lt3A_559 = arith.cmpi slt, %add3A_558, %lt3A : i32
      %convert_element_type3A_560 = arith.extui %lt3A_559 : i1 to i32
      %cond3A_561 = arith.constant 0 : i32
      %cond3A_562 = arith.cmpi ne, %convert_element_type3A_560, %cond3A_561 : i32
      scf.if %cond3A_562 {
        %dma_wait3A_1150 = arith.constant 0 : i32
        %dma_wait3A_1151 = arith.constant 1 : i32
        %dma_wait3A_1152 = arith.constant 0 : i32
        %dma_wait3A_1153 = arith.constant 0 : i32
        %dma_wait3A_1154 = arith.constant 0 : i32
        %dma_wait3A_1155 = tpu.memref_slice %arg9[%dma_wait3A_1151, %dma_wait3A_1152, %dma_wait3A_1153, %dma_wait3A_1154] : memref<2x16x2x128xi32, #tpu.memory_space<vmem>> -> memref<1x16x2x128xi32, #tpu.memory_space<vmem>>
        %dma_wait3A_1156 = tpu.memref_squeeze %dma_wait3A_1155 : memref<1x16x2x128xi32, #tpu.memory_space<vmem>> -> memref<16x2x128xi32, #tpu.memory_space<vmem>>
        %dma_wait3A_1157 = arith.constant 0 : i32
        %dma_wait3A_1158 = arith.constant 0 : i32
        %dma_wait3A_1159 = arith.constant 0 : i32
        %dma_wait3A_1160 = tpu.memref_slice %arg3[%add3A, %dma_wait3A_1150, %dma_wait3A_1157, %dma_wait3A_1158, %dma_wait3A_1159] : memref<32x10x16x2x128xi32, #tpu.memory_space<hbm>> -> memref<1x1x16x2x128xi32, #tpu.memory_space<hbm>>
        %dma_wait3A_1161 = tpu.memref_squeeze %dma_wait3A_1160 : memref<1x1x16x2x128xi32, #tpu.memory_space<hbm>> -> memref<16x2x128xi32, #tpu.memory_space<hbm>>
        %dma_wait3A_1162 = arith.constant 0 : i32
        %dma_wait3A_1163 = arith.constant 0 : i32
        %dma_wait3A_1164 = arith.constant 0 : i32
        %dma_wait3A_1165 = tpu.memref_slice %arg9[%dma_wait3A_1151, %dma_wait3A_1162, %dma_wait3A_1163, %dma_wait3A_1164] : memref<2x16x2x128xi32, #tpu.memory_space<vmem>> -> memref<1x16x2x128xi32, #tpu.memory_space<vmem>>
        %dma_wait3A_1166 = tpu.memref_squeeze %dma_wait3A_1165 : memref<1x16x2x128xi32, #tpu.memory_space<vmem>> -> memref<16x2x128xi32, #tpu.memory_space<vmem>>
        %dma_wait3A_1167 = arith.constant 0 : i32
        %dma_wait3A_1168 = arith.constant 0 : i32
        %dma_wait3A_1169 = arith.constant 0 : i32
        %dma_wait3A_1170 = tpu.memref_slice %arg3[%add3A, %dma_wait3A_1150, %dma_wait3A_1167, %dma_wait3A_1168, %dma_wait3A_1169] : memref<32x10x16x2x128xi32, #tpu.memory_space<hbm>> -> memref<1x1x16x2x128xi32, #tpu.memory_space<hbm>>
        %dma_wait3A_1171 = tpu.memref_squeeze %dma_wait3A_1170 : memref<1x1x16x2x128xi32, #tpu.memory_space<hbm>> -> memref<16x2x128xi32, #tpu.memory_space<hbm>>
        tpu.wait_dma2 semaphore(%arg14 : memref<!tpu.dma_semaphore, #tpu.memory_space<semaphore_mem>>) src(%dma_wait3A_1171 : memref<16x2x128xi32, #tpu.memory_space<hbm>>) dst(%dma_wait3A_1166 : memref<16x2x128xi32, #tpu.memory_space<vmem>>)
      } else {
      }
      %dma_start3A_563 = arith.constant 0 : i32
      %dma_start3A_564 = arith.constant 15 : i32
      %dma_start3A_565 = arith.constant 0 : i32
      %dma_start3A_566 = arith.constant 1 : i32
      %dma_start3A_567 = arith.constant 0 : i32
      %dma_start3A_568 = arith.constant 0 : i32
      %dma_start3A_569 = tpu.memref_slice %arg10[%dma_start3A_566, %dma_start3A_567, %dma_start3A_568] : memref<2x128x128xf32, #tpu.memory_space<vmem>> -> memref<1x128x128xf32, #tpu.memory_space<vmem>>
      %dma_start3A_570 = tpu.memref_squeeze %dma_start3A_569 : memref<1x128x128xf32, #tpu.memory_space<vmem>> -> memref<128x128xf32, #tpu.memory_space<vmem>>
      %dma_start3A_571 = arith.constant 0 : i32
      %dma_start3A_572 = tpu.memref_slice %arg9[%dma_start3A_563, %dma_start3A_564, %dma_start3A_565, %dma_start3A_571] : memref<2x16x2x128xi32, #tpu.memory_space<vmem>> -> memref<1x1x1x128xi32, #tpu.memory_space<vmem>>
      %dma_start3A_573 = tpu.memref_squeeze %dma_start3A_572 : memref<1x1x1x128xi32, #tpu.memory_space<vmem>> -> memref<128xi32, #tpu.memory_space<vmem>>
      %dma_start3A_574 = arith.constant 0 : i32
      %dma_start3A_575 = arith.constant 0 : i32
      %dma_start3A_576 = tpu.memref_slice %arg2[%dma_start3A_574, %dma_start3A_575] : memref<20000x128xf32, #tpu.memory_space<hbm>> -> memref<20000x128xf32, #tpu.memory_space<hbm>>
      tpu.enqueue_indirect_dma source(%dma_start3A_576 : memref<20000x128xf32, #tpu.memory_space<hbm>>) target(%dma_start3A_570 : memref<128x128xf32, #tpu.memory_space<vmem>>) offsets(%dma_start3A_573 : memref<128xi32, #tpu.memory_space<vmem>>) semaphore(%arg16 : memref<!tpu.dma_semaphore, #tpu.memory_space<semaphore_mem>>)
      %dma_wait3A_577 = arith.constant 0 : i32
      %dma_wait3A_578 = arith.constant 0 : i32
      %dma_wait3A_579 = arith.constant 0 : i32
      %dma_wait3A_580 = arith.constant 0 : i32
      %dma_wait3A_581 = arith.constant 0 : i32
      %dma_wait3A_582 = arith.constant 0 : i32
      %dma_wait3A_583 = tpu.memref_slice %arg10[%dma_wait3A_580, %dma_wait3A_581, %dma_wait3A_582] : memref<2x128x128xf32, #tpu.memory_space<vmem>> -> memref<1x128x128xf32, #tpu.memory_space<vmem>>
      %dma_wait3A_584 = tpu.memref_squeeze %dma_wait3A_583 : memref<1x128x128xf32, #tpu.memory_space<vmem>> -> memref<128x128xf32, #tpu.memory_space<vmem>>
      %dma_wait3A_585 = arith.constant 0 : i32
      %dma_wait3A_586 = tpu.memref_slice %arg9[%dma_wait3A_577, %dma_wait3A_578, %dma_wait3A_579, %dma_wait3A_585] : memref<2x16x2x128xi32, #tpu.memory_space<vmem>> -> memref<1x1x1x128xi32, #tpu.memory_space<vmem>>
      %dma_wait3A_587 = tpu.memref_squeeze %dma_wait3A_586 : memref<1x1x1x128xi32, #tpu.memory_space<vmem>> -> memref<128xi32, #tpu.memory_space<vmem>>
      %dma_wait3A_588 = arith.constant 0 : i32
      %dma_wait3A_589 = arith.constant 0 : i32
      %dma_wait3A_590 = tpu.memref_slice %arg2[%dma_wait3A_588, %dma_wait3A_589] : memref<20000x128xf32, #tpu.memory_space<hbm>> -> memref<20000x128xf32, #tpu.memory_space<hbm>>
      tpu.wait_indirect_dma semaphore(%arg15 : memref<!tpu.dma_semaphore, #tpu.memory_space<semaphore_mem>>) src(%dma_wait3A_590 : memref<20000x128xf32, #tpu.memory_space<hbm>>) dst(%dma_wait3A_584 : memref<128x128xf32, #tpu.memory_space<vmem>>)
      %run_scoped3A_591 = arith.constant 0 : i32
      %run_scoped3A_592 = arith.constant 0 : i32
      %run_scoped3A_593 = arith.constant 14 : i32
      %run_scoped3A_594 = arith.constant 1 : i32
      "tpu.region"() ({
        %run_scoped3A_1150 = tpu.sem_alloc : memref<!tpu.dma_semaphore, #tpu.memory_space<semaphore_mem>>
        %dma_start3A_1151 = arith.constant 0 : i32
        %dma_start3A_1152 = arith.constant 0 : i32
        %dma_start3A_1153 = tpu.memref_slice %arg10[%run_scoped3A_591, %dma_start3A_1151, %dma_start3A_1152] : memref<2x128x128xf32, #tpu.memory_space<vmem>> -> memref<1x128x128xf32, #tpu.memory_space<vmem>>
        %dma_start3A_1154 = tpu.memref_squeeze %dma_start3A_1153 : memref<1x128x128xf32, #tpu.memory_space<vmem>> -> memref<128x128xf32, #tpu.memory_space<vmem>>
        %dma_start3A_1155 = arith.constant 0 : i32
        %dma_start3A_1156 = tpu.memref_slice %arg9[%run_scoped3A_592, %run_scoped3A_593, %run_scoped3A_594, %dma_start3A_1155] : memref<2x16x2x128xi32, #tpu.memory_space<vmem>> -> memref<1x1x1x128xi32, #tpu.memory_space<vmem>>
        %dma_start3A_1157 = tpu.memref_squeeze %dma_start3A_1156 : memref<1x1x1x128xi32, #tpu.memory_space<vmem>> -> memref<128xi32, #tpu.memory_space<vmem>>
        %dma_start3A_1158 = arith.constant 0 : i32
        %dma_start3A_1159 = arith.constant 0 : i32
        %dma_start3A_1160 = tpu.memref_slice %arg12[%dma_start3A_1158, %dma_start3A_1159] : memref<10240x128xf32, #tpu.memory_space<vmem_shared>> -> memref<10240x128xf32, #tpu.memory_space<vmem_shared>>
        tpu.enqueue_indirect_dma source(%dma_start3A_1154 : memref<128x128xf32, #tpu.memory_space<vmem>>) target(%dma_start3A_1160 : memref<10240x128xf32, #tpu.memory_space<vmem_shared>>) offsets(%dma_start3A_1157 : memref<128xi32, #tpu.memory_space<vmem>>) semaphore(%run_scoped3A_1150 : memref<!tpu.dma_semaphore, #tpu.memory_space<semaphore_mem>>) {add = true}
        %dma_wait3A_1161 = arith.constant 0 : i32
        %dma_wait3A_1162 = arith.constant 0 : i32
        %dma_wait3A_1163 = tpu.memref_slice %arg10[%run_scoped3A_591, %dma_wait3A_1161, %dma_wait3A_1162] : memref<2x128x128xf32, #tpu.memory_space<vmem>> -> memref<1x128x128xf32, #tpu.memory_space<vmem>>
        %dma_wait3A_1164 = tpu.memref_squeeze %dma_wait3A_1163 : memref<1x128x128xf32, #tpu.memory_space<vmem>> -> memref<128x128xf32, #tpu.memory_space<vmem>>
        %dma_wait3A_1165 = arith.constant 0 : i32
        %dma_wait3A_1166 = tpu.memref_slice %arg9[%run_scoped3A_592, %run_scoped3A_593, %run_scoped3A_594, %dma_wait3A_1165] : memref<2x16x2x128xi32, #tpu.memory_space<vmem>> -> memref<1x1x1x128xi32, #tpu.memory_space<vmem>>
        %dma_wait3A_1167 = tpu.memref_squeeze %dma_wait3A_1166 : memref<1x1x1x128xi32, #tpu.memory_space<vmem>> -> memref<128xi32, #tpu.memory_space<vmem>>
        %dma_wait3A_1168 = arith.constant 0 : i32
        %dma_wait3A_1169 = arith.constant 0 : i32
        %dma_wait3A_1170 = tpu.memref_slice %arg12[%dma_wait3A_1168, %dma_wait3A_1169] : memref<10240x128xf32, #tpu.memory_space<vmem_shared>> -> memref<10240x128xf32, #tpu.memory_space<vmem_shared>>
        tpu.wait_indirect_dma semaphore(%run_scoped3A_1150 : memref<!tpu.dma_semaphore, #tpu.memory_space<semaphore_mem>>) src(%dma_wait3A_1164 : memref<128x128xf32, #tpu.memory_space<vmem>>) dst(%dma_wait3A_1170 : memref<10240x128xf32, #tpu.memory_space<vmem_shared>>)
        tpu.yield
      }) : () -> ()
      %add3A_595 = arith.constant 1 : i32
      %add3A_596 = arith.addi %add3A_123, %add3A_595 : i32
      %lt3A_597 = arith.constant 10 : i32
      %lt3A_598 = arith.cmpi slt, %add3A_596, %lt3A_597 : i32
      %convert_element_type3A_599 = arith.extui %lt3A_598 : i1 to i32
      %cond3A_600 = arith.constant 0 : i32
      %cond3A_601 = arith.cmpi ne, %convert_element_type3A_599, %cond3A_600 : i32
      scf.if %cond3A_601 {
        %dma_start3A_1150 = arith.constant 1 : i32
        %dma_start3A_1151 = arith.constant 0 : i32
        %dma_start3A_1152 = arith.constant 0 : i32
        %dma_start3A_1153 = arith.constant 0 : i32
        %dma_start3A_1154 = arith.constant 0 : i32
        %dma_start3A_1155 = arith.constant 0 : i32
        %dma_start3A_1156 = tpu.memref_slice %arg10[%dma_start3A_1153, %dma_start3A_1154, %dma_start3A_1155] : memref<2x128x128xf32, #tpu.memory_space<vmem>> -> memref<1x128x128xf32, #tpu.memory_space<vmem>>
        %dma_start3A_1157 = tpu.memref_squeeze %dma_start3A_1156 : memref<1x128x128xf32, #tpu.memory_space<vmem>> -> memref<128x128xf32, #tpu.memory_space<vmem>>
        %dma_start3A_1158 = arith.constant 0 : i32
        %dma_start3A_1159 = tpu.memref_slice %arg9[%dma_start3A_1150, %dma_start3A_1151, %dma_start3A_1152, %dma_start3A_1158] : memref<2x16x2x128xi32, #tpu.memory_space<vmem>> -> memref<1x1x1x128xi32, #tpu.memory_space<vmem>>
        %dma_start3A_1160 = tpu.memref_squeeze %dma_start3A_1159 : memref<1x1x1x128xi32, #tpu.memory_space<vmem>> -> memref<128xi32, #tpu.memory_space<vmem>>
        %dma_start3A_1161 = arith.constant 0 : i32
        %dma_start3A_1162 = arith.constant 0 : i32
        %dma_start3A_1163 = tpu.memref_slice %arg2[%dma_start3A_1161, %dma_start3A_1162] : memref<20000x128xf32, #tpu.memory_space<hbm>> -> memref<20000x128xf32, #tpu.memory_space<hbm>>
        tpu.enqueue_indirect_dma source(%dma_start3A_1163 : memref<20000x128xf32, #tpu.memory_space<hbm>>) target(%dma_start3A_1157 : memref<128x128xf32, #tpu.memory_space<vmem>>) offsets(%dma_start3A_1160 : memref<128xi32, #tpu.memory_space<vmem>>) semaphore(%arg15 : memref<!tpu.dma_semaphore, #tpu.memory_space<semaphore_mem>>)
      } else {
      }
      %dma_wait3A_602 = arith.constant 0 : i32
      %dma_wait3A_603 = arith.constant 0 : i32
      %dma_wait3A_604 = arith.constant 0 : i32
      %dma_wait3A_605 = arith.constant 1 : i32
      %dma_wait3A_606 = arith.constant 0 : i32
      %dma_wait3A_607 = arith.constant 0 : i32
      %dma_wait3A_608 = tpu.memref_slice %arg10[%dma_wait3A_605, %dma_wait3A_606, %dma_wait3A_607] : memref<2x128x128xf32, #tpu.memory_space<vmem>> -> memref<1x128x128xf32, #tpu.memory_space<vmem>>
      %dma_wait3A_609 = tpu.memref_squeeze %dma_wait3A_608 : memref<1x128x128xf32, #tpu.memory_space<vmem>> -> memref<128x128xf32, #tpu.memory_space<vmem>>
      %dma_wait3A_610 = arith.constant 0 : i32
      %dma_wait3A_611 = tpu.memref_slice %arg9[%dma_wait3A_602, %dma_wait3A_603, %dma_wait3A_604, %dma_wait3A_610] : memref<2x16x2x128xi32, #tpu.memory_space<vmem>> -> memref<1x1x1x128xi32, #tpu.memory_space<vmem>>
      %dma_wait3A_612 = tpu.memref_squeeze %dma_wait3A_611 : memref<1x1x1x128xi32, #tpu.memory_space<vmem>> -> memref<128xi32, #tpu.memory_space<vmem>>
      %dma_wait3A_613 = arith.constant 0 : i32
      %dma_wait3A_614 = arith.constant 0 : i32
      %dma_wait3A_615 = tpu.memref_slice %arg2[%dma_wait3A_613, %dma_wait3A_614] : memref<20000x128xf32, #tpu.memory_space<hbm>> -> memref<20000x128xf32, #tpu.memory_space<hbm>>
      tpu.wait_indirect_dma semaphore(%arg16 : memref<!tpu.dma_semaphore, #tpu.memory_space<semaphore_mem>>) src(%dma_wait3A_615 : memref<20000x128xf32, #tpu.memory_space<hbm>>) dst(%dma_wait3A_609 : memref<128x128xf32, #tpu.memory_space<vmem>>)
      %run_scoped3A_616 = arith.constant 1 : i32
      %run_scoped3A_617 = arith.constant 0 : i32
      %run_scoped3A_618 = arith.constant 15 : i32
      %run_scoped3A_619 = arith.constant 1 : i32
      "tpu.region"() ({
        %run_scoped3A_1150 = tpu.sem_alloc : memref<!tpu.dma_semaphore, #tpu.memory_space<semaphore_mem>>
        %dma_start3A_1151 = arith.constant 0 : i32
        %dma_start3A_1152 = arith.constant 0 : i32
        %dma_start3A_1153 = tpu.memref_slice %arg10[%run_scoped3A_616, %dma_start3A_1151, %dma_start3A_1152] : memref<2x128x128xf32, #tpu.memory_space<vmem>> -> memref<1x128x128xf32, #tpu.memory_space<vmem>>
        %dma_start3A_1154 = tpu.memref_squeeze %dma_start3A_1153 : memref<1x128x128xf32, #tpu.memory_space<vmem>> -> memref<128x128xf32, #tpu.memory_space<vmem>>
        %dma_start3A_1155 = arith.constant 0 : i32
        %dma_start3A_1156 = tpu.memref_slice %arg9[%run_scoped3A_617, %run_scoped3A_618, %run_scoped3A_619, %dma_start3A_1155] : memref<2x16x2x128xi32, #tpu.memory_space<vmem>> -> memref<1x1x1x128xi32, #tpu.memory_space<vmem>>
        %dma_start3A_1157 = tpu.memref_squeeze %dma_start3A_1156 : memref<1x1x1x128xi32, #tpu.memory_space<vmem>> -> memref<128xi32, #tpu.memory_space<vmem>>
        %dma_start3A_1158 = arith.constant 0 : i32
        %dma_start3A_1159 = arith.constant 0 : i32
        %dma_start3A_1160 = tpu.memref_slice %arg12[%dma_start3A_1158, %dma_start3A_1159] : memref<10240x128xf32, #tpu.memory_space<vmem_shared>> -> memref<10240x128xf32, #tpu.memory_space<vmem_shared>>
        tpu.enqueue_indirect_dma source(%dma_start3A_1154 : memref<128x128xf32, #tpu.memory_space<vmem>>) target(%dma_start3A_1160 : memref<10240x128xf32, #tpu.memory_space<vmem_shared>>) offsets(%dma_start3A_1157 : memref<128xi32, #tpu.memory_space<vmem>>) semaphore(%run_scoped3A_1150 : memref<!tpu.dma_semaphore, #tpu.memory_space<semaphore_mem>>) {add = true}
        %dma_wait3A_1161 = arith.constant 0 : i32
        %dma_wait3A_1162 = arith.constant 0 : i32
        %dma_wait3A_1163 = tpu.memref_slice %arg10[%run_scoped3A_616, %dma_wait3A_1161, %dma_wait3A_1162] : memref<2x128x128xf32, #tpu.memory_space<vmem>> -> memref<1x128x128xf32, #tpu.memory_space<vmem>>
        %dma_wait3A_1164 = tpu.memref_squeeze %dma_wait3A_1163 : memref<1x128x128xf32, #tpu.memory_space<vmem>> -> memref<128x128xf32, #tpu.memory_space<vmem>>
        %dma_wait3A_1165 = arith.constant 0 : i32
        %dma_wait3A_1166 = tpu.memref_slice %arg9[%run_scoped3A_617, %run_scoped3A_618, %run_scoped3A_619, %dma_wait3A_1165] : memref<2x16x2x128xi32, #tpu.memory_space<vmem>> -> memref<1x1x1x128xi32, #tpu.memory_space<vmem>>
        %dma_wait3A_1167 = tpu.memref_squeeze %dma_wait3A_1166 : memref<1x1x1x128xi32, #tpu.memory_space<vmem>> -> memref<128xi32, #tpu.memory_space<vmem>>
        %dma_wait3A_1168 = arith.constant 0 : i32
        %dma_wait3A_1169 = arith.constant 0 : i32
        %dma_wait3A_1170 = tpu.memref_slice %arg12[%dma_wait3A_1168, %dma_wait3A_1169] : memref<10240x128xf32, #tpu.memory_space<vmem_shared>> -> memref<10240x128xf32, #tpu.memory_space<vmem_shared>>
        tpu.wait_indirect_dma semaphore(%run_scoped3A_1150 : memref<!tpu.dma_semaphore, #tpu.memory_space<semaphore_mem>>) src(%dma_wait3A_1164 : memref<128x128xf32, #tpu.memory_space<vmem>>) dst(%dma_wait3A_1170 : memref<10240x128xf32, #tpu.memory_space<vmem_shared>>)
        tpu.yield
      }) : () -> ()
      %add3A_620 = arith.constant 1 : i32
      %add3A_621 = arith.addi %add3A_123, %add3A_620 : i32
      %lt3A_622 = arith.constant 10 : i32
      %lt3A_623 = arith.cmpi slt, %add3A_621, %lt3A_622 : i32
      %convert_element_type3A_624 = arith.extui %lt3A_623 : i1 to i32
      %cond3A_625 = arith.constant 0 : i32
      %cond3A_626 = arith.cmpi ne, %convert_element_type3A_624, %cond3A_625 : i32
      scf.if %cond3A_626 {
        %dma_start3A_1150 = arith.constant 1 : i32
        %dma_start3A_1151 = arith.constant 1 : i32
        %dma_start3A_1152 = arith.constant 0 : i32
        %dma_start3A_1153 = arith.constant 1 : i32
        %dma_start3A_1154 = arith.constant 0 : i32
        %dma_start3A_1155 = arith.constant 0 : i32
        %dma_start3A_1156 = tpu.memref_slice %arg10[%dma_start3A_1153, %dma_start3A_1154, %dma_start3A_1155] : memref<2x128x128xf32, #tpu.memory_space<vmem>> -> memref<1x128x128xf32, #tpu.memory_space<vmem>>
        %dma_start3A_1157 = tpu.memref_squeeze %dma_start3A_1156 : memref<1x128x128xf32, #tpu.memory_space<vmem>> -> memref<128x128xf32, #tpu.memory_space<vmem>>
        %dma_start3A_1158 = arith.constant 0 : i32
        %dma_start3A_1159 = tpu.memref_slice %arg9[%dma_start3A_1150, %dma_start3A_1151, %dma_start3A_1152, %dma_start3A_1158] : memref<2x16x2x128xi32, #tpu.memory_space<vmem>> -> memref<1x1x1x128xi32, #tpu.memory_space<vmem>>
        %dma_start3A_1160 = tpu.memref_squeeze %dma_start3A_1159 : memref<1x1x1x128xi32, #tpu.memory_space<vmem>> -> memref<128xi32, #tpu.memory_space<vmem>>
        %dma_start3A_1161 = arith.constant 0 : i32
        %dma_start3A_1162 = arith.constant 0 : i32
        %dma_start3A_1163 = tpu.memref_slice %arg2[%dma_start3A_1161, %dma_start3A_1162] : memref<20000x128xf32, #tpu.memory_space<hbm>> -> memref<20000x128xf32, #tpu.memory_space<hbm>>
        tpu.enqueue_indirect_dma source(%dma_start3A_1163 : memref<20000x128xf32, #tpu.memory_space<hbm>>) target(%dma_start3A_1157 : memref<128x128xf32, #tpu.memory_space<vmem>>) offsets(%dma_start3A_1160 : memref<128xi32, #tpu.memory_space<vmem>>) semaphore(%arg16 : memref<!tpu.dma_semaphore, #tpu.memory_space<semaphore_mem>>)
      } else {
      }
      %add3A_627 = arith.constant 2 : i32
      %add3A_628 = arith.addi %add3A_123, %add3A_627 : i32
      %lt3A_629 = arith.constant 10 : i32
      %lt3A_630 = arith.cmpi slt, %add3A_628, %lt3A_629 : i32
      %convert_element_type3A_631 = arith.extui %lt3A_630 : i1 to i32
      %cond3A_632 = arith.constant 0 : i32
      %cond3A_633 = arith.cmpi ne, %convert_element_type3A_631, %cond3A_632 : i32
      scf.if %cond3A_633 {
        %add3A_1150 = arith.constant 2 : i32
        %add3A_1151 = arith.addi %add3A_123, %add3A_1150 : i32
        %dma_start3A_1152 = arith.constant 0 : i32
        %dma_start3A_1153 = arith.constant 0 : i32
        %dma_start3A_1154 = arith.constant 0 : i32
        %dma_start3A_1155 = arith.constant 0 : i32
        %dma_start3A_1156 = tpu.memref_slice %arg9[%dma_start3A_1152, %dma_start3A_1153, %dma_start3A_1154, %dma_start3A_1155] : memref<2x16x2x128xi32, #tpu.memory_space<vmem>> -> memref<1x16x2x128xi32, #tpu.memory_space<vmem>>
        %dma_start3A_1157 = tpu.memref_squeeze %dma_start3A_1156 : memref<1x16x2x128xi32, #tpu.memory_space<vmem>> -> memref<16x2x128xi32, #tpu.memory_space<vmem>>
        %dma_start3A_1158 = arith.constant 0 : i32
        %dma_start3A_1159 = arith.constant 0 : i32
        %dma_start3A_1160 = arith.constant 0 : i32
        %dma_start3A_1161 = tpu.memref_slice %arg3[%add3A, %add3A_1151, %dma_start3A_1158, %dma_start3A_1159, %dma_start3A_1160] : memref<32x10x16x2x128xi32, #tpu.memory_space<hbm>> -> memref<1x1x16x2x128xi32, #tpu.memory_space<hbm>>
        %dma_start3A_1162 = tpu.memref_squeeze %dma_start3A_1161 : memref<1x1x16x2x128xi32, #tpu.memory_space<hbm>> -> memref<16x2x128xi32, #tpu.memory_space<hbm>>
        %dma_start3A_1163 = arith.constant 0 : i32
        %dma_start3A_1164 = arith.constant 0 : i32
        %dma_start3A_1165 = arith.constant 0 : i32
        %dma_start3A_1166 = tpu.memref_slice %arg9[%dma_start3A_1152, %dma_start3A_1163, %dma_start3A_1164, %dma_start3A_1165] : memref<2x16x2x128xi32, #tpu.memory_space<vmem>> -> memref<1x16x2x128xi32, #tpu.memory_space<vmem>>
        %dma_start3A_1167 = tpu.memref_squeeze %dma_start3A_1166 : memref<1x16x2x128xi32, #tpu.memory_space<vmem>> -> memref<16x2x128xi32, #tpu.memory_space<vmem>>
        %dma_start3A_1168 = arith.constant 0 : i32
        %dma_start3A_1169 = arith.constant 0 : i32
        %dma_start3A_1170 = arith.constant 0 : i32
        %dma_start3A_1171 = tpu.memref_slice %arg3[%add3A, %add3A_1151, %dma_start3A_1168, %dma_start3A_1169, %dma_start3A_1170] : memref<32x10x16x2x128xi32, #tpu.memory_space<hbm>> -> memref<1x1x16x2x128xi32, #tpu.memory_space<hbm>>
        %dma_start3A_1172 = tpu.memref_squeeze %dma_start3A_1171 : memref<1x1x16x2x128xi32, #tpu.memory_space<hbm>> -> memref<16x2x128xi32, #tpu.memory_space<hbm>>
        tpu.enqueue_dma source(%dma_start3A_1172 : memref<16x2x128xi32, #tpu.memory_space<hbm>>) target(%dma_start3A_1167 : memref<16x2x128xi32, #tpu.memory_space<vmem>>) target_semaphore(%arg13 : memref<!tpu.dma_semaphore, #tpu.memory_space<semaphore_mem>>)
      } else {
      }
      %mul3A_634 = arith.constant 2 : i32
      %mul3A_635 = arith.muli %scan3A_119, %mul3A_634 : i32
      %add3A_636 = arith.constant 1 : i32
      %add3A_637 = arith.addi %mul3A_635, %add3A_636 : i32
      %dma_wait3A_638 = arith.constant 0 : i32
      %dma_wait3A_639 = arith.constant 0 : i32
      %dma_wait3A_640 = arith.constant 0 : i32
      %dma_wait3A_641 = arith.constant 0 : i32
      %dma_wait3A_642 = arith.constant 0 : i32
      %dma_wait3A_643 = arith.constant 0 : i32
      %dma_wait3A_644 = tpu.memref_slice %arg10[%dma_wait3A_641, %dma_wait3A_642, %dma_wait3A_643] : memref<2x128x128xf32, #tpu.memory_space<vmem>> -> memref<1x128x128xf32, #tpu.memory_space<vmem>>
      %dma_wait3A_645 = tpu.memref_squeeze %dma_wait3A_644 : memref<1x128x128xf32, #tpu.memory_space<vmem>> -> memref<128x128xf32, #tpu.memory_space<vmem>>
      %dma_wait3A_646 = arith.constant 0 : i32
      %dma_wait3A_647 = tpu.memref_slice %arg9[%dma_wait3A_638, %dma_wait3A_639, %dma_wait3A_640, %dma_wait3A_646] : memref<2x16x2x128xi32, #tpu.memory_space<vmem>> -> memref<1x1x1x128xi32, #tpu.memory_space<vmem>>
      %dma_wait3A_648 = tpu.memref_squeeze %dma_wait3A_647 : memref<1x1x1x128xi32, #tpu.memory_space<vmem>> -> memref<128xi32, #tpu.memory_space<vmem>>
      %dma_wait3A_649 = arith.constant 0 : i32
      %dma_wait3A_650 = arith.constant 0 : i32
      %dma_wait3A_651 = tpu.memref_slice %arg2[%dma_wait3A_649, %dma_wait3A_650] : memref<20000x128xf32, #tpu.memory_space<hbm>> -> memref<20000x128xf32, #tpu.memory_space<hbm>>
      tpu.wait_indirect_dma semaphore(%arg15 : memref<!tpu.dma_semaphore, #tpu.memory_space<semaphore_mem>>) src(%dma_wait3A_651 : memref<20000x128xf32, #tpu.memory_space<hbm>>) dst(%dma_wait3A_645 : memref<128x128xf32, #tpu.memory_space<vmem>>)
      %run_scoped3A_652 = arith.constant 0 : i32
      %run_scoped3A_653 = arith.constant 1 : i32
      %run_scoped3A_654 = arith.constant 0 : i32
      %run_scoped3A_655 = arith.constant 1 : i32
      "tpu.region"() ({
        %run_scoped3A_1150 = tpu.sem_alloc : memref<!tpu.dma_semaphore, #tpu.memory_space<semaphore_mem>>
        %dma_start3A_1151 = arith.constant 0 : i32
        %dma_start3A_1152 = arith.constant 0 : i32
        %dma_start3A_1153 = tpu.memref_slice %arg10[%run_scoped3A_652, %dma_start3A_1151, %dma_start3A_1152] : memref<2x128x128xf32, #tpu.memory_space<vmem>> -> memref<1x128x128xf32, #tpu.memory_space<vmem>>
        %dma_start3A_1154 = tpu.memref_squeeze %dma_start3A_1153 : memref<1x128x128xf32, #tpu.memory_space<vmem>> -> memref<128x128xf32, #tpu.memory_space<vmem>>
        %dma_start3A_1155 = arith.constant 0 : i32
        %dma_start3A_1156 = tpu.memref_slice %arg9[%run_scoped3A_653, %run_scoped3A_654, %run_scoped3A_655, %dma_start3A_1155] : memref<2x16x2x128xi32, #tpu.memory_space<vmem>> -> memref<1x1x1x128xi32, #tpu.memory_space<vmem>>
        %dma_start3A_1157 = tpu.memref_squeeze %dma_start3A_1156 : memref<1x1x1x128xi32, #tpu.memory_space<vmem>> -> memref<128xi32, #tpu.memory_space<vmem>>
        %dma_start3A_1158 = arith.constant 0 : i32
        %dma_start3A_1159 = arith.constant 0 : i32
        %dma_start3A_1160 = tpu.memref_slice %arg12[%dma_start3A_1158, %dma_start3A_1159] : memref<10240x128xf32, #tpu.memory_space<vmem_shared>> -> memref<10240x128xf32, #tpu.memory_space<vmem_shared>>
        tpu.enqueue_indirect_dma source(%dma_start3A_1154 : memref<128x128xf32, #tpu.memory_space<vmem>>) target(%dma_start3A_1160 : memref<10240x128xf32, #tpu.memory_space<vmem_shared>>) offsets(%dma_start3A_1157 : memref<128xi32, #tpu.memory_space<vmem>>) semaphore(%run_scoped3A_1150 : memref<!tpu.dma_semaphore, #tpu.memory_space<semaphore_mem>>) {add = true}
        %dma_wait3A_1161 = arith.constant 0 : i32
        %dma_wait3A_1162 = arith.constant 0 : i32
        %dma_wait3A_1163 = tpu.memref_slice %arg10[%run_scoped3A_652, %dma_wait3A_1161, %dma_wait3A_1162] : memref<2x128x128xf32, #tpu.memory_space<vmem>> -> memref<1x128x128xf32, #tpu.memory_space<vmem>>
        %dma_wait3A_1164 = tpu.memref_squeeze %dma_wait3A_1163 : memref<1x128x128xf32, #tpu.memory_space<vmem>> -> memref<128x128xf32, #tpu.memory_space<vmem>>
        %dma_wait3A_1165 = arith.constant 0 : i32
        %dma_wait3A_1166 = tpu.memref_slice %arg9[%run_scoped3A_653, %run_scoped3A_654, %run_scoped3A_655, %dma_wait3A_1165] : memref<2x16x2x128xi32, #tpu.memory_space<vmem>> -> memref<1x1x1x128xi32, #tpu.memory_space<vmem>>
        %dma_wait3A_1167 = tpu.memref_squeeze %dma_wait3A_1166 : memref<1x1x1x128xi32, #tpu.memory_space<vmem>> -> memref<128xi32, #tpu.memory_space<vmem>>
        %dma_wait3A_1168 = arith.constant 0 : i32
        %dma_wait3A_1169 = arith.constant 0 : i32
        %dma_wait3A_1170 = tpu.memref_slice %arg12[%dma_wait3A_1168, %dma_wait3A_1169] : memref<10240x128xf32, #tpu.memory_space<vmem_shared>> -> memref<10240x128xf32, #tpu.memory_space<vmem_shared>>
        tpu.wait_indirect_dma semaphore(%run_scoped3A_1150 : memref<!tpu.dma_semaphore, #tpu.memory_space<semaphore_mem>>) src(%dma_wait3A_1164 : memref<128x128xf32, #tpu.memory_space<vmem>>) dst(%dma_wait3A_1170 : memref<10240x128xf32, #tpu.memory_space<vmem_shared>>)
        tpu.yield
      }) : () -> ()
      %dma_start3A_656 = arith.constant 1 : i32
      %dma_start3A_657 = arith.constant 2 : i32
      %dma_start3A_658 = arith.constant 0 : i32
      %dma_start3A_659 = arith.constant 0 : i32
      %dma_start3A_660 = arith.constant 0 : i32
      %dma_start3A_661 = arith.constant 0 : i32
      %dma_start3A_662 = tpu.memref_slice %arg10[%dma_start3A_659, %dma_start3A_660, %dma_start3A_661] : memref<2x128x128xf32, #tpu.memory_space<vmem>> -> memref<1x128x128xf32, #tpu.memory_space<vmem>>
      %dma_start3A_663 = tpu.memref_squeeze %dma_start3A_662 : memref<1x128x128xf32, #tpu.memory_space<vmem>> -> memref<128x128xf32, #tpu.memory_space<vmem>>
      %dma_start3A_664 = arith.constant 0 : i32
      %dma_start3A_665 = tpu.memref_slice %arg9[%dma_start3A_656, %dma_start3A_657, %dma_start3A_658, %dma_start3A_664] : memref<2x16x2x128xi32, #tpu.memory_space<vmem>> -> memref<1x1x1x128xi32, #tpu.memory_space<vmem>>
      %dma_start3A_666 = tpu.memref_squeeze %dma_start3A_665 : memref<1x1x1x128xi32, #tpu.memory_space<vmem>> -> memref<128xi32, #tpu.memory_space<vmem>>
      %dma_start3A_667 = arith.constant 0 : i32
      %dma_start3A_668 = arith.constant 0 : i32
      %dma_start3A_669 = tpu.memref_slice %arg2[%dma_start3A_667, %dma_start3A_668] : memref<20000x128xf32, #tpu.memory_space<hbm>> -> memref<20000x128xf32, #tpu.memory_space<hbm>>
      tpu.enqueue_indirect_dma source(%dma_start3A_669 : memref<20000x128xf32, #tpu.memory_space<hbm>>) target(%dma_start3A_663 : memref<128x128xf32, #tpu.memory_space<vmem>>) offsets(%dma_start3A_666 : memref<128xi32, #tpu.memory_space<vmem>>) semaphore(%arg15 : memref<!tpu.dma_semaphore, #tpu.memory_space<semaphore_mem>>)
      %dma_wait3A_670 = arith.constant 0 : i32
      %dma_wait3A_671 = arith.constant 0 : i32
      %dma_wait3A_672 = arith.constant 0 : i32
      %dma_wait3A_673 = arith.constant 1 : i32
      %dma_wait3A_674 = arith.constant 0 : i32
      %dma_wait3A_675 = arith.constant 0 : i32
      %dma_wait3A_676 = tpu.memref_slice %arg10[%dma_wait3A_673, %dma_wait3A_674, %dma_wait3A_675] : memref<2x128x128xf32, #tpu.memory_space<vmem>> -> memref<1x128x128xf32, #tpu.memory_space<vmem>>
      %dma_wait3A_677 = tpu.memref_squeeze %dma_wait3A_676 : memref<1x128x128xf32, #tpu.memory_space<vmem>> -> memref<128x128xf32, #tpu.memory_space<vmem>>
      %dma_wait3A_678 = arith.constant 0 : i32
      %dma_wait3A_679 = tpu.memref_slice %arg9[%dma_wait3A_670, %dma_wait3A_671, %dma_wait3A_672, %dma_wait3A_678] : memref<2x16x2x128xi32, #tpu.memory_space<vmem>> -> memref<1x1x1x128xi32, #tpu.memory_space<vmem>>
      %dma_wait3A_680 = tpu.memref_squeeze %dma_wait3A_679 : memref<1x1x1x128xi32, #tpu.memory_space<vmem>> -> memref<128xi32, #tpu.memory_space<vmem>>
      %dma_wait3A_681 = arith.constant 0 : i32
      %dma_wait3A_682 = arith.constant 0 : i32
      %dma_wait3A_683 = tpu.memref_slice %arg2[%dma_wait3A_681, %dma_wait3A_682] : memref<20000x128xf32, #tpu.memory_space<hbm>> -> memref<20000x128xf32, #tpu.memory_space<hbm>>
      tpu.wait_indirect_dma semaphore(%arg16 : memref<!tpu.dma_semaphore, #tpu.memory_space<semaphore_mem>>) src(%dma_wait3A_683 : memref<20000x128xf32, #tpu.memory_space<hbm>>) dst(%dma_wait3A_677 : memref<128x128xf32, #tpu.memory_space<vmem>>)
      %run_scoped3A_684 = arith.constant 1 : i32
      %run_scoped3A_685 = arith.constant 1 : i32
      %run_scoped3A_686 = arith.constant 1 : i32
      %run_scoped3A_687 = arith.constant 1 : i32
      "tpu.region"() ({
        %run_scoped3A_1150 = tpu.sem_alloc : memref<!tpu.dma_semaphore, #tpu.memory_space<semaphore_mem>>
        %dma_start3A_1151 = arith.constant 0 : i32
        %dma_start3A_1152 = arith.constant 0 : i32
        %dma_start3A_1153 = tpu.memref_slice %arg10[%run_scoped3A_684, %dma_start3A_1151, %dma_start3A_1152] : memref<2x128x128xf32, #tpu.memory_space<vmem>> -> memref<1x128x128xf32, #tpu.memory_space<vmem>>
        %dma_start3A_1154 = tpu.memref_squeeze %dma_start3A_1153 : memref<1x128x128xf32, #tpu.memory_space<vmem>> -> memref<128x128xf32, #tpu.memory_space<vmem>>
        %dma_start3A_1155 = arith.constant 0 : i32
        %dma_start3A_1156 = tpu.memref_slice %arg9[%run_scoped3A_685, %run_scoped3A_686, %run_scoped3A_687, %dma_start3A_1155] : memref<2x16x2x128xi32, #tpu.memory_space<vmem>> -> memref<1x1x1x128xi32, #tpu.memory_space<vmem>>
        %dma_start3A_1157 = tpu.memref_squeeze %dma_start3A_1156 : memref<1x1x1x128xi32, #tpu.memory_space<vmem>> -> memref<128xi32, #tpu.memory_space<vmem>>
        %dma_start3A_1158 = arith.constant 0 : i32
        %dma_start3A_1159 = arith.constant 0 : i32
        %dma_start3A_1160 = tpu.memref_slice %arg12[%dma_start3A_1158, %dma_start3A_1159] : memref<10240x128xf32, #tpu.memory_space<vmem_shared>> -> memref<10240x128xf32, #tpu.memory_space<vmem_shared>>
        tpu.enqueue_indirect_dma source(%dma_start3A_1154 : memref<128x128xf32, #tpu.memory_space<vmem>>) target(%dma_start3A_1160 : memref<10240x128xf32, #tpu.memory_space<vmem_shared>>) offsets(%dma_start3A_1157 : memref<128xi32, #tpu.memory_space<vmem>>) semaphore(%run_scoped3A_1150 : memref<!tpu.dma_semaphore, #tpu.memory_space<semaphore_mem>>) {add = true}
        %dma_wait3A_1161 = arith.constant 0 : i32
        %dma_wait3A_1162 = arith.constant 0 : i32
        %dma_wait3A_1163 = tpu.memref_slice %arg10[%run_scoped3A_684, %dma_wait3A_1161, %dma_wait3A_1162] : memref<2x128x128xf32, #tpu.memory_space<vmem>> -> memref<1x128x128xf32, #tpu.memory_space<vmem>>
        %dma_wait3A_1164 = tpu.memref_squeeze %dma_wait3A_1163 : memref<1x128x128xf32, #tpu.memory_space<vmem>> -> memref<128x128xf32, #tpu.memory_space<vmem>>
        %dma_wait3A_1165 = arith.constant 0 : i32
        %dma_wait3A_1166 = tpu.memref_slice %arg9[%run_scoped3A_685, %run_scoped3A_686, %run_scoped3A_687, %dma_wait3A_1165] : memref<2x16x2x128xi32, #tpu.memory_space<vmem>> -> memref<1x1x1x128xi32, #tpu.memory_space<vmem>>
        %dma_wait3A_1167 = tpu.memref_squeeze %dma_wait3A_1166 : memref<1x1x1x128xi32, #tpu.memory_space<vmem>> -> memref<128xi32, #tpu.memory_space<vmem>>
        %dma_wait3A_1168 = arith.constant 0 : i32
        %dma_wait3A_1169 = arith.constant 0 : i32
        %dma_wait3A_1170 = tpu.memref_slice %arg12[%dma_wait3A_1168, %dma_wait3A_1169] : memref<10240x128xf32, #tpu.memory_space<vmem_shared>> -> memref<10240x128xf32, #tpu.memory_space<vmem_shared>>
        tpu.wait_indirect_dma semaphore(%run_scoped3A_1150 : memref<!tpu.dma_semaphore, #tpu.memory_space<semaphore_mem>>) src(%dma_wait3A_1164 : memref<128x128xf32, #tpu.memory_space<vmem>>) dst(%dma_wait3A_1170 : memref<10240x128xf32, #tpu.memory_space<vmem_shared>>)
        tpu.yield
      }) : () -> ()
      %dma_start3A_688 = arith.constant 1 : i32
      %dma_start3A_689 = arith.constant 3 : i32
      %dma_start3A_690 = arith.constant 0 : i32
      %dma_start3A_691 = arith.constant 1 : i32
      %dma_start3A_692 = arith.constant 0 : i32
      %dma_start3A_693 = arith.constant 0 : i32
      %dma_start3A_694 = tpu.memref_slice %arg10[%dma_start3A_691, %dma_start3A_692, %dma_start3A_693] : memref<2x128x128xf32, #tpu.memory_space<vmem>> -> memref<1x128x128xf32, #tpu.memory_space<vmem>>
      %dma_start3A_695 = tpu.memref_squeeze %dma_start3A_694 : memref<1x128x128xf32, #tpu.memory_space<vmem>> -> memref<128x128xf32, #tpu.memory_space<vmem>>
      %dma_start3A_696 = arith.constant 0 : i32
      %dma_start3A_697 = tpu.memref_slice %arg9[%dma_start3A_688, %dma_start3A_689, %dma_start3A_690, %dma_start3A_696] : memref<2x16x2x128xi32, #tpu.memory_space<vmem>> -> memref<1x1x1x128xi32, #tpu.memory_space<vmem>>
      %dma_start3A_698 = tpu.memref_squeeze %dma_start3A_697 : memref<1x1x1x128xi32, #tpu.memory_space<vmem>> -> memref<128xi32, #tpu.memory_space<vmem>>
      %dma_start3A_699 = arith.constant 0 : i32
      %dma_start3A_700 = arith.constant 0 : i32
      %dma_start3A_701 = tpu.memref_slice %arg2[%dma_start3A_699, %dma_start3A_700] : memref<20000x128xf32, #tpu.memory_space<hbm>> -> memref<20000x128xf32, #tpu.memory_space<hbm>>
      tpu.enqueue_indirect_dma source(%dma_start3A_701 : memref<20000x128xf32, #tpu.memory_space<hbm>>) target(%dma_start3A_695 : memref<128x128xf32, #tpu.memory_space<vmem>>) offsets(%dma_start3A_698 : memref<128xi32, #tpu.memory_space<vmem>>) semaphore(%arg16 : memref<!tpu.dma_semaphore, #tpu.memory_space<semaphore_mem>>)
      %dma_wait3A_702 = arith.constant 0 : i32
      %dma_wait3A_703 = arith.constant 0 : i32
      %dma_wait3A_704 = arith.constant 0 : i32
      %dma_wait3A_705 = arith.constant 0 : i32
      %dma_wait3A_706 = arith.constant 0 : i32
      %dma_wait3A_707 = arith.constant 0 : i32
      %dma_wait3A_708 = tpu.memref_slice %arg10[%dma_wait3A_705, %dma_wait3A_706, %dma_wait3A_707] : memref<2x128x128xf32, #tpu.memory_space<vmem>> -> memref<1x128x128xf32, #tpu.memory_space<vmem>>
      %dma_wait3A_709 = tpu.memref_squeeze %dma_wait3A_708 : memref<1x128x128xf32, #tpu.memory_space<vmem>> -> memref<128x128xf32, #tpu.memory_space<vmem>>
      %dma_wait3A_710 = arith.constant 0 : i32
      %dma_wait3A_711 = tpu.memref_slice %arg9[%dma_wait3A_702, %dma_wait3A_703, %dma_wait3A_704, %dma_wait3A_710] : memref<2x16x2x128xi32, #tpu.memory_space<vmem>> -> memref<1x1x1x128xi32, #tpu.memory_space<vmem>>
      %dma_wait3A_712 = tpu.memref_squeeze %dma_wait3A_711 : memref<1x1x1x128xi32, #tpu.memory_space<vmem>> -> memref<128xi32, #tpu.memory_space<vmem>>
      %dma_wait3A_713 = arith.constant 0 : i32
      %dma_wait3A_714 = arith.constant 0 : i32
      %dma_wait3A_715 = tpu.memref_slice %arg2[%dma_wait3A_713, %dma_wait3A_714] : memref<20000x128xf32, #tpu.memory_space<hbm>> -> memref<20000x128xf32, #tpu.memory_space<hbm>>
      tpu.wait_indirect_dma semaphore(%arg15 : memref<!tpu.dma_semaphore, #tpu.memory_space<semaphore_mem>>) src(%dma_wait3A_715 : memref<20000x128xf32, #tpu.memory_space<hbm>>) dst(%dma_wait3A_709 : memref<128x128xf32, #tpu.memory_space<vmem>>)
      %run_scoped3A_716 = arith.constant 0 : i32
      %run_scoped3A_717 = arith.constant 1 : i32
      %run_scoped3A_718 = arith.constant 2 : i32
      %run_scoped3A_719 = arith.constant 1 : i32
      "tpu.region"() ({
        %run_scoped3A_1150 = tpu.sem_alloc : memref<!tpu.dma_semaphore, #tpu.memory_space<semaphore_mem>>
        %dma_start3A_1151 = arith.constant 0 : i32
        %dma_start3A_1152 = arith.constant 0 : i32
        %dma_start3A_1153 = tpu.memref_slice %arg10[%run_scoped3A_716, %dma_start3A_1151, %dma_start3A_1152] : memref<2x128x128xf32, #tpu.memory_space<vmem>> -> memref<1x128x128xf32, #tpu.memory_space<vmem>>
        %dma_start3A_1154 = tpu.memref_squeeze %dma_start3A_1153 : memref<1x128x128xf32, #tpu.memory_space<vmem>> -> memref<128x128xf32, #tpu.memory_space<vmem>>
        %dma_start3A_1155 = arith.constant 0 : i32
        %dma_start3A_1156 = tpu.memref_slice %arg9[%run_scoped3A_717, %run_scoped3A_718, %run_scoped3A_719, %dma_start3A_1155] : memref<2x16x2x128xi32, #tpu.memory_space<vmem>> -> memref<1x1x1x128xi32, #tpu.memory_space<vmem>>
        %dma_start3A_1157 = tpu.memref_squeeze %dma_start3A_1156 : memref<1x1x1x128xi32, #tpu.memory_space<vmem>> -> memref<128xi32, #tpu.memory_space<vmem>>
        %dma_start3A_1158 = arith.constant 0 : i32
        %dma_start3A_1159 = arith.constant 0 : i32
        %dma_start3A_1160 = tpu.memref_slice %arg12[%dma_start3A_1158, %dma_start3A_1159] : memref<10240x128xf32, #tpu.memory_space<vmem_shared>> -> memref<10240x128xf32, #tpu.memory_space<vmem_shared>>
        tpu.enqueue_indirect_dma source(%dma_start3A_1154 : memref<128x128xf32, #tpu.memory_space<vmem>>) target(%dma_start3A_1160 : memref<10240x128xf32, #tpu.memory_space<vmem_shared>>) offsets(%dma_start3A_1157 : memref<128xi32, #tpu.memory_space<vmem>>) semaphore(%run_scoped3A_1150 : memref<!tpu.dma_semaphore, #tpu.memory_space<semaphore_mem>>) {add = true}
        %dma_wait3A_1161 = arith.constant 0 : i32
        %dma_wait3A_1162 = arith.constant 0 : i32
        %dma_wait3A_1163 = tpu.memref_slice %arg10[%run_scoped3A_716, %dma_wait3A_1161, %dma_wait3A_1162] : memref<2x128x128xf32, #tpu.memory_space<vmem>> -> memref<1x128x128xf32, #tpu.memory_space<vmem>>
        %dma_wait3A_1164 = tpu.memref_squeeze %dma_wait3A_1163 : memref<1x128x128xf32, #tpu.memory_space<vmem>> -> memref<128x128xf32, #tpu.memory_space<vmem>>
        %dma_wait3A_1165 = arith.constant 0 : i32
        %dma_wait3A_1166 = tpu.memref_slice %arg9[%run_scoped3A_717, %run_scoped3A_718, %run_scoped3A_719, %dma_wait3A_1165] : memref<2x16x2x128xi32, #tpu.memory_space<vmem>> -> memref<1x1x1x128xi32, #tpu.memory_space<vmem>>
        %dma_wait3A_1167 = tpu.memref_squeeze %dma_wait3A_1166 : memref<1x1x1x128xi32, #tpu.memory_space<vmem>> -> memref<128xi32, #tpu.memory_space<vmem>>
        %dma_wait3A_1168 = arith.constant 0 : i32
        %dma_wait3A_1169 = arith.constant 0 : i32
        %dma_wait3A_1170 = tpu.memref_slice %arg12[%dma_wait3A_1168, %dma_wait3A_1169] : memref<10240x128xf32, #tpu.memory_space<vmem_shared>> -> memref<10240x128xf32, #tpu.memory_space<vmem_shared>>
        tpu.wait_indirect_dma semaphore(%run_scoped3A_1150 : memref<!tpu.dma_semaphore, #tpu.memory_space<semaphore_mem>>) src(%dma_wait3A_1164 : memref<128x128xf32, #tpu.memory_space<vmem>>) dst(%dma_wait3A_1170 : memref<10240x128xf32, #tpu.memory_space<vmem_shared>>)
        tpu.yield
      }) : () -> ()
      %dma_start3A_720 = arith.constant 1 : i32
      %dma_start3A_721 = arith.constant 4 : i32
      %dma_start3A_722 = arith.constant 0 : i32
      %dma_start3A_723 = arith.constant 0 : i32
      %dma_start3A_724 = arith.constant 0 : i32
      %dma_start3A_725 = arith.constant 0 : i32
      %dma_start3A_726 = tpu.memref_slice %arg10[%dma_start3A_723, %dma_start3A_724, %dma_start3A_725] : memref<2x128x128xf32, #tpu.memory_space<vmem>> -> memref<1x128x128xf32, #tpu.memory_space<vmem>>
      %dma_start3A_727 = tpu.memref_squeeze %dma_start3A_726 : memref<1x128x128xf32, #tpu.memory_space<vmem>> -> memref<128x128xf32, #tpu.memory_space<vmem>>
      %dma_start3A_728 = arith.constant 0 : i32
      %dma_start3A_729 = tpu.memref_slice %arg9[%dma_start3A_720, %dma_start3A_721, %dma_start3A_722, %dma_start3A_728] : memref<2x16x2x128xi32, #tpu.memory_space<vmem>> -> memref<1x1x1x128xi32, #tpu.memory_space<vmem>>
      %dma_start3A_730 = tpu.memref_squeeze %dma_start3A_729 : memref<1x1x1x128xi32, #tpu.memory_space<vmem>> -> memref<128xi32, #tpu.memory_space<vmem>>
      %dma_start3A_731 = arith.constant 0 : i32
      %dma_start3A_732 = arith.constant 0 : i32
      %dma_start3A_733 = tpu.memref_slice %arg2[%dma_start3A_731, %dma_start3A_732] : memref<20000x128xf32, #tpu.memory_space<hbm>> -> memref<20000x128xf32, #tpu.memory_space<hbm>>
      tpu.enqueue_indirect_dma source(%dma_start3A_733 : memref<20000x128xf32, #tpu.memory_space<hbm>>) target(%dma_start3A_727 : memref<128x128xf32, #tpu.memory_space<vmem>>) offsets(%dma_start3A_730 : memref<128xi32, #tpu.memory_space<vmem>>) semaphore(%arg15 : memref<!tpu.dma_semaphore, #tpu.memory_space<semaphore_mem>>)
      %dma_wait3A_734 = arith.constant 0 : i32
      %dma_wait3A_735 = arith.constant 0 : i32
      %dma_wait3A_736 = arith.constant 0 : i32
      %dma_wait3A_737 = arith.constant 1 : i32
      %dma_wait3A_738 = arith.constant 0 : i32
      %dma_wait3A_739 = arith.constant 0 : i32
      %dma_wait3A_740 = tpu.memref_slice %arg10[%dma_wait3A_737, %dma_wait3A_738, %dma_wait3A_739] : memref<2x128x128xf32, #tpu.memory_space<vmem>> -> memref<1x128x128xf32, #tpu.memory_space<vmem>>
      %dma_wait3A_741 = tpu.memref_squeeze %dma_wait3A_740 : memref<1x128x128xf32, #tpu.memory_space<vmem>> -> memref<128x128xf32, #tpu.memory_space<vmem>>
      %dma_wait3A_742 = arith.constant 0 : i32
      %dma_wait3A_743 = tpu.memref_slice %arg9[%dma_wait3A_734, %dma_wait3A_735, %dma_wait3A_736, %dma_wait3A_742] : memref<2x16x2x128xi32, #tpu.memory_space<vmem>> -> memref<1x1x1x128xi32, #tpu.memory_space<vmem>>
      %dma_wait3A_744 = tpu.memref_squeeze %dma_wait3A_743 : memref<1x1x1x128xi32, #tpu.memory_space<vmem>> -> memref<128xi32, #tpu.memory_space<vmem>>
      %dma_wait3A_745 = arith.constant 0 : i32
      %dma_wait3A_746 = arith.constant 0 : i32
      %dma_wait3A_747 = tpu.memref_slice %arg2[%dma_wait3A_745, %dma_wait3A_746] : memref<20000x128xf32, #tpu.memory_space<hbm>> -> memref<20000x128xf32, #tpu.memory_space<hbm>>
      tpu.wait_indirect_dma semaphore(%arg16 : memref<!tpu.dma_semaphore, #tpu.memory_space<semaphore_mem>>) src(%dma_wait3A_747 : memref<20000x128xf32, #tpu.memory_space<hbm>>) dst(%dma_wait3A_741 : memref<128x128xf32, #tpu.memory_space<vmem>>)
      %run_scoped3A_748 = arith.constant 1 : i32
      %run_scoped3A_749 = arith.constant 1 : i32
      %run_scoped3A_750 = arith.constant 3 : i32
      %run_scoped3A_751 = arith.constant 1 : i32
      "tpu.region"() ({
        %run_scoped3A_1150 = tpu.sem_alloc : memref<!tpu.dma_semaphore, #tpu.memory_space<semaphore_mem>>
        %dma_start3A_1151 = arith.constant 0 : i32
        %dma_start3A_1152 = arith.constant 0 : i32
        %dma_start3A_1153 = tpu.memref_slice %arg10[%run_scoped3A_748, %dma_start3A_1151, %dma_start3A_1152] : memref<2x128x128xf32, #tpu.memory_space<vmem>> -> memref<1x128x128xf32, #tpu.memory_space<vmem>>
        %dma_start3A_1154 = tpu.memref_squeeze %dma_start3A_1153 : memref<1x128x128xf32, #tpu.memory_space<vmem>> -> memref<128x128xf32, #tpu.memory_space<vmem>>
        %dma_start3A_1155 = arith.constant 0 : i32
        %dma_start3A_1156 = tpu.memref_slice %arg9[%run_scoped3A_749, %run_scoped3A_750, %run_scoped3A_751, %dma_start3A_1155] : memref<2x16x2x128xi32, #tpu.memory_space<vmem>> -> memref<1x1x1x128xi32, #tpu.memory_space<vmem>>
        %dma_start3A_1157 = tpu.memref_squeeze %dma_start3A_1156 : memref<1x1x1x128xi32, #tpu.memory_space<vmem>> -> memref<128xi32, #tpu.memory_space<vmem>>
        %dma_start3A_1158 = arith.constant 0 : i32
        %dma_start3A_1159 = arith.constant 0 : i32
        %dma_start3A_1160 = tpu.memref_slice %arg12[%dma_start3A_1158, %dma_start3A_1159] : memref<10240x128xf32, #tpu.memory_space<vmem_shared>> -> memref<10240x128xf32, #tpu.memory_space<vmem_shared>>
        tpu.enqueue_indirect_dma source(%dma_start3A_1154 : memref<128x128xf32, #tpu.memory_space<vmem>>) target(%dma_start3A_1160 : memref<10240x128xf32, #tpu.memory_space<vmem_shared>>) offsets(%dma_start3A_1157 : memref<128xi32, #tpu.memory_space<vmem>>) semaphore(%run_scoped3A_1150 : memref<!tpu.dma_semaphore, #tpu.memory_space<semaphore_mem>>) {add = true}
        %dma_wait3A_1161 = arith.constant 0 : i32
        %dma_wait3A_1162 = arith.constant 0 : i32
        %dma_wait3A_1163 = tpu.memref_slice %arg10[%run_scoped3A_748, %dma_wait3A_1161, %dma_wait3A_1162] : memref<2x128x128xf32, #tpu.memory_space<vmem>> -> memref<1x128x128xf32, #tpu.memory_space<vmem>>
        %dma_wait3A_1164 = tpu.memref_squeeze %dma_wait3A_1163 : memref<1x128x128xf32, #tpu.memory_space<vmem>> -> memref<128x128xf32, #tpu.memory_space<vmem>>
        %dma_wait3A_1165 = arith.constant 0 : i32
        %dma_wait3A_1166 = tpu.memref_slice %arg9[%run_scoped3A_749, %run_scoped3A_750, %run_scoped3A_751, %dma_wait3A_1165] : memref<2x16x2x128xi32, #tpu.memory_space<vmem>> -> memref<1x1x1x128xi32, #tpu.memory_space<vmem>>
        %dma_wait3A_1167 = tpu.memref_squeeze %dma_wait3A_1166 : memref<1x1x1x128xi32, #tpu.memory_space<vmem>> -> memref<128xi32, #tpu.memory_space<vmem>>
        %dma_wait3A_1168 = arith.constant 0 : i32
        %dma_wait3A_1169 = arith.constant 0 : i32
        %dma_wait3A_1170 = tpu.memref_slice %arg12[%dma_wait3A_1168, %dma_wait3A_1169] : memref<10240x128xf32, #tpu.memory_space<vmem_shared>> -> memref<10240x128xf32, #tpu.memory_space<vmem_shared>>
        tpu.wait_indirect_dma semaphore(%run_scoped3A_1150 : memref<!tpu.dma_semaphore, #tpu.memory_space<semaphore_mem>>) src(%dma_wait3A_1164 : memref<128x128xf32, #tpu.memory_space<vmem>>) dst(%dma_wait3A_1170 : memref<10240x128xf32, #tpu.memory_space<vmem_shared>>)
        tpu.yield
      }) : () -> ()
      %dma_start3A_752 = arith.constant 1 : i32
      %dma_start3A_753 = arith.constant 5 : i32
      %dma_start3A_754 = arith.constant 0 : i32
      %dma_start3A_755 = arith.constant 1 : i32
      %dma_start3A_756 = arith.constant 0 : i32
      %dma_start3A_757 = arith.constant 0 : i32
      %dma_start3A_758 = tpu.memref_slice %arg10[%dma_start3A_755, %dma_start3A_756, %dma_start3A_757] : memref<2x128x128xf32, #tpu.memory_space<vmem>> -> memref<1x128x128xf32, #tpu.memory_space<vmem>>
      %dma_start3A_759 = tpu.memref_squeeze %dma_start3A_758 : memref<1x128x128xf32, #tpu.memory_space<vmem>> -> memref<128x128xf32, #tpu.memory_space<vmem>>
      %dma_start3A_760 = arith.constant 0 : i32
      %dma_start3A_761 = tpu.memref_slice %arg9[%dma_start3A_752, %dma_start3A_753, %dma_start3A_754, %dma_start3A_760] : memref<2x16x2x128xi32, #tpu.memory_space<vmem>> -> memref<1x1x1x128xi32, #tpu.memory_space<vmem>>
      %dma_start3A_762 = tpu.memref_squeeze %dma_start3A_761 : memref<1x1x1x128xi32, #tpu.memory_space<vmem>> -> memref<128xi32, #tpu.memory_space<vmem>>
      %dma_start3A_763 = arith.constant 0 : i32
      %dma_start3A_764 = arith.constant 0 : i32
      %dma_start3A_765 = tpu.memref_slice %arg2[%dma_start3A_763, %dma_start3A_764] : memref<20000x128xf32, #tpu.memory_space<hbm>> -> memref<20000x128xf32, #tpu.memory_space<hbm>>
      tpu.enqueue_indirect_dma source(%dma_start3A_765 : memref<20000x128xf32, #tpu.memory_space<hbm>>) target(%dma_start3A_759 : memref<128x128xf32, #tpu.memory_space<vmem>>) offsets(%dma_start3A_762 : memref<128xi32, #tpu.memory_space<vmem>>) semaphore(%arg16 : memref<!tpu.dma_semaphore, #tpu.memory_space<semaphore_mem>>)
      %dma_wait3A_766 = arith.constant 0 : i32
      %dma_wait3A_767 = arith.constant 0 : i32
      %dma_wait3A_768 = arith.constant 0 : i32
      %dma_wait3A_769 = arith.constant 0 : i32
      %dma_wait3A_770 = arith.constant 0 : i32
      %dma_wait3A_771 = arith.constant 0 : i32
      %dma_wait3A_772 = tpu.memref_slice %arg10[%dma_wait3A_769, %dma_wait3A_770, %dma_wait3A_771] : memref<2x128x128xf32, #tpu.memory_space<vmem>> -> memref<1x128x128xf32, #tpu.memory_space<vmem>>
      %dma_wait3A_773 = tpu.memref_squeeze %dma_wait3A_772 : memref<1x128x128xf32, #tpu.memory_space<vmem>> -> memref<128x128xf32, #tpu.memory_space<vmem>>
      %dma_wait3A_774 = arith.constant 0 : i32
      %dma_wait3A_775 = tpu.memref_slice %arg9[%dma_wait3A_766, %dma_wait3A_767, %dma_wait3A_768, %dma_wait3A_774] : memref<2x16x2x128xi32, #tpu.memory_space<vmem>> -> memref<1x1x1x128xi32, #tpu.memory_space<vmem>>
      %dma_wait3A_776 = tpu.memref_squeeze %dma_wait3A_775 : memref<1x1x1x128xi32, #tpu.memory_space<vmem>> -> memref<128xi32, #tpu.memory_space<vmem>>
      %dma_wait3A_777 = arith.constant 0 : i32
      %dma_wait3A_778 = arith.constant 0 : i32
      %dma_wait3A_779 = tpu.memref_slice %arg2[%dma_wait3A_777, %dma_wait3A_778] : memref<20000x128xf32, #tpu.memory_space<hbm>> -> memref<20000x128xf32, #tpu.memory_space<hbm>>
      tpu.wait_indirect_dma semaphore(%arg15 : memref<!tpu.dma_semaphore, #tpu.memory_space<semaphore_mem>>) src(%dma_wait3A_779 : memref<20000x128xf32, #tpu.memory_space<hbm>>) dst(%dma_wait3A_773 : memref<128x128xf32, #tpu.memory_space<vmem>>)
      %run_scoped3A_780 = arith.constant 0 : i32
      %run_scoped3A_781 = arith.constant 1 : i32
      %run_scoped3A_782 = arith.constant 4 : i32
      %run_scoped3A_783 = arith.constant 1 : i32
      "tpu.region"() ({
        %run_scoped3A_1150 = tpu.sem_alloc : memref<!tpu.dma_semaphore, #tpu.memory_space<semaphore_mem>>
        %dma_start3A_1151 = arith.constant 0 : i32
        %dma_start3A_1152 = arith.constant 0 : i32
        %dma_start3A_1153 = tpu.memref_slice %arg10[%run_scoped3A_780, %dma_start3A_1151, %dma_start3A_1152] : memref<2x128x128xf32, #tpu.memory_space<vmem>> -> memref<1x128x128xf32, #tpu.memory_space<vmem>>
        %dma_start3A_1154 = tpu.memref_squeeze %dma_start3A_1153 : memref<1x128x128xf32, #tpu.memory_space<vmem>> -> memref<128x128xf32, #tpu.memory_space<vmem>>
        %dma_start3A_1155 = arith.constant 0 : i32
        %dma_start3A_1156 = tpu.memref_slice %arg9[%run_scoped3A_781, %run_scoped3A_782, %run_scoped3A_783, %dma_start3A_1155] : memref<2x16x2x128xi32, #tpu.memory_space<vmem>> -> memref<1x1x1x128xi32, #tpu.memory_space<vmem>>
        %dma_start3A_1157 = tpu.memref_squeeze %dma_start3A_1156 : memref<1x1x1x128xi32, #tpu.memory_space<vmem>> -> memref<128xi32, #tpu.memory_space<vmem>>
        %dma_start3A_1158 = arith.constant 0 : i32
        %dma_start3A_1159 = arith.constant 0 : i32
        %dma_start3A_1160 = tpu.memref_slice %arg12[%dma_start3A_1158, %dma_start3A_1159] : memref<10240x128xf32, #tpu.memory_space<vmem_shared>> -> memref<10240x128xf32, #tpu.memory_space<vmem_shared>>
        tpu.enqueue_indirect_dma source(%dma_start3A_1154 : memref<128x128xf32, #tpu.memory_space<vmem>>) target(%dma_start3A_1160 : memref<10240x128xf32, #tpu.memory_space<vmem_shared>>) offsets(%dma_start3A_1157 : memref<128xi32, #tpu.memory_space<vmem>>) semaphore(%run_scoped3A_1150 : memref<!tpu.dma_semaphore, #tpu.memory_space<semaphore_mem>>) {add = true}
        %dma_wait3A_1161 = arith.constant 0 : i32
        %dma_wait3A_1162 = arith.constant 0 : i32
        %dma_wait3A_1163 = tpu.memref_slice %arg10[%run_scoped3A_780, %dma_wait3A_1161, %dma_wait3A_1162] : memref<2x128x128xf32, #tpu.memory_space<vmem>> -> memref<1x128x128xf32, #tpu.memory_space<vmem>>
        %dma_wait3A_1164 = tpu.memref_squeeze %dma_wait3A_1163 : memref<1x128x128xf32, #tpu.memory_space<vmem>> -> memref<128x128xf32, #tpu.memory_space<vmem>>
        %dma_wait3A_1165 = arith.constant 0 : i32
        %dma_wait3A_1166 = tpu.memref_slice %arg9[%run_scoped3A_781, %run_scoped3A_782, %run_scoped3A_783, %dma_wait3A_1165] : memref<2x16x2x128xi32, #tpu.memory_space<vmem>> -> memref<1x1x1x128xi32, #tpu.memory_space<vmem>>
        %dma_wait3A_1167 = tpu.memref_squeeze %dma_wait3A_1166 : memref<1x1x1x128xi32, #tpu.memory_space<vmem>> -> memref<128xi32, #tpu.memory_space<vmem>>
        %dma_wait3A_1168 = arith.constant 0 : i32
        %dma_wait3A_1169 = arith.constant 0 : i32
        %dma_wait3A_1170 = tpu.memref_slice %arg12[%dma_wait3A_1168, %dma_wait3A_1169] : memref<10240x128xf32, #tpu.memory_space<vmem_shared>> -> memref<10240x128xf32, #tpu.memory_space<vmem_shared>>
        tpu.wait_indirect_dma semaphore(%run_scoped3A_1150 : memref<!tpu.dma_semaphore, #tpu.memory_space<semaphore_mem>>) src(%dma_wait3A_1164 : memref<128x128xf32, #tpu.memory_space<vmem>>) dst(%dma_wait3A_1170 : memref<10240x128xf32, #tpu.memory_space<vmem_shared>>)
        tpu.yield
      }) : () -> ()
      %dma_start3A_784 = arith.constant 1 : i32
      %dma_start3A_785 = arith.constant 6 : i32
      %dma_start3A_786 = arith.constant 0 : i32
      %dma_start3A_787 = arith.constant 0 : i32
      %dma_start3A_788 = arith.constant 0 : i32
      %dma_start3A_789 = arith.constant 0 : i32
      %dma_start3A_790 = tpu.memref_slice %arg10[%dma_start3A_787, %dma_start3A_788, %dma_start3A_789] : memref<2x128x128xf32, #tpu.memory_space<vmem>> -> memref<1x128x128xf32, #tpu.memory_space<vmem>>
      %dma_start3A_791 = tpu.memref_squeeze %dma_start3A_790 : memref<1x128x128xf32, #tpu.memory_space<vmem>> -> memref<128x128xf32, #tpu.memory_space<vmem>>
      %dma_start3A_792 = arith.constant 0 : i32
      %dma_start3A_793 = tpu.memref_slice %arg9[%dma_start3A_784, %dma_start3A_785, %dma_start3A_786, %dma_start3A_792] : memref<2x16x2x128xi32, #tpu.memory_space<vmem>> -> memref<1x1x1x128xi32, #tpu.memory_space<vmem>>
      %dma_start3A_794 = tpu.memref_squeeze %dma_start3A_793 : memref<1x1x1x128xi32, #tpu.memory_space<vmem>> -> memref<128xi32, #tpu.memory_space<vmem>>
      %dma_start3A_795 = arith.constant 0 : i32
      %dma_start3A_796 = arith.constant 0 : i32
      %dma_start3A_797 = tpu.memref_slice %arg2[%dma_start3A_795, %dma_start3A_796] : memref<20000x128xf32, #tpu.memory_space<hbm>> -> memref<20000x128xf32, #tpu.memory_space<hbm>>
      tpu.enqueue_indirect_dma source(%dma_start3A_797 : memref<20000x128xf32, #tpu.memory_space<hbm>>) target(%dma_start3A_791 : memref<128x128xf32, #tpu.memory_space<vmem>>) offsets(%dma_start3A_794 : memref<128xi32, #tpu.memory_space<vmem>>) semaphore(%arg15 : memref<!tpu.dma_semaphore, #tpu.memory_space<semaphore_mem>>)
      %dma_wait3A_798 = arith.constant 0 : i32
      %dma_wait3A_799 = arith.constant 0 : i32
      %dma_wait3A_800 = arith.constant 0 : i32
      %dma_wait3A_801 = arith.constant 1 : i32
      %dma_wait3A_802 = arith.constant 0 : i32
      %dma_wait3A_803 = arith.constant 0 : i32
      %dma_wait3A_804 = tpu.memref_slice %arg10[%dma_wait3A_801, %dma_wait3A_802, %dma_wait3A_803] : memref<2x128x128xf32, #tpu.memory_space<vmem>> -> memref<1x128x128xf32, #tpu.memory_space<vmem>>
      %dma_wait3A_805 = tpu.memref_squeeze %dma_wait3A_804 : memref<1x128x128xf32, #tpu.memory_space<vmem>> -> memref<128x128xf32, #tpu.memory_space<vmem>>
      %dma_wait3A_806 = arith.constant 0 : i32
      %dma_wait3A_807 = tpu.memref_slice %arg9[%dma_wait3A_798, %dma_wait3A_799, %dma_wait3A_800, %dma_wait3A_806] : memref<2x16x2x128xi32, #tpu.memory_space<vmem>> -> memref<1x1x1x128xi32, #tpu.memory_space<vmem>>
      %dma_wait3A_808 = tpu.memref_squeeze %dma_wait3A_807 : memref<1x1x1x128xi32, #tpu.memory_space<vmem>> -> memref<128xi32, #tpu.memory_space<vmem>>
      %dma_wait3A_809 = arith.constant 0 : i32
      %dma_wait3A_810 = arith.constant 0 : i32
      %dma_wait3A_811 = tpu.memref_slice %arg2[%dma_wait3A_809, %dma_wait3A_810] : memref<20000x128xf32, #tpu.memory_space<hbm>> -> memref<20000x128xf32, #tpu.memory_space<hbm>>
      tpu.wait_indirect_dma semaphore(%arg16 : memref<!tpu.dma_semaphore, #tpu.memory_space<semaphore_mem>>) src(%dma_wait3A_811 : memref<20000x128xf32, #tpu.memory_space<hbm>>) dst(%dma_wait3A_805 : memref<128x128xf32, #tpu.memory_space<vmem>>)
      %run_scoped3A_812 = arith.constant 1 : i32
      %run_scoped3A_813 = arith.constant 1 : i32
      %run_scoped3A_814 = arith.constant 5 : i32
      %run_scoped3A_815 = arith.constant 1 : i32
      "tpu.region"() ({
        %run_scoped3A_1150 = tpu.sem_alloc : memref<!tpu.dma_semaphore, #tpu.memory_space<semaphore_mem>>
        %dma_start3A_1151 = arith.constant 0 : i32
        %dma_start3A_1152 = arith.constant 0 : i32
        %dma_start3A_1153 = tpu.memref_slice %arg10[%run_scoped3A_812, %dma_start3A_1151, %dma_start3A_1152] : memref<2x128x128xf32, #tpu.memory_space<vmem>> -> memref<1x128x128xf32, #tpu.memory_space<vmem>>
        %dma_start3A_1154 = tpu.memref_squeeze %dma_start3A_1153 : memref<1x128x128xf32, #tpu.memory_space<vmem>> -> memref<128x128xf32, #tpu.memory_space<vmem>>
        %dma_start3A_1155 = arith.constant 0 : i32
        %dma_start3A_1156 = tpu.memref_slice %arg9[%run_scoped3A_813, %run_scoped3A_814, %run_scoped3A_815, %dma_start3A_1155] : memref<2x16x2x128xi32, #tpu.memory_space<vmem>> -> memref<1x1x1x128xi32, #tpu.memory_space<vmem>>
        %dma_start3A_1157 = tpu.memref_squeeze %dma_start3A_1156 : memref<1x1x1x128xi32, #tpu.memory_space<vmem>> -> memref<128xi32, #tpu.memory_space<vmem>>
        %dma_start3A_1158 = arith.constant 0 : i32
        %dma_start3A_1159 = arith.constant 0 : i32
        %dma_start3A_1160 = tpu.memref_slice %arg12[%dma_start3A_1158, %dma_start3A_1159] : memref<10240x128xf32, #tpu.memory_space<vmem_shared>> -> memref<10240x128xf32, #tpu.memory_space<vmem_shared>>
        tpu.enqueue_indirect_dma source(%dma_start3A_1154 : memref<128x128xf32, #tpu.memory_space<vmem>>) target(%dma_start3A_1160 : memref<10240x128xf32, #tpu.memory_space<vmem_shared>>) offsets(%dma_start3A_1157 : memref<128xi32, #tpu.memory_space<vmem>>) semaphore(%run_scoped3A_1150 : memref<!tpu.dma_semaphore, #tpu.memory_space<semaphore_mem>>) {add = true}
        %dma_wait3A_1161 = arith.constant 0 : i32
        %dma_wait3A_1162 = arith.constant 0 : i32
        %dma_wait3A_1163 = tpu.memref_slice %arg10[%run_scoped3A_812, %dma_wait3A_1161, %dma_wait3A_1162] : memref<2x128x128xf32, #tpu.memory_space<vmem>> -> memref<1x128x128xf32, #tpu.memory_space<vmem>>
        %dma_wait3A_1164 = tpu.memref_squeeze %dma_wait3A_1163 : memref<1x128x128xf32, #tpu.memory_space<vmem>> -> memref<128x128xf32, #tpu.memory_space<vmem>>
        %dma_wait3A_1165 = arith.constant 0 : i32
        %dma_wait3A_1166 = tpu.memref_slice %arg9[%run_scoped3A_813, %run_scoped3A_814, %run_scoped3A_815, %dma_wait3A_1165] : memref<2x16x2x128xi32, #tpu.memory_space<vmem>> -> memref<1x1x1x128xi32, #tpu.memory_space<vmem>>
        %dma_wait3A_1167 = tpu.memref_squeeze %dma_wait3A_1166 : memref<1x1x1x128xi32, #tpu.memory_space<vmem>> -> memref<128xi32, #tpu.memory_space<vmem>>
        %dma_wait3A_1168 = arith.constant 0 : i32
        %dma_wait3A_1169 = arith.constant 0 : i32
        %dma_wait3A_1170 = tpu.memref_slice %arg12[%dma_wait3A_1168, %dma_wait3A_1169] : memref<10240x128xf32, #tpu.memory_space<vmem_shared>> -> memref<10240x128xf32, #tpu.memory_space<vmem_shared>>
        tpu.wait_indirect_dma semaphore(%run_scoped3A_1150 : memref<!tpu.dma_semaphore, #tpu.memory_space<semaphore_mem>>) src(%dma_wait3A_1164 : memref<128x128xf32, #tpu.memory_space<vmem>>) dst(%dma_wait3A_1170 : memref<10240x128xf32, #tpu.memory_space<vmem_shared>>)
        tpu.yield
      }) : () -> ()
      %dma_start3A_816 = arith.constant 1 : i32
      %dma_start3A_817 = arith.constant 7 : i32
      %dma_start3A_818 = arith.constant 0 : i32
      %dma_start3A_819 = arith.constant 1 : i32
      %dma_start3A_820 = arith.constant 0 : i32
      %dma_start3A_821 = arith.constant 0 : i32
      %dma_start3A_822 = tpu.memref_slice %arg10[%dma_start3A_819, %dma_start3A_820, %dma_start3A_821] : memref<2x128x128xf32, #tpu.memory_space<vmem>> -> memref<1x128x128xf32, #tpu.memory_space<vmem>>
      %dma_start3A_823 = tpu.memref_squeeze %dma_start3A_822 : memref<1x128x128xf32, #tpu.memory_space<vmem>> -> memref<128x128xf32, #tpu.memory_space<vmem>>
      %dma_start3A_824 = arith.constant 0 : i32
      %dma_start3A_825 = tpu.memref_slice %arg9[%dma_start3A_816, %dma_start3A_817, %dma_start3A_818, %dma_start3A_824] : memref<2x16x2x128xi32, #tpu.memory_space<vmem>> -> memref<1x1x1x128xi32, #tpu.memory_space<vmem>>
      %dma_start3A_826 = tpu.memref_squeeze %dma_start3A_825 : memref<1x1x1x128xi32, #tpu.memory_space<vmem>> -> memref<128xi32, #tpu.memory_space<vmem>>
      %dma_start3A_827 = arith.constant 0 : i32
      %dma_start3A_828 = arith.constant 0 : i32
      %dma_start3A_829 = tpu.memref_slice %arg2[%dma_start3A_827, %dma_start3A_828] : memref<20000x128xf32, #tpu.memory_space<hbm>> -> memref<20000x128xf32, #tpu.memory_space<hbm>>
      tpu.enqueue_indirect_dma source(%dma_start3A_829 : memref<20000x128xf32, #tpu.memory_space<hbm>>) target(%dma_start3A_823 : memref<128x128xf32, #tpu.memory_space<vmem>>) offsets(%dma_start3A_826 : memref<128xi32, #tpu.memory_space<vmem>>) semaphore(%arg16 : memref<!tpu.dma_semaphore, #tpu.memory_space<semaphore_mem>>)
      %dma_wait3A_830 = arith.constant 0 : i32
      %dma_wait3A_831 = arith.constant 0 : i32
      %dma_wait3A_832 = arith.constant 0 : i32
      %dma_wait3A_833 = arith.constant 0 : i32
      %dma_wait3A_834 = arith.constant 0 : i32
      %dma_wait3A_835 = arith.constant 0 : i32
      %dma_wait3A_836 = tpu.memref_slice %arg10[%dma_wait3A_833, %dma_wait3A_834, %dma_wait3A_835] : memref<2x128x128xf32, #tpu.memory_space<vmem>> -> memref<1x128x128xf32, #tpu.memory_space<vmem>>
      %dma_wait3A_837 = tpu.memref_squeeze %dma_wait3A_836 : memref<1x128x128xf32, #tpu.memory_space<vmem>> -> memref<128x128xf32, #tpu.memory_space<vmem>>
      %dma_wait3A_838 = arith.constant 0 : i32
      %dma_wait3A_839 = tpu.memref_slice %arg9[%dma_wait3A_830, %dma_wait3A_831, %dma_wait3A_832, %dma_wait3A_838] : memref<2x16x2x128xi32, #tpu.memory_space<vmem>> -> memref<1x1x1x128xi32, #tpu.memory_space<vmem>>
      %dma_wait3A_840 = tpu.memref_squeeze %dma_wait3A_839 : memref<1x1x1x128xi32, #tpu.memory_space<vmem>> -> memref<128xi32, #tpu.memory_space<vmem>>
      %dma_wait3A_841 = arith.constant 0 : i32
      %dma_wait3A_842 = arith.constant 0 : i32
      %dma_wait3A_843 = tpu.memref_slice %arg2[%dma_wait3A_841, %dma_wait3A_842] : memref<20000x128xf32, #tpu.memory_space<hbm>> -> memref<20000x128xf32, #tpu.memory_space<hbm>>
      tpu.wait_indirect_dma semaphore(%arg15 : memref<!tpu.dma_semaphore, #tpu.memory_space<semaphore_mem>>) src(%dma_wait3A_843 : memref<20000x128xf32, #tpu.memory_space<hbm>>) dst(%dma_wait3A_837 : memref<128x128xf32, #tpu.memory_space<vmem>>)
      %run_scoped3A_844 = arith.constant 0 : i32
      %run_scoped3A_845 = arith.constant 1 : i32
      %run_scoped3A_846 = arith.constant 6 : i32
      %run_scoped3A_847 = arith.constant 1 : i32
      "tpu.region"() ({
        %run_scoped3A_1150 = tpu.sem_alloc : memref<!tpu.dma_semaphore, #tpu.memory_space<semaphore_mem>>
        %dma_start3A_1151 = arith.constant 0 : i32
        %dma_start3A_1152 = arith.constant 0 : i32
        %dma_start3A_1153 = tpu.memref_slice %arg10[%run_scoped3A_844, %dma_start3A_1151, %dma_start3A_1152] : memref<2x128x128xf32, #tpu.memory_space<vmem>> -> memref<1x128x128xf32, #tpu.memory_space<vmem>>
        %dma_start3A_1154 = tpu.memref_squeeze %dma_start3A_1153 : memref<1x128x128xf32, #tpu.memory_space<vmem>> -> memref<128x128xf32, #tpu.memory_space<vmem>>
        %dma_start3A_1155 = arith.constant 0 : i32
        %dma_start3A_1156 = tpu.memref_slice %arg9[%run_scoped3A_845, %run_scoped3A_846, %run_scoped3A_847, %dma_start3A_1155] : memref<2x16x2x128xi32, #tpu.memory_space<vmem>> -> memref<1x1x1x128xi32, #tpu.memory_space<vmem>>
        %dma_start3A_1157 = tpu.memref_squeeze %dma_start3A_1156 : memref<1x1x1x128xi32, #tpu.memory_space<vmem>> -> memref<128xi32, #tpu.memory_space<vmem>>
        %dma_start3A_1158 = arith.constant 0 : i32
        %dma_start3A_1159 = arith.constant 0 : i32
        %dma_start3A_1160 = tpu.memref_slice %arg12[%dma_start3A_1158, %dma_start3A_1159] : memref<10240x128xf32, #tpu.memory_space<vmem_shared>> -> memref<10240x128xf32, #tpu.memory_space<vmem_shared>>
        tpu.enqueue_indirect_dma source(%dma_start3A_1154 : memref<128x128xf32, #tpu.memory_space<vmem>>) target(%dma_start3A_1160 : memref<10240x128xf32, #tpu.memory_space<vmem_shared>>) offsets(%dma_start3A_1157 : memref<128xi32, #tpu.memory_space<vmem>>) semaphore(%run_scoped3A_1150 : memref<!tpu.dma_semaphore, #tpu.memory_space<semaphore_mem>>) {add = true}
        %dma_wait3A_1161 = arith.constant 0 : i32
        %dma_wait3A_1162 = arith.constant 0 : i32
        %dma_wait3A_1163 = tpu.memref_slice %arg10[%run_scoped3A_844, %dma_wait3A_1161, %dma_wait3A_1162] : memref<2x128x128xf32, #tpu.memory_space<vmem>> -> memref<1x128x128xf32, #tpu.memory_space<vmem>>
        %dma_wait3A_1164 = tpu.memref_squeeze %dma_wait3A_1163 : memref<1x128x128xf32, #tpu.memory_space<vmem>> -> memref<128x128xf32, #tpu.memory_space<vmem>>
        %dma_wait3A_1165 = arith.constant 0 : i32
        %dma_wait3A_1166 = tpu.memref_slice %arg9[%run_scoped3A_845, %run_scoped3A_846, %run_scoped3A_847, %dma_wait3A_1165] : memref<2x16x2x128xi32, #tpu.memory_space<vmem>> -> memref<1x1x1x128xi32, #tpu.memory_space<vmem>>
        %dma_wait3A_1167 = tpu.memref_squeeze %dma_wait3A_1166 : memref<1x1x1x128xi32, #tpu.memory_space<vmem>> -> memref<128xi32, #tpu.memory_space<vmem>>
        %dma_wait3A_1168 = arith.constant 0 : i32
        %dma_wait3A_1169 = arith.constant 0 : i32
        %dma_wait3A_1170 = tpu.memref_slice %arg12[%dma_wait3A_1168, %dma_wait3A_1169] : memref<10240x128xf32, #tpu.memory_space<vmem_shared>> -> memref<10240x128xf32, #tpu.memory_space<vmem_shared>>
        tpu.wait_indirect_dma semaphore(%run_scoped3A_1150 : memref<!tpu.dma_semaphore, #tpu.memory_space<semaphore_mem>>) src(%dma_wait3A_1164 : memref<128x128xf32, #tpu.memory_space<vmem>>) dst(%dma_wait3A_1170 : memref<10240x128xf32, #tpu.memory_space<vmem_shared>>)
        tpu.yield
      }) : () -> ()
      %dma_start3A_848 = arith.constant 1 : i32
      %dma_start3A_849 = arith.constant 8 : i32
      %dma_start3A_850 = arith.constant 0 : i32
      %dma_start3A_851 = arith.constant 0 : i32
      %dma_start3A_852 = arith.constant 0 : i32
      %dma_start3A_853 = arith.constant 0 : i32
      %dma_start3A_854 = tpu.memref_slice %arg10[%dma_start3A_851, %dma_start3A_852, %dma_start3A_853] : memref<2x128x128xf32, #tpu.memory_space<vmem>> -> memref<1x128x128xf32, #tpu.memory_space<vmem>>
      %dma_start3A_855 = tpu.memref_squeeze %dma_start3A_854 : memref<1x128x128xf32, #tpu.memory_space<vmem>> -> memref<128x128xf32, #tpu.memory_space<vmem>>
      %dma_start3A_856 = arith.constant 0 : i32
      %dma_start3A_857 = tpu.memref_slice %arg9[%dma_start3A_848, %dma_start3A_849, %dma_start3A_850, %dma_start3A_856] : memref<2x16x2x128xi32, #tpu.memory_space<vmem>> -> memref<1x1x1x128xi32, #tpu.memory_space<vmem>>
      %dma_start3A_858 = tpu.memref_squeeze %dma_start3A_857 : memref<1x1x1x128xi32, #tpu.memory_space<vmem>> -> memref<128xi32, #tpu.memory_space<vmem>>
      %dma_start3A_859 = arith.constant 0 : i32
      %dma_start3A_860 = arith.constant 0 : i32
      %dma_start3A_861 = tpu.memref_slice %arg2[%dma_start3A_859, %dma_start3A_860] : memref<20000x128xf32, #tpu.memory_space<hbm>> -> memref<20000x128xf32, #tpu.memory_space<hbm>>
      tpu.enqueue_indirect_dma source(%dma_start3A_861 : memref<20000x128xf32, #tpu.memory_space<hbm>>) target(%dma_start3A_855 : memref<128x128xf32, #tpu.memory_space<vmem>>) offsets(%dma_start3A_858 : memref<128xi32, #tpu.memory_space<vmem>>) semaphore(%arg15 : memref<!tpu.dma_semaphore, #tpu.memory_space<semaphore_mem>>)
      %dma_wait3A_862 = arith.constant 0 : i32
      %dma_wait3A_863 = arith.constant 0 : i32
      %dma_wait3A_864 = arith.constant 0 : i32
      %dma_wait3A_865 = arith.constant 1 : i32
      %dma_wait3A_866 = arith.constant 0 : i32
      %dma_wait3A_867 = arith.constant 0 : i32
      %dma_wait3A_868 = tpu.memref_slice %arg10[%dma_wait3A_865, %dma_wait3A_866, %dma_wait3A_867] : memref<2x128x128xf32, #tpu.memory_space<vmem>> -> memref<1x128x128xf32, #tpu.memory_space<vmem>>
      %dma_wait3A_869 = tpu.memref_squeeze %dma_wait3A_868 : memref<1x128x128xf32, #tpu.memory_space<vmem>> -> memref<128x128xf32, #tpu.memory_space<vmem>>
      %dma_wait3A_870 = arith.constant 0 : i32
      %dma_wait3A_871 = tpu.memref_slice %arg9[%dma_wait3A_862, %dma_wait3A_863, %dma_wait3A_864, %dma_wait3A_870] : memref<2x16x2x128xi32, #tpu.memory_space<vmem>> -> memref<1x1x1x128xi32, #tpu.memory_space<vmem>>
      %dma_wait3A_872 = tpu.memref_squeeze %dma_wait3A_871 : memref<1x1x1x128xi32, #tpu.memory_space<vmem>> -> memref<128xi32, #tpu.memory_space<vmem>>
      %dma_wait3A_873 = arith.constant 0 : i32
      %dma_wait3A_874 = arith.constant 0 : i32
      %dma_wait3A_875 = tpu.memref_slice %arg2[%dma_wait3A_873, %dma_wait3A_874] : memref<20000x128xf32, #tpu.memory_space<hbm>> -> memref<20000x128xf32, #tpu.memory_space<hbm>>
      tpu.wait_indirect_dma semaphore(%arg16 : memref<!tpu.dma_semaphore, #tpu.memory_space<semaphore_mem>>) src(%dma_wait3A_875 : memref<20000x128xf32, #tpu.memory_space<hbm>>) dst(%dma_wait3A_869 : memref<128x128xf32, #tpu.memory_space<vmem>>)
      %run_scoped3A_876 = arith.constant 1 : i32
      %run_scoped3A_877 = arith.constant 1 : i32
      %run_scoped3A_878 = arith.constant 7 : i32
      %run_scoped3A_879 = arith.constant 1 : i32
      "tpu.region"() ({
        %run_scoped3A_1150 = tpu.sem_alloc : memref<!tpu.dma_semaphore, #tpu.memory_space<semaphore_mem>>
        %dma_start3A_1151 = arith.constant 0 : i32
        %dma_start3A_1152 = arith.constant 0 : i32
        %dma_start3A_1153 = tpu.memref_slice %arg10[%run_scoped3A_876, %dma_start3A_1151, %dma_start3A_1152] : memref<2x128x128xf32, #tpu.memory_space<vmem>> -> memref<1x128x128xf32, #tpu.memory_space<vmem>>
        %dma_start3A_1154 = tpu.memref_squeeze %dma_start3A_1153 : memref<1x128x128xf32, #tpu.memory_space<vmem>> -> memref<128x128xf32, #tpu.memory_space<vmem>>
        %dma_start3A_1155 = arith.constant 0 : i32
        %dma_start3A_1156 = tpu.memref_slice %arg9[%run_scoped3A_877, %run_scoped3A_878, %run_scoped3A_879, %dma_start3A_1155] : memref<2x16x2x128xi32, #tpu.memory_space<vmem>> -> memref<1x1x1x128xi32, #tpu.memory_space<vmem>>
        %dma_start3A_1157 = tpu.memref_squeeze %dma_start3A_1156 : memref<1x1x1x128xi32, #tpu.memory_space<vmem>> -> memref<128xi32, #tpu.memory_space<vmem>>
        %dma_start3A_1158 = arith.constant 0 : i32
        %dma_start3A_1159 = arith.constant 0 : i32
        %dma_start3A_1160 = tpu.memref_slice %arg12[%dma_start3A_1158, %dma_start3A_1159] : memref<10240x128xf32, #tpu.memory_space<vmem_shared>> -> memref<10240x128xf32, #tpu.memory_space<vmem_shared>>
        tpu.enqueue_indirect_dma source(%dma_start3A_1154 : memref<128x128xf32, #tpu.memory_space<vmem>>) target(%dma_start3A_1160 : memref<10240x128xf32, #tpu.memory_space<vmem_shared>>) offsets(%dma_start3A_1157 : memref<128xi32, #tpu.memory_space<vmem>>) semaphore(%run_scoped3A_1150 : memref<!tpu.dma_semaphore, #tpu.memory_space<semaphore_mem>>) {add = true}
        %dma_wait3A_1161 = arith.constant 0 : i32
        %dma_wait3A_1162 = arith.constant 0 : i32
        %dma_wait3A_1163 = tpu.memref_slice %arg10[%run_scoped3A_876, %dma_wait3A_1161, %dma_wait3A_1162] : memref<2x128x128xf32, #tpu.memory_space<vmem>> -> memref<1x128x128xf32, #tpu.memory_space<vmem>>
        %dma_wait3A_1164 = tpu.memref_squeeze %dma_wait3A_1163 : memref<1x128x128xf32, #tpu.memory_space<vmem>> -> memref<128x128xf32, #tpu.memory_space<vmem>>
        %dma_wait3A_1165 = arith.constant 0 : i32
        %dma_wait3A_1166 = tpu.memref_slice %arg9[%run_scoped3A_877, %run_scoped3A_878, %run_scoped3A_879, %dma_wait3A_1165] : memref<2x16x2x128xi32, #tpu.memory_space<vmem>> -> memref<1x1x1x128xi32, #tpu.memory_space<vmem>>
        %dma_wait3A_1167 = tpu.memref_squeeze %dma_wait3A_1166 : memref<1x1x1x128xi32, #tpu.memory_space<vmem>> -> memref<128xi32, #tpu.memory_space<vmem>>
        %dma_wait3A_1168 = arith.constant 0 : i32
        %dma_wait3A_1169 = arith.constant 0 : i32
        %dma_wait3A_1170 = tpu.memref_slice %arg12[%dma_wait3A_1168, %dma_wait3A_1169] : memref<10240x128xf32, #tpu.memory_space<vmem_shared>> -> memref<10240x128xf32, #tpu.memory_space<vmem_shared>>
        tpu.wait_indirect_dma semaphore(%run_scoped3A_1150 : memref<!tpu.dma_semaphore, #tpu.memory_space<semaphore_mem>>) src(%dma_wait3A_1164 : memref<128x128xf32, #tpu.memory_space<vmem>>) dst(%dma_wait3A_1170 : memref<10240x128xf32, #tpu.memory_space<vmem_shared>>)
        tpu.yield
      }) : () -> ()
      %dma_start3A_880 = arith.constant 1 : i32
      %dma_start3A_881 = arith.constant 9 : i32
      %dma_start3A_882 = arith.constant 0 : i32
      %dma_start3A_883 = arith.constant 1 : i32
      %dma_start3A_884 = arith.constant 0 : i32
      %dma_start3A_885 = arith.constant 0 : i32
      %dma_start3A_886 = tpu.memref_slice %arg10[%dma_start3A_883, %dma_start3A_884, %dma_start3A_885] : memref<2x128x128xf32, #tpu.memory_space<vmem>> -> memref<1x128x128xf32, #tpu.memory_space<vmem>>
      %dma_start3A_887 = tpu.memref_squeeze %dma_start3A_886 : memref<1x128x128xf32, #tpu.memory_space<vmem>> -> memref<128x128xf32, #tpu.memory_space<vmem>>
      %dma_start3A_888 = arith.constant 0 : i32
      %dma_start3A_889 = tpu.memref_slice %arg9[%dma_start3A_880, %dma_start3A_881, %dma_start3A_882, %dma_start3A_888] : memref<2x16x2x128xi32, #tpu.memory_space<vmem>> -> memref<1x1x1x128xi32, #tpu.memory_space<vmem>>
      %dma_start3A_890 = tpu.memref_squeeze %dma_start3A_889 : memref<1x1x1x128xi32, #tpu.memory_space<vmem>> -> memref<128xi32, #tpu.memory_space<vmem>>
      %dma_start3A_891 = arith.constant 0 : i32
      %dma_start3A_892 = arith.constant 0 : i32
      %dma_start3A_893 = tpu.memref_slice %arg2[%dma_start3A_891, %dma_start3A_892] : memref<20000x128xf32, #tpu.memory_space<hbm>> -> memref<20000x128xf32, #tpu.memory_space<hbm>>
      tpu.enqueue_indirect_dma source(%dma_start3A_893 : memref<20000x128xf32, #tpu.memory_space<hbm>>) target(%dma_start3A_887 : memref<128x128xf32, #tpu.memory_space<vmem>>) offsets(%dma_start3A_890 : memref<128xi32, #tpu.memory_space<vmem>>) semaphore(%arg16 : memref<!tpu.dma_semaphore, #tpu.memory_space<semaphore_mem>>)
      %dma_wait3A_894 = arith.constant 0 : i32
      %dma_wait3A_895 = arith.constant 0 : i32
      %dma_wait3A_896 = arith.constant 0 : i32
      %dma_wait3A_897 = arith.constant 0 : i32
      %dma_wait3A_898 = arith.constant 0 : i32
      %dma_wait3A_899 = arith.constant 0 : i32
      %dma_wait3A_900 = tpu.memref_slice %arg10[%dma_wait3A_897, %dma_wait3A_898, %dma_wait3A_899] : memref<2x128x128xf32, #tpu.memory_space<vmem>> -> memref<1x128x128xf32, #tpu.memory_space<vmem>>
      %dma_wait3A_901 = tpu.memref_squeeze %dma_wait3A_900 : memref<1x128x128xf32, #tpu.memory_space<vmem>> -> memref<128x128xf32, #tpu.memory_space<vmem>>
      %dma_wait3A_902 = arith.constant 0 : i32
      %dma_wait3A_903 = tpu.memref_slice %arg9[%dma_wait3A_894, %dma_wait3A_895, %dma_wait3A_896, %dma_wait3A_902] : memref<2x16x2x128xi32, #tpu.memory_space<vmem>> -> memref<1x1x1x128xi32, #tpu.memory_space<vmem>>
      %dma_wait3A_904 = tpu.memref_squeeze %dma_wait3A_903 : memref<1x1x1x128xi32, #tpu.memory_space<vmem>> -> memref<128xi32, #tpu.memory_space<vmem>>
      %dma_wait3A_905 = arith.constant 0 : i32
      %dma_wait3A_906 = arith.constant 0 : i32
      %dma_wait3A_907 = tpu.memref_slice %arg2[%dma_wait3A_905, %dma_wait3A_906] : memref<20000x128xf32, #tpu.memory_space<hbm>> -> memref<20000x128xf32, #tpu.memory_space<hbm>>
      tpu.wait_indirect_dma semaphore(%arg15 : memref<!tpu.dma_semaphore, #tpu.memory_space<semaphore_mem>>) src(%dma_wait3A_907 : memref<20000x128xf32, #tpu.memory_space<hbm>>) dst(%dma_wait3A_901 : memref<128x128xf32, #tpu.memory_space<vmem>>)
      %run_scoped3A_908 = arith.constant 0 : i32
      %run_scoped3A_909 = arith.constant 1 : i32
      %run_scoped3A_910 = arith.constant 8 : i32
      %run_scoped3A_911 = arith.constant 1 : i32
      "tpu.region"() ({
        %run_scoped3A_1150 = tpu.sem_alloc : memref<!tpu.dma_semaphore, #tpu.memory_space<semaphore_mem>>
        %dma_start3A_1151 = arith.constant 0 : i32
        %dma_start3A_1152 = arith.constant 0 : i32
        %dma_start3A_1153 = tpu.memref_slice %arg10[%run_scoped3A_908, %dma_start3A_1151, %dma_start3A_1152] : memref<2x128x128xf32, #tpu.memory_space<vmem>> -> memref<1x128x128xf32, #tpu.memory_space<vmem>>
        %dma_start3A_1154 = tpu.memref_squeeze %dma_start3A_1153 : memref<1x128x128xf32, #tpu.memory_space<vmem>> -> memref<128x128xf32, #tpu.memory_space<vmem>>
        %dma_start3A_1155 = arith.constant 0 : i32
        %dma_start3A_1156 = tpu.memref_slice %arg9[%run_scoped3A_909, %run_scoped3A_910, %run_scoped3A_911, %dma_start3A_1155] : memref<2x16x2x128xi32, #tpu.memory_space<vmem>> -> memref<1x1x1x128xi32, #tpu.memory_space<vmem>>
        %dma_start3A_1157 = tpu.memref_squeeze %dma_start3A_1156 : memref<1x1x1x128xi32, #tpu.memory_space<vmem>> -> memref<128xi32, #tpu.memory_space<vmem>>
        %dma_start3A_1158 = arith.constant 0 : i32
        %dma_start3A_1159 = arith.constant 0 : i32
        %dma_start3A_1160 = tpu.memref_slice %arg12[%dma_start3A_1158, %dma_start3A_1159] : memref<10240x128xf32, #tpu.memory_space<vmem_shared>> -> memref<10240x128xf32, #tpu.memory_space<vmem_shared>>
        tpu.enqueue_indirect_dma source(%dma_start3A_1154 : memref<128x128xf32, #tpu.memory_space<vmem>>) target(%dma_start3A_1160 : memref<10240x128xf32, #tpu.memory_space<vmem_shared>>) offsets(%dma_start3A_1157 : memref<128xi32, #tpu.memory_space<vmem>>) semaphore(%run_scoped3A_1150 : memref<!tpu.dma_semaphore, #tpu.memory_space<semaphore_mem>>) {add = true}
        %dma_wait3A_1161 = arith.constant 0 : i32
        %dma_wait3A_1162 = arith.constant 0 : i32
        %dma_wait3A_1163 = tpu.memref_slice %arg10[%run_scoped3A_908, %dma_wait3A_1161, %dma_wait3A_1162] : memref<2x128x128xf32, #tpu.memory_space<vmem>> -> memref<1x128x128xf32, #tpu.memory_space<vmem>>
        %dma_wait3A_1164 = tpu.memref_squeeze %dma_wait3A_1163 : memref<1x128x128xf32, #tpu.memory_space<vmem>> -> memref<128x128xf32, #tpu.memory_space<vmem>>
        %dma_wait3A_1165 = arith.constant 0 : i32
        %dma_wait3A_1166 = tpu.memref_slice %arg9[%run_scoped3A_909, %run_scoped3A_910, %run_scoped3A_911, %dma_wait3A_1165] : memref<2x16x2x128xi32, #tpu.memory_space<vmem>> -> memref<1x1x1x128xi32, #tpu.memory_space<vmem>>
        %dma_wait3A_1167 = tpu.memref_squeeze %dma_wait3A_1166 : memref<1x1x1x128xi32, #tpu.memory_space<vmem>> -> memref<128xi32, #tpu.memory_space<vmem>>
        %dma_wait3A_1168 = arith.constant 0 : i32
        %dma_wait3A_1169 = arith.constant 0 : i32
        %dma_wait3A_1170 = tpu.memref_slice %arg12[%dma_wait3A_1168, %dma_wait3A_1169] : memref<10240x128xf32, #tpu.memory_space<vmem_shared>> -> memref<10240x128xf32, #tpu.memory_space<vmem_shared>>
        tpu.wait_indirect_dma semaphore(%run_scoped3A_1150 : memref<!tpu.dma_semaphore, #tpu.memory_space<semaphore_mem>>) src(%dma_wait3A_1164 : memref<128x128xf32, #tpu.memory_space<vmem>>) dst(%dma_wait3A_1170 : memref<10240x128xf32, #tpu.memory_space<vmem_shared>>)
        tpu.yield
      }) : () -> ()
      %dma_start3A_912 = arith.constant 1 : i32
      %dma_start3A_913 = arith.constant 10 : i32
      %dma_start3A_914 = arith.constant 0 : i32
      %dma_start3A_915 = arith.constant 0 : i32
      %dma_start3A_916 = arith.constant 0 : i32
      %dma_start3A_917 = arith.constant 0 : i32
      %dma_start3A_918 = tpu.memref_slice %arg10[%dma_start3A_915, %dma_start3A_916, %dma_start3A_917] : memref<2x128x128xf32, #tpu.memory_space<vmem>> -> memref<1x128x128xf32, #tpu.memory_space<vmem>>
      %dma_start3A_919 = tpu.memref_squeeze %dma_start3A_918 : memref<1x128x128xf32, #tpu.memory_space<vmem>> -> memref<128x128xf32, #tpu.memory_space<vmem>>
      %dma_start3A_920 = arith.constant 0 : i32
      %dma_start3A_921 = tpu.memref_slice %arg9[%dma_start3A_912, %dma_start3A_913, %dma_start3A_914, %dma_start3A_920] : memref<2x16x2x128xi32, #tpu.memory_space<vmem>> -> memref<1x1x1x128xi32, #tpu.memory_space<vmem>>
      %dma_start3A_922 = tpu.memref_squeeze %dma_start3A_921 : memref<1x1x1x128xi32, #tpu.memory_space<vmem>> -> memref<128xi32, #tpu.memory_space<vmem>>
      %dma_start3A_923 = arith.constant 0 : i32
      %dma_start3A_924 = arith.constant 0 : i32
      %dma_start3A_925 = tpu.memref_slice %arg2[%dma_start3A_923, %dma_start3A_924] : memref<20000x128xf32, #tpu.memory_space<hbm>> -> memref<20000x128xf32, #tpu.memory_space<hbm>>
      tpu.enqueue_indirect_dma source(%dma_start3A_925 : memref<20000x128xf32, #tpu.memory_space<hbm>>) target(%dma_start3A_919 : memref<128x128xf32, #tpu.memory_space<vmem>>) offsets(%dma_start3A_922 : memref<128xi32, #tpu.memory_space<vmem>>) semaphore(%arg15 : memref<!tpu.dma_semaphore, #tpu.memory_space<semaphore_mem>>)
      %dma_wait3A_926 = arith.constant 0 : i32
      %dma_wait3A_927 = arith.constant 0 : i32
      %dma_wait3A_928 = arith.constant 0 : i32
      %dma_wait3A_929 = arith.constant 1 : i32
      %dma_wait3A_930 = arith.constant 0 : i32
      %dma_wait3A_931 = arith.constant 0 : i32
      %dma_wait3A_932 = tpu.memref_slice %arg10[%dma_wait3A_929, %dma_wait3A_930, %dma_wait3A_931] : memref<2x128x128xf32, #tpu.memory_space<vmem>> -> memref<1x128x128xf32, #tpu.memory_space<vmem>>
      %dma_wait3A_933 = tpu.memref_squeeze %dma_wait3A_932 : memref<1x128x128xf32, #tpu.memory_space<vmem>> -> memref<128x128xf32, #tpu.memory_space<vmem>>
      %dma_wait3A_934 = arith.constant 0 : i32
      %dma_wait3A_935 = tpu.memref_slice %arg9[%dma_wait3A_926, %dma_wait3A_927, %dma_wait3A_928, %dma_wait3A_934] : memref<2x16x2x128xi32, #tpu.memory_space<vmem>> -> memref<1x1x1x128xi32, #tpu.memory_space<vmem>>
      %dma_wait3A_936 = tpu.memref_squeeze %dma_wait3A_935 : memref<1x1x1x128xi32, #tpu.memory_space<vmem>> -> memref<128xi32, #tpu.memory_space<vmem>>
      %dma_wait3A_937 = arith.constant 0 : i32
      %dma_wait3A_938 = arith.constant 0 : i32
      %dma_wait3A_939 = tpu.memref_slice %arg2[%dma_wait3A_937, %dma_wait3A_938] : memref<20000x128xf32, #tpu.memory_space<hbm>> -> memref<20000x128xf32, #tpu.memory_space<hbm>>
      tpu.wait_indirect_dma semaphore(%arg16 : memref<!tpu.dma_semaphore, #tpu.memory_space<semaphore_mem>>) src(%dma_wait3A_939 : memref<20000x128xf32, #tpu.memory_space<hbm>>) dst(%dma_wait3A_933 : memref<128x128xf32, #tpu.memory_space<vmem>>)
      %run_scoped3A_940 = arith.constant 1 : i32
      %run_scoped3A_941 = arith.constant 1 : i32
      %run_scoped3A_942 = arith.constant 9 : i32
      %run_scoped3A_943 = arith.constant 1 : i32
      "tpu.region"() ({
        %run_scoped3A_1150 = tpu.sem_alloc : memref<!tpu.dma_semaphore, #tpu.memory_space<semaphore_mem>>
        %dma_start3A_1151 = arith.constant 0 : i32
        %dma_start3A_1152 = arith.constant 0 : i32
        %dma_start3A_1153 = tpu.memref_slice %arg10[%run_scoped3A_940, %dma_start3A_1151, %dma_start3A_1152] : memref<2x128x128xf32, #tpu.memory_space<vmem>> -> memref<1x128x128xf32, #tpu.memory_space<vmem>>
        %dma_start3A_1154 = tpu.memref_squeeze %dma_start3A_1153 : memref<1x128x128xf32, #tpu.memory_space<vmem>> -> memref<128x128xf32, #tpu.memory_space<vmem>>
        %dma_start3A_1155 = arith.constant 0 : i32
        %dma_start3A_1156 = tpu.memref_slice %arg9[%run_scoped3A_941, %run_scoped3A_942, %run_scoped3A_943, %dma_start3A_1155] : memref<2x16x2x128xi32, #tpu.memory_space<vmem>> -> memref<1x1x1x128xi32, #tpu.memory_space<vmem>>
        %dma_start3A_1157 = tpu.memref_squeeze %dma_start3A_1156 : memref<1x1x1x128xi32, #tpu.memory_space<vmem>> -> memref<128xi32, #tpu.memory_space<vmem>>
        %dma_start3A_1158 = arith.constant 0 : i32
        %dma_start3A_1159 = arith.constant 0 : i32
        %dma_start3A_1160 = tpu.memref_slice %arg12[%dma_start3A_1158, %dma_start3A_1159] : memref<10240x128xf32, #tpu.memory_space<vmem_shared>> -> memref<10240x128xf32, #tpu.memory_space<vmem_shared>>
        tpu.enqueue_indirect_dma source(%dma_start3A_1154 : memref<128x128xf32, #tpu.memory_space<vmem>>) target(%dma_start3A_1160 : memref<10240x128xf32, #tpu.memory_space<vmem_shared>>) offsets(%dma_start3A_1157 : memref<128xi32, #tpu.memory_space<vmem>>) semaphore(%run_scoped3A_1150 : memref<!tpu.dma_semaphore, #tpu.memory_space<semaphore_mem>>) {add = true}
        %dma_wait3A_1161 = arith.constant 0 : i32
        %dma_wait3A_1162 = arith.constant 0 : i32
        %dma_wait3A_1163 = tpu.memref_slice %arg10[%run_scoped3A_940, %dma_wait3A_1161, %dma_wait3A_1162] : memref<2x128x128xf32, #tpu.memory_space<vmem>> -> memref<1x128x128xf32, #tpu.memory_space<vmem>>
        %dma_wait3A_1164 = tpu.memref_squeeze %dma_wait3A_1163 : memref<1x128x128xf32, #tpu.memory_space<vmem>> -> memref<128x128xf32, #tpu.memory_space<vmem>>
        %dma_wait3A_1165 = arith.constant 0 : i32
        %dma_wait3A_1166 = tpu.memref_slice %arg9[%run_scoped3A_941, %run_scoped3A_942, %run_scoped3A_943, %dma_wait3A_1165] : memref<2x16x2x128xi32, #tpu.memory_space<vmem>> -> memref<1x1x1x128xi32, #tpu.memory_space<vmem>>
        %dma_wait3A_1167 = tpu.memref_squeeze %dma_wait3A_1166 : memref<1x1x1x128xi32, #tpu.memory_space<vmem>> -> memref<128xi32, #tpu.memory_space<vmem>>
        %dma_wait3A_1168 = arith.constant 0 : i32
        %dma_wait3A_1169 = arith.constant 0 : i32
        %dma_wait3A_1170 = tpu.memref_slice %arg12[%dma_wait3A_1168, %dma_wait3A_1169] : memref<10240x128xf32, #tpu.memory_space<vmem_shared>> -> memref<10240x128xf32, #tpu.memory_space<vmem_shared>>
        tpu.wait_indirect_dma semaphore(%run_scoped3A_1150 : memref<!tpu.dma_semaphore, #tpu.memory_space<semaphore_mem>>) src(%dma_wait3A_1164 : memref<128x128xf32, #tpu.memory_space<vmem>>) dst(%dma_wait3A_1170 : memref<10240x128xf32, #tpu.memory_space<vmem_shared>>)
        tpu.yield
      }) : () -> ()
      %dma_start3A_944 = arith.constant 1 : i32
      %dma_start3A_945 = arith.constant 11 : i32
      %dma_start3A_946 = arith.constant 0 : i32
      %dma_start3A_947 = arith.constant 1 : i32
      %dma_start3A_948 = arith.constant 0 : i32
      %dma_start3A_949 = arith.constant 0 : i32
      %dma_start3A_950 = tpu.memref_slice %arg10[%dma_start3A_947, %dma_start3A_948, %dma_start3A_949] : memref<2x128x128xf32, #tpu.memory_space<vmem>> -> memref<1x128x128xf32, #tpu.memory_space<vmem>>
      %dma_start3A_951 = tpu.memref_squeeze %dma_start3A_950 : memref<1x128x128xf32, #tpu.memory_space<vmem>> -> memref<128x128xf32, #tpu.memory_space<vmem>>
      %dma_start3A_952 = arith.constant 0 : i32
      %dma_start3A_953 = tpu.memref_slice %arg9[%dma_start3A_944, %dma_start3A_945, %dma_start3A_946, %dma_start3A_952] : memref<2x16x2x128xi32, #tpu.memory_space<vmem>> -> memref<1x1x1x128xi32, #tpu.memory_space<vmem>>
      %dma_start3A_954 = tpu.memref_squeeze %dma_start3A_953 : memref<1x1x1x128xi32, #tpu.memory_space<vmem>> -> memref<128xi32, #tpu.memory_space<vmem>>
      %dma_start3A_955 = arith.constant 0 : i32
      %dma_start3A_956 = arith.constant 0 : i32
      %dma_start3A_957 = tpu.memref_slice %arg2[%dma_start3A_955, %dma_start3A_956] : memref<20000x128xf32, #tpu.memory_space<hbm>> -> memref<20000x128xf32, #tpu.memory_space<hbm>>
      tpu.enqueue_indirect_dma source(%dma_start3A_957 : memref<20000x128xf32, #tpu.memory_space<hbm>>) target(%dma_start3A_951 : memref<128x128xf32, #tpu.memory_space<vmem>>) offsets(%dma_start3A_954 : memref<128xi32, #tpu.memory_space<vmem>>) semaphore(%arg16 : memref<!tpu.dma_semaphore, #tpu.memory_space<semaphore_mem>>)
      %dma_wait3A_958 = arith.constant 0 : i32
      %dma_wait3A_959 = arith.constant 0 : i32
      %dma_wait3A_960 = arith.constant 0 : i32
      %dma_wait3A_961 = arith.constant 0 : i32
      %dma_wait3A_962 = arith.constant 0 : i32
      %dma_wait3A_963 = arith.constant 0 : i32
      %dma_wait3A_964 = tpu.memref_slice %arg10[%dma_wait3A_961, %dma_wait3A_962, %dma_wait3A_963] : memref<2x128x128xf32, #tpu.memory_space<vmem>> -> memref<1x128x128xf32, #tpu.memory_space<vmem>>
      %dma_wait3A_965 = tpu.memref_squeeze %dma_wait3A_964 : memref<1x128x128xf32, #tpu.memory_space<vmem>> -> memref<128x128xf32, #tpu.memory_space<vmem>>
      %dma_wait3A_966 = arith.constant 0 : i32
      %dma_wait3A_967 = tpu.memref_slice %arg9[%dma_wait3A_958, %dma_wait3A_959, %dma_wait3A_960, %dma_wait3A_966] : memref<2x16x2x128xi32, #tpu.memory_space<vmem>> -> memref<1x1x1x128xi32, #tpu.memory_space<vmem>>
      %dma_wait3A_968 = tpu.memref_squeeze %dma_wait3A_967 : memref<1x1x1x128xi32, #tpu.memory_space<vmem>> -> memref<128xi32, #tpu.memory_space<vmem>>
      %dma_wait3A_969 = arith.constant 0 : i32
      %dma_wait3A_970 = arith.constant 0 : i32
      %dma_wait3A_971 = tpu.memref_slice %arg2[%dma_wait3A_969, %dma_wait3A_970] : memref<20000x128xf32, #tpu.memory_space<hbm>> -> memref<20000x128xf32, #tpu.memory_space<hbm>>
      tpu.wait_indirect_dma semaphore(%arg15 : memref<!tpu.dma_semaphore, #tpu.memory_space<semaphore_mem>>) src(%dma_wait3A_971 : memref<20000x128xf32, #tpu.memory_space<hbm>>) dst(%dma_wait3A_965 : memref<128x128xf32, #tpu.memory_space<vmem>>)
      %run_scoped3A_972 = arith.constant 0 : i32
      %run_scoped3A_973 = arith.constant 1 : i32
      %run_scoped3A_974 = arith.constant 10 : i32
      %run_scoped3A_975 = arith.constant 1 : i32
      "tpu.region"() ({
        %run_scoped3A_1150 = tpu.sem_alloc : memref<!tpu.dma_semaphore, #tpu.memory_space<semaphore_mem>>
        %dma_start3A_1151 = arith.constant 0 : i32
        %dma_start3A_1152 = arith.constant 0 : i32
        %dma_start3A_1153 = tpu.memref_slice %arg10[%run_scoped3A_972, %dma_start3A_1151, %dma_start3A_1152] : memref<2x128x128xf32, #tpu.memory_space<vmem>> -> memref<1x128x128xf32, #tpu.memory_space<vmem>>
        %dma_start3A_1154 = tpu.memref_squeeze %dma_start3A_1153 : memref<1x128x128xf32, #tpu.memory_space<vmem>> -> memref<128x128xf32, #tpu.memory_space<vmem>>
        %dma_start3A_1155 = arith.constant 0 : i32
        %dma_start3A_1156 = tpu.memref_slice %arg9[%run_scoped3A_973, %run_scoped3A_974, %run_scoped3A_975, %dma_start3A_1155] : memref<2x16x2x128xi32, #tpu.memory_space<vmem>> -> memref<1x1x1x128xi32, #tpu.memory_space<vmem>>
        %dma_start3A_1157 = tpu.memref_squeeze %dma_start3A_1156 : memref<1x1x1x128xi32, #tpu.memory_space<vmem>> -> memref<128xi32, #tpu.memory_space<vmem>>
        %dma_start3A_1158 = arith.constant 0 : i32
        %dma_start3A_1159 = arith.constant 0 : i32
        %dma_start3A_1160 = tpu.memref_slice %arg12[%dma_start3A_1158, %dma_start3A_1159] : memref<10240x128xf32, #tpu.memory_space<vmem_shared>> -> memref<10240x128xf32, #tpu.memory_space<vmem_shared>>
        tpu.enqueue_indirect_dma source(%dma_start3A_1154 : memref<128x128xf32, #tpu.memory_space<vmem>>) target(%dma_start3A_1160 : memref<10240x128xf32, #tpu.memory_space<vmem_shared>>) offsets(%dma_start3A_1157 : memref<128xi32, #tpu.memory_space<vmem>>) semaphore(%run_scoped3A_1150 : memref<!tpu.dma_semaphore, #tpu.memory_space<semaphore_mem>>) {add = true}
        %dma_wait3A_1161 = arith.constant 0 : i32
        %dma_wait3A_1162 = arith.constant 0 : i32
        %dma_wait3A_1163 = tpu.memref_slice %arg10[%run_scoped3A_972, %dma_wait3A_1161, %dma_wait3A_1162] : memref<2x128x128xf32, #tpu.memory_space<vmem>> -> memref<1x128x128xf32, #tpu.memory_space<vmem>>
        %dma_wait3A_1164 = tpu.memref_squeeze %dma_wait3A_1163 : memref<1x128x128xf32, #tpu.memory_space<vmem>> -> memref<128x128xf32, #tpu.memory_space<vmem>>
        %dma_wait3A_1165 = arith.constant 0 : i32
        %dma_wait3A_1166 = tpu.memref_slice %arg9[%run_scoped3A_973, %run_scoped3A_974, %run_scoped3A_975, %dma_wait3A_1165] : memref<2x16x2x128xi32, #tpu.memory_space<vmem>> -> memref<1x1x1x128xi32, #tpu.memory_space<vmem>>
        %dma_wait3A_1167 = tpu.memref_squeeze %dma_wait3A_1166 : memref<1x1x1x128xi32, #tpu.memory_space<vmem>> -> memref<128xi32, #tpu.memory_space<vmem>>
        %dma_wait3A_1168 = arith.constant 0 : i32
        %dma_wait3A_1169 = arith.constant 0 : i32
        %dma_wait3A_1170 = tpu.memref_slice %arg12[%dma_wait3A_1168, %dma_wait3A_1169] : memref<10240x128xf32, #tpu.memory_space<vmem_shared>> -> memref<10240x128xf32, #tpu.memory_space<vmem_shared>>
        tpu.wait_indirect_dma semaphore(%run_scoped3A_1150 : memref<!tpu.dma_semaphore, #tpu.memory_space<semaphore_mem>>) src(%dma_wait3A_1164 : memref<128x128xf32, #tpu.memory_space<vmem>>) dst(%dma_wait3A_1170 : memref<10240x128xf32, #tpu.memory_space<vmem_shared>>)
        tpu.yield
      }) : () -> ()
      %dma_start3A_976 = arith.constant 1 : i32
      %dma_start3A_977 = arith.constant 12 : i32
      %dma_start3A_978 = arith.constant 0 : i32
      %dma_start3A_979 = arith.constant 0 : i32
      %dma_start3A_980 = arith.constant 0 : i32
      %dma_start3A_981 = arith.constant 0 : i32
      %dma_start3A_982 = tpu.memref_slice %arg10[%dma_start3A_979, %dma_start3A_980, %dma_start3A_981] : memref<2x128x128xf32, #tpu.memory_space<vmem>> -> memref<1x128x128xf32, #tpu.memory_space<vmem>>
      %dma_start3A_983 = tpu.memref_squeeze %dma_start3A_982 : memref<1x128x128xf32, #tpu.memory_space<vmem>> -> memref<128x128xf32, #tpu.memory_space<vmem>>
      %dma_start3A_984 = arith.constant 0 : i32
      %dma_start3A_985 = tpu.memref_slice %arg9[%dma_start3A_976, %dma_start3A_977, %dma_start3A_978, %dma_start3A_984] : memref<2x16x2x128xi32, #tpu.memory_space<vmem>> -> memref<1x1x1x128xi32, #tpu.memory_space<vmem>>
      %dma_start3A_986 = tpu.memref_squeeze %dma_start3A_985 : memref<1x1x1x128xi32, #tpu.memory_space<vmem>> -> memref<128xi32, #tpu.memory_space<vmem>>
      %dma_start3A_987 = arith.constant 0 : i32
      %dma_start3A_988 = arith.constant 0 : i32
      %dma_start3A_989 = tpu.memref_slice %arg2[%dma_start3A_987, %dma_start3A_988] : memref<20000x128xf32, #tpu.memory_space<hbm>> -> memref<20000x128xf32, #tpu.memory_space<hbm>>
      tpu.enqueue_indirect_dma source(%dma_start3A_989 : memref<20000x128xf32, #tpu.memory_space<hbm>>) target(%dma_start3A_983 : memref<128x128xf32, #tpu.memory_space<vmem>>) offsets(%dma_start3A_986 : memref<128xi32, #tpu.memory_space<vmem>>) semaphore(%arg15 : memref<!tpu.dma_semaphore, #tpu.memory_space<semaphore_mem>>)
      %dma_wait3A_990 = arith.constant 0 : i32
      %dma_wait3A_991 = arith.constant 0 : i32
      %dma_wait3A_992 = arith.constant 0 : i32
      %dma_wait3A_993 = arith.constant 1 : i32
      %dma_wait3A_994 = arith.constant 0 : i32
      %dma_wait3A_995 = arith.constant 0 : i32
      %dma_wait3A_996 = tpu.memref_slice %arg10[%dma_wait3A_993, %dma_wait3A_994, %dma_wait3A_995] : memref<2x128x128xf32, #tpu.memory_space<vmem>> -> memref<1x128x128xf32, #tpu.memory_space<vmem>>
      %dma_wait3A_997 = tpu.memref_squeeze %dma_wait3A_996 : memref<1x128x128xf32, #tpu.memory_space<vmem>> -> memref<128x128xf32, #tpu.memory_space<vmem>>
      %dma_wait3A_998 = arith.constant 0 : i32
      %dma_wait3A_999 = tpu.memref_slice %arg9[%dma_wait3A_990, %dma_wait3A_991, %dma_wait3A_992, %dma_wait3A_998] : memref<2x16x2x128xi32, #tpu.memory_space<vmem>> -> memref<1x1x1x128xi32, #tpu.memory_space<vmem>>
      %dma_wait3A_1000 = tpu.memref_squeeze %dma_wait3A_999 : memref<1x1x1x128xi32, #tpu.memory_space<vmem>> -> memref<128xi32, #tpu.memory_space<vmem>>
      %dma_wait3A_1001 = arith.constant 0 : i32
      %dma_wait3A_1002 = arith.constant 0 : i32
      %dma_wait3A_1003 = tpu.memref_slice %arg2[%dma_wait3A_1001, %dma_wait3A_1002] : memref<20000x128xf32, #tpu.memory_space<hbm>> -> memref<20000x128xf32, #tpu.memory_space<hbm>>
      tpu.wait_indirect_dma semaphore(%arg16 : memref<!tpu.dma_semaphore, #tpu.memory_space<semaphore_mem>>) src(%dma_wait3A_1003 : memref<20000x128xf32, #tpu.memory_space<hbm>>) dst(%dma_wait3A_997 : memref<128x128xf32, #tpu.memory_space<vmem>>)
      %run_scoped3A_1004 = arith.constant 1 : i32
      %run_scoped3A_1005 = arith.constant 1 : i32
      %run_scoped3A_1006 = arith.constant 11 : i32
      %run_scoped3A_1007 = arith.constant 1 : i32
      "tpu.region"() ({
        %run_scoped3A_1150 = tpu.sem_alloc : memref<!tpu.dma_semaphore, #tpu.memory_space<semaphore_mem>>
        %dma_start3A_1151 = arith.constant 0 : i32
        %dma_start3A_1152 = arith.constant 0 : i32
        %dma_start3A_1153 = tpu.memref_slice %arg10[%run_scoped3A_1004, %dma_start3A_1151, %dma_start3A_1152] : memref<2x128x128xf32, #tpu.memory_space<vmem>> -> memref<1x128x128xf32, #tpu.memory_space<vmem>>
        %dma_start3A_1154 = tpu.memref_squeeze %dma_start3A_1153 : memref<1x128x128xf32, #tpu.memory_space<vmem>> -> memref<128x128xf32, #tpu.memory_space<vmem>>
        %dma_start3A_1155 = arith.constant 0 : i32
        %dma_start3A_1156 = tpu.memref_slice %arg9[%run_scoped3A_1005, %run_scoped3A_1006, %run_scoped3A_1007, %dma_start3A_1155] : memref<2x16x2x128xi32, #tpu.memory_space<vmem>> -> memref<1x1x1x128xi32, #tpu.memory_space<vmem>>
        %dma_start3A_1157 = tpu.memref_squeeze %dma_start3A_1156 : memref<1x1x1x128xi32, #tpu.memory_space<vmem>> -> memref<128xi32, #tpu.memory_space<vmem>>
        %dma_start3A_1158 = arith.constant 0 : i32
        %dma_start3A_1159 = arith.constant 0 : i32
        %dma_start3A_1160 = tpu.memref_slice %arg12[%dma_start3A_1158, %dma_start3A_1159] : memref<10240x128xf32, #tpu.memory_space<vmem_shared>> -> memref<10240x128xf32, #tpu.memory_space<vmem_shared>>
        tpu.enqueue_indirect_dma source(%dma_start3A_1154 : memref<128x128xf32, #tpu.memory_space<vmem>>) target(%dma_start3A_1160 : memref<10240x128xf32, #tpu.memory_space<vmem_shared>>) offsets(%dma_start3A_1157 : memref<128xi32, #tpu.memory_space<vmem>>) semaphore(%run_scoped3A_1150 : memref<!tpu.dma_semaphore, #tpu.memory_space<semaphore_mem>>) {add = true}
        %dma_wait3A_1161 = arith.constant 0 : i32
        %dma_wait3A_1162 = arith.constant 0 : i32
        %dma_wait3A_1163 = tpu.memref_slice %arg10[%run_scoped3A_1004, %dma_wait3A_1161, %dma_wait3A_1162] : memref<2x128x128xf32, #tpu.memory_space<vmem>> -> memref<1x128x128xf32, #tpu.memory_space<vmem>>
        %dma_wait3A_1164 = tpu.memref_squeeze %dma_wait3A_1163 : memref<1x128x128xf32, #tpu.memory_space<vmem>> -> memref<128x128xf32, #tpu.memory_space<vmem>>
        %dma_wait3A_1165 = arith.constant 0 : i32
        %dma_wait3A_1166 = tpu.memref_slice %arg9[%run_scoped3A_1005, %run_scoped3A_1006, %run_scoped3A_1007, %dma_wait3A_1165] : memref<2x16x2x128xi32, #tpu.memory_space<vmem>> -> memref<1x1x1x128xi32, #tpu.memory_space<vmem>>
        %dma_wait3A_1167 = tpu.memref_squeeze %dma_wait3A_1166 : memref<1x1x1x128xi32, #tpu.memory_space<vmem>> -> memref<128xi32, #tpu.memory_space<vmem>>
        %dma_wait3A_1168 = arith.constant 0 : i32
        %dma_wait3A_1169 = arith.constant 0 : i32
        %dma_wait3A_1170 = tpu.memref_slice %arg12[%dma_wait3A_1168, %dma_wait3A_1169] : memref<10240x128xf32, #tpu.memory_space<vmem_shared>> -> memref<10240x128xf32, #tpu.memory_space<vmem_shared>>
        tpu.wait_indirect_dma semaphore(%run_scoped3A_1150 : memref<!tpu.dma_semaphore, #tpu.memory_space<semaphore_mem>>) src(%dma_wait3A_1164 : memref<128x128xf32, #tpu.memory_space<vmem>>) dst(%dma_wait3A_1170 : memref<10240x128xf32, #tpu.memory_space<vmem_shared>>)
        tpu.yield
      }) : () -> ()
      %dma_start3A_1008 = arith.constant 1 : i32
      %dma_start3A_1009 = arith.constant 13 : i32
      %dma_start3A_1010 = arith.constant 0 : i32
      %dma_start3A_1011 = arith.constant 1 : i32
      %dma_start3A_1012 = arith.constant 0 : i32
      %dma_start3A_1013 = arith.constant 0 : i32
      %dma_start3A_1014 = tpu.memref_slice %arg10[%dma_start3A_1011, %dma_start3A_1012, %dma_start3A_1013] : memref<2x128x128xf32, #tpu.memory_space<vmem>> -> memref<1x128x128xf32, #tpu.memory_space<vmem>>
      %dma_start3A_1015 = tpu.memref_squeeze %dma_start3A_1014 : memref<1x128x128xf32, #tpu.memory_space<vmem>> -> memref<128x128xf32, #tpu.memory_space<vmem>>
      %dma_start3A_1016 = arith.constant 0 : i32
      %dma_start3A_1017 = tpu.memref_slice %arg9[%dma_start3A_1008, %dma_start3A_1009, %dma_start3A_1010, %dma_start3A_1016] : memref<2x16x2x128xi32, #tpu.memory_space<vmem>> -> memref<1x1x1x128xi32, #tpu.memory_space<vmem>>
      %dma_start3A_1018 = tpu.memref_squeeze %dma_start3A_1017 : memref<1x1x1x128xi32, #tpu.memory_space<vmem>> -> memref<128xi32, #tpu.memory_space<vmem>>
      %dma_start3A_1019 = arith.constant 0 : i32
      %dma_start3A_1020 = arith.constant 0 : i32
      %dma_start3A_1021 = tpu.memref_slice %arg2[%dma_start3A_1019, %dma_start3A_1020] : memref<20000x128xf32, #tpu.memory_space<hbm>> -> memref<20000x128xf32, #tpu.memory_space<hbm>>
      tpu.enqueue_indirect_dma source(%dma_start3A_1021 : memref<20000x128xf32, #tpu.memory_space<hbm>>) target(%dma_start3A_1015 : memref<128x128xf32, #tpu.memory_space<vmem>>) offsets(%dma_start3A_1018 : memref<128xi32, #tpu.memory_space<vmem>>) semaphore(%arg16 : memref<!tpu.dma_semaphore, #tpu.memory_space<semaphore_mem>>)
      %dma_wait3A_1022 = arith.constant 0 : i32
      %dma_wait3A_1023 = arith.constant 0 : i32
      %dma_wait3A_1024 = arith.constant 0 : i32
      %dma_wait3A_1025 = arith.constant 0 : i32
      %dma_wait3A_1026 = arith.constant 0 : i32
      %dma_wait3A_1027 = arith.constant 0 : i32
      %dma_wait3A_1028 = tpu.memref_slice %arg10[%dma_wait3A_1025, %dma_wait3A_1026, %dma_wait3A_1027] : memref<2x128x128xf32, #tpu.memory_space<vmem>> -> memref<1x128x128xf32, #tpu.memory_space<vmem>>
      %dma_wait3A_1029 = tpu.memref_squeeze %dma_wait3A_1028 : memref<1x128x128xf32, #tpu.memory_space<vmem>> -> memref<128x128xf32, #tpu.memory_space<vmem>>
      %dma_wait3A_1030 = arith.constant 0 : i32
      %dma_wait3A_1031 = tpu.memref_slice %arg9[%dma_wait3A_1022, %dma_wait3A_1023, %dma_wait3A_1024, %dma_wait3A_1030] : memref<2x16x2x128xi32, #tpu.memory_space<vmem>> -> memref<1x1x1x128xi32, #tpu.memory_space<vmem>>
      %dma_wait3A_1032 = tpu.memref_squeeze %dma_wait3A_1031 : memref<1x1x1x128xi32, #tpu.memory_space<vmem>> -> memref<128xi32, #tpu.memory_space<vmem>>
      %dma_wait3A_1033 = arith.constant 0 : i32
      %dma_wait3A_1034 = arith.constant 0 : i32
      %dma_wait3A_1035 = tpu.memref_slice %arg2[%dma_wait3A_1033, %dma_wait3A_1034] : memref<20000x128xf32, #tpu.memory_space<hbm>> -> memref<20000x128xf32, #tpu.memory_space<hbm>>
      tpu.wait_indirect_dma semaphore(%arg15 : memref<!tpu.dma_semaphore, #tpu.memory_space<semaphore_mem>>) src(%dma_wait3A_1035 : memref<20000x128xf32, #tpu.memory_space<hbm>>) dst(%dma_wait3A_1029 : memref<128x128xf32, #tpu.memory_space<vmem>>)
      %run_scoped3A_1036 = arith.constant 0 : i32
      %run_scoped3A_1037 = arith.constant 1 : i32
      %run_scoped3A_1038 = arith.constant 12 : i32
      %run_scoped3A_1039 = arith.constant 1 : i32
      "tpu.region"() ({
        %run_scoped3A_1150 = tpu.sem_alloc : memref<!tpu.dma_semaphore, #tpu.memory_space<semaphore_mem>>
        %dma_start3A_1151 = arith.constant 0 : i32
        %dma_start3A_1152 = arith.constant 0 : i32
        %dma_start3A_1153 = tpu.memref_slice %arg10[%run_scoped3A_1036, %dma_start3A_1151, %dma_start3A_1152] : memref<2x128x128xf32, #tpu.memory_space<vmem>> -> memref<1x128x128xf32, #tpu.memory_space<vmem>>
        %dma_start3A_1154 = tpu.memref_squeeze %dma_start3A_1153 : memref<1x128x128xf32, #tpu.memory_space<vmem>> -> memref<128x128xf32, #tpu.memory_space<vmem>>
        %dma_start3A_1155 = arith.constant 0 : i32
        %dma_start3A_1156 = tpu.memref_slice %arg9[%run_scoped3A_1037, %run_scoped3A_1038, %run_scoped3A_1039, %dma_start3A_1155] : memref<2x16x2x128xi32, #tpu.memory_space<vmem>> -> memref<1x1x1x128xi32, #tpu.memory_space<vmem>>
        %dma_start3A_1157 = tpu.memref_squeeze %dma_start3A_1156 : memref<1x1x1x128xi32, #tpu.memory_space<vmem>> -> memref<128xi32, #tpu.memory_space<vmem>>
        %dma_start3A_1158 = arith.constant 0 : i32
        %dma_start3A_1159 = arith.constant 0 : i32
        %dma_start3A_1160 = tpu.memref_slice %arg12[%dma_start3A_1158, %dma_start3A_1159] : memref<10240x128xf32, #tpu.memory_space<vmem_shared>> -> memref<10240x128xf32, #tpu.memory_space<vmem_shared>>
        tpu.enqueue_indirect_dma source(%dma_start3A_1154 : memref<128x128xf32, #tpu.memory_space<vmem>>) target(%dma_start3A_1160 : memref<10240x128xf32, #tpu.memory_space<vmem_shared>>) offsets(%dma_start3A_1157 : memref<128xi32, #tpu.memory_space<vmem>>) semaphore(%run_scoped3A_1150 : memref<!tpu.dma_semaphore, #tpu.memory_space<semaphore_mem>>) {add = true}
        %dma_wait3A_1161 = arith.constant 0 : i32
        %dma_wait3A_1162 = arith.constant 0 : i32
        %dma_wait3A_1163 = tpu.memref_slice %arg10[%run_scoped3A_1036, %dma_wait3A_1161, %dma_wait3A_1162] : memref<2x128x128xf32, #tpu.memory_space<vmem>> -> memref<1x128x128xf32, #tpu.memory_space<vmem>>
        %dma_wait3A_1164 = tpu.memref_squeeze %dma_wait3A_1163 : memref<1x128x128xf32, #tpu.memory_space<vmem>> -> memref<128x128xf32, #tpu.memory_space<vmem>>
        %dma_wait3A_1165 = arith.constant 0 : i32
        %dma_wait3A_1166 = tpu.memref_slice %arg9[%run_scoped3A_1037, %run_scoped3A_1038, %run_scoped3A_1039, %dma_wait3A_1165] : memref<2x16x2x128xi32, #tpu.memory_space<vmem>> -> memref<1x1x1x128xi32, #tpu.memory_space<vmem>>
        %dma_wait3A_1167 = tpu.memref_squeeze %dma_wait3A_1166 : memref<1x1x1x128xi32, #tpu.memory_space<vmem>> -> memref<128xi32, #tpu.memory_space<vmem>>
        %dma_wait3A_1168 = arith.constant 0 : i32
        %dma_wait3A_1169 = arith.constant 0 : i32
        %dma_wait3A_1170 = tpu.memref_slice %arg12[%dma_wait3A_1168, %dma_wait3A_1169] : memref<10240x128xf32, #tpu.memory_space<vmem_shared>> -> memref<10240x128xf32, #tpu.memory_space<vmem_shared>>
        tpu.wait_indirect_dma semaphore(%run_scoped3A_1150 : memref<!tpu.dma_semaphore, #tpu.memory_space<semaphore_mem>>) src(%dma_wait3A_1164 : memref<128x128xf32, #tpu.memory_space<vmem>>) dst(%dma_wait3A_1170 : memref<10240x128xf32, #tpu.memory_space<vmem_shared>>)
        tpu.yield
      }) : () -> ()
      %dma_start3A_1040 = arith.constant 1 : i32
      %dma_start3A_1041 = arith.constant 14 : i32
      %dma_start3A_1042 = arith.constant 0 : i32
      %dma_start3A_1043 = arith.constant 0 : i32
      %dma_start3A_1044 = arith.constant 0 : i32
      %dma_start3A_1045 = arith.constant 0 : i32
      %dma_start3A_1046 = tpu.memref_slice %arg10[%dma_start3A_1043, %dma_start3A_1044, %dma_start3A_1045] : memref<2x128x128xf32, #tpu.memory_space<vmem>> -> memref<1x128x128xf32, #tpu.memory_space<vmem>>
      %dma_start3A_1047 = tpu.memref_squeeze %dma_start3A_1046 : memref<1x128x128xf32, #tpu.memory_space<vmem>> -> memref<128x128xf32, #tpu.memory_space<vmem>>
      %dma_start3A_1048 = arith.constant 0 : i32
      %dma_start3A_1049 = tpu.memref_slice %arg9[%dma_start3A_1040, %dma_start3A_1041, %dma_start3A_1042, %dma_start3A_1048] : memref<2x16x2x128xi32, #tpu.memory_space<vmem>> -> memref<1x1x1x128xi32, #tpu.memory_space<vmem>>
      %dma_start3A_1050 = tpu.memref_squeeze %dma_start3A_1049 : memref<1x1x1x128xi32, #tpu.memory_space<vmem>> -> memref<128xi32, #tpu.memory_space<vmem>>
      %dma_start3A_1051 = arith.constant 0 : i32
      %dma_start3A_1052 = arith.constant 0 : i32
      %dma_start3A_1053 = tpu.memref_slice %arg2[%dma_start3A_1051, %dma_start3A_1052] : memref<20000x128xf32, #tpu.memory_space<hbm>> -> memref<20000x128xf32, #tpu.memory_space<hbm>>
      tpu.enqueue_indirect_dma source(%dma_start3A_1053 : memref<20000x128xf32, #tpu.memory_space<hbm>>) target(%dma_start3A_1047 : memref<128x128xf32, #tpu.memory_space<vmem>>) offsets(%dma_start3A_1050 : memref<128xi32, #tpu.memory_space<vmem>>) semaphore(%arg15 : memref<!tpu.dma_semaphore, #tpu.memory_space<semaphore_mem>>)
      %dma_wait3A_1054 = arith.constant 0 : i32
      %dma_wait3A_1055 = arith.constant 0 : i32
      %dma_wait3A_1056 = arith.constant 0 : i32
      %dma_wait3A_1057 = arith.constant 1 : i32
      %dma_wait3A_1058 = arith.constant 0 : i32
      %dma_wait3A_1059 = arith.constant 0 : i32
      %dma_wait3A_1060 = tpu.memref_slice %arg10[%dma_wait3A_1057, %dma_wait3A_1058, %dma_wait3A_1059] : memref<2x128x128xf32, #tpu.memory_space<vmem>> -> memref<1x128x128xf32, #tpu.memory_space<vmem>>
      %dma_wait3A_1061 = tpu.memref_squeeze %dma_wait3A_1060 : memref<1x128x128xf32, #tpu.memory_space<vmem>> -> memref<128x128xf32, #tpu.memory_space<vmem>>
      %dma_wait3A_1062 = arith.constant 0 : i32
      %dma_wait3A_1063 = tpu.memref_slice %arg9[%dma_wait3A_1054, %dma_wait3A_1055, %dma_wait3A_1056, %dma_wait3A_1062] : memref<2x16x2x128xi32, #tpu.memory_space<vmem>> -> memref<1x1x1x128xi32, #tpu.memory_space<vmem>>
      %dma_wait3A_1064 = tpu.memref_squeeze %dma_wait3A_1063 : memref<1x1x1x128xi32, #tpu.memory_space<vmem>> -> memref<128xi32, #tpu.memory_space<vmem>>
      %dma_wait3A_1065 = arith.constant 0 : i32
      %dma_wait3A_1066 = arith.constant 0 : i32
      %dma_wait3A_1067 = tpu.memref_slice %arg2[%dma_wait3A_1065, %dma_wait3A_1066] : memref<20000x128xf32, #tpu.memory_space<hbm>> -> memref<20000x128xf32, #tpu.memory_space<hbm>>
      tpu.wait_indirect_dma semaphore(%arg16 : memref<!tpu.dma_semaphore, #tpu.memory_space<semaphore_mem>>) src(%dma_wait3A_1067 : memref<20000x128xf32, #tpu.memory_space<hbm>>) dst(%dma_wait3A_1061 : memref<128x128xf32, #tpu.memory_space<vmem>>)
      %run_scoped3A_1068 = arith.constant 1 : i32
      %run_scoped3A_1069 = arith.constant 1 : i32
      %run_scoped3A_1070 = arith.constant 13 : i32
      %run_scoped3A_1071 = arith.constant 1 : i32
      "tpu.region"() ({
        %run_scoped3A_1150 = tpu.sem_alloc : memref<!tpu.dma_semaphore, #tpu.memory_space<semaphore_mem>>
        %dma_start3A_1151 = arith.constant 0 : i32
        %dma_start3A_1152 = arith.constant 0 : i32
        %dma_start3A_1153 = tpu.memref_slice %arg10[%run_scoped3A_1068, %dma_start3A_1151, %dma_start3A_1152] : memref<2x128x128xf32, #tpu.memory_space<vmem>> -> memref<1x128x128xf32, #tpu.memory_space<vmem>>
        %dma_start3A_1154 = tpu.memref_squeeze %dma_start3A_1153 : memref<1x128x128xf32, #tpu.memory_space<vmem>> -> memref<128x128xf32, #tpu.memory_space<vmem>>
        %dma_start3A_1155 = arith.constant 0 : i32
        %dma_start3A_1156 = tpu.memref_slice %arg9[%run_scoped3A_1069, %run_scoped3A_1070, %run_scoped3A_1071, %dma_start3A_1155] : memref<2x16x2x128xi32, #tpu.memory_space<vmem>> -> memref<1x1x1x128xi32, #tpu.memory_space<vmem>>
        %dma_start3A_1157 = tpu.memref_squeeze %dma_start3A_1156 : memref<1x1x1x128xi32, #tpu.memory_space<vmem>> -> memref<128xi32, #tpu.memory_space<vmem>>
        %dma_start3A_1158 = arith.constant 0 : i32
        %dma_start3A_1159 = arith.constant 0 : i32
        %dma_start3A_1160 = tpu.memref_slice %arg12[%dma_start3A_1158, %dma_start3A_1159] : memref<10240x128xf32, #tpu.memory_space<vmem_shared>> -> memref<10240x128xf32, #tpu.memory_space<vmem_shared>>
        tpu.enqueue_indirect_dma source(%dma_start3A_1154 : memref<128x128xf32, #tpu.memory_space<vmem>>) target(%dma_start3A_1160 : memref<10240x128xf32, #tpu.memory_space<vmem_shared>>) offsets(%dma_start3A_1157 : memref<128xi32, #tpu.memory_space<vmem>>) semaphore(%run_scoped3A_1150 : memref<!tpu.dma_semaphore, #tpu.memory_space<semaphore_mem>>) {add = true}
        %dma_wait3A_1161 = arith.constant 0 : i32
        %dma_wait3A_1162 = arith.constant 0 : i32
        %dma_wait3A_1163 = tpu.memref_slice %arg10[%run_scoped3A_1068, %dma_wait3A_1161, %dma_wait3A_1162] : memref<2x128x128xf32, #tpu.memory_space<vmem>> -> memref<1x128x128xf32, #tpu.memory_space<vmem>>
        %dma_wait3A_1164 = tpu.memref_squeeze %dma_wait3A_1163 : memref<1x128x128xf32, #tpu.memory_space<vmem>> -> memref<128x128xf32, #tpu.memory_space<vmem>>
        %dma_wait3A_1165 = arith.constant 0 : i32
        %dma_wait3A_1166 = tpu.memref_slice %arg9[%run_scoped3A_1069, %run_scoped3A_1070, %run_scoped3A_1071, %dma_wait3A_1165] : memref<2x16x2x128xi32, #tpu.memory_space<vmem>> -> memref<1x1x1x128xi32, #tpu.memory_space<vmem>>
        %dma_wait3A_1167 = tpu.memref_squeeze %dma_wait3A_1166 : memref<1x1x1x128xi32, #tpu.memory_space<vmem>> -> memref<128xi32, #tpu.memory_space<vmem>>
        %dma_wait3A_1168 = arith.constant 0 : i32
        %dma_wait3A_1169 = arith.constant 0 : i32
        %dma_wait3A_1170 = tpu.memref_slice %arg12[%dma_wait3A_1168, %dma_wait3A_1169] : memref<10240x128xf32, #tpu.memory_space<vmem_shared>> -> memref<10240x128xf32, #tpu.memory_space<vmem_shared>>
        tpu.wait_indirect_dma semaphore(%run_scoped3A_1150 : memref<!tpu.dma_semaphore, #tpu.memory_space<semaphore_mem>>) src(%dma_wait3A_1164 : memref<128x128xf32, #tpu.memory_space<vmem>>) dst(%dma_wait3A_1170 : memref<10240x128xf32, #tpu.memory_space<vmem_shared>>)
        tpu.yield
      }) : () -> ()
      %add3A_1072 = arith.constant 1 : i32
      %add3A_1073 = arith.addi %add3A_637, %add3A_1072 : i32
      %lt3A_1074 = arith.constant 10 : i32
      %lt3A_1075 = arith.cmpi slt, %add3A_1073, %lt3A_1074 : i32
      %convert_element_type3A_1076 = arith.extui %lt3A_1075 : i1 to i32
      %cond3A_1077 = arith.constant 0 : i32
      %cond3A_1078 = arith.cmpi ne, %convert_element_type3A_1076, %cond3A_1077 : i32
      scf.if %cond3A_1078 {
        %dma_wait3A_1150 = arith.constant 0 : i32
        %dma_wait3A_1151 = arith.constant 0 : i32
        %dma_wait3A_1152 = arith.constant 0 : i32
        %dma_wait3A_1153 = arith.constant 0 : i32
        %dma_wait3A_1154 = arith.constant 0 : i32
        %dma_wait3A_1155 = tpu.memref_slice %arg9[%dma_wait3A_1151, %dma_wait3A_1152, %dma_wait3A_1153, %dma_wait3A_1154] : memref<2x16x2x128xi32, #tpu.memory_space<vmem>> -> memref<1x16x2x128xi32, #tpu.memory_space<vmem>>
        %dma_wait3A_1156 = tpu.memref_squeeze %dma_wait3A_1155 : memref<1x16x2x128xi32, #tpu.memory_space<vmem>> -> memref<16x2x128xi32, #tpu.memory_space<vmem>>
        %dma_wait3A_1157 = arith.constant 0 : i32
        %dma_wait3A_1158 = arith.constant 0 : i32
        %dma_wait3A_1159 = arith.constant 0 : i32
        %dma_wait3A_1160 = tpu.memref_slice %arg3[%add3A, %dma_wait3A_1150, %dma_wait3A_1157, %dma_wait3A_1158, %dma_wait3A_1159] : memref<32x10x16x2x128xi32, #tpu.memory_space<hbm>> -> memref<1x1x16x2x128xi32, #tpu.memory_space<hbm>>
        %dma_wait3A_1161 = tpu.memref_squeeze %dma_wait3A_1160 : memref<1x1x16x2x128xi32, #tpu.memory_space<hbm>> -> memref<16x2x128xi32, #tpu.memory_space<hbm>>
        %dma_wait3A_1162 = arith.constant 0 : i32
        %dma_wait3A_1163 = arith.constant 0 : i32
        %dma_wait3A_1164 = arith.constant 0 : i32
        %dma_wait3A_1165 = tpu.memref_slice %arg9[%dma_wait3A_1151, %dma_wait3A_1162, %dma_wait3A_1163, %dma_wait3A_1164] : memref<2x16x2x128xi32, #tpu.memory_space<vmem>> -> memref<1x16x2x128xi32, #tpu.memory_space<vmem>>
        %dma_wait3A_1166 = tpu.memref_squeeze %dma_wait3A_1165 : memref<1x16x2x128xi32, #tpu.memory_space<vmem>> -> memref<16x2x128xi32, #tpu.memory_space<vmem>>
        %dma_wait3A_1167 = arith.constant 0 : i32
        %dma_wait3A_1168 = arith.constant 0 : i32
        %dma_wait3A_1169 = arith.constant 0 : i32
        %dma_wait3A_1170 = tpu.memref_slice %arg3[%add3A, %dma_wait3A_1150, %dma_wait3A_1167, %dma_wait3A_1168, %dma_wait3A_1169] : memref<32x10x16x2x128xi32, #tpu.memory_space<hbm>> -> memref<1x1x16x2x128xi32, #tpu.memory_space<hbm>>
        %dma_wait3A_1171 = tpu.memref_squeeze %dma_wait3A_1170 : memref<1x1x16x2x128xi32, #tpu.memory_space<hbm>> -> memref<16x2x128xi32, #tpu.memory_space<hbm>>
        tpu.wait_dma2 semaphore(%arg13 : memref<!tpu.dma_semaphore, #tpu.memory_space<semaphore_mem>>) src(%dma_wait3A_1171 : memref<16x2x128xi32, #tpu.memory_space<hbm>>) dst(%dma_wait3A_1166 : memref<16x2x128xi32, #tpu.memory_space<vmem>>)
      } else {
      }
      %dma_start3A_1079 = arith.constant 1 : i32
      %dma_start3A_1080 = arith.constant 15 : i32
      %dma_start3A_1081 = arith.constant 0 : i32
      %dma_start3A_1082 = arith.constant 1 : i32
      %dma_start3A_1083 = arith.constant 0 : i32
      %dma_start3A_1084 = arith.constant 0 : i32
      %dma_start3A_1085 = tpu.memref_slice %arg10[%dma_start3A_1082, %dma_start3A_1083, %dma_start3A_1084] : memref<2x128x128xf32, #tpu.memory_space<vmem>> -> memref<1x128x128xf32, #tpu.memory_space<vmem>>
      %dma_start3A_1086 = tpu.memref_squeeze %dma_start3A_1085 : memref<1x128x128xf32, #tpu.memory_space<vmem>> -> memref<128x128xf32, #tpu.memory_space<vmem>>
      %dma_start3A_1087 = arith.constant 0 : i32
      %dma_start3A_1088 = tpu.memref_slice %arg9[%dma_start3A_1079, %dma_start3A_1080, %dma_start3A_1081, %dma_start3A_1087] : memref<2x16x2x128xi32, #tpu.memory_space<vmem>> -> memref<1x1x1x128xi32, #tpu.memory_space<vmem>>
      %dma_start3A_1089 = tpu.memref_squeeze %dma_start3A_1088 : memref<1x1x1x128xi32, #tpu.memory_space<vmem>> -> memref<128xi32, #tpu.memory_space<vmem>>
      %dma_start3A_1090 = arith.constant 0 : i32
      %dma_start3A_1091 = arith.constant 0 : i32
      %dma_start3A_1092 = tpu.memref_slice %arg2[%dma_start3A_1090, %dma_start3A_1091] : memref<20000x128xf32, #tpu.memory_space<hbm>> -> memref<20000x128xf32, #tpu.memory_space<hbm>>
      tpu.enqueue_indirect_dma source(%dma_start3A_1092 : memref<20000x128xf32, #tpu.memory_space<hbm>>) target(%dma_start3A_1086 : memref<128x128xf32, #tpu.memory_space<vmem>>) offsets(%dma_start3A_1089 : memref<128xi32, #tpu.memory_space<vmem>>) semaphore(%arg16 : memref<!tpu.dma_semaphore, #tpu.memory_space<semaphore_mem>>)
      %dma_wait3A_1093 = arith.constant 0 : i32
      %dma_wait3A_1094 = arith.constant 0 : i32
      %dma_wait3A_1095 = arith.constant 0 : i32
      %dma_wait3A_1096 = arith.constant 0 : i32
      %dma_wait3A_1097 = arith.constant 0 : i32
      %dma_wait3A_1098 = arith.constant 0 : i32
      %dma_wait3A_1099 = tpu.memref_slice %arg10[%dma_wait3A_1096, %dma_wait3A_1097, %dma_wait3A_1098] : memref<2x128x128xf32, #tpu.memory_space<vmem>> -> memref<1x128x128xf32, #tpu.memory_space<vmem>>
      %dma_wait3A_1100 = tpu.memref_squeeze %dma_wait3A_1099 : memref<1x128x128xf32, #tpu.memory_space<vmem>> -> memref<128x128xf32, #tpu.memory_space<vmem>>
      %dma_wait3A_1101 = arith.constant 0 : i32
      %dma_wait3A_1102 = tpu.memref_slice %arg9[%dma_wait3A_1093, %dma_wait3A_1094, %dma_wait3A_1095, %dma_wait3A_1101] : memref<2x16x2x128xi32, #tpu.memory_space<vmem>> -> memref<1x1x1x128xi32, #tpu.memory_space<vmem>>
      %dma_wait3A_1103 = tpu.memref_squeeze %dma_wait3A_1102 : memref<1x1x1x128xi32, #tpu.memory_space<vmem>> -> memref<128xi32, #tpu.memory_space<vmem>>
      %dma_wait3A_1104 = arith.constant 0 : i32
      %dma_wait3A_1105 = arith.constant 0 : i32
      %dma_wait3A_1106 = tpu.memref_slice %arg2[%dma_wait3A_1104, %dma_wait3A_1105] : memref<20000x128xf32, #tpu.memory_space<hbm>> -> memref<20000x128xf32, #tpu.memory_space<hbm>>
      tpu.wait_indirect_dma semaphore(%arg15 : memref<!tpu.dma_semaphore, #tpu.memory_space<semaphore_mem>>) src(%dma_wait3A_1106 : memref<20000x128xf32, #tpu.memory_space<hbm>>) dst(%dma_wait3A_1100 : memref<128x128xf32, #tpu.memory_space<vmem>>)
      %run_scoped3A_1107 = arith.constant 0 : i32
      %run_scoped3A_1108 = arith.constant 1 : i32
      %run_scoped3A_1109 = arith.constant 14 : i32
      %run_scoped3A_1110 = arith.constant 1 : i32
      "tpu.region"() ({
        %run_scoped3A_1150 = tpu.sem_alloc : memref<!tpu.dma_semaphore, #tpu.memory_space<semaphore_mem>>
        %dma_start3A_1151 = arith.constant 0 : i32
        %dma_start3A_1152 = arith.constant 0 : i32
        %dma_start3A_1153 = tpu.memref_slice %arg10[%run_scoped3A_1107, %dma_start3A_1151, %dma_start3A_1152] : memref<2x128x128xf32, #tpu.memory_space<vmem>> -> memref<1x128x128xf32, #tpu.memory_space<vmem>>
        %dma_start3A_1154 = tpu.memref_squeeze %dma_start3A_1153 : memref<1x128x128xf32, #tpu.memory_space<vmem>> -> memref<128x128xf32, #tpu.memory_space<vmem>>
        %dma_start3A_1155 = arith.constant 0 : i32
        %dma_start3A_1156 = tpu.memref_slice %arg9[%run_scoped3A_1108, %run_scoped3A_1109, %run_scoped3A_1110, %dma_start3A_1155] : memref<2x16x2x128xi32, #tpu.memory_space<vmem>> -> memref<1x1x1x128xi32, #tpu.memory_space<vmem>>
        %dma_start3A_1157 = tpu.memref_squeeze %dma_start3A_1156 : memref<1x1x1x128xi32, #tpu.memory_space<vmem>> -> memref<128xi32, #tpu.memory_space<vmem>>
        %dma_start3A_1158 = arith.constant 0 : i32
        %dma_start3A_1159 = arith.constant 0 : i32
        %dma_start3A_1160 = tpu.memref_slice %arg12[%dma_start3A_1158, %dma_start3A_1159] : memref<10240x128xf32, #tpu.memory_space<vmem_shared>> -> memref<10240x128xf32, #tpu.memory_space<vmem_shared>>
        tpu.enqueue_indirect_dma source(%dma_start3A_1154 : memref<128x128xf32, #tpu.memory_space<vmem>>) target(%dma_start3A_1160 : memref<10240x128xf32, #tpu.memory_space<vmem_shared>>) offsets(%dma_start3A_1157 : memref<128xi32, #tpu.memory_space<vmem>>) semaphore(%run_scoped3A_1150 : memref<!tpu.dma_semaphore, #tpu.memory_space<semaphore_mem>>) {add = true}
        %dma_wait3A_1161 = arith.constant 0 : i32
        %dma_wait3A_1162 = arith.constant 0 : i32
        %dma_wait3A_1163 = tpu.memref_slice %arg10[%run_scoped3A_1107, %dma_wait3A_1161, %dma_wait3A_1162] : memref<2x128x128xf32, #tpu.memory_space<vmem>> -> memref<1x128x128xf32, #tpu.memory_space<vmem>>
        %dma_wait3A_1164 = tpu.memref_squeeze %dma_wait3A_1163 : memref<1x128x128xf32, #tpu.memory_space<vmem>> -> memref<128x128xf32, #tpu.memory_space<vmem>>
        %dma_wait3A_1165 = arith.constant 0 : i32
        %dma_wait3A_1166 = tpu.memref_slice %arg9[%run_scoped3A_1108, %run_scoped3A_1109, %run_scoped3A_1110, %dma_wait3A_1165] : memref<2x16x2x128xi32, #tpu.memory_space<vmem>> -> memref<1x1x1x128xi32, #tpu.memory_space<vmem>>
        %dma_wait3A_1167 = tpu.memref_squeeze %dma_wait3A_1166 : memref<1x1x1x128xi32, #tpu.memory_space<vmem>> -> memref<128xi32, #tpu.memory_space<vmem>>
        %dma_wait3A_1168 = arith.constant 0 : i32
        %dma_wait3A_1169 = arith.constant 0 : i32
        %dma_wait3A_1170 = tpu.memref_slice %arg12[%dma_wait3A_1168, %dma_wait3A_1169] : memref<10240x128xf32, #tpu.memory_space<vmem_shared>> -> memref<10240x128xf32, #tpu.memory_space<vmem_shared>>
        tpu.wait_indirect_dma semaphore(%run_scoped3A_1150 : memref<!tpu.dma_semaphore, #tpu.memory_space<semaphore_mem>>) src(%dma_wait3A_1164 : memref<128x128xf32, #tpu.memory_space<vmem>>) dst(%dma_wait3A_1170 : memref<10240x128xf32, #tpu.memory_space<vmem_shared>>)
        tpu.yield
      }) : () -> ()
      %add3A_1111 = arith.constant 1 : i32
      %add3A_1112 = arith.addi %add3A_637, %add3A_1111 : i32
      %lt3A_1113 = arith.constant 10 : i32
      %lt3A_1114 = arith.cmpi slt, %add3A_1112, %lt3A_1113 : i32
      %convert_element_type3A_1115 = arith.extui %lt3A_1114 : i1 to i32
      %cond3A_1116 = arith.constant 0 : i32
      %cond3A_1117 = arith.cmpi ne, %convert_element_type3A_1115, %cond3A_1116 : i32
      scf.if %cond3A_1117 {
        %dma_start3A_1150 = arith.constant 0 : i32
        %dma_start3A_1151 = arith.constant 0 : i32
        %dma_start3A_1152 = arith.constant 0 : i32
        %dma_start3A_1153 = arith.constant 0 : i32
        %dma_start3A_1154 = arith.constant 0 : i32
        %dma_start3A_1155 = arith.constant 0 : i32
        %dma_start3A_1156 = tpu.memref_slice %arg10[%dma_start3A_1153, %dma_start3A_1154, %dma_start3A_1155] : memref<2x128x128xf32, #tpu.memory_space<vmem>> -> memref<1x128x128xf32, #tpu.memory_space<vmem>>
        %dma_start3A_1157 = tpu.memref_squeeze %dma_start3A_1156 : memref<1x128x128xf32, #tpu.memory_space<vmem>> -> memref<128x128xf32, #tpu.memory_space<vmem>>
        %dma_start3A_1158 = arith.constant 0 : i32
        %dma_start3A_1159 = tpu.memref_slice %arg9[%dma_start3A_1150, %dma_start3A_1151, %dma_start3A_1152, %dma_start3A_1158] : memref<2x16x2x128xi32, #tpu.memory_space<vmem>> -> memref<1x1x1x128xi32, #tpu.memory_space<vmem>>
        %dma_start3A_1160 = tpu.memref_squeeze %dma_start3A_1159 : memref<1x1x1x128xi32, #tpu.memory_space<vmem>> -> memref<128xi32, #tpu.memory_space<vmem>>
        %dma_start3A_1161 = arith.constant 0 : i32
        %dma_start3A_1162 = arith.constant 0 : i32
        %dma_start3A_1163 = tpu.memref_slice %arg2[%dma_start3A_1161, %dma_start3A_1162] : memref<20000x128xf32, #tpu.memory_space<hbm>> -> memref<20000x128xf32, #tpu.memory_space<hbm>>
        tpu.enqueue_indirect_dma source(%dma_start3A_1163 : memref<20000x128xf32, #tpu.memory_space<hbm>>) target(%dma_start3A_1157 : memref<128x128xf32, #tpu.memory_space<vmem>>) offsets(%dma_start3A_1160 : memref<128xi32, #tpu.memory_space<vmem>>) semaphore(%arg15 : memref<!tpu.dma_semaphore, #tpu.memory_space<semaphore_mem>>)
      } else {
      }
      %dma_wait3A_1118 = arith.constant 0 : i32
      %dma_wait3A_1119 = arith.constant 0 : i32
      %dma_wait3A_1120 = arith.constant 0 : i32
      %dma_wait3A_1121 = arith.constant 1 : i32
      %dma_wait3A_1122 = arith.constant 0 : i32
      %dma_wait3A_1123 = arith.constant 0 : i32
      %dma_wait3A_1124 = tpu.memref_slice %arg10[%dma_wait3A_1121, %dma_wait3A_1122, %dma_wait3A_1123] : memref<2x128x128xf32, #tpu.memory_space<vmem>> -> memref<1x128x128xf32, #tpu.memory_space<vmem>>
      %dma_wait3A_1125 = tpu.memref_squeeze %dma_wait3A_1124 : memref<1x128x128xf32, #tpu.memory_space<vmem>> -> memref<128x128xf32, #tpu.memory_space<vmem>>
      %dma_wait3A_1126 = arith.constant 0 : i32
      %dma_wait3A_1127 = tpu.memref_slice %arg9[%dma_wait3A_1118, %dma_wait3A_1119, %dma_wait3A_1120, %dma_wait3A_1126] : memref<2x16x2x128xi32, #tpu.memory_space<vmem>> -> memref<1x1x1x128xi32, #tpu.memory_space<vmem>>
      %dma_wait3A_1128 = tpu.memref_squeeze %dma_wait3A_1127 : memref<1x1x1x128xi32, #tpu.memory_space<vmem>> -> memref<128xi32, #tpu.memory_space<vmem>>
      %dma_wait3A_1129 = arith.constant 0 : i32
      %dma_wait3A_1130 = arith.constant 0 : i32
      %dma_wait3A_1131 = tpu.memref_slice %arg2[%dma_wait3A_1129, %dma_wait3A_1130] : memref<20000x128xf32, #tpu.memory_space<hbm>> -> memref<20000x128xf32, #tpu.memory_space<hbm>>
      tpu.wait_indirect_dma semaphore(%arg16 : memref<!tpu.dma_semaphore, #tpu.memory_space<semaphore_mem>>) src(%dma_wait3A_1131 : memref<20000x128xf32, #tpu.memory_space<hbm>>) dst(%dma_wait3A_1125 : memref<128x128xf32, #tpu.memory_space<vmem>>)
      %run_scoped3A_1132 = arith.constant 1 : i32
      %run_scoped3A_1133 = arith.constant 1 : i32
      %run_scoped3A_1134 = arith.constant 15 : i32
      %run_scoped3A_1135 = arith.constant 1 : i32
      "tpu.region"() ({
        %run_scoped3A_1150 = tpu.sem_alloc : memref<!tpu.dma_semaphore, #tpu.memory_space<semaphore_mem>>
        %dma_start3A_1151 = arith.constant 0 : i32
        %dma_start3A_1152 = arith.constant 0 : i32
        %dma_start3A_1153 = tpu.memref_slice %arg10[%run_scoped3A_1132, %dma_start3A_1151, %dma_start3A_1152] : memref<2x128x128xf32, #tpu.memory_space<vmem>> -> memref<1x128x128xf32, #tpu.memory_space<vmem>>
        %dma_start3A_1154 = tpu.memref_squeeze %dma_start3A_1153 : memref<1x128x128xf32, #tpu.memory_space<vmem>> -> memref<128x128xf32, #tpu.memory_space<vmem>>
        %dma_start3A_1155 = arith.constant 0 : i32
        %dma_start3A_1156 = tpu.memref_slice %arg9[%run_scoped3A_1133, %run_scoped3A_1134, %run_scoped3A_1135, %dma_start3A_1155] : memref<2x16x2x128xi32, #tpu.memory_space<vmem>> -> memref<1x1x1x128xi32, #tpu.memory_space<vmem>>
        %dma_start3A_1157 = tpu.memref_squeeze %dma_start3A_1156 : memref<1x1x1x128xi32, #tpu.memory_space<vmem>> -> memref<128xi32, #tpu.memory_space<vmem>>
        %dma_start3A_1158 = arith.constant 0 : i32
        %dma_start3A_1159 = arith.constant 0 : i32
        %dma_start3A_1160 = tpu.memref_slice %arg12[%dma_start3A_1158, %dma_start3A_1159] : memref<10240x128xf32, #tpu.memory_space<vmem_shared>> -> memref<10240x128xf32, #tpu.memory_space<vmem_shared>>
        tpu.enqueue_indirect_dma source(%dma_start3A_1154 : memref<128x128xf32, #tpu.memory_space<vmem>>) target(%dma_start3A_1160 : memref<10240x128xf32, #tpu.memory_space<vmem_shared>>) offsets(%dma_start3A_1157 : memref<128xi32, #tpu.memory_space<vmem>>) semaphore(%run_scoped3A_1150 : memref<!tpu.dma_semaphore, #tpu.memory_space<semaphore_mem>>) {add = true}
        %dma_wait3A_1161 = arith.constant 0 : i32
        %dma_wait3A_1162 = arith.constant 0 : i32
        %dma_wait3A_1163 = tpu.memref_slice %arg10[%run_scoped3A_1132, %dma_wait3A_1161, %dma_wait3A_1162] : memref<2x128x128xf32, #tpu.memory_space<vmem>> -> memref<1x128x128xf32, #tpu.memory_space<vmem>>
        %dma_wait3A_1164 = tpu.memref_squeeze %dma_wait3A_1163 : memref<1x128x128xf32, #tpu.memory_space<vmem>> -> memref<128x128xf32, #tpu.memory_space<vmem>>
        %dma_wait3A_1165 = arith.constant 0 : i32
        %dma_wait3A_1166 = tpu.memref_slice %arg9[%run_scoped3A_1133, %run_scoped3A_1134, %run_scoped3A_1135, %dma_wait3A_1165] : memref<2x16x2x128xi32, #tpu.memory_space<vmem>> -> memref<1x1x1x128xi32, #tpu.memory_space<vmem>>
        %dma_wait3A_1167 = tpu.memref_squeeze %dma_wait3A_1166 : memref<1x1x1x128xi32, #tpu.memory_space<vmem>> -> memref<128xi32, #tpu.memory_space<vmem>>
        %dma_wait3A_1168 = arith.constant 0 : i32
        %dma_wait3A_1169 = arith.constant 0 : i32
        %dma_wait3A_1170 = tpu.memref_slice %arg12[%dma_wait3A_1168, %dma_wait3A_1169] : memref<10240x128xf32, #tpu.memory_space<vmem_shared>> -> memref<10240x128xf32, #tpu.memory_space<vmem_shared>>
        tpu.wait_indirect_dma semaphore(%run_scoped3A_1150 : memref<!tpu.dma_semaphore, #tpu.memory_space<semaphore_mem>>) src(%dma_wait3A_1164 : memref<128x128xf32, #tpu.memory_space<vmem>>) dst(%dma_wait3A_1170 : memref<10240x128xf32, #tpu.memory_space<vmem_shared>>)
        tpu.yield
      }) : () -> ()
      %add3A_1136 = arith.constant 1 : i32
      %add3A_1137 = arith.addi %add3A_637, %add3A_1136 : i32
      %lt3A_1138 = arith.constant 10 : i32
      %lt3A_1139 = arith.cmpi slt, %add3A_1137, %lt3A_1138 : i32
      %convert_element_type3A_1140 = arith.extui %lt3A_1139 : i1 to i32
      %cond3A_1141 = arith.constant 0 : i32
      %cond3A_1142 = arith.cmpi ne, %convert_element_type3A_1140, %cond3A_1141 : i32
      scf.if %cond3A_1142 {
        %dma_start3A_1150 = arith.constant 0 : i32
        %dma_start3A_1151 = arith.constant 1 : i32
        %dma_start3A_1152 = arith.constant 0 : i32
        %dma_start3A_1153 = arith.constant 1 : i32
        %dma_start3A_1154 = arith.constant 0 : i32
        %dma_start3A_1155 = arith.constant 0 : i32
        %dma_start3A_1156 = tpu.memref_slice %arg10[%dma_start3A_1153, %dma_start3A_1154, %dma_start3A_1155] : memref<2x128x128xf32, #tpu.memory_space<vmem>> -> memref<1x128x128xf32, #tpu.memory_space<vmem>>
        %dma_start3A_1157 = tpu.memref_squeeze %dma_start3A_1156 : memref<1x128x128xf32, #tpu.memory_space<vmem>> -> memref<128x128xf32, #tpu.memory_space<vmem>>
        %dma_start3A_1158 = arith.constant 0 : i32
        %dma_start3A_1159 = tpu.memref_slice %arg9[%dma_start3A_1150, %dma_start3A_1151, %dma_start3A_1152, %dma_start3A_1158] : memref<2x16x2x128xi32, #tpu.memory_space<vmem>> -> memref<1x1x1x128xi32, #tpu.memory_space<vmem>>
        %dma_start3A_1160 = tpu.memref_squeeze %dma_start3A_1159 : memref<1x1x1x128xi32, #tpu.memory_space<vmem>> -> memref<128xi32, #tpu.memory_space<vmem>>
        %dma_start3A_1161 = arith.constant 0 : i32
        %dma_start3A_1162 = arith.constant 0 : i32
        %dma_start3A_1163 = tpu.memref_slice %arg2[%dma_start3A_1161, %dma_start3A_1162] : memref<20000x128xf32, #tpu.memory_space<hbm>> -> memref<20000x128xf32, #tpu.memory_space<hbm>>
        tpu.enqueue_indirect_dma source(%dma_start3A_1163 : memref<20000x128xf32, #tpu.memory_space<hbm>>) target(%dma_start3A_1157 : memref<128x128xf32, #tpu.memory_space<vmem>>) offsets(%dma_start3A_1160 : memref<128xi32, #tpu.memory_space<vmem>>) semaphore(%arg16 : memref<!tpu.dma_semaphore, #tpu.memory_space<semaphore_mem>>)
      } else {
      }
      %add3A_1143 = arith.constant 2 : i32
      %add3A_1144 = arith.addi %add3A_637, %add3A_1143 : i32
      %lt3A_1145 = arith.constant 10 : i32
      %lt3A_1146 = arith.cmpi slt, %add3A_1144, %lt3A_1145 : i32
      %convert_element_type3A_1147 = arith.extui %lt3A_1146 : i1 to i32
      %cond3A_1148 = arith.constant 0 : i32
      %cond3A_1149 = arith.cmpi ne, %convert_element_type3A_1147, %cond3A_1148 : i32
      scf.if %cond3A_1149 {
        %add3A_1150 = arith.constant 2 : i32
        %add3A_1151 = arith.addi %add3A_637, %add3A_1150 : i32
        %dma_start3A_1152 = arith.constant 1 : i32
        %dma_start3A_1153 = arith.constant 0 : i32
        %dma_start3A_1154 = arith.constant 0 : i32
        %dma_start3A_1155 = arith.constant 0 : i32
        %dma_start3A_1156 = tpu.memref_slice %arg9[%dma_start3A_1152, %dma_start3A_1153, %dma_start3A_1154, %dma_start3A_1155] : memref<2x16x2x128xi32, #tpu.memory_space<vmem>> -> memref<1x16x2x128xi32, #tpu.memory_space<vmem>>
        %dma_start3A_1157 = tpu.memref_squeeze %dma_start3A_1156 : memref<1x16x2x128xi32, #tpu.memory_space<vmem>> -> memref<16x2x128xi32, #tpu.memory_space<vmem>>
        %dma_start3A_1158 = arith.constant 0 : i32
        %dma_start3A_1159 = arith.constant 0 : i32
        %dma_start3A_1160 = arith.constant 0 : i32
        %dma_start3A_1161 = tpu.memref_slice %arg3[%add3A, %add3A_1151, %dma_start3A_1158, %dma_start3A_1159, %dma_start3A_1160] : memref<32x10x16x2x128xi32, #tpu.memory_space<hbm>> -> memref<1x1x16x2x128xi32, #tpu.memory_space<hbm>>
        %dma_start3A_1162 = tpu.memref_squeeze %dma_start3A_1161 : memref<1x1x16x2x128xi32, #tpu.memory_space<hbm>> -> memref<16x2x128xi32, #tpu.memory_space<hbm>>
        %dma_start3A_1163 = arith.constant 0 : i32
        %dma_start3A_1164 = arith.constant 0 : i32
        %dma_start3A_1165 = arith.constant 0 : i32
        %dma_start3A_1166 = tpu.memref_slice %arg9[%dma_start3A_1152, %dma_start3A_1163, %dma_start3A_1164, %dma_start3A_1165] : memref<2x16x2x128xi32, #tpu.memory_space<vmem>> -> memref<1x16x2x128xi32, #tpu.memory_space<vmem>>
        %dma_start3A_1167 = tpu.memref_squeeze %dma_start3A_1166 : memref<1x16x2x128xi32, #tpu.memory_space<vmem>> -> memref<16x2x128xi32, #tpu.memory_space<vmem>>
        %dma_start3A_1168 = arith.constant 0 : i32
        %dma_start3A_1169 = arith.constant 0 : i32
        %dma_start3A_1170 = arith.constant 0 : i32
        %dma_start3A_1171 = tpu.memref_slice %arg3[%add3A, %add3A_1151, %dma_start3A_1168, %dma_start3A_1169, %dma_start3A_1170] : memref<32x10x16x2x128xi32, #tpu.memory_space<hbm>> -> memref<1x1x16x2x128xi32, #tpu.memory_space<hbm>>
        %dma_start3A_1172 = tpu.memref_squeeze %dma_start3A_1171 : memref<1x1x16x2x128xi32, #tpu.memory_space<hbm>> -> memref<16x2x128xi32, #tpu.memory_space<hbm>>
        tpu.enqueue_dma source(%dma_start3A_1172 : memref<16x2x128xi32, #tpu.memory_space<hbm>>) target(%dma_start3A_1167 : memref<16x2x128xi32, #tpu.memory_space<vmem>>) target_semaphore(%arg14 : memref<!tpu.dma_semaphore, #tpu.memory_space<semaphore_mem>>)
      } else {
      }
    }
    %scan3A_99 = arith.constant 5 : i32
    %barrier3A_100 = arith.constant 0 : index
    tpu.barrier barrier_id(%barrier3A_100)
    %eq3A = arith.constant 0 : i32
    %eq3A_101 = arith.cmpi eq, %arg0, %eq3A : i32
    %convert_element_type3A = arith.extui %eq3A_101 : i1 to i32
    %cond3A = arith.constant 0 : i32
    %cond3A_102 = arith.cmpi ne, %convert_element_type3A, %cond3A : i32
    scf.if %cond3A_102 {
      "tpu.region"() ({
        %run_scoped3A = tpu.sem_alloc : memref<!tpu.dma_semaphore, #tpu.memory_space<semaphore_mem>>
        %dma_start3A_119 = arith.constant 0 : i32
        %dma_start3A_120 = tpu.memref_slice %arg6[%mul3A_0, %dma_start3A_119] : memref<10240x128xf32, #tpu.memory_space<hbm>> -> memref<640x128xf32, #tpu.memory_space<hbm>>
        %dma_start3A_121 = arith.constant 0 : i32
        %dma_start3A_122 = tpu.memref_slice %arg12[%mul3A_0, %dma_start3A_121] : memref<10240x128xf32, #tpu.memory_space<vmem_shared>> -> memref<640x128xf32, #tpu.memory_space<vmem_shared>>
        tpu.enqueue_dma source(%dma_start3A_122 : memref<640x128xf32, #tpu.memory_space<vmem_shared>>) target(%dma_start3A_120 : memref<640x128xf32, #tpu.memory_space<hbm>>) target_semaphore(%run_scoped3A : memref<!tpu.dma_semaphore, #tpu.memory_space<semaphore_mem>>)
        %dma_wait3A_123 = arith.constant 0 : i32
        %dma_wait3A_124 = tpu.memref_slice %arg6[%mul3A_0, %dma_wait3A_123] : memref<10240x128xf32, #tpu.memory_space<hbm>> -> memref<640x128xf32, #tpu.memory_space<hbm>>
        %dma_wait3A_125 = arith.constant 0 : i32
        %dma_wait3A_126 = tpu.memref_slice %arg12[%mul3A_0, %dma_wait3A_125] : memref<10240x128xf32, #tpu.memory_space<vmem_shared>> -> memref<640x128xf32, #tpu.memory_space<vmem_shared>>
        tpu.wait_dma2 semaphore(%run_scoped3A : memref<!tpu.dma_semaphore, #tpu.memory_space<semaphore_mem>>) src(%dma_wait3A_126 : memref<640x128xf32, #tpu.memory_space<vmem_shared>>) dst(%dma_wait3A_124 : memref<640x128xf32, #tpu.memory_space<hbm>>)
        tpu.yield
      }) : () -> ()
    } else {
    }
    %eq3A_103 = arith.constant 1 : i32
    %eq3A_104 = arith.cmpi eq, %arg0, %eq3A_103 : i32
    %convert_element_type3A_105 = arith.extui %eq3A_104 : i1 to i32
    %cond3A_106 = arith.constant 0 : i32
    %cond3A_107 = arith.cmpi ne, %convert_element_type3A_105, %cond3A_106 : i32
    scf.if %cond3A_107 {
      "tpu.region"() ({
        %run_scoped3A = tpu.sem_alloc : memref<!tpu.dma_semaphore, #tpu.memory_space<semaphore_mem>>
        %dma_start3A_119 = arith.constant 0 : i32
        %dma_start3A_120 = tpu.memref_slice %arg7[%mul3A_0, %dma_start3A_119] : memref<10240x128xf32, #tpu.memory_space<hbm>> -> memref<640x128xf32, #tpu.memory_space<hbm>>
        %dma_start3A_121 = arith.constant 0 : i32
        %dma_start3A_122 = tpu.memref_slice %arg12[%mul3A_0, %dma_start3A_121] : memref<10240x128xf32, #tpu.memory_space<vmem_shared>> -> memref<640x128xf32, #tpu.memory_space<vmem_shared>>
        tpu.enqueue_dma source(%dma_start3A_122 : memref<640x128xf32, #tpu.memory_space<vmem_shared>>) target(%dma_start3A_120 : memref<640x128xf32, #tpu.memory_space<hbm>>) target_semaphore(%run_scoped3A : memref<!tpu.dma_semaphore, #tpu.memory_space<semaphore_mem>>)
        %dma_wait3A_123 = arith.constant 0 : i32
        %dma_wait3A_124 = tpu.memref_slice %arg7[%mul3A_0, %dma_wait3A_123] : memref<10240x128xf32, #tpu.memory_space<hbm>> -> memref<640x128xf32, #tpu.memory_space<hbm>>
        %dma_wait3A_125 = arith.constant 0 : i32
        %dma_wait3A_126 = tpu.memref_slice %arg12[%mul3A_0, %dma_wait3A_125] : memref<10240x128xf32, #tpu.memory_space<vmem_shared>> -> memref<640x128xf32, #tpu.memory_space<vmem_shared>>
        tpu.wait_dma2 semaphore(%run_scoped3A : memref<!tpu.dma_semaphore, #tpu.memory_space<semaphore_mem>>) src(%dma_wait3A_126 : memref<640x128xf32, #tpu.memory_space<vmem_shared>>) dst(%dma_wait3A_124 : memref<640x128xf32, #tpu.memory_space<hbm>>)
        tpu.yield
      }) : () -> ()
    } else {
    }
    %mul3A_108 = arith.constant 2 : i32
    %mul3A_109 = arith.muli %arg1, %mul3A_108 : i32
    %add3A_110 = arith.addi %mul3A_109, %arg0 : i32
    %mul3A_111 = arith.constant 384 : i32
    %mul3A_112 = arith.muli %add3A_110, %mul3A_111 : i32
    %scan3A_113 = arith.constant 0 : i32
    %scan3A_114 = arith.constant 0 : i32
    %scan3A_115 = arith.constant 3 : i32
    %scan3A_116 = arith.addi %scan3A_114, %scan3A_115 : i32
    %scan3A_117 = arith.constant 1 : i32
    scf.for %scan3A_119 = %scan3A_114 to %scan3A_116 step %scan3A_117  : i32 {
      %mul3A_120 = arith.constant 128 : i32
      %mul3A_121 = arith.muli %scan3A_119, %mul3A_120 : i32
      %add3A_122 = arith.addi %mul3A_112, %mul3A_121 : i32
      "tpu.region"() ({
        %run_scoped3A_139 = tpu.sem_alloc : memref<!tpu.dma_semaphore, #tpu.memory_space<semaphore_mem>>
        %dma_start3A_140 = tpu.memref_slice %arg4[%add3A_122] : memref<12288xi32, #tpu.memory_space<hbm>> -> memref<128xi32, #tpu.memory_space<hbm>>
        %dma_start3A_141 = tpu.memref_slice %arg4[%add3A_122] : memref<12288xi32, #tpu.memory_space<hbm>> -> memref<128xi32, #tpu.memory_space<hbm>>
        tpu.enqueue_dma source(%dma_start3A_141 : memref<128xi32, #tpu.memory_space<hbm>>) target(%arg11 : memref<128xi32, #tpu.memory_space<vmem>>) target_semaphore(%run_scoped3A_139 : memref<!tpu.dma_semaphore, #tpu.memory_space<semaphore_mem>>)
        %dma_wait3A_142 = tpu.memref_slice %arg4[%add3A_122] : memref<12288xi32, #tpu.memory_space<hbm>> -> memref<128xi32, #tpu.memory_space<hbm>>
        %dma_wait3A_143 = tpu.memref_slice %arg4[%add3A_122] : memref<12288xi32, #tpu.memory_space<hbm>> -> memref<128xi32, #tpu.memory_space<hbm>>
        tpu.wait_dma2 semaphore(%run_scoped3A_139 : memref<!tpu.dma_semaphore, #tpu.memory_space<semaphore_mem>>) src(%dma_wait3A_143 : memref<128xi32, #tpu.memory_space<hbm>>) dst(%arg11 : memref<128xi32, #tpu.memory_space<vmem>>)
        tpu.yield
      }) : () -> ()
      %dma_start3A_123 = arith.constant 0 : i32
      %dma_start3A_124 = arith.constant 0 : i32
      %dma_start3A_125 = arith.constant 0 : i32
      %dma_start3A_126 = tpu.memref_slice %arg10[%dma_start3A_123, %dma_start3A_124, %dma_start3A_125] : memref<2x128x128xf32, #tpu.memory_space<vmem>> -> memref<1x128x128xf32, #tpu.memory_space<vmem>>
      %dma_start3A_127 = tpu.memref_squeeze %dma_start3A_126 : memref<1x128x128xf32, #tpu.memory_space<vmem>> -> memref<128x128xf32, #tpu.memory_space<vmem>>
      %dma_start3A_128 = arith.constant 0 : i32
      %dma_start3A_129 = arith.constant 0 : i32
      %dma_start3A_130 = tpu.memref_slice %arg2[%dma_start3A_128, %dma_start3A_129] : memref<20000x128xf32, #tpu.memory_space<hbm>> -> memref<20000x128xf32, #tpu.memory_space<hbm>>
      tpu.enqueue_indirect_dma source(%dma_start3A_130 : memref<20000x128xf32, #tpu.memory_space<hbm>>) target(%dma_start3A_127 : memref<128x128xf32, #tpu.memory_space<vmem>>) offsets(%arg11 : memref<128xi32, #tpu.memory_space<vmem>>) semaphore(%arg17 : memref<!tpu.dma_semaphore, #tpu.memory_space<semaphore_mem>>)
      %dma_wait3A_131 = arith.constant 0 : i32
      %dma_wait3A_132 = arith.constant 0 : i32
      %dma_wait3A_133 = arith.constant 0 : i32
      %dma_wait3A_134 = tpu.memref_slice %arg10[%dma_wait3A_131, %dma_wait3A_132, %dma_wait3A_133] : memref<2x128x128xf32, #tpu.memory_space<vmem>> -> memref<1x128x128xf32, #tpu.memory_space<vmem>>
      %dma_wait3A_135 = tpu.memref_squeeze %dma_wait3A_134 : memref<1x128x128xf32, #tpu.memory_space<vmem>> -> memref<128x128xf32, #tpu.memory_space<vmem>>
      %dma_wait3A_136 = arith.constant 0 : i32
      %dma_wait3A_137 = arith.constant 0 : i32
      %dma_wait3A_138 = tpu.memref_slice %arg2[%dma_wait3A_136, %dma_wait3A_137] : memref<20000x128xf32, #tpu.memory_space<hbm>> -> memref<20000x128xf32, #tpu.memory_space<hbm>>
      tpu.wait_indirect_dma semaphore(%arg17 : memref<!tpu.dma_semaphore, #tpu.memory_space<semaphore_mem>>) src(%dma_wait3A_138 : memref<20000x128xf32, #tpu.memory_space<hbm>>) dst(%dma_wait3A_135 : memref<128x128xf32, #tpu.memory_space<vmem>>)
      %run_scoped3A = arith.constant 0 : i32
      "tpu.region"() ({
        %run_scoped3A_139 = tpu.sem_alloc : memref<!tpu.dma_semaphore, #tpu.memory_space<semaphore_mem>>
        %dma_start3A_140 = arith.constant 0 : i32
        %dma_start3A_141 = arith.constant 0 : i32
        %dma_start3A_142 = tpu.memref_slice %arg10[%run_scoped3A, %dma_start3A_140, %dma_start3A_141] : memref<2x128x128xf32, #tpu.memory_space<vmem>> -> memref<1x128x128xf32, #tpu.memory_space<vmem>>
        %dma_start3A_143 = tpu.memref_squeeze %dma_start3A_142 : memref<1x128x128xf32, #tpu.memory_space<vmem>> -> memref<128x128xf32, #tpu.memory_space<vmem>>
        %dma_start3A_144 = arith.constant 0 : i32
        %dma_start3A_145 = tpu.memref_slice %arg8[%add3A_122, %dma_start3A_144] : memref<12288x128xf32, #tpu.memory_space<hbm>> -> memref<128x128xf32, #tpu.memory_space<hbm>>
        %dma_start3A_146 = arith.constant 0 : i32
        %dma_start3A_147 = tpu.memref_slice %arg8[%add3A_122, %dma_start3A_146] : memref<12288x128xf32, #tpu.memory_space<hbm>> -> memref<128x128xf32, #tpu.memory_space<hbm>>
        %dma_start3A_148 = arith.constant 0 : i32
        %dma_start3A_149 = arith.constant 0 : i32
        %dma_start3A_150 = tpu.memref_slice %arg10[%run_scoped3A, %dma_start3A_148, %dma_start3A_149] : memref<2x128x128xf32, #tpu.memory_space<vmem>> -> memref<1x128x128xf32, #tpu.memory_space<vmem>>
        %dma_start3A_151 = tpu.memref_squeeze %dma_start3A_150 : memref<1x128x128xf32, #tpu.memory_space<vmem>> -> memref<128x128xf32, #tpu.memory_space<vmem>>
        tpu.enqueue_dma source(%dma_start3A_151 : memref<128x128xf32, #tpu.memory_space<vmem>>) target(%dma_start3A_147 : memref<128x128xf32, #tpu.memory_space<hbm>>) target_semaphore(%run_scoped3A_139 : memref<!tpu.dma_semaphore, #tpu.memory_space<semaphore_mem>>)
        %dma_wait3A_152 = arith.constant 0 : i32
        %dma_wait3A_153 = arith.constant 0 : i32
        %dma_wait3A_154 = tpu.memref_slice %arg10[%run_scoped3A, %dma_wait3A_152, %dma_wait3A_153] : memref<2x128x128xf32, #tpu.memory_space<vmem>> -> memref<1x128x128xf32, #tpu.memory_space<vmem>>
        %dma_wait3A_155 = tpu.memref_squeeze %dma_wait3A_154 : memref<1x128x128xf32, #tpu.memory_space<vmem>> -> memref<128x128xf32, #tpu.memory_space<vmem>>
        %dma_wait3A_156 = arith.constant 0 : i32
        %dma_wait3A_157 = tpu.memref_slice %arg8[%add3A_122, %dma_wait3A_156] : memref<12288x128xf32, #tpu.memory_space<hbm>> -> memref<128x128xf32, #tpu.memory_space<hbm>>
        %dma_wait3A_158 = arith.constant 0 : i32
        %dma_wait3A_159 = tpu.memref_slice %arg8[%add3A_122, %dma_wait3A_158] : memref<12288x128xf32, #tpu.memory_space<hbm>> -> memref<128x128xf32, #tpu.memory_space<hbm>>
        %dma_wait3A_160 = arith.constant 0 : i32
        %dma_wait3A_161 = arith.constant 0 : i32
        %dma_wait3A_162 = tpu.memref_slice %arg10[%run_scoped3A, %dma_wait3A_160, %dma_wait3A_161] : memref<2x128x128xf32, #tpu.memory_space<vmem>> -> memref<1x128x128xf32, #tpu.memory_space<vmem>>
        %dma_wait3A_163 = tpu.memref_squeeze %dma_wait3A_162 : memref<1x128x128xf32, #tpu.memory_space<vmem>> -> memref<128x128xf32, #tpu.memory_space<vmem>>
        tpu.wait_dma2 semaphore(%run_scoped3A_139 : memref<!tpu.dma_semaphore, #tpu.memory_space<semaphore_mem>>) src(%dma_wait3A_163 : memref<128x128xf32, #tpu.memory_space<vmem>>) dst(%dma_wait3A_159 : memref<128x128xf32, #tpu.memory_space<hbm>>)
        tpu.yield
      }) : () -> ()
    }
    %scan3A_118 = arith.constant 3 : i32
    return
  }
}

module attributes {stable_mosaic.version = 14 : i64} {
  func.func @_tc_mlp_kernel(%arg0: i32, %arg1: memref<512x128xf32, #tpu.memory_space<vmem>>, %arg2: memref<512x128xf32, #tpu.memory_space<vmem>>, %arg3: memref<512x128xf32, #tpu.memory_space<vmem>>, %arg4: memref<512x128xf32, #tpu.memory_space<vmem>>, %arg5: memref<4x128x128xf32, #tpu.memory_space<vmem>>, %arg6: memref<4x128x128xf32, #tpu.memory_space<vmem>>, %arg7: memref<4x128x128xf32, #tpu.memory_space<vmem>>, %arg8: memref<512x128xf32, #tpu.memory_space<vmem>>, %arg9: memref<128x128xf32, #tpu.memory_space<vmem>>, %arg10: memref<128x128xf32, #tpu.memory_space<vmem>>, %arg11: memref<5x3x128xf32, #tpu.memory_space<vmem>>, %arg12: memref<512x128xf32, #tpu.memory_space<vmem>>) attributes {dimension_semantics = [#tpu.dimension_semantics<arbitrary>], iteration_bounds = array<i64: 20>, scalar_prefetch = 0 : i64, scratch_operands = 0 : i64, tpu.core_type = #tpu.core_type<tc>, window_params = [{transform_indices = @transform_0, window_bounds = array<i64: 512, 128>}, {transform_indices = @transform_1, window_bounds = array<i64: 512, 128>}, {transform_indices = @transform_2, window_bounds = array<i64: 512, 128>}, {transform_indices = @transform_3, window_bounds = array<i64: 512, 128>}, {pipeline_mode = #tpu.pipeline_mode<synchronous>, transform_indices = @transform_4, window_bounds = array<i64: 4, 128, 128>}, {pipeline_mode = #tpu.pipeline_mode<synchronous>, transform_indices = @transform_5, window_bounds = array<i64: 4, 128, 128>}, {pipeline_mode = #tpu.pipeline_mode<synchronous>, transform_indices = @transform_6, window_bounds = array<i64: 4, 128, 128>}, {pipeline_mode = #tpu.pipeline_mode<synchronous>, transform_indices = @transform_7, window_bounds = array<i64: 512, 128>}, {pipeline_mode = #tpu.pipeline_mode<synchronous>, transform_indices = @transform_8, window_bounds = array<i64: 128, 128>}, {pipeline_mode = #tpu.pipeline_mode<synchronous>, transform_indices = @transform_9, window_bounds = array<i64: 128, 128>}, {pipeline_mode = #tpu.pipeline_mode<synchronous>, transform_indices = @transform_10, window_bounds = array<i64: 5, 3, 128>}, {transform_indices = @transform_11, window_bounds = array<i64: 512, 128>}]} {
    %get3A = arith.constant 0 : index
    %get3A_0 = arith.constant 0 : index
    %get3A_1 = vector.load %arg1[%get3A, %get3A_0] : memref<512x128xf32, #tpu.memory_space<vmem>>, vector<512x128xf32>
    %get3A_2 = arith.constant 0 : index
    %get3A_3 = arith.constant 0 : index
    %get3A_4 = arith.constant 0 : index
    %get3A_5 = vector.load %arg5[%get3A_2, %get3A_3, %get3A_4] : memref<4x128x128xf32, #tpu.memory_space<vmem>>, vector<1x128x128xf32>
    %get3A_6 = vector.shape_cast %get3A_5 : vector<1x128x128xf32> to vector<128x128xf32>
    %dot_general3A = arith.constant dense<0.000000e+00> : vector<512x128xf32>
    %dot_general3A_7 = tpu.matmul %get3A_1, %get3A_6, %dot_general3A {dimension_numbers = #tpu.dot_dimension_numbers<[1], [0], [0], [1], [0, 0, 1, 1], [], []>, transpose_lhs_hint = false} : vector<512x128xf32>, vector<128x128xf32>, vector<512x128xf32> -> vector<512x128xf32>
    %get3A_8 = arith.constant 0 : index
    %get3A_9 = arith.constant 0 : index
    %get3A_10 = arith.constant 0 : index
    %get3A_11 = vector.load %arg11[%get3A_8, %get3A_9, %get3A_10] : memref<5x3x128xf32, #tpu.memory_space<vmem>>, vector<1x1x128xf32>
    %get3A_12 = vector.shape_cast %get3A_11 : vector<1x1x128xf32> to vector<128xf32>
    %broadcast_in_dim3A = vector.shape_cast %get3A_12 : vector<128xf32> to vector<1x128xf32>
    %add3A = vector.broadcast %broadcast_in_dim3A : vector<1x128xf32> to vector<512x128xf32>
    %add3A_13 = arith.addf %dot_general3A_7, %add3A : vector<512x128xf32>
    %gt3A = arith.constant 0.000000e+00 : f32
    %gt3A_14 = vector.broadcast %gt3A : f32 to vector<512x128xf32>
    %gt3A_15 = arith.cmpf ogt, %add3A_13, %gt3A_14 : vector<512x128xf32>
    %min3A = arith.constant 0.000000e+00 : f32
    %min3A_16 = vector.broadcast %min3A : f32 to vector<512x128xf32>
    %min3A_17 = arith.minimumf %add3A_13, %min3A_16 : vector<512x128xf32>
    %exp3A = math.exp %min3A_17 : vector<512x128xf32>
    %sub3A = arith.constant 1.000000e+00 : f32
    %sub3A_18 = vector.broadcast %sub3A : f32 to vector<512x128xf32>
    %sub3A_19 = arith.subf %exp3A, %sub3A_18 : vector<512x128xf32>
    %select_n3A = arith.select %gt3A_15, %add3A_13, %sub3A_19 : vector<512x128xi1>, vector<512x128xf32>
    %get3A_20 = arith.constant 0 : index
    %get3A_21 = arith.constant 0 : index
    %get3A_22 = arith.constant 0 : index
    %get3A_23 = vector.load %arg6[%get3A_20, %get3A_21, %get3A_22] : memref<4x128x128xf32, #tpu.memory_space<vmem>>, vector<1x128x128xf32>
    %get3A_24 = vector.shape_cast %get3A_23 : vector<1x128x128xf32> to vector<128x128xf32>
    %dot_general3A_25 = arith.constant dense<0.000000e+00> : vector<512x128xf32>
    %dot_general3A_26 = tpu.matmul %select_n3A, %get3A_24, %dot_general3A_25 {dimension_numbers = #tpu.dot_dimension_numbers<[1], [0], [0], [1], [0, 0, 1, 1], [], []>, transpose_lhs_hint = false} : vector<512x128xf32>, vector<128x128xf32>, vector<512x128xf32> -> vector<512x128xf32>
    %get3A_27 = arith.constant 0 : index
    %get3A_28 = arith.constant 1 : index
    %get3A_29 = arith.constant 0 : index
    %get3A_30 = vector.load %arg11[%get3A_27, %get3A_28, %get3A_29] : memref<5x3x128xf32, #tpu.memory_space<vmem>>, vector<1x1x128xf32>
    %get3A_31 = vector.shape_cast %get3A_30 : vector<1x1x128xf32> to vector<128xf32>
    %broadcast_in_dim3A_32 = vector.shape_cast %get3A_31 : vector<128xf32> to vector<1x128xf32>
    %add3A_33 = vector.broadcast %broadcast_in_dim3A_32 : vector<1x128xf32> to vector<512x128xf32>
    %add3A_34 = arith.addf %dot_general3A_26, %add3A_33 : vector<512x128xf32>
    %gt3A_35 = arith.constant 0.000000e+00 : f32
    %gt3A_36 = vector.broadcast %gt3A_35 : f32 to vector<512x128xf32>
    %gt3A_37 = arith.cmpf ogt, %add3A_34, %gt3A_36 : vector<512x128xf32>
    %min3A_38 = arith.constant 0.000000e+00 : f32
    %min3A_39 = vector.broadcast %min3A_38 : f32 to vector<512x128xf32>
    %min3A_40 = arith.minimumf %add3A_34, %min3A_39 : vector<512x128xf32>
    %exp3A_41 = math.exp %min3A_40 : vector<512x128xf32>
    %sub3A_42 = arith.constant 1.000000e+00 : f32
    %sub3A_43 = vector.broadcast %sub3A_42 : f32 to vector<512x128xf32>
    %sub3A_44 = arith.subf %exp3A_41, %sub3A_43 : vector<512x128xf32>
    %select_n3A_45 = arith.select %gt3A_37, %add3A_34, %sub3A_44 : vector<512x128xi1>, vector<512x128xf32>
    %get3A_46 = arith.constant 0 : index
    %get3A_47 = arith.constant 0 : index
    %get3A_48 = arith.constant 0 : index
    %get3A_49 = vector.load %arg7[%get3A_46, %get3A_47, %get3A_48] : memref<4x128x128xf32, #tpu.memory_space<vmem>>, vector<1x128x128xf32>
    %get3A_50 = vector.shape_cast %get3A_49 : vector<1x128x128xf32> to vector<128x128xf32>
    %dot_general3A_51 = arith.constant dense<0.000000e+00> : vector<512x128xf32>
    %dot_general3A_52 = tpu.matmul %select_n3A_45, %get3A_50, %dot_general3A_51 {dimension_numbers = #tpu.dot_dimension_numbers<[1], [0], [0], [1], [0, 0, 1, 1], [], []>, transpose_lhs_hint = false} : vector<512x128xf32>, vector<128x128xf32>, vector<512x128xf32> -> vector<512x128xf32>
    %get3A_53 = arith.constant 0 : index
    %get3A_54 = arith.constant 2 : index
    %get3A_55 = arith.constant 0 : index
    %get3A_56 = vector.load %arg11[%get3A_53, %get3A_54, %get3A_55] : memref<5x3x128xf32, #tpu.memory_space<vmem>>, vector<1x1x128xf32>
    %get3A_57 = vector.shape_cast %get3A_56 : vector<1x1x128xf32> to vector<128xf32>
    %broadcast_in_dim3A_58 = vector.shape_cast %get3A_57 : vector<128xf32> to vector<1x128xf32>
    %add3A_59 = vector.broadcast %broadcast_in_dim3A_58 : vector<1x128xf32> to vector<512x128xf32>
    %add3A_60 = arith.addf %dot_general3A_52, %add3A_59 : vector<512x128xf32>
    %get3A_61 = arith.constant 0 : index
    %get3A_62 = arith.constant 0 : index
    %get3A_63 = vector.load %arg2[%get3A_61, %get3A_62] : memref<512x128xf32, #tpu.memory_space<vmem>>, vector<512x128xf32>
    %get3A_64 = arith.constant 1 : index
    %get3A_65 = arith.constant 0 : index
    %get3A_66 = arith.constant 0 : index
    %get3A_67 = vector.load %arg5[%get3A_64, %get3A_65, %get3A_66] : memref<4x128x128xf32, #tpu.memory_space<vmem>>, vector<1x128x128xf32>
    %get3A_68 = vector.shape_cast %get3A_67 : vector<1x128x128xf32> to vector<128x128xf32>
    %dot_general3A_69 = arith.constant dense<0.000000e+00> : vector<512x128xf32>
    %dot_general3A_70 = tpu.matmul %get3A_63, %get3A_68, %dot_general3A_69 {dimension_numbers = #tpu.dot_dimension_numbers<[1], [0], [0], [1], [0, 0, 1, 1], [], []>, transpose_lhs_hint = false} : vector<512x128xf32>, vector<128x128xf32>, vector<512x128xf32> -> vector<512x128xf32>
    %get3A_71 = arith.constant 1 : index
    %get3A_72 = arith.constant 0 : index
    %get3A_73 = arith.constant 0 : index
    %get3A_74 = vector.load %arg11[%get3A_71, %get3A_72, %get3A_73] : memref<5x3x128xf32, #tpu.memory_space<vmem>>, vector<1x1x128xf32>
    %get3A_75 = vector.shape_cast %get3A_74 : vector<1x1x128xf32> to vector<128xf32>
    %broadcast_in_dim3A_76 = vector.shape_cast %get3A_75 : vector<128xf32> to vector<1x128xf32>
    %add3A_77 = vector.broadcast %broadcast_in_dim3A_76 : vector<1x128xf32> to vector<512x128xf32>
    %add3A_78 = arith.addf %dot_general3A_70, %add3A_77 : vector<512x128xf32>
    %gt3A_79 = arith.constant 0.000000e+00 : f32
    %gt3A_80 = vector.broadcast %gt3A_79 : f32 to vector<512x128xf32>
    %gt3A_81 = arith.cmpf ogt, %add3A_78, %gt3A_80 : vector<512x128xf32>
    %min3A_82 = arith.constant 0.000000e+00 : f32
    %min3A_83 = vector.broadcast %min3A_82 : f32 to vector<512x128xf32>
    %min3A_84 = arith.minimumf %add3A_78, %min3A_83 : vector<512x128xf32>
    %exp3A_85 = math.exp %min3A_84 : vector<512x128xf32>
    %sub3A_86 = arith.constant 1.000000e+00 : f32
    %sub3A_87 = vector.broadcast %sub3A_86 : f32 to vector<512x128xf32>
    %sub3A_88 = arith.subf %exp3A_85, %sub3A_87 : vector<512x128xf32>
    %select_n3A_89 = arith.select %gt3A_81, %add3A_78, %sub3A_88 : vector<512x128xi1>, vector<512x128xf32>
    %get3A_90 = arith.constant 1 : index
    %get3A_91 = arith.constant 0 : index
    %get3A_92 = arith.constant 0 : index
    %get3A_93 = vector.load %arg6[%get3A_90, %get3A_91, %get3A_92] : memref<4x128x128xf32, #tpu.memory_space<vmem>>, vector<1x128x128xf32>
    %get3A_94 = vector.shape_cast %get3A_93 : vector<1x128x128xf32> to vector<128x128xf32>
    %dot_general3A_95 = arith.constant dense<0.000000e+00> : vector<512x128xf32>
    %dot_general3A_96 = tpu.matmul %select_n3A_89, %get3A_94, %dot_general3A_95 {dimension_numbers = #tpu.dot_dimension_numbers<[1], [0], [0], [1], [0, 0, 1, 1], [], []>, transpose_lhs_hint = false} : vector<512x128xf32>, vector<128x128xf32>, vector<512x128xf32> -> vector<512x128xf32>
    %get3A_97 = arith.constant 1 : index
    %get3A_98 = arith.constant 1 : index
    %get3A_99 = arith.constant 0 : index
    %get3A_100 = vector.load %arg11[%get3A_97, %get3A_98, %get3A_99] : memref<5x3x128xf32, #tpu.memory_space<vmem>>, vector<1x1x128xf32>
    %get3A_101 = vector.shape_cast %get3A_100 : vector<1x1x128xf32> to vector<128xf32>
    %broadcast_in_dim3A_102 = vector.shape_cast %get3A_101 : vector<128xf32> to vector<1x128xf32>
    %add3A_103 = vector.broadcast %broadcast_in_dim3A_102 : vector<1x128xf32> to vector<512x128xf32>
    %add3A_104 = arith.addf %dot_general3A_96, %add3A_103 : vector<512x128xf32>
    %gt3A_105 = arith.constant 0.000000e+00 : f32
    %gt3A_106 = vector.broadcast %gt3A_105 : f32 to vector<512x128xf32>
    %gt3A_107 = arith.cmpf ogt, %add3A_104, %gt3A_106 : vector<512x128xf32>
    %min3A_108 = arith.constant 0.000000e+00 : f32
    %min3A_109 = vector.broadcast %min3A_108 : f32 to vector<512x128xf32>
    %min3A_110 = arith.minimumf %add3A_104, %min3A_109 : vector<512x128xf32>
    %exp3A_111 = math.exp %min3A_110 : vector<512x128xf32>
    %sub3A_112 = arith.constant 1.000000e+00 : f32
    %sub3A_113 = vector.broadcast %sub3A_112 : f32 to vector<512x128xf32>
    %sub3A_114 = arith.subf %exp3A_111, %sub3A_113 : vector<512x128xf32>
    %select_n3A_115 = arith.select %gt3A_107, %add3A_104, %sub3A_114 : vector<512x128xi1>, vector<512x128xf32>
    %get3A_116 = arith.constant 1 : index
    %get3A_117 = arith.constant 0 : index
    %get3A_118 = arith.constant 0 : index
    %get3A_119 = vector.load %arg7[%get3A_116, %get3A_117, %get3A_118] : memref<4x128x128xf32, #tpu.memory_space<vmem>>, vector<1x128x128xf32>
    %get3A_120 = vector.shape_cast %get3A_119 : vector<1x128x128xf32> to vector<128x128xf32>
    %dot_general3A_121 = arith.constant dense<0.000000e+00> : vector<512x128xf32>
    %dot_general3A_122 = tpu.matmul %select_n3A_115, %get3A_120, %dot_general3A_121 {dimension_numbers = #tpu.dot_dimension_numbers<[1], [0], [0], [1], [0, 0, 1, 1], [], []>, transpose_lhs_hint = false} : vector<512x128xf32>, vector<128x128xf32>, vector<512x128xf32> -> vector<512x128xf32>
    %get3A_123 = arith.constant 1 : index
    %get3A_124 = arith.constant 2 : index
    %get3A_125 = arith.constant 0 : index
    %get3A_126 = vector.load %arg11[%get3A_123, %get3A_124, %get3A_125] : memref<5x3x128xf32, #tpu.memory_space<vmem>>, vector<1x1x128xf32>
    %get3A_127 = vector.shape_cast %get3A_126 : vector<1x1x128xf32> to vector<128xf32>
    %broadcast_in_dim3A_128 = vector.shape_cast %get3A_127 : vector<128xf32> to vector<1x128xf32>
    %add3A_129 = vector.broadcast %broadcast_in_dim3A_128 : vector<1x128xf32> to vector<512x128xf32>
    %add3A_130 = arith.addf %dot_general3A_122, %add3A_129 : vector<512x128xf32>
    %get3A_131 = arith.constant 0 : index
    %get3A_132 = arith.constant 0 : index
    %get3A_133 = vector.load %arg3[%get3A_131, %get3A_132] : memref<512x128xf32, #tpu.memory_space<vmem>>, vector<512x128xf32>
    %get3A_134 = arith.constant 2 : index
    %get3A_135 = arith.constant 0 : index
    %get3A_136 = arith.constant 0 : index
    %get3A_137 = vector.load %arg5[%get3A_134, %get3A_135, %get3A_136] : memref<4x128x128xf32, #tpu.memory_space<vmem>>, vector<1x128x128xf32>
    %get3A_138 = vector.shape_cast %get3A_137 : vector<1x128x128xf32> to vector<128x128xf32>
    %dot_general3A_139 = arith.constant dense<0.000000e+00> : vector<512x128xf32>
    %dot_general3A_140 = tpu.matmul %get3A_133, %get3A_138, %dot_general3A_139 {dimension_numbers = #tpu.dot_dimension_numbers<[1], [0], [0], [1], [0, 0, 1, 1], [], []>, transpose_lhs_hint = false} : vector<512x128xf32>, vector<128x128xf32>, vector<512x128xf32> -> vector<512x128xf32>
    %get3A_141 = arith.constant 2 : index
    %get3A_142 = arith.constant 0 : index
    %get3A_143 = arith.constant 0 : index
    %get3A_144 = vector.load %arg11[%get3A_141, %get3A_142, %get3A_143] : memref<5x3x128xf32, #tpu.memory_space<vmem>>, vector<1x1x128xf32>
    %get3A_145 = vector.shape_cast %get3A_144 : vector<1x1x128xf32> to vector<128xf32>
    %broadcast_in_dim3A_146 = vector.shape_cast %get3A_145 : vector<128xf32> to vector<1x128xf32>
    %add3A_147 = vector.broadcast %broadcast_in_dim3A_146 : vector<1x128xf32> to vector<512x128xf32>
    %add3A_148 = arith.addf %dot_general3A_140, %add3A_147 : vector<512x128xf32>
    %gt3A_149 = arith.constant 0.000000e+00 : f32
    %gt3A_150 = vector.broadcast %gt3A_149 : f32 to vector<512x128xf32>
    %gt3A_151 = arith.cmpf ogt, %add3A_148, %gt3A_150 : vector<512x128xf32>
    %min3A_152 = arith.constant 0.000000e+00 : f32
    %min3A_153 = vector.broadcast %min3A_152 : f32 to vector<512x128xf32>
    %min3A_154 = arith.minimumf %add3A_148, %min3A_153 : vector<512x128xf32>
    %exp3A_155 = math.exp %min3A_154 : vector<512x128xf32>
    %sub3A_156 = arith.constant 1.000000e+00 : f32
    %sub3A_157 = vector.broadcast %sub3A_156 : f32 to vector<512x128xf32>
    %sub3A_158 = arith.subf %exp3A_155, %sub3A_157 : vector<512x128xf32>
    %select_n3A_159 = arith.select %gt3A_151, %add3A_148, %sub3A_158 : vector<512x128xi1>, vector<512x128xf32>
    %get3A_160 = arith.constant 2 : index
    %get3A_161 = arith.constant 0 : index
    %get3A_162 = arith.constant 0 : index
    %get3A_163 = vector.load %arg6[%get3A_160, %get3A_161, %get3A_162] : memref<4x128x128xf32, #tpu.memory_space<vmem>>, vector<1x128x128xf32>
    %get3A_164 = vector.shape_cast %get3A_163 : vector<1x128x128xf32> to vector<128x128xf32>
    %dot_general3A_165 = arith.constant dense<0.000000e+00> : vector<512x128xf32>
    %dot_general3A_166 = tpu.matmul %select_n3A_159, %get3A_164, %dot_general3A_165 {dimension_numbers = #tpu.dot_dimension_numbers<[1], [0], [0], [1], [0, 0, 1, 1], [], []>, transpose_lhs_hint = false} : vector<512x128xf32>, vector<128x128xf32>, vector<512x128xf32> -> vector<512x128xf32>
    %get3A_167 = arith.constant 2 : index
    %get3A_168 = arith.constant 1 : index
    %get3A_169 = arith.constant 0 : index
    %get3A_170 = vector.load %arg11[%get3A_167, %get3A_168, %get3A_169] : memref<5x3x128xf32, #tpu.memory_space<vmem>>, vector<1x1x128xf32>
    %get3A_171 = vector.shape_cast %get3A_170 : vector<1x1x128xf32> to vector<128xf32>
    %broadcast_in_dim3A_172 = vector.shape_cast %get3A_171 : vector<128xf32> to vector<1x128xf32>
    %add3A_173 = vector.broadcast %broadcast_in_dim3A_172 : vector<1x128xf32> to vector<512x128xf32>
    %add3A_174 = arith.addf %dot_general3A_166, %add3A_173 : vector<512x128xf32>
    %gt3A_175 = arith.constant 0.000000e+00 : f32
    %gt3A_176 = vector.broadcast %gt3A_175 : f32 to vector<512x128xf32>
    %gt3A_177 = arith.cmpf ogt, %add3A_174, %gt3A_176 : vector<512x128xf32>
    %min3A_178 = arith.constant 0.000000e+00 : f32
    %min3A_179 = vector.broadcast %min3A_178 : f32 to vector<512x128xf32>
    %min3A_180 = arith.minimumf %add3A_174, %min3A_179 : vector<512x128xf32>
    %exp3A_181 = math.exp %min3A_180 : vector<512x128xf32>
    %sub3A_182 = arith.constant 1.000000e+00 : f32
    %sub3A_183 = vector.broadcast %sub3A_182 : f32 to vector<512x128xf32>
    %sub3A_184 = arith.subf %exp3A_181, %sub3A_183 : vector<512x128xf32>
    %select_n3A_185 = arith.select %gt3A_177, %add3A_174, %sub3A_184 : vector<512x128xi1>, vector<512x128xf32>
    %get3A_186 = arith.constant 2 : index
    %get3A_187 = arith.constant 0 : index
    %get3A_188 = arith.constant 0 : index
    %get3A_189 = vector.load %arg7[%get3A_186, %get3A_187, %get3A_188] : memref<4x128x128xf32, #tpu.memory_space<vmem>>, vector<1x128x128xf32>
    %get3A_190 = vector.shape_cast %get3A_189 : vector<1x128x128xf32> to vector<128x128xf32>
    %dot_general3A_191 = arith.constant dense<0.000000e+00> : vector<512x128xf32>
    %dot_general3A_192 = tpu.matmul %select_n3A_185, %get3A_190, %dot_general3A_191 {dimension_numbers = #tpu.dot_dimension_numbers<[1], [0], [0], [1], [0, 0, 1, 1], [], []>, transpose_lhs_hint = false} : vector<512x128xf32>, vector<128x128xf32>, vector<512x128xf32> -> vector<512x128xf32>
    %get3A_193 = arith.constant 2 : index
    %get3A_194 = arith.constant 2 : index
    %get3A_195 = arith.constant 0 : index
    %get3A_196 = vector.load %arg11[%get3A_193, %get3A_194, %get3A_195] : memref<5x3x128xf32, #tpu.memory_space<vmem>>, vector<1x1x128xf32>
    %get3A_197 = vector.shape_cast %get3A_196 : vector<1x1x128xf32> to vector<128xf32>
    %broadcast_in_dim3A_198 = vector.shape_cast %get3A_197 : vector<128xf32> to vector<1x128xf32>
    %add3A_199 = vector.broadcast %broadcast_in_dim3A_198 : vector<1x128xf32> to vector<512x128xf32>
    %add3A_200 = arith.addf %dot_general3A_192, %add3A_199 : vector<512x128xf32>
    %get3A_201 = arith.constant 0 : index
    %get3A_202 = arith.constant 0 : index
    %get3A_203 = vector.load %arg4[%get3A_201, %get3A_202] : memref<512x128xf32, #tpu.memory_space<vmem>>, vector<512x128xf32>
    %get3A_204 = arith.constant 3 : index
    %get3A_205 = arith.constant 0 : index
    %get3A_206 = arith.constant 0 : index
    %get3A_207 = vector.load %arg5[%get3A_204, %get3A_205, %get3A_206] : memref<4x128x128xf32, #tpu.memory_space<vmem>>, vector<1x128x128xf32>
    %get3A_208 = vector.shape_cast %get3A_207 : vector<1x128x128xf32> to vector<128x128xf32>
    %dot_general3A_209 = arith.constant dense<0.000000e+00> : vector<512x128xf32>
    %dot_general3A_210 = tpu.matmul %get3A_203, %get3A_208, %dot_general3A_209 {dimension_numbers = #tpu.dot_dimension_numbers<[1], [0], [0], [1], [0, 0, 1, 1], [], []>, transpose_lhs_hint = false} : vector<512x128xf32>, vector<128x128xf32>, vector<512x128xf32> -> vector<512x128xf32>
    %get3A_211 = arith.constant 3 : index
    %get3A_212 = arith.constant 0 : index
    %get3A_213 = arith.constant 0 : index
    %get3A_214 = vector.load %arg11[%get3A_211, %get3A_212, %get3A_213] : memref<5x3x128xf32, #tpu.memory_space<vmem>>, vector<1x1x128xf32>
    %get3A_215 = vector.shape_cast %get3A_214 : vector<1x1x128xf32> to vector<128xf32>
    %broadcast_in_dim3A_216 = vector.shape_cast %get3A_215 : vector<128xf32> to vector<1x128xf32>
    %add3A_217 = vector.broadcast %broadcast_in_dim3A_216 : vector<1x128xf32> to vector<512x128xf32>
    %add3A_218 = arith.addf %dot_general3A_210, %add3A_217 : vector<512x128xf32>
    %gt3A_219 = arith.constant 0.000000e+00 : f32
    %gt3A_220 = vector.broadcast %gt3A_219 : f32 to vector<512x128xf32>
    %gt3A_221 = arith.cmpf ogt, %add3A_218, %gt3A_220 : vector<512x128xf32>
    %min3A_222 = arith.constant 0.000000e+00 : f32
    %min3A_223 = vector.broadcast %min3A_222 : f32 to vector<512x128xf32>
    %min3A_224 = arith.minimumf %add3A_218, %min3A_223 : vector<512x128xf32>
    %exp3A_225 = math.exp %min3A_224 : vector<512x128xf32>
    %sub3A_226 = arith.constant 1.000000e+00 : f32
    %sub3A_227 = vector.broadcast %sub3A_226 : f32 to vector<512x128xf32>
    %sub3A_228 = arith.subf %exp3A_225, %sub3A_227 : vector<512x128xf32>
    %select_n3A_229 = arith.select %gt3A_221, %add3A_218, %sub3A_228 : vector<512x128xi1>, vector<512x128xf32>
    %get3A_230 = arith.constant 3 : index
    %get3A_231 = arith.constant 0 : index
    %get3A_232 = arith.constant 0 : index
    %get3A_233 = vector.load %arg6[%get3A_230, %get3A_231, %get3A_232] : memref<4x128x128xf32, #tpu.memory_space<vmem>>, vector<1x128x128xf32>
    %get3A_234 = vector.shape_cast %get3A_233 : vector<1x128x128xf32> to vector<128x128xf32>
    %dot_general3A_235 = arith.constant dense<0.000000e+00> : vector<512x128xf32>
    %dot_general3A_236 = tpu.matmul %select_n3A_229, %get3A_234, %dot_general3A_235 {dimension_numbers = #tpu.dot_dimension_numbers<[1], [0], [0], [1], [0, 0, 1, 1], [], []>, transpose_lhs_hint = false} : vector<512x128xf32>, vector<128x128xf32>, vector<512x128xf32> -> vector<512x128xf32>
    %get3A_237 = arith.constant 3 : index
    %get3A_238 = arith.constant 1 : index
    %get3A_239 = arith.constant 0 : index
    %get3A_240 = vector.load %arg11[%get3A_237, %get3A_238, %get3A_239] : memref<5x3x128xf32, #tpu.memory_space<vmem>>, vector<1x1x128xf32>
    %get3A_241 = vector.shape_cast %get3A_240 : vector<1x1x128xf32> to vector<128xf32>
    %broadcast_in_dim3A_242 = vector.shape_cast %get3A_241 : vector<128xf32> to vector<1x128xf32>
    %add3A_243 = vector.broadcast %broadcast_in_dim3A_242 : vector<1x128xf32> to vector<512x128xf32>
    %add3A_244 = arith.addf %dot_general3A_236, %add3A_243 : vector<512x128xf32>
    %gt3A_245 = arith.constant 0.000000e+00 : f32
    %gt3A_246 = vector.broadcast %gt3A_245 : f32 to vector<512x128xf32>
    %gt3A_247 = arith.cmpf ogt, %add3A_244, %gt3A_246 : vector<512x128xf32>
    %min3A_248 = arith.constant 0.000000e+00 : f32
    %min3A_249 = vector.broadcast %min3A_248 : f32 to vector<512x128xf32>
    %min3A_250 = arith.minimumf %add3A_244, %min3A_249 : vector<512x128xf32>
    %exp3A_251 = math.exp %min3A_250 : vector<512x128xf32>
    %sub3A_252 = arith.constant 1.000000e+00 : f32
    %sub3A_253 = vector.broadcast %sub3A_252 : f32 to vector<512x128xf32>
    %sub3A_254 = arith.subf %exp3A_251, %sub3A_253 : vector<512x128xf32>
    %select_n3A_255 = arith.select %gt3A_247, %add3A_244, %sub3A_254 : vector<512x128xi1>, vector<512x128xf32>
    %get3A_256 = arith.constant 3 : index
    %get3A_257 = arith.constant 0 : index
    %get3A_258 = arith.constant 0 : index
    %get3A_259 = vector.load %arg7[%get3A_256, %get3A_257, %get3A_258] : memref<4x128x128xf32, #tpu.memory_space<vmem>>, vector<1x128x128xf32>
    %get3A_260 = vector.shape_cast %get3A_259 : vector<1x128x128xf32> to vector<128x128xf32>
    %dot_general3A_261 = arith.constant dense<0.000000e+00> : vector<512x128xf32>
    %dot_general3A_262 = tpu.matmul %select_n3A_255, %get3A_260, %dot_general3A_261 {dimension_numbers = #tpu.dot_dimension_numbers<[1], [0], [0], [1], [0, 0, 1, 1], [], []>, transpose_lhs_hint = false} : vector<512x128xf32>, vector<128x128xf32>, vector<512x128xf32> -> vector<512x128xf32>
    %get3A_263 = arith.constant 3 : index
    %get3A_264 = arith.constant 2 : index
    %get3A_265 = arith.constant 0 : index
    %get3A_266 = vector.load %arg11[%get3A_263, %get3A_264, %get3A_265] : memref<5x3x128xf32, #tpu.memory_space<vmem>>, vector<1x1x128xf32>
    %get3A_267 = vector.shape_cast %get3A_266 : vector<1x1x128xf32> to vector<128xf32>
    %broadcast_in_dim3A_268 = vector.shape_cast %get3A_267 : vector<128xf32> to vector<1x128xf32>
    %add3A_269 = vector.broadcast %broadcast_in_dim3A_268 : vector<1x128xf32> to vector<512x128xf32>
    %add3A_270 = arith.addf %dot_general3A_262, %add3A_269 : vector<512x128xf32>
    %get3A_271 = arith.constant 0 : index
    %get3A_272 = arith.constant 0 : index
    %get3A_273 = vector.load %arg8[%get3A_271, %get3A_272] : memref<512x128xf32, #tpu.memory_space<vmem>>, vector<512x128xf32>
    %slice3A = vector.extract_strided_slice %get3A_273 {offsets = [0, 0], sizes = [128, 128], strides = [1, 1]} : vector<512x128xf32> to vector<128x128xf32>
    %dot_general3A_274 = arith.constant dense<0.000000e+00> : vector<512x128xf32>
    %dot_general3A_275 = tpu.matmul %add3A_60, %slice3A, %dot_general3A_274 {dimension_numbers = #tpu.dot_dimension_numbers<[1], [0], [0], [1], [0, 0, 1, 1], [], []>, transpose_lhs_hint = false} : vector<512x128xf32>, vector<128x128xf32>, vector<512x128xf32> -> vector<512x128xf32>
    %slice3A_276 = vector.extract_strided_slice %get3A_273 {offsets = [128, 0], sizes = [128, 128], strides = [1, 1]} : vector<512x128xf32> to vector<128x128xf32>
    %dot_general3A_277 = arith.constant dense<0.000000e+00> : vector<512x128xf32>
    %dot_general3A_278 = tpu.matmul %add3A_130, %slice3A_276, %dot_general3A_277 {dimension_numbers = #tpu.dot_dimension_numbers<[1], [0], [0], [1], [0, 0, 1, 1], [], []>, transpose_lhs_hint = false} : vector<512x128xf32>, vector<128x128xf32>, vector<512x128xf32> -> vector<512x128xf32>
    %add3A_279 = arith.addf %dot_general3A_275, %dot_general3A_278 : vector<512x128xf32>
    %slice3A_280 = vector.extract_strided_slice %get3A_273 {offsets = [256, 0], sizes = [128, 128], strides = [1, 1]} : vector<512x128xf32> to vector<128x128xf32>
    %dot_general3A_281 = arith.constant dense<0.000000e+00> : vector<512x128xf32>
    %dot_general3A_282 = tpu.matmul %add3A_200, %slice3A_280, %dot_general3A_281 {dimension_numbers = #tpu.dot_dimension_numbers<[1], [0], [0], [1], [0, 0, 1, 1], [], []>, transpose_lhs_hint = false} : vector<512x128xf32>, vector<128x128xf32>, vector<512x128xf32> -> vector<512x128xf32>
    %add3A_283 = arith.addf %add3A_279, %dot_general3A_282 : vector<512x128xf32>
    %slice3A_284 = vector.extract_strided_slice %get3A_273 {offsets = [384, 0], sizes = [128, 128], strides = [1, 1]} : vector<512x128xf32> to vector<128x128xf32>
    %dot_general3A_285 = arith.constant dense<0.000000e+00> : vector<512x128xf32>
    %dot_general3A_286 = tpu.matmul %add3A_270, %slice3A_284, %dot_general3A_285 {dimension_numbers = #tpu.dot_dimension_numbers<[1], [0], [0], [1], [0, 0, 1, 1], [], []>, transpose_lhs_hint = false} : vector<512x128xf32>, vector<128x128xf32>, vector<512x128xf32> -> vector<512x128xf32>
    %add3A_287 = arith.addf %add3A_283, %dot_general3A_286 : vector<512x128xf32>
    %get3A_288 = arith.constant 4 : index
    %get3A_289 = arith.constant 0 : index
    %get3A_290 = arith.constant 0 : index
    %get3A_291 = vector.load %arg11[%get3A_288, %get3A_289, %get3A_290] : memref<5x3x128xf32, #tpu.memory_space<vmem>>, vector<1x1x128xf32>
    %get3A_292 = vector.shape_cast %get3A_291 : vector<1x1x128xf32> to vector<128xf32>
    %broadcast_in_dim3A_293 = vector.shape_cast %get3A_292 : vector<128xf32> to vector<1x128xf32>
    %add3A_294 = vector.broadcast %broadcast_in_dim3A_293 : vector<1x128xf32> to vector<512x128xf32>
    %add3A_295 = arith.addf %add3A_287, %add3A_294 : vector<512x128xf32>
    %gt3A_296 = arith.constant 0.000000e+00 : f32
    %gt3A_297 = vector.broadcast %gt3A_296 : f32 to vector<512x128xf32>
    %gt3A_298 = arith.cmpf ogt, %add3A_295, %gt3A_297 : vector<512x128xf32>
    %min3A_299 = arith.constant 0.000000e+00 : f32
    %min3A_300 = vector.broadcast %min3A_299 : f32 to vector<512x128xf32>
    %min3A_301 = arith.minimumf %add3A_295, %min3A_300 : vector<512x128xf32>
    %exp3A_302 = math.exp %min3A_301 : vector<512x128xf32>
    %sub3A_303 = arith.constant 1.000000e+00 : f32
    %sub3A_304 = vector.broadcast %sub3A_303 : f32 to vector<512x128xf32>
    %sub3A_305 = arith.subf %exp3A_302, %sub3A_304 : vector<512x128xf32>
    %select_n3A_306 = arith.select %gt3A_298, %add3A_295, %sub3A_305 : vector<512x128xi1>, vector<512x128xf32>
    %get3A_307 = arith.constant 0 : index
    %get3A_308 = arith.constant 0 : index
    %get3A_309 = vector.load %arg9[%get3A_307, %get3A_308] : memref<128x128xf32, #tpu.memory_space<vmem>>, vector<128x128xf32>
    %dot_general3A_310 = arith.constant dense<0.000000e+00> : vector<512x128xf32>
    %dot_general3A_311 = tpu.matmul %select_n3A_306, %get3A_309, %dot_general3A_310 {dimension_numbers = #tpu.dot_dimension_numbers<[1], [0], [0], [1], [0, 0, 1, 1], [], []>, transpose_lhs_hint = false} : vector<512x128xf32>, vector<128x128xf32>, vector<512x128xf32> -> vector<512x128xf32>
    %get3A_312 = arith.constant 4 : index
    %get3A_313 = arith.constant 1 : index
    %get3A_314 = arith.constant 0 : index
    %get3A_315 = vector.load %arg11[%get3A_312, %get3A_313, %get3A_314] : memref<5x3x128xf32, #tpu.memory_space<vmem>>, vector<1x1x128xf32>
    %get3A_316 = vector.shape_cast %get3A_315 : vector<1x1x128xf32> to vector<128xf32>
    %broadcast_in_dim3A_317 = vector.shape_cast %get3A_316 : vector<128xf32> to vector<1x128xf32>
    %add3A_318 = vector.broadcast %broadcast_in_dim3A_317 : vector<1x128xf32> to vector<512x128xf32>
    %add3A_319 = arith.addf %dot_general3A_311, %add3A_318 : vector<512x128xf32>
    %gt3A_320 = arith.constant 0.000000e+00 : f32
    %gt3A_321 = vector.broadcast %gt3A_320 : f32 to vector<512x128xf32>
    %gt3A_322 = arith.cmpf ogt, %add3A_319, %gt3A_321 : vector<512x128xf32>
    %min3A_323 = arith.constant 0.000000e+00 : f32
    %min3A_324 = vector.broadcast %min3A_323 : f32 to vector<512x128xf32>
    %min3A_325 = arith.minimumf %add3A_319, %min3A_324 : vector<512x128xf32>
    %exp3A_326 = math.exp %min3A_325 : vector<512x128xf32>
    %sub3A_327 = arith.constant 1.000000e+00 : f32
    %sub3A_328 = vector.broadcast %sub3A_327 : f32 to vector<512x128xf32>
    %sub3A_329 = arith.subf %exp3A_326, %sub3A_328 : vector<512x128xf32>
    %select_n3A_330 = arith.select %gt3A_322, %add3A_319, %sub3A_329 : vector<512x128xi1>, vector<512x128xf32>
    %get3A_331 = arith.constant 0 : index
    %get3A_332 = arith.constant 0 : index
    %get3A_333 = vector.load %arg10[%get3A_331, %get3A_332] : memref<128x128xf32, #tpu.memory_space<vmem>>, vector<128x128xf32>
    %dot_general3A_334 = arith.constant dense<0.000000e+00> : vector<512x128xf32>
    %dot_general3A_335 = tpu.matmul %select_n3A_330, %get3A_333, %dot_general3A_334 {dimension_numbers = #tpu.dot_dimension_numbers<[1], [0], [0], [1], [0, 0, 1, 1], [], []>, transpose_lhs_hint = false} : vector<512x128xf32>, vector<128x128xf32>, vector<512x128xf32> -> vector<512x128xf32>
    %get3A_336 = arith.constant 4 : index
    %get3A_337 = arith.constant 2 : index
    %get3A_338 = arith.constant 0 : index
    %get3A_339 = vector.load %arg11[%get3A_336, %get3A_337, %get3A_338] : memref<5x3x128xf32, #tpu.memory_space<vmem>>, vector<1x1x128xf32>
    %get3A_340 = vector.shape_cast %get3A_339 : vector<1x1x128xf32> to vector<128xf32>
    %broadcast_in_dim3A_341 = vector.shape_cast %get3A_340 : vector<128xf32> to vector<1x128xf32>
    %add3A_342 = vector.broadcast %broadcast_in_dim3A_341 : vector<1x128xf32> to vector<512x128xf32>
    %add3A_343 = arith.addf %dot_general3A_335, %add3A_342 : vector<512x128xf32>
    %mul3A = arith.constant 512 : i32
    %mul3A_344 = arith.muli %arg0, %mul3A : i32
    %iota3A = tpu.iota {dimensions = array<i32: 0>} : vector<512x128xi32>
    %add3A_345 = vector.broadcast %mul3A_344 : i32 to vector<512x128xi32>
    %add3A_346 = arith.addi %add3A_345, %iota3A : vector<512x128xi32>
    %eq3A = arith.constant 9999 : i32
    %eq3A_347 = vector.broadcast %eq3A : i32 to vector<512x128xi32>
    %eq3A_348 = arith.cmpi eq, %add3A_346, %eq3A_347 : vector<512x128xi32>
    %jit3A = arith.constant 0.000000e+00 : f32
    %broadcast_in_dim3A_349 = vector.broadcast %jit3A : f32 to vector<512x128xf32>
    %select_n3A_350 = arith.select %eq3A_348, %broadcast_in_dim3A_349, %add3A_343 : vector<512x128xi1>, vector<512x128xf32>
    %swap3A = arith.constant 0 : index
    %swap3A_351 = arith.constant 0 : index
    %swap3A_352 = vector.load %arg12[%swap3A, %swap3A_351] : memref<512x128xf32, #tpu.memory_space<vmem>>, vector<512x128xf32>
    tpu.vector_store %arg12[%swap3A, %swap3A_351], %select_n3A_350 {strides = array<i32>} : memref<512x128xf32, #tpu.memory_space<vmem>>, vector<512x128xf32>,
    return
  }
  func.func @transform_0(%arg0: i32) -> (i32, i32) {
    %c0_i32 = arith.constant 0 : i32
    %c0_i32_0 = arith.constant 0 : i32
    return %arg0, %c0_i32 : i32, i32
  }
  func.func @transform_1(%arg0: i32) -> (i32, i32) {
    %c0_i32 = arith.constant 0 : i32
    %c0_i32_0 = arith.constant 0 : i32
    return %arg0, %c0_i32 : i32, i32
  }
  func.func @transform_2(%arg0: i32) -> (i32, i32) {
    %c0_i32 = arith.constant 0 : i32
    %c0_i32_0 = arith.constant 0 : i32
    return %arg0, %c0_i32 : i32, i32
  }
  func.func @transform_3(%arg0: i32) -> (i32, i32) {
    %c0_i32 = arith.constant 0 : i32
    %c0_i32_0 = arith.constant 0 : i32
    return %arg0, %c0_i32 : i32, i32
  }
  func.func @transform_4(%arg0: i32) -> (i32, i32, i32) {
    %c0_i32 = arith.constant 0 : i32
    %c0_i32_0 = arith.constant 0 : i32
    %c0_i32_1 = arith.constant 0 : i32
    %c0_i32_2 = arith.constant 0 : i32
    return %c0_i32, %c0_i32_0, %c0_i32_1 : i32, i32, i32
  }
  func.func @transform_5(%arg0: i32) -> (i32, i32, i32) {
    %c0_i32 = arith.constant 0 : i32
    %c0_i32_0 = arith.constant 0 : i32
    %c0_i32_1 = arith.constant 0 : i32
    %c0_i32_2 = arith.constant 0 : i32
    return %c0_i32, %c0_i32_0, %c0_i32_1 : i32, i32, i32
  }
  func.func @transform_6(%arg0: i32) -> (i32, i32, i32) {
    %c0_i32 = arith.constant 0 : i32
    %c0_i32_0 = arith.constant 0 : i32
    %c0_i32_1 = arith.constant 0 : i32
    %c0_i32_2 = arith.constant 0 : i32
    return %c0_i32, %c0_i32_0, %c0_i32_1 : i32, i32, i32
  }
  func.func @transform_7(%arg0: i32) -> (i32, i32) {
    %c0_i32 = arith.constant 0 : i32
    %c0_i32_0 = arith.constant 0 : i32
    %c0_i32_1 = arith.constant 0 : i32
    return %c0_i32, %c0_i32_0 : i32, i32
  }
  func.func @transform_8(%arg0: i32) -> (i32, i32) {
    %c0_i32 = arith.constant 0 : i32
    %c0_i32_0 = arith.constant 0 : i32
    %c0_i32_1 = arith.constant 0 : i32
    return %c0_i32, %c0_i32_0 : i32, i32
  }
  func.func @transform_9(%arg0: i32) -> (i32, i32) {
    %c0_i32 = arith.constant 0 : i32
    %c0_i32_0 = arith.constant 0 : i32
    %c0_i32_1 = arith.constant 0 : i32
    return %c0_i32, %c0_i32_0 : i32, i32
  }
  func.func @transform_10(%arg0: i32) -> (i32, i32, i32) {
    %c0_i32 = arith.constant 0 : i32
    %c0_i32_0 = arith.constant 0 : i32
    %c0_i32_1 = arith.constant 0 : i32
    %c0_i32_2 = arith.constant 0 : i32
    return %c0_i32, %c0_i32_0, %c0_i32_1 : i32, i32, i32
  }
  func.func @transform_11(%arg0: i32) -> (i32, i32) {
    %c0_i32 = arith.constant 0 : i32
    %c0_i32_0 = arith.constant 0 : i32
    return %arg0, %c0_i32 : i32, i32
  }
}

</mosaic_0001>

<sc_bundles>
// kernel: kernel.4.cloned.1.call-start
scs
__scs_entry_jumppad:
0x0: {  	(pc) =	sbr.rel $0x88, $3  }
0x1: {  	(tag) =	ssettag $0x0;
	lr =	simm.s32 $0x1  }
0x2: {  	[smem:$0x3F7E] =	sst lr;
	_ =	strace $0xD0000000  }
0x3: {  	_ = 	snop  }
0x4: {  	_ = 	snop  }
0x5: {  	_ = 	snop  }
0x6: {  	_ = 	snop  }
0x7: {  	_ = 	snop  }
__scs_overlays_trampoline_lowered:
0x8: {  	[smem:$0x3F8D] =	sst s0  }
0x9: {  	[smem:$0x3F8E] =	sst s1  }
0xa: {  	[smem:$0x3F8F] =	sst s2  }
0xb: {  	[smem:$0x3F90] =	sst s3  }
0xc: {  	[smem:$0x3F91] =	sst s4  }
0xd: {  	[smem:$0x3F92] =	sst s5  }
0xe: {  	[smem:$0x3F93] =	sst s6  }
0xf: {  	[smem:$0x3F94] =	sst s7  }
0x10: {  	[smem:$0x3F95] =	sst s8  }
0x11: {  	[smem:$0x3F96] =	sst s9;
	s0 =	simm.s32 @!p0 $0x0  }
0x12: {  	s1 =	sld [smem:$0x3F7C];
	s0 =	simm.s32 @p0 $0x1  }
0x13: {  	[smem:$0x3F97] =	sst s0;
	s0 =	simm.s32 @!p1 $0x0  }
0x14: {  	s2 =	sld [smem:$0x3F7B];
	s0 =	simm.s32 @p1 $0x1  }
0x15: {  	[smem:$0x3F98] =	sst s0;
	s0 =	simm.s32 @!p2 $0x0  }
0x16: {  	s3 =	sld [smem:$0x3FDB];
	s0 =	simm.s32 @p2 $0x1  }
0x17: {  	s4 =	simm.s32 $0x1BF5;
	[smem:$0x3F9A] =	sst s0  }
0x18: {  	s0 =	sld [smem:$0x3F7D];
	_ =	swait.ge [sflag:s4], $0x0  }
0x19: {  	s7 =	sld [smem:$0x3F7E]  }
0x1a: {  	s8 =	sadd.s32 $0xFFFFE003, lr  }
0x1b: {  	s9 =	sadd.s32 $0xFFFFFEF7, lr;
	s5 =	simm.s32 $0xFFFFFFFF;
	p2 =	slt.u32 s8, $0xFFFFF086  }
0x1c: {  	p1 =	slt.u32 s9, $0xF7A;
	s5 =	simm.s32 @!p2 $0x0  }
0x1d: {  	s5 =	simm.s32 @p1 $0x1;
	p0 =	seq.s32 s7, s2  }
0x1e: {  	s7 =	smul.u32 @!p0 $0xF7A, s2;
	p2 =	seq.s32 @!p0 s5, $0x0  }
0x1f: {  	s9 =	smul.u32 $0xF7A, s1;
	s8 =	simm.s32 @!p0 $0x1BF5;
	p2 =	por !p2, p0  }
0x20: {  	[sflag:s8] =	ssyncset.s32 @!p0 $0xFFFFF086;
	s6 =	sadd.s32 @!p0 s3, s7;
	s7 =	simm.s32 @!p0 $0x108  }
0x21: {  	s3 =	sadd.s32 s3, s9;
	s6 =	sadd.s32 @!p0 $0x88, s6;
	s7 =	simm.s32 @p2 $0x1082  }
0x22: {  	[simem:s7], [sflag:s8] =	dma.local @!p0 [hbm:s6], $0xF7A  }
0x23: {  	s9 =	sor.u32 $0xD0000000, s2;
	s6 =	simm.s32 $0x108;
	_ =	swait.ge @!p0 [sflag:s8], $0x0  }
0x24: {  	s3 =	sadd.s32 $0x88, s3;
	s6 =	simm.s32 @!p1 $0x1082;
	[sflag:s4] =	ssyncset.s32 $0xFFFFF086  }
0x25: {  	[simem:s6], [sflag:s4] =	dma.local [hbm:s3], $0xF7A  }
0x26: {  	[smem:$0x3F7E] =	sst s1;
	(tag) =	ssettag s2;
	_ =	strace s9  }
0x27: {  	s1 =	sld [smem:$0x3F8E]  }
0x28: {  	s2 =	sld [smem:$0x3F8F]  }
0x29: {  	s4 =	sld [smem:$0x3F91]  }
0x2a: {  	p0 =	seq.s32 s5, $0x0;
	s5 =	sld [smem:$0x3F92]  }
0x2b: {  	s6 =	sld [smem:$0x3F93]  }
0x2c: {  	s7 =	sld [smem:$0x3F94]  }
0x2d: {  	s3 =	simm.s32 $0x108;
	s8 =	sld [smem:$0x3F95]  }
0x2e: {  	s3 =	simm.s32 @!p0 $0x1082;
	s9 =	sld [smem:$0x3F96]  }
0x2f: {  	lr =	sadd.s32 s0, s3;
	s0 =	sld [smem:$0x3F8D]  }
0x30: {  	s3 =	sld [smem:$0x3F90]  }
0x31: {  	[smem:$0x3F99] =	sst s10  }
0x32: {  	s10 =	sld [smem:$0x3F97];
	_ =	sdelay $0x3  }
0x33: {  	p0 =	seq.s32 s10, $0x1;
	s10 =	sld [smem:$0x3F99];
	_ =	sdelay $0x3  }
0x34: {  	[smem:$0x3F99] =	sst s10  }
0x35: {  	s10 =	sld [smem:$0x3F98];
	_ =	sdelay $0x3  }
0x36: {  	p1 =	seq.s32 s10, $0x1;
	s10 =	sld [smem:$0x3F99];
	_ =	sdelay $0x3  }
0x37: {  	[smem:$0x3F99] =	sst s10  }
0x38: {  	s10 =	sld [smem:$0x3F9A]  }
0x39: {  	_ = 	snop;
	(pc) =	sbr.ind lr, $3  }
0x3a: {  	_ = 	snop  }
0x3b: {  	_ = 	snop  }
0x3c: {  	p2 =	seq.s32 s10, $0x1;
	s10 =	sld [smem:$0x3F99]  }
0x3d: {  	_ =	shalt  }
0x3e: {  	_ =	shalt  }
0x3f: {  	_ =	shalt  }
0x40: {  	_ =	shalt  }
0x41: {  	_ =	shalt  }
0x42: {  	_ =	shalt  }
0x43: {  	_ =	shalt  }
0x44: {  	_ =	shalt  }
0x45: {  	_ =	shalt  }
0x46: {  	_ =	shalt  }
0x47: {  	_ =	shalt  }
0x48: {  	_ =	shalt  }
0x49: {  	_ =	shalt  }
0x4a: {  	_ =	shalt  }
0x4b: {  	_ =	shalt  }
0x4c: {  	_ =	shalt  }
0x4d: {  	_ =	shalt  }
0x4e: {  	_ =	shalt  }
0x4f: {  	_ =	shalt  }
0x50: {  	_ =	shalt  }
0x51: {  	_ =	shalt  }
0x52: {  	_ =	shalt  }
0x53: {  	_ =	shalt  }
0x54: {  	_ =	shalt  }
0x55: {  	_ =	shalt  }
0x56: {  	_ =	shalt  }
0x57: {  	_ =	shalt  }
0x58: {  	_ =	shalt  }
0x59: {  	_ =	shalt  }
0x5a: {  	_ =	shalt  }
0x5b: {  	_ =	shalt  }
0x5c: {  	_ =	shalt  }
0x5d: {  	_ =	shalt  }
0x5e: {  	_ =	shalt  }
0x5f: {  	_ =	shalt  }
0x60: {  	_ =	shalt  }
0x61: {  	_ =	shalt  }
0x62: {  	_ =	shalt  }
0x63: {  	_ =	shalt  }
0x64: {  	_ =	shalt  }
0x65: {  	_ =	shalt  }
0x66: {  	_ =	shalt  }
0x67: {  	_ =	shalt  }
0x68: {  	_ =	shalt  }
0x69: {  	_ =	shalt  }
0x6a: {  	_ =	shalt  }
0x6b: {  	_ =	shalt  }
0x6c: {  	_ =	shalt  }
0x6d: {  	_ =	shalt  }
0x6e: {  	_ =	shalt  }
0x6f: {  	_ =	shalt  }
0x70: {  	_ =	shalt  }
0x71: {  	_ =	shalt  }
0x72: {  	_ =	shalt  }
0x73: {  	_ =	shalt  }
0x74: {  	_ =	shalt  }
0x75: {  	_ =	shalt  }
0x76: {  	_ =	shalt  }
0x77: {  	_ =	shalt  }
0x78: {  	_ =	shalt  }
0x79: {  	_ =	shalt  }
0x7a: {  	_ =	shalt  }
0x7b: {  	_ =	shalt  }
0x7c: {  	_ =	shalt  }
0x7d: {  	_ =	shalt  }
0x7e: {  	_ =	shalt  }
0x7f: {  	_ =	shalt  }
0x80: {  	_ =	shalt  }
0x81: {  	_ =	shalt  }
0x82: {  	_ =	shalt  }
0x83: {  	_ =	shalt  }
0x84: {  	_ =	shalt  }
0x85: {  	_ =	shalt  }
0x86: {  	_ =	shalt  }
0x87: {  	_ =	shalt  }
.Lfunc_end0:
.L_simem_size_0:
called_computation_lowered:
.L_overlay_start_0:
0x88: {  	s2 =	sld [smem:$0x3FD9]  }
0x89: {  	s3 =	sld [smem:$0x3FFE];
	_ =	sdelay $0x1  }
0x8a: {  	s1 =	srdreg.scid  }
0x8b: {  	s0 =	sand.u32 $0x1, s1  }
0x8c: {  	s17 =	sshll.u32 s0, $0xA;
	s2 =	sadd.s32 s3, s2  }
0x8d: {  	s2 =	sadd.s32 s2, s17  }
0x8e: {  	[smem:$0x3FA5] =	sst s2  }
0x8f: {  	_ = 	snop  }
0x90: {  	s2 =	sld [smem:$0x3FD0];
	(tm) =	ssettm $0x1  }
0x91: {  	s18 =	sld [smem:$0x3FFB];
	_ =	sdelay $0x3  }
0x92: {  	_ =	strace s18  }
0x93: {  	s3 =	sld [smem:$0x3FFC];
	_ =	sdelay $0x3  }
0x94: {  	_ =	strace s3  }
0x95: {  	s3 =	sld [smem:$0x3FFD];
	_ =	sdelay $0x3  }
0x96: {  	_ =	strace s3  }
0x97: {  	_ =	strace $0x8FFFFFFF  }
0x98: {  	s19 =	sld [smem:$0x3FDB];
	_ =	sdelay $0x1  }
0x99: {  	s4 =	simm.s32 $_scs_section_size  }
0x9a: {  	s5 =	simm.s32 $_size__tile_overlayer_lowered;
	s6 =	simm.s32 $_tile_overlayer_lowered  }
0x9b: {  	s22 =	simm.s32 $0x1BFF;
	s21 =	sshll.u32 s6, $0x1;
	s3 =	sadd.s32 s4, s19  }
0x9c: {  	s7 =	simm.s32 $0x0;
	s20 =	sshll.u32 s5, $0x1;
	s5 =	sadd.s32 s21, s3  }
0x9d: {  	[timem:s7], [sflag:s22] =	dma.local [hbm:s5], s20  }
0x9e: {  	_ =	swait.ge [sflag:s22], s20  }
0x9f: {  	s4 =	ssub.s32 $0x0, s20;
	[sflag:s22] =	ssyncset.done $0x0  }
0xa0: {  	[sflag:s22] =	ssyncadd.s32 s4;
	_ =	sdelay $0x1  }
0xa1: {  	s23 =	simm.s32 $0x1B8B  }
0xa2: {  	_ =	swait.ge [sflag:s23], $0x1  }
0xa3: {  	[sflag:s23] =	ssyncset.done $0x0  }
0xa4: {  	s25 =	simm.s32 $0x1B8E;
	s24 =	sld [smem:$0x3FFE];
	[sflag:s23] =	ssyncadd.s32 $0xFFFFFFFF  }
0xa5: {  	s26 =	simm.s32 $execute0_lowered;
	[smem:$0x3FD2] =	sst s25  }
0xa6: {  	s5 =	sshll.u32 s26, $0x1;
	_ =	strace $0x80000046;
	[dreg:$0x1] =	wrdreg $0xFFFFFFFF  }
0xa7: {  	s28 =	simm.s32 $_size_execute0_lowered;
	s3 =	sadd.s32 s3, s5;
	[dreg:$0x0] =	wrdreg $0x0  }
0xa8: {  	s5 =	sshll.u32 s28, $0x1;
	[dreg:$0x2] =	wrdreg s3  }
0xa9: {  	[dreg:$0x3] =	wrdreg s5  }
0xaa: {  	[dreg:$0x4] =	wrdreg $0xC0  }
0xab: {  	_ =	task [dreg:s7], $0x5FFFF  }
0xac: {  	[dreg:$0x1] =	wrdreg $0xFFFFFFFF  }
0xad: {  	[dreg:$0x0] =	wrdreg $0x60  }
0xae: {  	[dreg:$0x2] =	wrdreg s24  }
0xaf: {  	[dreg:$0x3] =	wrdreg s2  }
0xb0: {  	[dreg:$0x4] =	wrdreg $0xA0800  }
0xb1: {  	[dreg:$0x5] =	wrdreg $0x9  }
0xb2: {  	_ =	task.clear_ibuf [dreg:s7], $0x6FFFF;
	_ =	strace $0x90000046  }
0xb3: {  	s29 =	simm.s32 $0x9;
	_ =	strace $0x80000048  }
0xb4: {  	_ =	swait.ge [sflag:s29], $0x1  }
0xb5: {  	[sflag:s29] =	ssyncadd.s32 $0xFFFFFFFF  }
0xb6: {  	_ =	strace $0x90000048  }
0xb7: {  	_ =	sfence  }
0xb8: {  	s30 =	sld [smem:$0x0];
	_ =	sdelay $0x2  }
0xb9: {  	s31 =	sshll.u32 s1, $0xD;
	s1 =	sshrl.u32 s1, $0x2  }
0xba: {  	s3 =	sand.u32 $0x4000, s31;
	s1 =	sadd.s32 s1, s30  }
0xbb: {  	s0 =	sor.u32 s3, s0;
	s1 =	sshll.u32 s1, $0x11  }
0xbc: {  	s0 =	sor.u32 s1, s0  }
0xbd: {  	s0 =	sadd.s32 $0x8F2B, s0  }
0xbe: {  	[sflag:s0] =	ssyncadd.remote.s32 $0x1  }
0xbf: {  	_ =	sfence.sel $0xFFFF  }
0xc0: {  	[dreg:$0x0] =	wrdreg $0xFFFFFFFF;
	(pc) =	sbr.abs _section_cstart, $3  }
0xc1: {  	[dreg:$0x1] =	wrdreg $0xFFFFFFFF  }
0xc2: {  	_ =	task.clear_ibuf [dreg:s7], $0x2FFFF;
	_ =	strace $0x9FFFFFFF  }
0xc3: {  	(tm) =	ssettm $0x7FFFFFFF  }
tec
execute0_lowered:
.L_overlay_start_1:
0x0: {  	(tag) =	ssettag $0x1  }
0x1: {  	s0 =	rddreg [dreg:$0x0]  }
0x2: {  	s1 =	rddreg [dreg:$0x1]  }
0x3: {  	s2 =	rddreg [dreg:$0x2];
	s13 =	simm.s32 $0x0;
	s12 =	stileid.u32  }
0x4: {  	s6 =	srdreg.scid;
	s28 =	simm.s32 $0x6000;
	s29 =	simm.s32 $0x3  }
0x5: {  	s31 =	simm.s32 $0x4;
	s30 =	simm.s32 $0x1E00;
	[smem:$0x7FF] =	sst s13  }
0x6: {  	s3 =	smul.u32 $0x2800, s12;
	s4 =	sadd.s32 $0x2D400, s0;
	s5 =	sadd.s32 $0x5400, s0  }
0x7: {  	s6 =	sand.u32 $0x1, s6;
	s9 =	smul.u32 $0x50000, s12;
	s11 =	sshll.u32 s12, $0x1  }
0x8: {  	s15 =	sshll.u32 s12, $0x6;
	s20 =	smul.u32 $0xA000, s12;
	_ =	strace $0x80000047  }
0x9: {  	s7 =	sshll.u32 s6, $0x4;
	s8 =	ssub.s32 $0x2, s6;
	s25 =	sor.u32 s6, s11  }
0xa: {  	s11 =	sor.u32 $0x1C06, s15;
	p0 =	seq.s32 s6, $0x1;
	s6 =	smul.u32 $0xA0000, s6  }
0xb: {  	s15 =	simm.s32 $0x1A00;
	s3 =	sadd.s32 s3, s0;
	s0 =	sadd.s32 $0xA3600, s0  }
0xc: {  	s7 =	sor.u32 s12, s7;
	s10 =	sshrl.u32 s8, $0x1;
	s26 =	smul.u32 $0x180, s25  }
0xd: {  	s9 =	sshrl.u32 s9, $0x2;
	s17 =	smul.u32 $0x1800, s25;
	s12 =	simm.s32 $0x2  }
0xe: {  	[dreg:$0x7] =	wrdreg s11;
	s7 =	smul.u32 $0xA000, s7;
	s9 =	sadd.s32 s9, s2  }
0xf: {  	s8 =	ssub.s32 s8, s10;
	s14 =	sadd.s32 $0x7B600, s3;
	[dreg:$0x4] =	wrdreg s9  }
0x10: {  	s6 =	sadd.s32 s20, s6;
	s20 =	simm.s32 $0x1C00;
	[dreg:$0x5] =	wrdreg s14  }
0x11: {  	s16 =	sshrl.u32 s26, $0x3;
	s8 =	smax.u32 s8, $0x1;
	s18 =	sadd.s32 $0x80, s26  }
0x12: {  	s22 =	sadd.s32 $0x100, s26;
	s24 =	sadd.s32 $0x3000, s6;
	s26 =	sadd.s32 $0x2000, s6  }
0x13: {  	s9 =	simm.s32 $0x1D00;
	s6 =	simm.s32 $0x0;
	s14 =	simm.s32 $0x0  }
0x14: {  	s7 =	sshrl.u32 s7, $0x3;
	[dreg:$0xa] =	wrdreg s8;
	s19 =	sshrl.u32 s18, $0x3  }
0x15: {  	s21 =	sshll.u32 s18, $0x4;
	s23 =	sshrl.u32 s22, $0x3;
	s8 =	sshll.u32 s22, $0x4  }
0x16: {  	[dreg:$0x11] =	wrdreg s26;
	s22 =	simm.s32 $0x1000;
	s7 =	sadd.s32 s5, s7  }
0x17: {  	s18 =	simm.s32 $0x1A80;
	[dreg:$0x6] =	wrdreg s7;
	s7 =	sadd.s32 $0x200, s7  }
0x18: {  	s26 =	simm.s32 $0x1C80;
	[dreg:$0x8] =	wrdreg s7;
	s7 =	sadd.s32 s1, s16  }
0x19: {  	s16 =	simm.s32 $0x1980;
	[dreg:$0x9] =	wrdreg s7;
	s7 =	sadd.s32 s0, s17  }
0x1a: {  	s17 =	simm.s32 $0x1B00;
	[dreg:$0xb] =	wrdreg s7;
	s7 =	sadd.s32 s1, s19  }
0x1b: {  	s1 =	sadd.s32 s1, s23;
	s23 =	simm.s32 $0x1B80;
	[dreg:$0xc] =	wrdreg s7  }
0x1c: {  	s7 =	sadd.s32 s0, s21;
	[dreg:$0xe] =	wrdreg s1;
	s1 =	simm.s32 $0xFB600  }
.Ltmp0:
0x1d: {  	s0 =	sadd.s32 s0, s8;
	s21 =	simm.s32 $0x6;
	(pc) =	sbr.rel .LBB2_1-.Ltmp0, $4  }
0x1e: {  	s8 =	simm.s32 $0x1880;
	[dreg:$0xd] =	wrdreg s7;
	s1 =	simm.s32 @!p0 $0xD3600  }
0x1f: {  	s7 =	sshrl.u32 s24, $0x3;
	[dreg:$0xf] =	wrdreg s0;
	s24 =	simm.s32 $0x80  }
0x20: {  	s0 =	simm.s32 $0x1F80;
	s25 =	sadd.s32 s1, s3;
	s19 =	sadd.s32 s7, s5  }
0x21: {  	s3 =	simm.s32 $0x1D80;
	[dreg:$0x10] =	wrdreg s25;
	s25 =	simm.s32 $0x2000  }
.LBB2_4:
0x22: {  	[bflag:$0x0] =	sbarrier.arrive $0xFFFF  }
0x23: {  	s11 =	rddreg [dreg:$0x7]  }
0x24: {  	s1 =	rddreg [dreg:$0x10]  }
0x25: {  	s6 =	rddreg [dreg:$0x13]  }
0x26: {  	[hbm:s1], [sflag:s11] =	dma.local [spmem:s6], $0x2800  }
0x27: {  	_ =	swait.ge [sflag:s21], $0x2800  }
0x28: {  	s13 =	simm.s32 $0x0;
	[sflag:s21] =	ssyncset.done $0x0  }
0x29: {  	s6 =	simm.s32 $0xA000;
	s7 =	rddreg [dreg:$0x9];
	[sflag:s21] =	ssyncadd.s32 $0xFFFFD800  }
0x2a: {  	[tilespmem:s6], [sflag:$0x6] =	stream.linear.gather [hbm4b:s7+s13], $0x80, $0x38;
	[tilespmem:$0x1E080] =	vst v63  }
0x2b: {  	_ =	swait.ge [sflag:s21], $0x80  }
0x2c: {  	[sflag:s21] =	ssyncset.done $0x0  }
0x2d: {  	s7 =	simm.s32 $0x5;
	[sflag:s21] =	ssyncadd.s32 $0xFFFFFF80  }
0x2e: {  	[tilespmem:s25], [sflag:$0x5] =	stream.indirect.gather [hbm4b:s4+s24], $0x80, s6, s24, $0xb8;
	[tilespmem:$0x1E080] =	vst v63  }
0x2f: {  	_ =	swait.ge [sflag:s7], $0x4000  }
0x30: {  	[sflag:s7] =	ssyncset.done $0x0  }
0x31: {  	s10 =	rddreg [dreg:$0xb];
	[sflag:s7] =	ssyncadd.s32 $0xFFFFC000  }
0x32: {  	[hbm4b:s10+s13] =	stream.linear.scatter [tilespmem:s25], [sflag:$0x6], $0x4000, $0x38;
	[tilespmem:$0x1E080] =	vst v63  }
0x33: {  	_ =	swait.ge [sflag:s21], $0x4000  }
0x34: {  	[sflag:s21] =	ssyncset.done $0x0  }
0x35: {  	s10 =	rddreg [dreg:$0xc];
	[sflag:s21] =	ssyncadd.s32 $0xFFFFC000  }
0x36: {  	[tilespmem:s6], [sflag:$0x6] =	stream.linear.gather [hbm4b:s10+s13], $0x80, $0x38;
	[tilespmem:$0x1E080] =	vst v63  }
0x37: {  	_ =	swait.ge [sflag:s21], $0x80  }
0x38: {  	[sflag:s21] =	ssyncset.done $0x0  }
0x39: {  	[sflag:s21] =	ssyncadd.s32 $0xFFFFFF80  }
0x3a: {  	[tilespmem:s25], [sflag:$0x5] =	stream.indirect.gather [hbm4b:s4+s24], $0x80, s6, s24, $0xb8;
	[tilespmem:$0x1E080] =	vst v63  }
0x3b: {  	_ =	swait.ge [sflag:s7], $0x4000  }
0x3c: {  	[sflag:s7] =	ssyncset.done $0x0  }
0x3d: {  	s10 =	rddreg [dreg:$0xd];
	[sflag:s7] =	ssyncadd.s32 $0xFFFFC000  }
0x3e: {  	[hbm4b:s10+s13] =	stream.linear.scatter [tilespmem:s25], [sflag:$0x6], $0x4000, $0x38;
	[tilespmem:$0x1E080] =	vst v63  }
0x3f: {  	_ =	swait.ge [sflag:s21], $0x4000  }
0x40: {  	[sflag:s21] =	ssyncset.done $0x0  }
0x41: {  	s10 =	rddreg [dreg:$0xe];
	[sflag:s21] =	ssyncadd.s32 $0xFFFFC000  }
0x42: {  	[tilespmem:s6], [sflag:$0x6] =	stream.linear.gather [hbm4b:s10+s13], $0x80, $0x38;
	[tilespmem:$0x1E080] =	vst v63  }
0x43: {  	_ =	swait.ge [sflag:s21], $0x80  }
0x44: {  	[sflag:s21] =	ssyncset.done $0x0  }
0x45: {  	[sflag:s21] =	ssyncadd.s32 $0xFFFFFF80  }
0x46: {  	[tilespmem:s25], [sflag:$0x5] =	stream.indirect.gather [hbm4b:s4+s24], $0x80, s6, s24, $0xb8;
	[tilespmem:$0x1E080] =	vst v63  }
0x47: {  	_ =	swait.ge [sflag:s7], $0x4000  }
0x48: {  	[sflag:s7] =	ssyncset.done $0x0  }
0x49: {  	s6 =	rddreg [dreg:$0xf];
	[sflag:s7] =	ssyncadd.s32 $0xFFFFC000  }
0x4a: {  	[hbm4b:s6+s13] =	stream.linear.scatter [tilespmem:s25], [sflag:$0x6], $0x4000, $0x38;
	[tilespmem:$0x1E080] =	vst v63  }
0x4b: {  	_ =	swait.ge [sflag:s21], $0x4000  }
0x4c: {  	s7 =	rddreg [dreg:$0x12]  }
0x4d: {  	s10 =	rddreg [dreg:$0xa];
	s6 =	sadd.s32 $0x1, s7  }
0x4e: {  	p0 =	sne.s32 s6, s10  }
.Ltmp1:
0x4f: {  	_ = 	snop;
	(pc) =	sbr.rel @!p0 .LBB2_5-.Ltmp1, $3  }
0x50: {  	_ =	sdelay $0x1  }
0x51: {  	[sflag:s21] =	ssyncset.done $0x0  }
0x52: {  	[sflag:s21] =	ssyncadd.s32 $0xFFFFC000  }
.LBB2_1:
0x53: {  	[dreg:$0x12] =	wrdreg s6  }
0x54: {  	s1 =	rddreg [dreg:$0x4]  }
0x55: {  	s10 =	rddreg [dreg:$0x5];
	s7 =	sshrl.u32 s1, $0x3  }
0x56: {  	[dreg:$0x13] =	wrdreg s7  }
0x57: {  	[spmem:s7], [sflag:s11] =	dma.local [hbm:s10], $0x2800  }
0x58: {  	_ =	swait.ge [sflag:s21], $0x2800  }
0x59: {  	[sflag:s21] =	ssyncset.done $0x0  }
0x5a: {  	[sflag:s21] =	ssyncadd.s32 $0xFFFFD800  }
0x5b: {  	[bflag:$0x0] =	sbarrier.arrive $0xFFFF  }
0x5c: {  	s7 =	rddreg [dreg:$0x6]  }
0x5d: {  	[tilespmem:s13], [sflag:$0x1] =	stream.linear.gather [hbm4b:s7+s13], $0x1000, $0x38;
	[tilespmem:$0x1E080] =	vst v63  }
0x5e: {  	s11 =	simm.s32 $0x1;
	s10 =	rddreg [dreg:$0x8]  }
0x5f: {  	[tilespmem:s22], [sflag:$0x2] =	stream.linear.gather [hbm4b:s10+s13], $0x1000, $0x38;
	[tilespmem:$0x1E080] =	vst v63  }
0x60: {  	_ =	swait.ge [sflag:s11], $0x1000  }
0x61: {  	[sflag:s11] =	ssyncset.done $0x0  }
0x62: {  	[sflag:s11] =	ssyncadd.s32 $0xFFFFF000  }
0x63: {  	[tilespmem:s25], [sflag:$0x3] =	stream.indirect.gather [hbm4b:s4+s24], $0x80, s13, s24, $0xb8;
	[tilespmem:$0x1E080] =	vst v63  }
0x64: {  	s6 =	simm.s32 $0x0;
	s1 =	rddreg [dreg:$0x11];
	s13 =	simm.s32 $0x100  }
0x65: {  	[tilespmem:s28], [sflag:$0x4] =	stream.indirect.gather [hbm4b:s4+s24], $0x80, s13, s24, $0xb8;
	[tilespmem:$0x1E080] =	vst v63  }
.LBB2_2:
0x66: {  	_ =	swait.ge [sflag:s29], $0x4000  }
0x67: {  	[sflag:s29] =	ssyncset.done $0x0  }
0x68: {  	[sflag:s29] =	ssyncadd.s32 $0xFFFFC000  }
0x69: {  	[spmem:s2] =	stream.indirect.scatter.add.f32 [tilespmem:s25], [sflag:$0x6], $0x80, s24, s24, $0xb8;
	[tilespmem:$0x1E080] =	vst v63  }
0x6a: {  	_ =	swait.ge [sflag:s21], $0x4000  }
0x6b: {  	[sflag:s21] =	ssyncset.done $0x0  }
0x6c: {  	s7 =	simm.s32 $0x200;
	[sflag:s21] =	ssyncadd.s32 $0xFFFFC000  }
0x6d: {  	[tilespmem:s25], [sflag:$0x3] =	stream.indirect.gather [hbm4b:s4+s24], $0x80, s7, s24, $0xb8;
	[tilespmem:$0x1E080] =	vst v63  }
0x6e: {  	_ =	swait.ge [sflag:s31], $0x4000  }
0x6f: {  	[sflag:s31] =	ssyncset.done $0x0  }
0x70: {  	s13 =	simm.s32 $0x180;
	[sflag:s31] =	ssyncadd.s32 $0xFFFFC000  }
0x71: {  	[spmem:s2] =	stream.indirect.scatter.add.f32 [tilespmem:s28], [sflag:$0x6], $0x80, s13, s24, $0xb8;
	[tilespmem:$0x1E080] =	vst v63  }
0x72: {  	_ =	swait.ge [sflag:s21], $0x4000  }
0x73: {  	[sflag:s21] =	ssyncset.done $0x0  }
0x74: {  	s10 =	simm.s32 $0x300;
	[sflag:s21] =	ssyncadd.s32 $0xFFFFC000  }
0x75: {  	[tilespmem:s28], [sflag:$0x4] =	stream.indirect.gather [hbm4b:s4+s24], $0x80, s10, s24, $0xb8;
	[tilespmem:$0x1E080] =	vst v63  }
0x76: {  	_ =	swait.ge [sflag:s29], $0x4000  }
0x77: {  	[sflag:s29] =	ssyncset.done $0x0  }
0x78: {  	s11 =	simm.s32 $0x280;
	[sflag:s29] =	ssyncadd.s32 $0xFFFFC000  }
0x79: {  	[spmem:s2] =	stream.indirect.scatter.add.f32 [tilespmem:s25], [sflag:$0x6], $0x80, s11, s24, $0xb8;
	[tilespmem:$0x1E080] =	vst v63  }
0x7a: {  	_ =	swait.ge [sflag:s21], $0x4000  }
0x7b: {  	[sflag:s21] =	ssyncset.done $0x0  }
0x7c: {  	s13 =	simm.s32 $0x400;
	[sflag:s21] =	ssyncadd.s32 $0xFFFFC000  }
0x7d: {  	[tilespmem:s25], [sflag:$0x3] =	stream.indirect.gather [hbm4b:s4+s24], $0x80, s13, s24, $0xb8;
	[tilespmem:$0x1E080] =	vst v63  }
0x7e: {  	_ =	swait.ge [sflag:s31], $0x4000  }
0x7f: {  	[sflag:s31] =	ssyncset.done $0x0  }
0x80: {  	s10 =	simm.s32 $0x380;
	[sflag:s31] =	ssyncadd.s32 $0xFFFFC000  }
0x81: {  	[spmem:s2] =	stream.indirect.scatter.add.f32 [tilespmem:s28], [sflag:$0x6], $0x80, s10, s24, $0xb8;
	[tilespmem:$0x1E080] =	vst v63  }
0x82: {  	_ =	swait.ge [sflag:s21], $0x4000  }
0x83: {  	[sflag:s21] =	ssyncset.done $0x0  }
0x84: {  	s11 =	simm.s32 $0x500;
	[sflag:s21] =	ssyncadd.s32 $0xFFFFC000  }
0x85: {  	[tilespmem:s28], [sflag:$0x4] =	stream.indirect.gather [hbm4b:s4+s24], $0x80, s11, s24, $0xb8;
	[tilespmem:$0x1E080] =	vst v63  }
0x86: {  	_ =	swait.ge [sflag:s29], $0x4000  }
0x87: {  	[sflag:s29] =	ssyncset.done $0x0  }
0x88: {  	s13 =	simm.s32 $0x480;
	[sflag:s29] =	ssyncadd.s32 $0xFFFFC000  }
0x89: {  	[spmem:s2] =	stream.indirect.scatter.add.f32 [tilespmem:s25], [sflag:$0x6], $0x80, s13, s24, $0xb8;
	[tilespmem:$0x1E080] =	vst v63  }
0x8a: {  	_ =	swait.ge [sflag:s21], $0x4000  }
0x8b: {  	[sflag:s21] =	ssyncset.done $0x0  }
0x8c: {  	s10 =	simm.s32 $0x600;
	[sflag:s21] =	ssyncadd.s32 $0xFFFFC000  }
0x8d: {  	[tilespmem:s25], [sflag:$0x3] =	stream.indirect.gather [hbm4b:s4+s24], $0x80, s10, s24, $0xb8;
	[tilespmem:$0x1E080] =	vst v63  }
0x8e: {  	_ =	swait.ge [sflag:s31], $0x4000  }
0x8f: {  	[sflag:s31] =	ssyncset.done $0x0  }
0x90: {  	s11 =	simm.s32 $0x580;
	[sflag:s31] =	ssyncadd.s32 $0xFFFFC000  }
0x91: {  	[spmem:s2] =	stream.indirect.scatter.add.f32 [tilespmem:s28], [sflag:$0x6], $0x80, s11, s24, $0xb8;
	[tilespmem:$0x1E080] =	vst v63  }
0x92: {  	_ =	swait.ge [sflag:s21], $0x4000  }
0x93: {  	[sflag:s21] =	ssyncset.done $0x0  }
0x94: {  	s13 =	simm.s32 $0x700;
	[sflag:s21] =	ssyncadd.s32 $0xFFFFC000  }
0x95: {  	[tilespmem:s28], [sflag:$0x4] =	stream.indirect.gather [hbm4b:s4+s24], $0x80, s13, s24, $0xb8;
	[tilespmem:$0x1E080] =	vst v63  }
0x96: {  	_ =	swait.ge [sflag:s29], $0x4000  }
0x97: {  	[sflag:s29] =	ssyncset.done $0x0  }
0x98: {  	s10 =	simm.s32 $0x680;
	[sflag:s29] =	ssyncadd.s32 $0xFFFFC000  }
0x99: {  	[spmem:s2] =	stream.indirect.scatter.add.f32 [tilespmem:s25], [sflag:$0x6], $0x80, s10, s24, $0xb8;
	[tilespmem:$0x1E080] =	vst v63  }
0x9a: {  	_ =	swait.ge [sflag:s21], $0x4000  }
0x9b: {  	[sflag:s21] =	ssyncset.done $0x0  }
0x9c: {  	s11 =	simm.s32 $0x800;
	[sflag:s21] =	ssyncadd.s32 $0xFFFFC000  }
0x9d: {  	[tilespmem:s25], [sflag:$0x3] =	stream.indirect.gather [hbm4b:s4+s24], $0x80, s11, s24, $0xb8;
	[tilespmem:$0x1E080] =	vst v63  }
0x9e: {  	_ =	swait.ge [sflag:s31], $0x4000  }
0x9f: {  	[sflag:s31] =	ssyncset.done $0x0  }
0xa0: {  	s13 =	simm.s32 $0x780;
	[sflag:s31] =	ssyncadd.s32 $0xFFFFC000  }
0xa1: {  	[spmem:s2] =	stream.indirect.scatter.add.f32 [tilespmem:s28], [sflag:$0x6], $0x80, s13, s24, $0xb8;
	[tilespmem:$0x1E080] =	vst v63  }
0xa2: {  	_ =	swait.ge [sflag:s21], $0x4000  }
0xa3: {  	[sflag:s21] =	ssyncset.done $0x0  }
0xa4: {  	s10 =	simm.s32 $0x900;
	[sflag:s21] =	ssyncadd.s32 $0xFFFFC000  }
0xa5: {  	[tilespmem:s28], [sflag:$0x4] =	stream.indirect.gather [hbm4b:s4+s24], $0x80, s10, s24, $0xb8;
	[tilespmem:$0x1E080] =	vst v63  }
0xa6: {  	_ =	swait.ge [sflag:s29], $0x4000  }
0xa7: {  	[sflag:s29] =	ssyncset.done $0x0  }
0xa8: {  	s11 =	simm.s32 $0x880;
	[sflag:s29] =	ssyncadd.s32 $0xFFFFC000  }
0xa9: {  	[spmem:s2] =	stream.indirect.scatter.add.f32 [tilespmem:s25], [sflag:$0x6], $0x80, s11, s24, $0xb8;
	[tilespmem:$0x1E080] =	vst v63  }
0xaa: {  	_ =	swait.ge [sflag:s21], $0x4000  }
0xab: {  	[sflag:s21] =	ssyncset.done $0x0  }
0xac: {  	s13 =	simm.s32 $0xA00;
	[sflag:s21] =	ssyncadd.s32 $0xFFFFC000  }
0xad: {  	[tilespmem:s25], [sflag:$0x3] =	stream.indirect.gather [hbm4b:s4+s24], $0x80, s13, s24, $0xb8;
	[tilespmem:$0x1E080] =	vst v63  }
0xae: {  	_ =	swait.ge [sflag:s31], $0x4000  }
0xaf: {  	[sflag:s31] =	ssyncset.done $0x0  }
0xb0: {  	s10 =	simm.s32 $0x980;
	[sflag:s31] =	ssyncadd.s32 $0xFFFFC000  }
0xb1: {  	[spmem:s2] =	stream.indirect.scatter.add.f32 [tilespmem:s28], [sflag:$0x6], $0x80, s10, s24, $0xb8;
	[tilespmem:$0x1E080] =	vst v63  }
0xb2: {  	_ =	swait.ge [sflag:s21], $0x4000  }
0xb3: {  	[sflag:s21] =	ssyncset.done $0x0  }
0xb4: {  	s11 =	simm.s32 $0xB00;
	[sflag:s21] =	ssyncadd.s32 $0xFFFFC000  }
0xb5: {  	[tilespmem:s28], [sflag:$0x4] =	stream.indirect.gather [hbm4b:s4+s24], $0x80, s11, s24, $0xb8;
	[tilespmem:$0x1E080] =	vst v63  }
0xb6: {  	_ =	swait.ge [sflag:s29], $0x4000  }
0xb7: {  	[sflag:s29] =	ssyncset.done $0x0  }
0xb8: {  	s13 =	simm.s32 $0xA80;
	[sflag:s29] =	ssyncadd.s32 $0xFFFFC000  }
0xb9: {  	[spmem:s2] =	stream.indirect.scatter.add.f32 [tilespmem:s25], [sflag:$0x6], $0x80, s13, s24, $0xb8;
	[tilespmem:$0x1E080] =	vst v63  }
0xba: {  	_ =	swait.ge [sflag:s21], $0x4000  }
0xbb: {  	[sflag:s21] =	ssyncset.done $0x0  }
0xbc: {  	s10 =	simm.s32 $0xC00;
	[sflag:s21] =	ssyncadd.s32 $0xFFFFC000  }
0xbd: {  	[tilespmem:s25], [sflag:$0x3] =	stream.indirect.gather [hbm4b:s4+s24], $0x80, s10, s24, $0xb8;
	[tilespmem:$0x1E080] =	vst v63  }
0xbe: {  	_ =	swait.ge [sflag:s31], $0x4000  }
0xbf: {  	[sflag:s31] =	ssyncset.done $0x0  }
0xc0: {  	s11 =	simm.s32 $0xB80;
	[sflag:s31] =	ssyncadd.s32 $0xFFFFC000  }
0xc1: {  	[spmem:s2] =	stream.indirect.scatter.add.f32 [tilespmem:s28], [sflag:$0x6], $0x80, s11, s24, $0xb8;
	[tilespmem:$0x1E080] =	vst v63  }
0xc2: {  	_ =	swait.ge [sflag:s21], $0x4000  }
0xc3: {  	[sflag:s21] =	ssyncset.done $0x0  }
0xc4: {  	s13 =	simm.s32 $0xD00;
	[sflag:s21] =	ssyncadd.s32 $0xFFFFC000  }
0xc5: {  	[tilespmem:s28], [sflag:$0x4] =	stream.indirect.gather [hbm4b:s4+s24], $0x80, s13, s24, $0xb8;
	[tilespmem:$0x1E080] =	vst v63  }
0xc6: {  	_ =	swait.ge [sflag:s29], $0x4000  }
0xc7: {  	[sflag:s29] =	ssyncset.done $0x0  }
0xc8: {  	s10 =	simm.s32 $0xC80;
	[sflag:s29] =	ssyncadd.s32 $0xFFFFC000  }
0xc9: {  	[spmem:s2] =	stream.indirect.scatter.add.f32 [tilespmem:s25], [sflag:$0x6], $0x80, s10, s24, $0xb8;
	[tilespmem:$0x1E080] =	vst v63  }
0xca: {  	_ =	swait.ge [sflag:s21], $0x4000  }
0xcb: {  	[sflag:s21] =	ssyncset.done $0x0  }
0xcc: {  	s11 =	simm.s32 $0xE00;
	[sflag:s21] =	ssyncadd.s32 $0xFFFFC000  }
0xcd: {  	[tilespmem:s25], [sflag:$0x3] =	stream.indirect.gather [hbm4b:s4+s24], $0x80, s11, s24, $0xb8;
	[tilespmem:$0x1E080] =	vst v63  }
0xce: {  	_ =	swait.ge [sflag:s31], $0x4000  }
0xcf: {  	[sflag:s31] =	ssyncset.done $0x0  }
0xd0: {  	s13 =	simm.s32 $0xD80;
	[sflag:s31] =	ssyncadd.s32 $0xFFFFC000  }
0xd1: {  	[spmem:s2] =	stream.indirect.scatter.add.f32 [tilespmem:s28], [sflag:$0x6], $0x80, s13, s24, $0xb8;
	[tilespmem:$0x1E080] =	vst v63  }
0xd2: {  	_ =	swait.ge [sflag:s21], $0x4000  }
0xd3: {  	[sflag:s21] =	ssyncset.done $0x0  }
0xd4: {  	[sflag:s21] =	ssyncadd.s32 $0xFFFFC000  }
0xd5: {  	_ =	swait.ge [sflag:s12], $0x1000  }
0xd6: {  	[sflag:s12] =	ssyncset.done $0x0  }
0xd7: {  	s10 =	simm.s32 $0xF00;
	[sflag:s12] =	ssyncadd.s32 $0xFFFFF000  }
0xd8: {  	[tilespmem:s28], [sflag:$0x4] =	stream.indirect.gather [hbm4b:s4+s24], $0x80, s10, s24, $0xb8;
	[tilespmem:$0x1E080] =	vst v63  }
0xd9: {  	_ =	swait.ge [sflag:s29], $0x4000  }
0xda: {  	[sflag:s29] =	ssyncset.done $0x0  }
0xdb: {  	s11 =	simm.s32 $0xE80;
	[sflag:s29] =	ssyncadd.s32 $0xFFFFC000  }
0xdc: {  	[spmem:s2] =	stream.indirect.scatter.add.f32 [tilespmem:s25], [sflag:$0x6], $0x80, s11, s24, $0xb8;
	[tilespmem:$0x1E080] =	vst v63  }
0xdd: {  	_ =	swait.ge [sflag:s21], $0x4000  }
0xde: {  	[sflag:s21] =	ssyncset.done $0x0  }
0xdf: {  	[sflag:s21] =	ssyncadd.s32 $0xFFFFC000  }
0xe0: {  	[tilespmem:s25], [sflag:$0x3] =	stream.indirect.gather [hbm4b:s4+s24], $0x80, s22, s24, $0xb8;
	[tilespmem:$0x1E080] =	vst v63  }
0xe1: {  	_ =	swait.ge [sflag:s31], $0x4000  }
0xe2: {  	[sflag:s31] =	ssyncset.done $0x0  }
0xe3: {  	s13 =	simm.s32 $0xF80;
	[sflag:s31] =	ssyncadd.s32 $0xFFFFC000  }
0xe4: {  	[spmem:s2] =	stream.indirect.scatter.add.f32 [tilespmem:s28], [sflag:$0x6], $0x80, s13, s24, $0xb8;
	[tilespmem:$0x1E080] =	vst v63  }
0xe5: {  	_ =	swait.ge [sflag:s21], $0x4000  }
0xe6: {  	p0 =	seq.s32 s6, $0x1000;
	[sflag:s21] =	ssyncset.done $0x0  }
0xe7: {  	s7 =	sshrl.u32 @!p0 s1, $0x3;
	s10 =	simm.s32 $0x1100;
	[sflag:s21] =	ssyncadd.s32 $0xFFFFC000  }
0xe8: {  	[tilespmem:s28], [sflag:$0x4] =	stream.indirect.gather [hbm4b:s4+s24], $0x80, s10, s24, $0xb8;
	[tilespmem:$0x1E080] =	vst v63  }
0xe9: {  	s10 =	sadd.s32 @!p0 s5, s7;
	s7 =	simm.s32 @!p0 $0x0  }
0xea: {  	[tilespmem:s7], [sflag:$0x1] =	stream.linear.gather @!p0 [hbm4b:s10+s7], $0x1000, $0x38;
	[tilespmem:$0x1E080] =	vst v63  }
0xeb: {  	_ =	swait.ge [sflag:s29], $0x4000  }
0xec: {  	[sflag:s29] =	ssyncset.done $0x0  }
0xed: {  	s11 =	simm.s32 $0x1080;
	[sflag:s29] =	ssyncadd.s32 $0xFFFFC000  }
0xee: {  	[spmem:s2] =	stream.indirect.scatter.add.f32 [tilespmem:s25], [sflag:$0x6], $0x80, s11, s24, $0xb8;
	[tilespmem:$0x1E080] =	vst v63  }
0xef: {  	_ =	swait.ge [sflag:s21], $0x4000  }
0xf0: {  	[sflag:s21] =	ssyncset.done $0x0  }
0xf1: {  	s13 =	simm.s32 $0x1200;
	[sflag:s21] =	ssyncadd.s32 $0xFFFFC000  }
0xf2: {  	[tilespmem:s25], [sflag:$0x3] =	stream.indirect.gather [hbm4b:s4+s24], $0x80, s13, s24, $0xb8;
	[tilespmem:$0x1E080] =	vst v63  }
0xf3: {  	_ =	swait.ge [sflag:s31], $0x4000  }
0xf4: {  	[sflag:s31] =	ssyncset.done $0x0  }
0xf5: {  	s11 =	simm.s32 $0x1180;
	[sflag:s31] =	ssyncadd.s32 $0xFFFFC000  }
0xf6: {  	[spmem:s2] =	stream.indirect.scatter.add.f32 [tilespmem:s28], [sflag:$0x6], $0x80, s11, s24, $0xb8;
	[tilespmem:$0x1E080] =	vst v63  }
0xf7: {  	_ =	swait.ge [sflag:s21], $0x4000  }
0xf8: {  	[sflag:s21] =	ssyncset.done $0x0  }
0xf9: {  	s13 =	simm.s32 $0x1300;
	[sflag:s21] =	ssyncadd.s32 $0xFFFFC000  }
0xfa: {  	[tilespmem:s28], [sflag:$0x4] =	stream.indirect.gather [hbm4b:s4+s24], $0x80, s13, s24, $0xb8;
	[tilespmem:$0x1E080] =	vst v63  }
0xfb: {  	_ =	swait.ge [sflag:s29], $0x4000  }
0xfc: {  	[sflag:s29] =	ssyncset.done $0x0  }
0xfd: {  	s11 =	simm.s32 $0x1280;
	[sflag:s29] =	ssyncadd.s32 $0xFFFFC000  }
0xfe: {  	[spmem:s2] =	stream.indirect.scatter.add.f32 [tilespmem:s25], [sflag:$0x6], $0x80, s11, s24, $0xb8;
	[tilespmem:$0x1E080] =	vst v63  }
0xff: {  	_ =	swait.ge [sflag:s21], $0x4000  }
0x100: {  	[sflag:s21] =	ssyncset.done $0x0  }
0x101: {  	s13 =	simm.s32 $0x1400;
	[sflag:s21] =	ssyncadd.s32 $0xFFFFC000  }
0x102: {  	[tilespmem:s25], [sflag:$0x3] =	stream.indirect.gather [hbm4b:s4+s24], $0x80, s13, s24, $0xb8;
	[tilespmem:$0x1E080] =	vst v63  }
0x103: {  	_ =	swait.ge [sflag:s31], $0x4000  }
0x104: {  	[sflag:s31] =	ssyncset.done $0x0  }
0x105: {  	s11 =	simm.s32 $0x1380;
	[sflag:s31] =	ssyncadd.s32 $0xFFFFC000  }
0x106: {  	[spmem:s2] =	stream.indirect.scatter.add.f32 [tilespmem:s28], [sflag:$0x6], $0x80, s11, s24, $0xb8;
	[tilespmem:$0x1E080] =	vst v63  }
0x107: {  	_ =	swait.ge [sflag:s21], $0x4000  }
0x108: {  	[sflag:s21] =	ssyncset.done $0x0  }
0x109: {  	s13 =	simm.s32 $0x1500;
	[sflag:s21] =	ssyncadd.s32 $0xFFFFC000  }
0x10a: {  	[tilespmem:s28], [sflag:$0x4] =	stream.indirect.gather [hbm4b:s4+s24], $0x80, s13, s24, $0xb8;
	[tilespmem:$0x1E080] =	vst v63  }
0x10b: {  	_ =	swait.ge [sflag:s29], $0x4000  }
0x10c: {  	[sflag:s29] =	ssyncset.done $0x0  }
0x10d: {  	s11 =	simm.s32 $0x1480;
	[sflag:s29] =	ssyncadd.s32 $0xFFFFC000  }
0x10e: {  	[spmem:s2] =	stream.indirect.scatter.add.f32 [tilespmem:s25], [sflag:$0x6], $0x80, s11, s24, $0xb8;
	[tilespmem:$0x1E080] =	vst v63  }
0x10f: {  	_ =	swait.ge [sflag:s21], $0x4000  }
0x110: {  	[sflag:s21] =	ssyncset.done $0x0  }
0x111: {  	s13 =	simm.s32 $0x1600;
	[sflag:s21] =	ssyncadd.s32 $0xFFFFC000  }
0x112: {  	[tilespmem:s25], [sflag:$0x3] =	stream.indirect.gather [hbm4b:s4+s24], $0x80, s13, s24, $0xb8;
	[tilespmem:$0x1E080] =	vst v63  }
0x113: {  	_ =	swait.ge [sflag:s31], $0x4000  }
0x114: {  	[sflag:s31] =	ssyncset.done $0x0  }
0x115: {  	s11 =	simm.s32 $0x1580;
	[sflag:s31] =	ssyncadd.s32 $0xFFFFC000  }
0x116: {  	[spmem:s2] =	stream.indirect.scatter.add.f32 [tilespmem:s28], [sflag:$0x6], $0x80, s11, s24, $0xb8;
	[tilespmem:$0x1E080] =	vst v63  }
0x117: {  	_ =	swait.ge [sflag:s21], $0x4000  }
0x118: {  	[sflag:s21] =	ssyncset.done $0x0  }
0x119: {  	s13 =	simm.s32 $0x1700;
	[sflag:s21] =	ssyncadd.s32 $0xFFFFC000  }
0x11a: {  	[tilespmem:s28], [sflag:$0x4] =	stream.indirect.gather [hbm4b:s4+s24], $0x80, s13, s24, $0xb8;
	[tilespmem:$0x1E080] =	vst v63  }
0x11b: {  	_ =	swait.ge [sflag:s29], $0x4000  }
0x11c: {  	[sflag:s29] =	ssyncset.done $0x0  }
0x11d: {  	s11 =	simm.s32 $0x1680;
	[sflag:s29] =	ssyncadd.s32 $0xFFFFC000  }
0x11e: {  	[spmem:s2] =	stream.indirect.scatter.add.f32 [tilespmem:s25], [sflag:$0x6], $0x80, s11, s24, $0xb8;
	[tilespmem:$0x1E080] =	vst v63  }
0x11f: {  	_ =	swait.ge [sflag:s21], $0x4000  }
0x120: {  	[sflag:s21] =	ssyncset.done $0x0  }
0x121: {  	s13 =	simm.s32 $0x1800;
	[sflag:s21] =	ssyncadd.s32 $0xFFFFC000  }
0x122: {  	[tilespmem:s25], [sflag:$0x3] =	stream.indirect.gather [hbm4b:s4+s24], $0x80, s13, s24, $0xb8;
	[tilespmem:$0x1E080] =	vst v63  }
0x123: {  	_ =	swait.ge [sflag:s31], $0x4000  }
0x124: {  	[sflag:s31] =	ssyncset.done $0x0  }
0x125: {  	s11 =	simm.s32 $0x1780;
	[sflag:s31] =	ssyncadd.s32 $0xFFFFC000  }
0x126: {  	[spmem:s2] =	stream.indirect.scatter.add.f32 [tilespmem:s28], [sflag:$0x6], $0x80, s11, s24, $0xb8;
	[tilespmem:$0x1E080] =	vst v63  }
0x127: {  	_ =	swait.ge [sflag:s21], $0x4000  }
0x128: {  	[sflag:s21] =	ssyncset.done $0x0  }
0x129: {  	s13 =	simm.s32 $0x1900;
	[sflag:s21] =	ssyncadd.s32 $0xFFFFC000  }
0x12a: {  	[tilespmem:s28], [sflag:$0x4] =	stream.indirect.gather [hbm4b:s4+s24], $0x80, s13, s24, $0xb8;
	[tilespmem:$0x1E080] =	vst v63  }
0x12b: {  	_ =	swait.ge [sflag:s29], $0x4000  }
0x12c: {  	[sflag:s29] =	ssyncset.done $0x0  }
0x12d: {  	[sflag:s29] =	ssyncadd.s32 $0xFFFFC000  }
0x12e: {  	[spmem:s2] =	stream.indirect.scatter.add.f32 [tilespmem:s25], [sflag:$0x6], $0x80, s8, s24, $0xb8;
	[tilespmem:$0x1E080] =	vst v63  }
0x12f: {  	_ =	swait.ge [sflag:s21], $0x4000  }
0x130: {  	[sflag:s21] =	ssyncset.done $0x0  }
0x131: {  	[sflag:s21] =	ssyncadd.s32 $0xFFFFC000  }
0x132: {  	[tilespmem:s25], [sflag:$0x3] =	stream.indirect.gather [hbm4b:s4+s24], $0x80, s15, s24, $0xb8;
	[tilespmem:$0x1E080] =	vst v63  }
0x133: {  	_ =	swait.ge [sflag:s31], $0x4000  }
0x134: {  	[sflag:s31] =	ssyncset.done $0x0  }
0x135: {  	[sflag:s31] =	ssyncadd.s32 $0xFFFFC000  }
0x136: {  	[spmem:s2] =	stream.indirect.scatter.add.f32 [tilespmem:s28], [sflag:$0x6], $0x80, s16, s24, $0xb8;
	[tilespmem:$0x1E080] =	vst v63  }
0x137: {  	_ =	swait.ge [sflag:s21], $0x4000  }
0x138: {  	[sflag:s21] =	ssyncset.done $0x0  }
0x139: {  	[sflag:s21] =	ssyncadd.s32 $0xFFFFC000  }
0x13a: {  	[tilespmem:s28], [sflag:$0x4] =	stream.indirect.gather [hbm4b:s4+s24], $0x80, s17, s24, $0xb8;
	[tilespmem:$0x1E080] =	vst v63  }
0x13b: {  	_ =	swait.ge [sflag:s29], $0x4000  }
0x13c: {  	[sflag:s29] =	ssyncset.done $0x0  }
0x13d: {  	[sflag:s29] =	ssyncadd.s32 $0xFFFFC000  }
0x13e: {  	[spmem:s2] =	stream.indirect.scatter.add.f32 [tilespmem:s25], [sflag:$0x6], $0x80, s18, s24, $0xb8;
	[tilespmem:$0x1E080] =	vst v63  }
0x13f: {  	_ =	swait.ge [sflag:s21], $0x4000  }
0x140: {  	[sflag:s21] =	ssyncset.done $0x0  }
0x141: {  	[sflag:s21] =	ssyncadd.s32 $0xFFFFC000  }
0x142: {  	[tilespmem:s25], [sflag:$0x3] =	stream.indirect.gather [hbm4b:s4+s24], $0x80, s20, s24, $0xb8;
	[tilespmem:$0x1E080] =	vst v63  }
0x143: {  	_ =	swait.ge [sflag:s31], $0x4000  }
0x144: {  	[sflag:s31] =	ssyncset.done $0x0  }
0x145: {  	[sflag:s31] =	ssyncadd.s32 $0xFFFFC000  }
0x146: {  	[spmem:s2] =	stream.indirect.scatter.add.f32 [tilespmem:s28], [sflag:$0x6], $0x80, s23, s24, $0xb8;
	[tilespmem:$0x1E080] =	vst v63  }
0x147: {  	_ =	swait.ge [sflag:s21], $0x4000  }
0x148: {  	[sflag:s21] =	ssyncset.done $0x0  }
0x149: {  	[sflag:s21] =	ssyncadd.s32 $0xFFFFC000  }
0x14a: {  	[tilespmem:s28], [sflag:$0x4] =	stream.indirect.gather [hbm4b:s4+s24], $0x80, s9, s24, $0xb8;
	[tilespmem:$0x1E080] =	vst v63  }
0x14b: {  	_ =	swait.ge [sflag:s29], $0x4000  }
0x14c: {  	[sflag:s29] =	ssyncset.done $0x0  }
0x14d: {  	[sflag:s29] =	ssyncadd.s32 $0xFFFFC000  }
0x14e: {  	[spmem:s2] =	stream.indirect.scatter.add.f32 [tilespmem:s25], [sflag:$0x6], $0x80, s26, s24, $0xb8;
	[tilespmem:$0x1E080] =	vst v63  }
0x14f: {  	_ =	swait.ge [sflag:s21], $0x4000  }
0x150: {  	[sflag:s21] =	ssyncset.done $0x0  }
0x151: {  	[sflag:s21] =	ssyncadd.s32 $0xFFFFC000  }
0x152: {  	[tilespmem:s25], [sflag:$0x3] =	stream.indirect.gather [hbm4b:s4+s24], $0x80, s30, s24, $0xb8;
	[tilespmem:$0x1E080] =	vst v63  }
0x153: {  	_ =	swait.ge [sflag:s31], $0x4000  }
0x154: {  	[sflag:s31] =	ssyncset.done $0x0  }
0x155: {  	[sflag:s31] =	ssyncadd.s32 $0xFFFFC000  }
0x156: {  	[spmem:s2] =	stream.indirect.scatter.add.f32 [tilespmem:s28], [sflag:$0x6], $0x80, s3, s24, $0xb8;
	[tilespmem:$0x1E080] =	vst v63  }
0x157: {  	_ =	swait.ge [sflag:s21], $0x4000  }
0x158: {  	s10 =	simm.s32 @p0 $0x80;
	[sflag:s21] =	ssyncset.done $0x0  }
0x159: {  	s11 =	simm.s32 @p0 $0x1F00;
	s13 =	simm.s32 @p0 $0x6000;
	[sflag:s21] =	ssyncadd.s32 $0xFFFFC000  }
0x15a: {  	[tilespmem:s13], [sflag:$0x4] =	stream.indirect.gather @p0 [hbm4b:s4+s10], $0x80, s11, s10, $0xb8;
	[tilespmem:$0x1E080] =	vst v63  }
0x15b: {  	s11 =	simm.s32 @p0 $0x3  }
0x15c: {  	_ =	swait.ge @p0 [sflag:s11], $0x4000  }
0x15d: {  	[sflag:s11] =	ssyncset.done @p0 $0x0  }
0x15e: {  	s13 =	simm.s32 @p0 $0x2000;
	[sflag:s11] =	ssyncadd.s32 @p0 $0xFFFFC000;
	s11 =	simm.s32 @p0 $0x1E80  }
0x15f: {  	[spmem:s2] =	stream.indirect.scatter.add.f32 @p0 [tilespmem:s13], [sflag:$0x6], $0x80, s11, s10, $0xb8;
	[tilespmem:$0x1E080] =	vst v63  }
0x160: {  	s10 =	simm.s32 @p0 $0x6  }
0x161: {  	_ =	swait.ge @p0 [sflag:s10], $0x4000  }
0x162: {  	[sflag:s10] =	ssyncset.done @p0 $0x0  }
0x163: {  	[sflag:s10] =	ssyncadd.s32 @p0 $0xFFFFC000;
	s10 =	simm.s32 @!p0 $0x1  }
0x164: {  	_ =	swait.ge @!p0 [sflag:s10], $0x1000  }
0x165: {  	s11 =	simm.s32 @!p0 $0x1F00;
	[sflag:s10] =	ssyncset.done @!p0 $0x0  }
0x166: {  	s13 =	simm.s32 @!p0 $0x6000;
	[sflag:s10] =	ssyncadd.s32 @!p0 $0xFFFFF000;
	s10 =	simm.s32 @!p0 $0x80  }
0x167: {  	[tilespmem:s13], [sflag:$0x4] =	stream.indirect.gather @!p0 [hbm4b:s4+s10], $0x80, s11, s10, $0xb8;
	[tilespmem:$0x1E080] =	vst v63  }
0x168: {  	s11 =	simm.s32 @!p0 $0x3  }
0x169: {  	_ =	swait.ge @!p0 [sflag:s11], $0x4000  }
0x16a: {  	[sflag:s11] =	ssyncset.done @!p0 $0x0  }
0x16b: {  	s13 =	simm.s32 @!p0 $0x2000;
	[sflag:s11] =	ssyncadd.s32 @!p0 $0xFFFFC000;
	s11 =	simm.s32 @!p0 $0x1E80  }
0x16c: {  	[spmem:s2] =	stream.indirect.scatter.add.f32 @!p0 [tilespmem:s13], [sflag:$0x6], $0x80, s11, s10, $0xb8;
	[tilespmem:$0x1E080] =	vst v63  }
0x16d: {  	s11 =	simm.s32 @!p0 $0x6  }
0x16e: {  	_ =	swait.ge @!p0 [sflag:s11], $0x4000  }
0x16f: {  	[sflag:s11] =	ssyncset.done @!p0 $0x0  }
0x170: {  	[sflag:s11] =	ssyncadd.s32 @!p0 $0xFFFFC000  }
0x171: {  	[tilespmem:s13], [sflag:$0x3] =	stream.indirect.gather @!p0 [hbm4b:s4+s10], $0x80, s7, s10, $0xb8;
	[tilespmem:$0x1E080] =	vst v63  }
0x172: {  	_ =	swait.ge [sflag:s31], $0x4000  }
0x173: {  	[sflag:s31] =	ssyncset.done $0x0  }
.Ltmp2:
0x174: {  	[sflag:s31] =	ssyncadd.s32 $0xFFFFC000;
	(pc) =	sbr.rel @p0 .LBB2_4-.Ltmp2, $4  }
0x175: {  	[spmem:s2] =	stream.indirect.scatter.add.f32 [tilespmem:s28], [sflag:$0x6], $0x80, s0, s24, $0xb8;
	[tilespmem:$0x1E080] =	vst v63  }
0x176: {  	_ =	swait.ge [sflag:s21], $0x4000  }
0x177: {  	[sflag:s21] =	ssyncset.done $0x0  }
0x178: {  	[sflag:s21] =	ssyncadd.s32 $0xFFFFC000  }
.Ltmp3:
0x179: {  	(pc) =	sbr.rel .LBB2_2-.Ltmp3, $4  }
0x17a: {  	s7 =	simm.s32 $0x100  }
0x17b: {  	[tilespmem:s28], [sflag:$0x4] =	stream.indirect.gather [hbm4b:s4+s24], $0x80, s7, s24, $0xb8;
	[tilespmem:$0x1E080] =	vst v63  }
0x17c: {  	s13 =	sadd.s32 s6, s19;
	s6 =	sadd.s32 $0x400, s6;
	s1 =	sadd.s32 $0x2000, s1  }
0x17d: {  	[tilespmem:s22], [sflag:$0x2] =	stream.linear.gather [hbm4b:s13+s14], $0x1000, $0x38;
	[tilespmem:$0x1E080] =	vst v63  }
.LBB2_5:
0x17e: {  	_ =	sfence.sel $0x180000  }
0x17f: {  	[bflag:$0x0] =	sbarrier.arrive $0xFFFF  }
0x180: {  	_ =	strace $0x90000047  }
0x181: {  	s0 =	stileid.u32;
	[bflag:$0x2] =	sbarrier.arrive $0xFFFF  }
0x182: {  	p0 =	sne.s32 s0, $0x0;
	s0 =	rddreg [dreg:$0x3]  }
0x183: {  	s0 =	sadd.s32 @!p0 $0x100000, s0  }
0x184: {  	[sflag:s0] =	ssyncadd.tile.s32 @!p0 $0x1;
	_ =	shalt  }
.Lfunc_end2:
_tile_overlayer_lowered:
.L_overlay_start_2:
0x185: {  	(tag) =	ssettag $0x2  }
0x186: {  	s0 =	rddreg [dreg:$0x0];
	s2 =	stileid.u32  }
0x187: {  	s1 =	rddreg [dreg:$0x1];
	p0 =	sne.s32 s2, $0x0  }
0x188: {  	s3 =	rddreg [dreg:$0x2];
	[bflag:$0x3] =	sbarrier.arrive $0xFFFF;
	s2 =	simm.s32 @!p0 $0x1C06  }
0x189: {  	[timem:s3], [sflag:s2] =	dma.local @!p0 [hbm:s0], s1  }
0x18a: {  	s0 =	simm.s32 @!p0 $0x6  }
0x18b: {  	_ =	swait.ge @!p0 [sflag:s0], s1  }
0x18c: {  	s1 =	ssub.s32 @!p0 $0x0, s1;
	[sflag:s0] =	ssyncset.done @!p0 $0x0  }
0x18d: {  	[sflag:s0] =	ssyncadd.s32 @!p0 s1  }
0x18e: {  	[bflag:$0x3] =	sbarrier.arrive $0xFFFF  }
0x18f: {  	_ =	shalt  }

</sc_bundles>
